<compile_context>
chip_gen: v7x
topology: tpu7x:2x2x1
jax: 0.10.2.dev20260603
libtpu: 0.0.44.dev20260713+nightly
codegen_flags: <defaults>
</compile_context>

<pallas_src>
import functools

import jax
import jax.numpy as jnp
from jax import lax
from jax.experimental import pallas as pl
from jax.experimental.pallas import tpu as pltpu
from jax.experimental.pallas import tpu_sc as plsc

_NUM_CAMS = 1_000_000
_BATCH = 16384
_NC = 2
_NS = 16
_NW = _NC * _NS
_B_PER_W = _BATCH // _NW
_RB = 16
_NR = _B_PER_W // _RB


@functools.cache
def _build_sc_gather():
    @functools.partial(
        pl.kernel,
        mesh=plsc.VectorSubcoreMesh(core_axis_name="c", subcore_axis_name="s"),
        out_type=jax.ShapeDtypeStruct((4, 4, _BATCH), jnp.float32),
        scratch_types=[
            pltpu.VMEM((_B_PER_W,), jnp.int32),
            pltpu.VMEM((2, _RB, 4, 4, 128), jnp.float32),
            pltpu.VMEM((4, 4, _B_PER_W), jnp.float32),
            pltpu.SemaphoreType.DMA,
            pltpu.SemaphoreType.DMA,
        ],
        compiler_params=pltpu.CompilerParams(
            use_tc_tiling_on_sc=True, needs_layout_passes=False
        ),
    )
    def _sc_gather(pt_hbm, idx_hbm, out_hbm, idx_v, tiles_v, buf_v, sem_a, sem_b):
        wid = lax.axis_index("s") * _NC + lax.axis_index("c")
        base = wid * _B_PER_W
        pltpu.sync_copy(idx_hbm.at[pl.ds(base, _B_PER_W)], idx_v)
        lane = lax.broadcasted_iota(jnp.int32, (16,), 0)
        r1_idx = lax.div(lane, 4)
        r2_idx = lax.rem(lane, 4)

        def issue_round(r, ring, sem):
            grp = idx_v[pl.ds(lax.mul(r, _RB), _RB)]
            col = lax.shift_left(lax.shift_right_logical(grp, 7), 7)
            for s in range(_RB):
                c0 = pl.multiple_of(
                    lax.reduce_max(jnp.where(lane == s, col, 0), axes=(0,)),
                    128,
                )
                pltpu.async_copy(
                    pt_hbm.at[:, :, pl.ds(c0, 128)],
                    tiles_v.at[ring, s],
                    sem,
                )

        def drain_round(ring, sem):
            for s in range(_RB):
                pltpu.make_async_copy(
                    pt_hbm.at[:, :, pl.ds(0, 128)],
                    tiles_v.at[ring, s],
                    sem,
                ).wait()

        def process_round(r, ring):
            grp = idx_v[pl.ds(lax.mul(r, _RB), _RB)]
            loc = lax.rem(grp, 128)
            for s in range(_RB):
                l_vec = jnp.broadcast_to(
                    lax.reduce_max(jnp.where(lane == s, loc, 0), axes=(0,)),
                    (16,),
                )
                vals = plsc.load_gather(
                    tiles_v,
                    [
                        jnp.broadcast_to(jnp.int32(ring), (16,)),
                        jnp.broadcast_to(jnp.int32(s), (16,)),
                        r1_idx,
                        r2_idx,
                        l_vec,
                    ],
                )
                j_vec = jnp.broadcast_to(lax.mul(r, _RB) + s, (16,))
                plsc.store_scatter(buf_v, [r1_idx, r2_idx, j_vec], vals)

        issue_round(0, 0, sem_a)

        def body(rr, _):
            a = lax.mul(rr, 2)
            b = a + 1
            issue_round(b, 1, sem_b)
            drain_round(0, sem_a)
            process_round(a, 0)

            @pl.when(a + 2 < _NR)
            def _():
                issue_round(a + 2, 0, sem_a)

            drain_round(1, sem_b)
            process_round(b, 1)
            return ()

        lax.fori_loop(0, _NR // 2, body, ())
        pltpu.sync_copy(buf_v, out_hbm.at[:, :, pl.ds(base, _B_PER_W)])

    return _sc_gather


def kernel(i, param):
    pt = jnp.transpose(param, (1, 2, 0))
    out_t = _build_sc_gather()(pt, i.astype(jnp.int32))
    return jnp.transpose(out_t, (2, 0, 1))

# --- scband reference (transcript-rebuilt; emitter-appended) ---
"""Pipeline reference for scband-learn-focal-4320737100214 (READ-ONLY COPY).

The authoritative reference and input builder live on the scoring server;
editing this copy changes nothing except your own understanding.
"""

import jax, jax.numpy as jnp
import numpy as np

NUM_CAMS = 1000000
BATCH = 16384

def setup_inputs(seed: int = 0) -> dict:
    key = jax.random.key(seed)
    k1, k2 = jax.random.split(key)
    # Learned parameter: per-camera 4x4 intrinsic matrices (stands in for the
    # Dataset-loaded intrinsic_np wrapped in nn.Parameter).
    param = jax.random.normal(k1, (NUM_CAMS, 4, 4), dtype=jnp.float32)
    i = jax.random.randint(k2, (BATCH,), 0, NUM_CAMS, dtype=jnp.int64 if jax.config.jax_enable_x64 else jnp.int32)
    return {"i": i, "param": param}

def reference(i, param):
    # Original forward prints torch.sum(self.param) as a side effect, then
    # returns self.param[i]. The sum does not contribute to the output; the
    # returned computation is a pure row gather (embedding lookup).
    _ = jnp.sum(param)  # side-effect value in the original (printed, unused)
    return jnp.take(param, i, axis=0)

if __name__ == "__main__":
    import jax
    _d = setup_inputs()
    print(jax.jit(kernel)(*tuple(_d.values())))

</pallas_src>

<mosaic_0001>
#map = affine_map<(d0, d1) -> (0, 0, 0)>
#map1 = affine_map<(d0, d1) -> (0)>
module attributes {stable_mosaic.version = 14 : i64} {
  func.func @_sc_gather(%arg0: i32, %arg1: i32, %arg2: memref<4x4x1000000xf32, #tpu.memory_space<hbm>>, %arg3: memref<16384xi32, #tpu.memory_space<hbm>>, %arg4: memref<4x4x16384xf32, #tpu.memory_space<hbm>>, %arg5: memref<512xi32, #tpu.memory_space<vmem>>, %arg6: memref<2x16x4x4x128xf32, #tpu.memory_space<vmem>>, %arg7: memref<4x4x512xf32, #tpu.memory_space<vmem>>, %arg8: memref<!tpu.dma_semaphore, #tpu.memory_space<semaphore_mem>>, %arg9: memref<!tpu.dma_semaphore, #tpu.memory_space<semaphore_mem>>) attributes {dimension_semantics = [#tpu.dimension_semantics<core_parallel>, #tpu.dimension_semantics<subcore_parallel>], iteration_bounds = array<i64: 2, 16>, scalar_prefetch = 0 : i64, scratch_operands = 5 : i64, tpu.core_type = #tpu.core_type<sc_vector_subcore>, window_params = [{transform_indices = #map}, {transform_indices = #map1}, {transform_indices = #map}]} {
    %mul3A = arith.constant 2 : i32
    %mul3A_0 = arith.muli %arg1, %mul3A : i32
    %add3A = arith.addi %mul3A_0, %arg0 : i32
    %mul3A_1 = arith.constant 512 : i32
    %mul3A_2 = arith.muli %add3A, %mul3A_1 : i32
    "tpu.region"() ({
      %run_scoped3A = tpu.sem_alloc : memref<!tpu.dma_semaphore, #tpu.memory_space<semaphore_mem>>
      %dma_start3A_540 = tpu.memref_slice %arg3[%mul3A_2] : memref<16384xi32, #tpu.memory_space<hbm>> -> memref<512xi32, #tpu.memory_space<hbm>>
      %dma_start3A_541 = tpu.memref_slice %arg3[%mul3A_2] : memref<16384xi32, #tpu.memory_space<hbm>> -> memref<512xi32, #tpu.memory_space<hbm>>
      tpu.enqueue_dma source(%dma_start3A_541 : memref<512xi32, #tpu.memory_space<hbm>>) target(%arg5 : memref<512xi32, #tpu.memory_space<vmem>>) target_semaphore(%run_scoped3A : memref<!tpu.dma_semaphore, #tpu.memory_space<semaphore_mem>>)
      %dma_wait3A = tpu.memref_slice %arg3[%mul3A_2] : memref<16384xi32, #tpu.memory_space<hbm>> -> memref<512xi32, #tpu.memory_space<hbm>>
      %dma_wait3A_542 = tpu.memref_slice %arg3[%mul3A_2] : memref<16384xi32, #tpu.memory_space<hbm>> -> memref<512xi32, #tpu.memory_space<hbm>>
      tpu.wait_dma2 semaphore(%run_scoped3A : memref<!tpu.dma_semaphore, #tpu.memory_space<semaphore_mem>>) src(%dma_wait3A_542 : memref<512xi32, #tpu.memory_space<hbm>>) dst(%arg5 : memref<512xi32, #tpu.memory_space<vmem>>)
      tpu.yield
    }) : () -> ()
    %iota3A = tpu.iota {dimensions = array<i32: 0>} : vector<16xi32>
    %div3A = arith.constant 4 : i32
    %div3A_3 = vector.broadcast %div3A : i32 to vector<16xi32>
    %div3A_4 = arith.divsi %iota3A, %div3A_3 : vector<16xi32>
    %rem3A = arith.constant 4 : i32
    %rem3A_5 = vector.broadcast %rem3A : i32 to vector<16xi32>
    %rem3A_6 = arith.remsi %iota3A, %rem3A_5 : vector<16xi32>
    %mul3A_7 = arith.constant 0 : i32
    %mul3A_8 = arith.constant 16 : i32
    %mul3A_9 = arith.muli %mul3A_7, %mul3A_8 : i32
    %get3A = arith.index_cast %mul3A_9 : i32 to index
    %get3A_10 = tpu.vector_load %arg5[%get3A] {strides = array<i32>} : memref<512xi32, #tpu.memory_space<vmem>>, vector<16xi32>,
    %shift_right_logical3A = arith.constant 7 : i32
    %shift_right_logical3A_11 = vector.broadcast %shift_right_logical3A : i32 to vector<16xi32>
    %shift_right_logical3A_12 = arith.shrui %get3A_10, %shift_right_logical3A_11 : vector<16xi32>
    %shift_left3A = arith.constant 7 : i32
    %shift_left3A_13 = vector.broadcast %shift_left3A : i32 to vector<16xi32>
    %shift_left3A_14 = arith.shli %shift_right_logical3A_12, %shift_left3A_13 : vector<16xi32>
    %eq3A = arith.constant 0 : i32
    %eq3A_15 = vector.broadcast %eq3A : i32 to vector<16xi32>
    %eq3A_16 = arith.cmpi eq, %iota3A, %eq3A_15 : vector<16xi32>
    %jit3A = arith.constant 0 : i32
    %broadcast_in_dim3A = vector.broadcast %jit3A : i32 to vector<16xi32>
    %select_n3A = arith.select %eq3A_16, %shift_left3A_14, %broadcast_in_dim3A : vector<16xi1>, vector<16xi32>
    %reduce_max3A = arith.constant true
    %reduce_max3A_17 = vector.broadcast %reduce_max3A : i1 to vector<16xi1>
    %reduce_max3A_18 = arith.constant -2147483648 : i32
    %reduce_max3A_19 = vector.broadcast %reduce_max3A_18 : i32 to vector<16xi32>
    %reduce_max3A_20 = arith.xori %select_n3A, %reduce_max3A_19 : vector<16xi32>
    %reduce_max3A_21 = tpu.scan <max>, %reduce_max3A_20 masked %reduce_max3A_17 : vector<16xi32>, vector<16xi1> -> vector<16xi32>
    %reduce_max3A_22 = arith.xori %reduce_max3A_21, %reduce_max3A_19 : vector<16xi32>
    %reduce_max3A_23 = vector.extract %reduce_max3A_22[15] : i32 from vector<16xi32>
    %multiple_of3A = tpu.assume_multiple %reduce_max3A_23, 128 : i32
    %dma_start3A = arith.constant 0 : i32
    %dma_start3A_24 = arith.constant 0 : i32
    %dma_start3A_25 = arith.constant 0 : i32
    %dma_start3A_26 = arith.constant 0 : i32
    %dma_start3A_27 = arith.constant 0 : i32
    %dma_start3A_28 = tpu.memref_slice %arg6[%dma_start3A, %dma_start3A_24, %dma_start3A_25, %dma_start3A_26, %dma_start3A_27] : memref<2x16x4x4x128xf32, #tpu.memory_space<vmem>> -> memref<1x1x4x4x128xf32, #tpu.memory_space<vmem>>
    %dma_start3A_29 = tpu.memref_squeeze %dma_start3A_28 : memref<1x1x4x4x128xf32, #tpu.memory_space<vmem>> -> memref<4x4x128xf32, #tpu.memory_space<vmem>>
    %dma_start3A_30 = arith.constant 0 : i32
    %dma_start3A_31 = arith.constant 0 : i32
    %dma_start3A_32 = tpu.memref_slice %arg2[%dma_start3A_30, %dma_start3A_31, %multiple_of3A] : memref<4x4x1000000xf32, #tpu.memory_space<hbm>> -> memref<4x4x128xf32, #tpu.memory_space<hbm>>
    %dma_start3A_33 = arith.constant 0 : i32
    %dma_start3A_34 = arith.constant 0 : i32
    %dma_start3A_35 = arith.constant 0 : i32
    %dma_start3A_36 = tpu.memref_slice %arg6[%dma_start3A, %dma_start3A_24, %dma_start3A_33, %dma_start3A_34, %dma_start3A_35] : memref<2x16x4x4x128xf32, #tpu.memory_space<vmem>> -> memref<1x1x4x4x128xf32, #tpu.memory_space<vmem>>
    %dma_start3A_37 = tpu.memref_squeeze %dma_start3A_36 : memref<1x1x4x4x128xf32, #tpu.memory_space<vmem>> -> memref<4x4x128xf32, #tpu.memory_space<vmem>>
    %dma_start3A_38 = arith.constant 0 : i32
    %dma_start3A_39 = arith.constant 0 : i32
    %dma_start3A_40 = tpu.memref_slice %arg2[%dma_start3A_38, %dma_start3A_39, %multiple_of3A] : memref<4x4x1000000xf32, #tpu.memory_space<hbm>> -> memref<4x4x128xf32, #tpu.memory_space<hbm>>
    tpu.enqueue_dma source(%dma_start3A_40 : memref<4x4x128xf32, #tpu.memory_space<hbm>>) target(%dma_start3A_37 : memref<4x4x128xf32, #tpu.memory_space<vmem>>) target_semaphore(%arg8 : memref<!tpu.dma_semaphore, #tpu.memory_space<semaphore_mem>>)
    %eq3A_41 = arith.constant 1 : i32
    %eq3A_42 = vector.broadcast %eq3A_41 : i32 to vector<16xi32>
    %eq3A_43 = arith.cmpi eq, %iota3A, %eq3A_42 : vector<16xi32>
    %jit3A_44 = arith.constant 0 : i32
    %broadcast_in_dim3A_45 = vector.broadcast %jit3A_44 : i32 to vector<16xi32>
    %select_n3A_46 = arith.select %eq3A_43, %shift_left3A_14, %broadcast_in_dim3A_45 : vector<16xi1>, vector<16xi32>
    %reduce_max3A_47 = arith.constant true
    %reduce_max3A_48 = vector.broadcast %reduce_max3A_47 : i1 to vector<16xi1>
    %reduce_max3A_49 = arith.constant -2147483648 : i32
    %reduce_max3A_50 = vector.broadcast %reduce_max3A_49 : i32 to vector<16xi32>
    %reduce_max3A_51 = arith.xori %select_n3A_46, %reduce_max3A_50 : vector<16xi32>
    %reduce_max3A_52 = tpu.scan <max>, %reduce_max3A_51 masked %reduce_max3A_48 : vector<16xi32>, vector<16xi1> -> vector<16xi32>
    %reduce_max3A_53 = arith.xori %reduce_max3A_52, %reduce_max3A_50 : vector<16xi32>
    %reduce_max3A_54 = vector.extract %reduce_max3A_53[15] : i32 from vector<16xi32>
    %multiple_of3A_55 = tpu.assume_multiple %reduce_max3A_54, 128 : i32
    %dma_start3A_56 = arith.constant 0 : i32
    %dma_start3A_57 = arith.constant 1 : i32
    %dma_start3A_58 = arith.constant 0 : i32
    %dma_start3A_59 = arith.constant 0 : i32
    %dma_start3A_60 = arith.constant 0 : i32
    %dma_start3A_61 = tpu.memref_slice %arg6[%dma_start3A_56, %dma_start3A_57, %dma_start3A_58, %dma_start3A_59, %dma_start3A_60] : memref<2x16x4x4x128xf32, #tpu.memory_space<vmem>> -> memref<1x1x4x4x128xf32, #tpu.memory_space<vmem>>
    %dma_start3A_62 = tpu.memref_squeeze %dma_start3A_61 : memref<1x1x4x4x128xf32, #tpu.memory_space<vmem>> -> memref<4x4x128xf32, #tpu.memory_space<vmem>>
    %dma_start3A_63 = arith.constant 0 : i32
    %dma_start3A_64 = arith.constant 0 : i32
    %dma_start3A_65 = tpu.memref_slice %arg2[%dma_start3A_63, %dma_start3A_64, %multiple_of3A_55] : memref<4x4x1000000xf32, #tpu.memory_space<hbm>> -> memref<4x4x128xf32, #tpu.memory_space<hbm>>
    %dma_start3A_66 = arith.constant 0 : i32
    %dma_start3A_67 = arith.constant 0 : i32
    %dma_start3A_68 = arith.constant 0 : i32
    %dma_start3A_69 = tpu.memref_slice %arg6[%dma_start3A_56, %dma_start3A_57, %dma_start3A_66, %dma_start3A_67, %dma_start3A_68] : memref<2x16x4x4x128xf32, #tpu.memory_space<vmem>> -> memref<1x1x4x4x128xf32, #tpu.memory_space<vmem>>
    %dma_start3A_70 = tpu.memref_squeeze %dma_start3A_69 : memref<1x1x4x4x128xf32, #tpu.memory_space<vmem>> -> memref<4x4x128xf32, #tpu.memory_space<vmem>>
    %dma_start3A_71 = arith.constant 0 : i32
    %dma_start3A_72 = arith.constant 0 : i32
    %dma_start3A_73 = tpu.memref_slice %arg2[%dma_start3A_71, %dma_start3A_72, %multiple_of3A_55] : memref<4x4x1000000xf32, #tpu.memory_space<hbm>> -> memref<4x4x128xf32, #tpu.memory_space<hbm>>
    tpu.enqueue_dma source(%dma_start3A_73 : memref<4x4x128xf32, #tpu.memory_space<hbm>>) target(%dma_start3A_70 : memref<4x4x128xf32, #tpu.memory_space<vmem>>) target_semaphore(%arg8 : memref<!tpu.dma_semaphore, #tpu.memory_space<semaphore_mem>>)
    %eq3A_74 = arith.constant 2 : i32
    %eq3A_75 = vector.broadcast %eq3A_74 : i32 to vector<16xi32>
    %eq3A_76 = arith.cmpi eq, %iota3A, %eq3A_75 : vector<16xi32>
    %jit3A_77 = arith.constant 0 : i32
    %broadcast_in_dim3A_78 = vector.broadcast %jit3A_77 : i32 to vector<16xi32>
    %select_n3A_79 = arith.select %eq3A_76, %shift_left3A_14, %broadcast_in_dim3A_78 : vector<16xi1>, vector<16xi32>
    %reduce_max3A_80 = arith.constant true
    %reduce_max3A_81 = vector.broadcast %reduce_max3A_80 : i1 to vector<16xi1>
    %reduce_max3A_82 = arith.constant -2147483648 : i32
    %reduce_max3A_83 = vector.broadcast %reduce_max3A_82 : i32 to vector<16xi32>
    %reduce_max3A_84 = arith.xori %select_n3A_79, %reduce_max3A_83 : vector<16xi32>
    %reduce_max3A_85 = tpu.scan <max>, %reduce_max3A_84 masked %reduce_max3A_81 : vector<16xi32>, vector<16xi1> -> vector<16xi32>
    %reduce_max3A_86 = arith.xori %reduce_max3A_85, %reduce_max3A_83 : vector<16xi32>
    %reduce_max3A_87 = vector.extract %reduce_max3A_86[15] : i32 from vector<16xi32>
    %multiple_of3A_88 = tpu.assume_multiple %reduce_max3A_87, 128 : i32
    %dma_start3A_89 = arith.constant 0 : i32
    %dma_start3A_90 = arith.constant 2 : i32
    %dma_start3A_91 = arith.constant 0 : i32
    %dma_start3A_92 = arith.constant 0 : i32
    %dma_start3A_93 = arith.constant 0 : i32
    %dma_start3A_94 = tpu.memref_slice %arg6[%dma_start3A_89, %dma_start3A_90, %dma_start3A_91, %dma_start3A_92, %dma_start3A_93] : memref<2x16x4x4x128xf32, #tpu.memory_space<vmem>> -> memref<1x1x4x4x128xf32, #tpu.memory_space<vmem>>
    %dma_start3A_95 = tpu.memref_squeeze %dma_start3A_94 : memref<1x1x4x4x128xf32, #tpu.memory_space<vmem>> -> memref<4x4x128xf32, #tpu.memory_space<vmem>>
    %dma_start3A_96 = arith.constant 0 : i32
    %dma_start3A_97 = arith.constant 0 : i32
    %dma_start3A_98 = tpu.memref_slice %arg2[%dma_start3A_96, %dma_start3A_97, %multiple_of3A_88] : memref<4x4x1000000xf32, #tpu.memory_space<hbm>> -> memref<4x4x128xf32, #tpu.memory_space<hbm>>
    %dma_start3A_99 = arith.constant 0 : i32
    %dma_start3A_100 = arith.constant 0 : i32
    %dma_start3A_101 = arith.constant 0 : i32
    %dma_start3A_102 = tpu.memref_slice %arg6[%dma_start3A_89, %dma_start3A_90, %dma_start3A_99, %dma_start3A_100, %dma_start3A_101] : memref<2x16x4x4x128xf32, #tpu.memory_space<vmem>> -> memref<1x1x4x4x128xf32, #tpu.memory_space<vmem>>
    %dma_start3A_103 = tpu.memref_squeeze %dma_start3A_102 : memref<1x1x4x4x128xf32, #tpu.memory_space<vmem>> -> memref<4x4x128xf32, #tpu.memory_space<vmem>>
    %dma_start3A_104 = arith.constant 0 : i32
    %dma_start3A_105 = arith.constant 0 : i32
    %dma_start3A_106 = tpu.memref_slice %arg2[%dma_start3A_104, %dma_start3A_105, %multiple_of3A_88] : memref<4x4x1000000xf32, #tpu.memory_space<hbm>> -> memref<4x4x128xf32, #tpu.memory_space<hbm>>
    tpu.enqueue_dma source(%dma_start3A_106 : memref<4x4x128xf32, #tpu.memory_space<hbm>>) target(%dma_start3A_103 : memref<4x4x128xf32, #tpu.memory_space<vmem>>) target_semaphore(%arg8 : memref<!tpu.dma_semaphore, #tpu.memory_space<semaphore_mem>>)
    %eq3A_107 = arith.constant 3 : i32
    %eq3A_108 = vector.broadcast %eq3A_107 : i32 to vector<16xi32>
    %eq3A_109 = arith.cmpi eq, %iota3A, %eq3A_108 : vector<16xi32>
    %jit3A_110 = arith.constant 0 : i32
    %broadcast_in_dim3A_111 = vector.broadcast %jit3A_110 : i32 to vector<16xi32>
    %select_n3A_112 = arith.select %eq3A_109, %shift_left3A_14, %broadcast_in_dim3A_111 : vector<16xi1>, vector<16xi32>
    %reduce_max3A_113 = arith.constant true
    %reduce_max3A_114 = vector.broadcast %reduce_max3A_113 : i1 to vector<16xi1>
    %reduce_max3A_115 = arith.constant -2147483648 : i32
    %reduce_max3A_116 = vector.broadcast %reduce_max3A_115 : i32 to vector<16xi32>
    %reduce_max3A_117 = arith.xori %select_n3A_112, %reduce_max3A_116 : vector<16xi32>
    %reduce_max3A_118 = tpu.scan <max>, %reduce_max3A_117 masked %reduce_max3A_114 : vector<16xi32>, vector<16xi1> -> vector<16xi32>
    %reduce_max3A_119 = arith.xori %reduce_max3A_118, %reduce_max3A_116 : vector<16xi32>
    %reduce_max3A_120 = vector.extract %reduce_max3A_119[15] : i32 from vector<16xi32>
    %multiple_of3A_121 = tpu.assume_multiple %reduce_max3A_120, 128 : i32
    %dma_start3A_122 = arith.constant 0 : i32
    %dma_start3A_123 = arith.constant 3 : i32
    %dma_start3A_124 = arith.constant 0 : i32
    %dma_start3A_125 = arith.constant 0 : i32
    %dma_start3A_126 = arith.constant 0 : i32
    %dma_start3A_127 = tpu.memref_slice %arg6[%dma_start3A_122, %dma_start3A_123, %dma_start3A_124, %dma_start3A_125, %dma_start3A_126] : memref<2x16x4x4x128xf32, #tpu.memory_space<vmem>> -> memref<1x1x4x4x128xf32, #tpu.memory_space<vmem>>
    %dma_start3A_128 = tpu.memref_squeeze %dma_start3A_127 : memref<1x1x4x4x128xf32, #tpu.memory_space<vmem>> -> memref<4x4x128xf32, #tpu.memory_space<vmem>>
    %dma_start3A_129 = arith.constant 0 : i32
    %dma_start3A_130 = arith.constant 0 : i32
    %dma_start3A_131 = tpu.memref_slice %arg2[%dma_start3A_129, %dma_start3A_130, %multiple_of3A_121] : memref<4x4x1000000xf32, #tpu.memory_space<hbm>> -> memref<4x4x128xf32, #tpu.memory_space<hbm>>
    %dma_start3A_132 = arith.constant 0 : i32
    %dma_start3A_133 = arith.constant 0 : i32
    %dma_start3A_134 = arith.constant 0 : i32
    %dma_start3A_135 = tpu.memref_slice %arg6[%dma_start3A_122, %dma_start3A_123, %dma_start3A_132, %dma_start3A_133, %dma_start3A_134] : memref<2x16x4x4x128xf32, #tpu.memory_space<vmem>> -> memref<1x1x4x4x128xf32, #tpu.memory_space<vmem>>
    %dma_start3A_136 = tpu.memref_squeeze %dma_start3A_135 : memref<1x1x4x4x128xf32, #tpu.memory_space<vmem>> -> memref<4x4x128xf32, #tpu.memory_space<vmem>>
    %dma_start3A_137 = arith.constant 0 : i32
    %dma_start3A_138 = arith.constant 0 : i32
    %dma_start3A_139 = tpu.memref_slice %arg2[%dma_start3A_137, %dma_start3A_138, %multiple_of3A_121] : memref<4x4x1000000xf32, #tpu.memory_space<hbm>> -> memref<4x4x128xf32, #tpu.memory_space<hbm>>
    tpu.enqueue_dma source(%dma_start3A_139 : memref<4x4x128xf32, #tpu.memory_space<hbm>>) target(%dma_start3A_136 : memref<4x4x128xf32, #tpu.memory_space<vmem>>) target_semaphore(%arg8 : memref<!tpu.dma_semaphore, #tpu.memory_space<semaphore_mem>>)
    %eq3A_140 = arith.constant 4 : i32
    %eq3A_141 = vector.broadcast %eq3A_140 : i32 to vector<16xi32>
    %eq3A_142 = arith.cmpi eq, %iota3A, %eq3A_141 : vector<16xi32>
    %jit3A_143 = arith.constant 0 : i32
    %broadcast_in_dim3A_144 = vector.broadcast %jit3A_143 : i32 to vector<16xi32>
    %select_n3A_145 = arith.select %eq3A_142, %shift_left3A_14, %broadcast_in_dim3A_144 : vector<16xi1>, vector<16xi32>
    %reduce_max3A_146 = arith.constant true
    %reduce_max3A_147 = vector.broadcast %reduce_max3A_146 : i1 to vector<16xi1>
    %reduce_max3A_148 = arith.constant -2147483648 : i32
    %reduce_max3A_149 = vector.broadcast %reduce_max3A_148 : i32 to vector<16xi32>
    %reduce_max3A_150 = arith.xori %select_n3A_145, %reduce_max3A_149 : vector<16xi32>
    %reduce_max3A_151 = tpu.scan <max>, %reduce_max3A_150 masked %reduce_max3A_147 : vector<16xi32>, vector<16xi1> -> vector<16xi32>
    %reduce_max3A_152 = arith.xori %reduce_max3A_151, %reduce_max3A_149 : vector<16xi32>
    %reduce_max3A_153 = vector.extract %reduce_max3A_152[15] : i32 from vector<16xi32>
    %multiple_of3A_154 = tpu.assume_multiple %reduce_max3A_153, 128 : i32
    %dma_start3A_155 = arith.constant 0 : i32
    %dma_start3A_156 = arith.constant 4 : i32
    %dma_start3A_157 = arith.constant 0 : i32
    %dma_start3A_158 = arith.constant 0 : i32
    %dma_start3A_159 = arith.constant 0 : i32
    %dma_start3A_160 = tpu.memref_slice %arg6[%dma_start3A_155, %dma_start3A_156, %dma_start3A_157, %dma_start3A_158, %dma_start3A_159] : memref<2x16x4x4x128xf32, #tpu.memory_space<vmem>> -> memref<1x1x4x4x128xf32, #tpu.memory_space<vmem>>
    %dma_start3A_161 = tpu.memref_squeeze %dma_start3A_160 : memref<1x1x4x4x128xf32, #tpu.memory_space<vmem>> -> memref<4x4x128xf32, #tpu.memory_space<vmem>>
    %dma_start3A_162 = arith.constant 0 : i32
    %dma_start3A_163 = arith.constant 0 : i32
    %dma_start3A_164 = tpu.memref_slice %arg2[%dma_start3A_162, %dma_start3A_163, %multiple_of3A_154] : memref<4x4x1000000xf32, #tpu.memory_space<hbm>> -> memref<4x4x128xf32, #tpu.memory_space<hbm>>
    %dma_start3A_165 = arith.constant 0 : i32
    %dma_start3A_166 = arith.constant 0 : i32
    %dma_start3A_167 = arith.constant 0 : i32
    %dma_start3A_168 = tpu.memref_slice %arg6[%dma_start3A_155, %dma_start3A_156, %dma_start3A_165, %dma_start3A_166, %dma_start3A_167] : memref<2x16x4x4x128xf32, #tpu.memory_space<vmem>> -> memref<1x1x4x4x128xf32, #tpu.memory_space<vmem>>
    %dma_start3A_169 = tpu.memref_squeeze %dma_start3A_168 : memref<1x1x4x4x128xf32, #tpu.memory_space<vmem>> -> memref<4x4x128xf32, #tpu.memory_space<vmem>>
    %dma_start3A_170 = arith.constant 0 : i32
    %dma_start3A_171 = arith.constant 0 : i32
    %dma_start3A_172 = tpu.memref_slice %arg2[%dma_start3A_170, %dma_start3A_171, %multiple_of3A_154] : memref<4x4x1000000xf32, #tpu.memory_space<hbm>> -> memref<4x4x128xf32, #tpu.memory_space<hbm>>
    tpu.enqueue_dma source(%dma_start3A_172 : memref<4x4x128xf32, #tpu.memory_space<hbm>>) target(%dma_start3A_169 : memref<4x4x128xf32, #tpu.memory_space<vmem>>) target_semaphore(%arg8 : memref<!tpu.dma_semaphore, #tpu.memory_space<semaphore_mem>>)
    %eq3A_173 = arith.constant 5 : i32
    %eq3A_174 = vector.broadcast %eq3A_173 : i32 to vector<16xi32>
    %eq3A_175 = arith.cmpi eq, %iota3A, %eq3A_174 : vector<16xi32>
    %jit3A_176 = arith.constant 0 : i32
    %broadcast_in_dim3A_177 = vector.broadcast %jit3A_176 : i32 to vector<16xi32>
    %select_n3A_178 = arith.select %eq3A_175, %shift_left3A_14, %broadcast_in_dim3A_177 : vector<16xi1>, vector<16xi32>
    %reduce_max3A_179 = arith.constant true
    %reduce_max3A_180 = vector.broadcast %reduce_max3A_179 : i1 to vector<16xi1>
    %reduce_max3A_181 = arith.constant -2147483648 : i32
    %reduce_max3A_182 = vector.broadcast %reduce_max3A_181 : i32 to vector<16xi32>
    %reduce_max3A_183 = arith.xori %select_n3A_178, %reduce_max3A_182 : vector<16xi32>
    %reduce_max3A_184 = tpu.scan <max>, %reduce_max3A_183 masked %reduce_max3A_180 : vector<16xi32>, vector<16xi1> -> vector<16xi32>
    %reduce_max3A_185 = arith.xori %reduce_max3A_184, %reduce_max3A_182 : vector<16xi32>
    %reduce_max3A_186 = vector.extract %reduce_max3A_185[15] : i32 from vector<16xi32>
    %multiple_of3A_187 = tpu.assume_multiple %reduce_max3A_186, 128 : i32
    %dma_start3A_188 = arith.constant 0 : i32
    %dma_start3A_189 = arith.constant 5 : i32
    %dma_start3A_190 = arith.constant 0 : i32
    %dma_start3A_191 = arith.constant 0 : i32
    %dma_start3A_192 = arith.constant 0 : i32
    %dma_start3A_193 = tpu.memref_slice %arg6[%dma_start3A_188, %dma_start3A_189, %dma_start3A_190, %dma_start3A_191, %dma_start3A_192] : memref<2x16x4x4x128xf32, #tpu.memory_space<vmem>> -> memref<1x1x4x4x128xf32, #tpu.memory_space<vmem>>
    %dma_start3A_194 = tpu.memref_squeeze %dma_start3A_193 : memref<1x1x4x4x128xf32, #tpu.memory_space<vmem>> -> memref<4x4x128xf32, #tpu.memory_space<vmem>>
    %dma_start3A_195 = arith.constant 0 : i32
    %dma_start3A_196 = arith.constant 0 : i32
    %dma_start3A_197 = tpu.memref_slice %arg2[%dma_start3A_195, %dma_start3A_196, %multiple_of3A_187] : memref<4x4x1000000xf32, #tpu.memory_space<hbm>> -> memref<4x4x128xf32, #tpu.memory_space<hbm>>
    %dma_start3A_198 = arith.constant 0 : i32
    %dma_start3A_199 = arith.constant 0 : i32
    %dma_start3A_200 = arith.constant 0 : i32
    %dma_start3A_201 = tpu.memref_slice %arg6[%dma_start3A_188, %dma_start3A_189, %dma_start3A_198, %dma_start3A_199, %dma_start3A_200] : memref<2x16x4x4x128xf32, #tpu.memory_space<vmem>> -> memref<1x1x4x4x128xf32, #tpu.memory_space<vmem>>
    %dma_start3A_202 = tpu.memref_squeeze %dma_start3A_201 : memref<1x1x4x4x128xf32, #tpu.memory_space<vmem>> -> memref<4x4x128xf32, #tpu.memory_space<vmem>>
    %dma_start3A_203 = arith.constant 0 : i32
    %dma_start3A_204 = arith.constant 0 : i32
    %dma_start3A_205 = tpu.memref_slice %arg2[%dma_start3A_203, %dma_start3A_204, %multiple_of3A_187] : memref<4x4x1000000xf32, #tpu.memory_space<hbm>> -> memref<4x4x128xf32, #tpu.memory_space<hbm>>
    tpu.enqueue_dma source(%dma_start3A_205 : memref<4x4x128xf32, #tpu.memory_space<hbm>>) target(%dma_start3A_202 : memref<4x4x128xf32, #tpu.memory_space<vmem>>) target_semaphore(%arg8 : memref<!tpu.dma_semaphore, #tpu.memory_space<semaphore_mem>>)
    %eq3A_206 = arith.constant 6 : i32
    %eq3A_207 = vector.broadcast %eq3A_206 : i32 to vector<16xi32>
    %eq3A_208 = arith.cmpi eq, %iota3A, %eq3A_207 : vector<16xi32>
    %jit3A_209 = arith.constant 0 : i32
    %broadcast_in_dim3A_210 = vector.broadcast %jit3A_209 : i32 to vector<16xi32>
    %select_n3A_211 = arith.select %eq3A_208, %shift_left3A_14, %broadcast_in_dim3A_210 : vector<16xi1>, vector<16xi32>
    %reduce_max3A_212 = arith.constant true
    %reduce_max3A_213 = vector.broadcast %reduce_max3A_212 : i1 to vector<16xi1>
    %reduce_max3A_214 = arith.constant -2147483648 : i32
    %reduce_max3A_215 = vector.broadcast %reduce_max3A_214 : i32 to vector<16xi32>
    %reduce_max3A_216 = arith.xori %select_n3A_211, %reduce_max3A_215 : vector<16xi32>
    %reduce_max3A_217 = tpu.scan <max>, %reduce_max3A_216 masked %reduce_max3A_213 : vector<16xi32>, vector<16xi1> -> vector<16xi32>
    %reduce_max3A_218 = arith.xori %reduce_max3A_217, %reduce_max3A_215 : vector<16xi32>
    %reduce_max3A_219 = vector.extract %reduce_max3A_218[15] : i32 from vector<16xi32>
    %multiple_of3A_220 = tpu.assume_multiple %reduce_max3A_219, 128 : i32
    %dma_start3A_221 = arith.constant 0 : i32
    %dma_start3A_222 = arith.constant 6 : i32
    %dma_start3A_223 = arith.constant 0 : i32
    %dma_start3A_224 = arith.constant 0 : i32
    %dma_start3A_225 = arith.constant 0 : i32
    %dma_start3A_226 = tpu.memref_slice %arg6[%dma_start3A_221, %dma_start3A_222, %dma_start3A_223, %dma_start3A_224, %dma_start3A_225] : memref<2x16x4x4x128xf32, #tpu.memory_space<vmem>> -> memref<1x1x4x4x128xf32, #tpu.memory_space<vmem>>
    %dma_start3A_227 = tpu.memref_squeeze %dma_start3A_226 : memref<1x1x4x4x128xf32, #tpu.memory_space<vmem>> -> memref<4x4x128xf32, #tpu.memory_space<vmem>>
    %dma_start3A_228 = arith.constant 0 : i32
    %dma_start3A_229 = arith.constant 0 : i32
    %dma_start3A_230 = tpu.memref_slice %arg2[%dma_start3A_228, %dma_start3A_229, %multiple_of3A_220] : memref<4x4x1000000xf32, #tpu.memory_space<hbm>> -> memref<4x4x128xf32, #tpu.memory_space<hbm>>
    %dma_start3A_231 = arith.constant 0 : i32
    %dma_start3A_232 = arith.constant 0 : i32
    %dma_start3A_233 = arith.constant 0 : i32
    %dma_start3A_234 = tpu.memref_slice %arg6[%dma_start3A_221, %dma_start3A_222, %dma_start3A_231, %dma_start3A_232, %dma_start3A_233] : memref<2x16x4x4x128xf32, #tpu.memory_space<vmem>> -> memref<1x1x4x4x128xf32, #tpu.memory_space<vmem>>
    %dma_start3A_235 = tpu.memref_squeeze %dma_start3A_234 : memref<1x1x4x4x128xf32, #tpu.memory_space<vmem>> -> memref<4x4x128xf32, #tpu.memory_space<vmem>>
    %dma_start3A_236 = arith.constant 0 : i32
    %dma_start3A_237 = arith.constant 0 : i32
    %dma_start3A_238 = tpu.memref_slice %arg2[%dma_start3A_236, %dma_start3A_237, %multiple_of3A_220] : memref<4x4x1000000xf32, #tpu.memory_space<hbm>> -> memref<4x4x128xf32, #tpu.memory_space<hbm>>
    tpu.enqueue_dma source(%dma_start3A_238 : memref<4x4x128xf32, #tpu.memory_space<hbm>>) target(%dma_start3A_235 : memref<4x4x128xf32, #tpu.memory_space<vmem>>) target_semaphore(%arg8 : memref<!tpu.dma_semaphore, #tpu.memory_space<semaphore_mem>>)
    %eq3A_239 = arith.constant 7 : i32
    %eq3A_240 = vector.broadcast %eq3A_239 : i32 to vector<16xi32>
    %eq3A_241 = arith.cmpi eq, %iota3A, %eq3A_240 : vector<16xi32>
    %jit3A_242 = arith.constant 0 : i32
    %broadcast_in_dim3A_243 = vector.broadcast %jit3A_242 : i32 to vector<16xi32>
    %select_n3A_244 = arith.select %eq3A_241, %shift_left3A_14, %broadcast_in_dim3A_243 : vector<16xi1>, vector<16xi32>
    %reduce_max3A_245 = arith.constant true
    %reduce_max3A_246 = vector.broadcast %reduce_max3A_245 : i1 to vector<16xi1>
    %reduce_max3A_247 = arith.constant -2147483648 : i32
    %reduce_max3A_248 = vector.broadcast %reduce_max3A_247 : i32 to vector<16xi32>
    %reduce_max3A_249 = arith.xori %select_n3A_244, %reduce_max3A_248 : vector<16xi32>
    %reduce_max3A_250 = tpu.scan <max>, %reduce_max3A_249 masked %reduce_max3A_246 : vector<16xi32>, vector<16xi1> -> vector<16xi32>
    %reduce_max3A_251 = arith.xori %reduce_max3A_250, %reduce_max3A_248 : vector<16xi32>
    %reduce_max3A_252 = vector.extract %reduce_max3A_251[15] : i32 from vector<16xi32>
    %multiple_of3A_253 = tpu.assume_multiple %reduce_max3A_252, 128 : i32
    %dma_start3A_254 = arith.constant 0 : i32
    %dma_start3A_255 = arith.constant 7 : i32
    %dma_start3A_256 = arith.constant 0 : i32
    %dma_start3A_257 = arith.constant 0 : i32
    %dma_start3A_258 = arith.constant 0 : i32
    %dma_start3A_259 = tpu.memref_slice %arg6[%dma_start3A_254, %dma_start3A_255, %dma_start3A_256, %dma_start3A_257, %dma_start3A_258] : memref<2x16x4x4x128xf32, #tpu.memory_space<vmem>> -> memref<1x1x4x4x128xf32, #tpu.memory_space<vmem>>
    %dma_start3A_260 = tpu.memref_squeeze %dma_start3A_259 : memref<1x1x4x4x128xf32, #tpu.memory_space<vmem>> -> memref<4x4x128xf32, #tpu.memory_space<vmem>>
    %dma_start3A_261 = arith.constant 0 : i32
    %dma_start3A_262 = arith.constant 0 : i32
    %dma_start3A_263 = tpu.memref_slice %arg2[%dma_start3A_261, %dma_start3A_262, %multiple_of3A_253] : memref<4x4x1000000xf32, #tpu.memory_space<hbm>> -> memref<4x4x128xf32, #tpu.memory_space<hbm>>
    %dma_start3A_264 = arith.constant 0 : i32
    %dma_start3A_265 = arith.constant 0 : i32
    %dma_start3A_266 = arith.constant 0 : i32
    %dma_start3A_267 = tpu.memref_slice %arg6[%dma_start3A_254, %dma_start3A_255, %dma_start3A_264, %dma_start3A_265, %dma_start3A_266] : memref<2x16x4x4x128xf32, #tpu.memory_space<vmem>> -> memref<1x1x4x4x128xf32, #tpu.memory_space<vmem>>
    %dma_start3A_268 = tpu.memref_squeeze %dma_start3A_267 : memref<1x1x4x4x128xf32, #tpu.memory_space<vmem>> -> memref<4x4x128xf32, #tpu.memory_space<vmem>>
    %dma_start3A_269 = arith.constant 0 : i32
    %dma_start3A_270 = arith.constant 0 : i32
    %dma_start3A_271 = tpu.memref_slice %arg2[%dma_start3A_269, %dma_start3A_270, %multiple_of3A_253] : memref<4x4x1000000xf32, #tpu.memory_space<hbm>> -> memref<4x4x128xf32, #tpu.memory_space<hbm>>
    tpu.enqueue_dma source(%dma_start3A_271 : memref<4x4x128xf32, #tpu.memory_space<hbm>>) target(%dma_start3A_268 : memref<4x4x128xf32, #tpu.memory_space<vmem>>) target_semaphore(%arg8 : memref<!tpu.dma_semaphore, #tpu.memory_space<semaphore_mem>>)
    %eq3A_272 = arith.constant 8 : i32
    %eq3A_273 = vector.broadcast %eq3A_272 : i32 to vector<16xi32>
    %eq3A_274 = arith.cmpi eq, %iota3A, %eq3A_273 : vector<16xi32>
    %jit3A_275 = arith.constant 0 : i32
    %broadcast_in_dim3A_276 = vector.broadcast %jit3A_275 : i32 to vector<16xi32>
    %select_n3A_277 = arith.select %eq3A_274, %shift_left3A_14, %broadcast_in_dim3A_276 : vector<16xi1>, vector<16xi32>
    %reduce_max3A_278 = arith.constant true
    %reduce_max3A_279 = vector.broadcast %reduce_max3A_278 : i1 to vector<16xi1>
    %reduce_max3A_280 = arith.constant -2147483648 : i32
    %reduce_max3A_281 = vector.broadcast %reduce_max3A_280 : i32 to vector<16xi32>
    %reduce_max3A_282 = arith.xori %select_n3A_277, %reduce_max3A_281 : vector<16xi32>
    %reduce_max3A_283 = tpu.scan <max>, %reduce_max3A_282 masked %reduce_max3A_279 : vector<16xi32>, vector<16xi1> -> vector<16xi32>
    %reduce_max3A_284 = arith.xori %reduce_max3A_283, %reduce_max3A_281 : vector<16xi32>
    %reduce_max3A_285 = vector.extract %reduce_max3A_284[15] : i32 from vector<16xi32>
    %multiple_of3A_286 = tpu.assume_multiple %reduce_max3A_285, 128 : i32
    %dma_start3A_287 = arith.constant 0 : i32
    %dma_start3A_288 = arith.constant 8 : i32
    %dma_start3A_289 = arith.constant 0 : i32
    %dma_start3A_290 = arith.constant 0 : i32
    %dma_start3A_291 = arith.constant 0 : i32
    %dma_start3A_292 = tpu.memref_slice %arg6[%dma_start3A_287, %dma_start3A_288, %dma_start3A_289, %dma_start3A_290, %dma_start3A_291] : memref<2x16x4x4x128xf32, #tpu.memory_space<vmem>> -> memref<1x1x4x4x128xf32, #tpu.memory_space<vmem>>
    %dma_start3A_293 = tpu.memref_squeeze %dma_start3A_292 : memref<1x1x4x4x128xf32, #tpu.memory_space<vmem>> -> memref<4x4x128xf32, #tpu.memory_space<vmem>>
    %dma_start3A_294 = arith.constant 0 : i32
    %dma_start3A_295 = arith.constant 0 : i32
    %dma_start3A_296 = tpu.memref_slice %arg2[%dma_start3A_294, %dma_start3A_295, %multiple_of3A_286] : memref<4x4x1000000xf32, #tpu.memory_space<hbm>> -> memref<4x4x128xf32, #tpu.memory_space<hbm>>
    %dma_start3A_297 = arith.constant 0 : i32
    %dma_start3A_298 = arith.constant 0 : i32
    %dma_start3A_299 = arith.constant 0 : i32
    %dma_start3A_300 = tpu.memref_slice %arg6[%dma_start3A_287, %dma_start3A_288, %dma_start3A_297, %dma_start3A_298, %dma_start3A_299] : memref<2x16x4x4x128xf32, #tpu.memory_space<vmem>> -> memref<1x1x4x4x128xf32, #tpu.memory_space<vmem>>
    %dma_start3A_301 = tpu.memref_squeeze %dma_start3A_300 : memref<1x1x4x4x128xf32, #tpu.memory_space<vmem>> -> memref<4x4x128xf32, #tpu.memory_space<vmem>>
    %dma_start3A_302 = arith.constant 0 : i32
    %dma_start3A_303 = arith.constant 0 : i32
    %dma_start3A_304 = tpu.memref_slice %arg2[%dma_start3A_302, %dma_start3A_303, %multiple_of3A_286] : memref<4x4x1000000xf32, #tpu.memory_space<hbm>> -> memref<4x4x128xf32, #tpu.memory_space<hbm>>
    tpu.enqueue_dma source(%dma_start3A_304 : memref<4x4x128xf32, #tpu.memory_space<hbm>>) target(%dma_start3A_301 : memref<4x4x128xf32, #tpu.memory_space<vmem>>) target_semaphore(%arg8 : memref<!tpu.dma_semaphore, #tpu.memory_space<semaphore_mem>>)
    %eq3A_305 = arith.constant 9 : i32
    %eq3A_306 = vector.broadcast %eq3A_305 : i32 to vector<16xi32>
    %eq3A_307 = arith.cmpi eq, %iota3A, %eq3A_306 : vector<16xi32>
    %jit3A_308 = arith.constant 0 : i32
    %broadcast_in_dim3A_309 = vector.broadcast %jit3A_308 : i32 to vector<16xi32>
    %select_n3A_310 = arith.select %eq3A_307, %shift_left3A_14, %broadcast_in_dim3A_309 : vector<16xi1>, vector<16xi32>
    %reduce_max3A_311 = arith.constant true
    %reduce_max3A_312 = vector.broadcast %reduce_max3A_311 : i1 to vector<16xi1>
    %reduce_max3A_313 = arith.constant -2147483648 : i32
    %reduce_max3A_314 = vector.broadcast %reduce_max3A_313 : i32 to vector<16xi32>
    %reduce_max3A_315 = arith.xori %select_n3A_310, %reduce_max3A_314 : vector<16xi32>
    %reduce_max3A_316 = tpu.scan <max>, %reduce_max3A_315 masked %reduce_max3A_312 : vector<16xi32>, vector<16xi1> -> vector<16xi32>
    %reduce_max3A_317 = arith.xori %reduce_max3A_316, %reduce_max3A_314 : vector<16xi32>
    %reduce_max3A_318 = vector.extract %reduce_max3A_317[15] : i32 from vector<16xi32>
    %multiple_of3A_319 = tpu.assume_multiple %reduce_max3A_318, 128 : i32
    %dma_start3A_320 = arith.constant 0 : i32
    %dma_start3A_321 = arith.constant 9 : i32
    %dma_start3A_322 = arith.constant 0 : i32
    %dma_start3A_323 = arith.constant 0 : i32
    %dma_start3A_324 = arith.constant 0 : i32
    %dma_start3A_325 = tpu.memref_slice %arg6[%dma_start3A_320, %dma_start3A_321, %dma_start3A_322, %dma_start3A_323, %dma_start3A_324] : memref<2x16x4x4x128xf32, #tpu.memory_space<vmem>> -> memref<1x1x4x4x128xf32, #tpu.memory_space<vmem>>
    %dma_start3A_326 = tpu.memref_squeeze %dma_start3A_325 : memref<1x1x4x4x128xf32, #tpu.memory_space<vmem>> -> memref<4x4x128xf32, #tpu.memory_space<vmem>>
    %dma_start3A_327 = arith.constant 0 : i32
    %dma_start3A_328 = arith.constant 0 : i32
    %dma_start3A_329 = tpu.memref_slice %arg2[%dma_start3A_327, %dma_start3A_328, %multiple_of3A_319] : memref<4x4x1000000xf32, #tpu.memory_space<hbm>> -> memref<4x4x128xf32, #tpu.memory_space<hbm>>
    %dma_start3A_330 = arith.constant 0 : i32
    %dma_start3A_331 = arith.constant 0 : i32
    %dma_start3A_332 = arith.constant 0 : i32
    %dma_start3A_333 = tpu.memref_slice %arg6[%dma_start3A_320, %dma_start3A_321, %dma_start3A_330, %dma_start3A_331, %dma_start3A_332] : memref<2x16x4x4x128xf32, #tpu.memory_space<vmem>> -> memref<1x1x4x4x128xf32, #tpu.memory_space<vmem>>
    %dma_start3A_334 = tpu.memref_squeeze %dma_start3A_333 : memref<1x1x4x4x128xf32, #tpu.memory_space<vmem>> -> memref<4x4x128xf32, #tpu.memory_space<vmem>>
    %dma_start3A_335 = arith.constant 0 : i32
    %dma_start3A_336 = arith.constant 0 : i32
    %dma_start3A_337 = tpu.memref_slice %arg2[%dma_start3A_335, %dma_start3A_336, %multiple_of3A_319] : memref<4x4x1000000xf32, #tpu.memory_space<hbm>> -> memref<4x4x128xf32, #tpu.memory_space<hbm>>
    tpu.enqueue_dma source(%dma_start3A_337 : memref<4x4x128xf32, #tpu.memory_space<hbm>>) target(%dma_start3A_334 : memref<4x4x128xf32, #tpu.memory_space<vmem>>) target_semaphore(%arg8 : memref<!tpu.dma_semaphore, #tpu.memory_space<semaphore_mem>>)
    %eq3A_338 = arith.constant 10 : i32
    %eq3A_339 = vector.broadcast %eq3A_338 : i32 to vector<16xi32>
    %eq3A_340 = arith.cmpi eq, %iota3A, %eq3A_339 : vector<16xi32>
    %jit3A_341 = arith.constant 0 : i32
    %broadcast_in_dim3A_342 = vector.broadcast %jit3A_341 : i32 to vector<16xi32>
    %select_n3A_343 = arith.select %eq3A_340, %shift_left3A_14, %broadcast_in_dim3A_342 : vector<16xi1>, vector<16xi32>
    %reduce_max3A_344 = arith.constant true
    %reduce_max3A_345 = vector.broadcast %reduce_max3A_344 : i1 to vector<16xi1>
    %reduce_max3A_346 = arith.constant -2147483648 : i32
    %reduce_max3A_347 = vector.broadcast %reduce_max3A_346 : i32 to vector<16xi32>
    %reduce_max3A_348 = arith.xori %select_n3A_343, %reduce_max3A_347 : vector<16xi32>
    %reduce_max3A_349 = tpu.scan <max>, %reduce_max3A_348 masked %reduce_max3A_345 : vector<16xi32>, vector<16xi1> -> vector<16xi32>
    %reduce_max3A_350 = arith.xori %reduce_max3A_349, %reduce_max3A_347 : vector<16xi32>
    %reduce_max3A_351 = vector.extract %reduce_max3A_350[15] : i32 from vector<16xi32>
    %multiple_of3A_352 = tpu.assume_multiple %reduce_max3A_351, 128 : i32
    %dma_start3A_353 = arith.constant 0 : i32
    %dma_start3A_354 = arith.constant 10 : i32
    %dma_start3A_355 = arith.constant 0 : i32
    %dma_start3A_356 = arith.constant 0 : i32
    %dma_start3A_357 = arith.constant 0 : i32
    %dma_start3A_358 = tpu.memref_slice %arg6[%dma_start3A_353, %dma_start3A_354, %dma_start3A_355, %dma_start3A_356, %dma_start3A_357] : memref<2x16x4x4x128xf32, #tpu.memory_space<vmem>> -> memref<1x1x4x4x128xf32, #tpu.memory_space<vmem>>
    %dma_start3A_359 = tpu.memref_squeeze %dma_start3A_358 : memref<1x1x4x4x128xf32, #tpu.memory_space<vmem>> -> memref<4x4x128xf32, #tpu.memory_space<vmem>>
    %dma_start3A_360 = arith.constant 0 : i32
    %dma_start3A_361 = arith.constant 0 : i32
    %dma_start3A_362 = tpu.memref_slice %arg2[%dma_start3A_360, %dma_start3A_361, %multiple_of3A_352] : memref<4x4x1000000xf32, #tpu.memory_space<hbm>> -> memref<4x4x128xf32, #tpu.memory_space<hbm>>
    %dma_start3A_363 = arith.constant 0 : i32
    %dma_start3A_364 = arith.constant 0 : i32
    %dma_start3A_365 = arith.constant 0 : i32
    %dma_start3A_366 = tpu.memref_slice %arg6[%dma_start3A_353, %dma_start3A_354, %dma_start3A_363, %dma_start3A_364, %dma_start3A_365] : memref<2x16x4x4x128xf32, #tpu.memory_space<vmem>> -> memref<1x1x4x4x128xf32, #tpu.memory_space<vmem>>
    %dma_start3A_367 = tpu.memref_squeeze %dma_start3A_366 : memref<1x1x4x4x128xf32, #tpu.memory_space<vmem>> -> memref<4x4x128xf32, #tpu.memory_space<vmem>>
    %dma_start3A_368 = arith.constant 0 : i32
    %dma_start3A_369 = arith.constant 0 : i32
    %dma_start3A_370 = tpu.memref_slice %arg2[%dma_start3A_368, %dma_start3A_369, %multiple_of3A_352] : memref<4x4x1000000xf32, #tpu.memory_space<hbm>> -> memref<4x4x128xf32, #tpu.memory_space<hbm>>
    tpu.enqueue_dma source(%dma_start3A_370 : memref<4x4x128xf32, #tpu.memory_space<hbm>>) target(%dma_start3A_367 : memref<4x4x128xf32, #tpu.memory_space<vmem>>) target_semaphore(%arg8 : memref<!tpu.dma_semaphore, #tpu.memory_space<semaphore_mem>>)
    %eq3A_371 = arith.constant 11 : i32
    %eq3A_372 = vector.broadcast %eq3A_371 : i32 to vector<16xi32>
    %eq3A_373 = arith.cmpi eq, %iota3A, %eq3A_372 : vector<16xi32>
    %jit3A_374 = arith.constant 0 : i32
    %broadcast_in_dim3A_375 = vector.broadcast %jit3A_374 : i32 to vector<16xi32>
    %select_n3A_376 = arith.select %eq3A_373, %shift_left3A_14, %broadcast_in_dim3A_375 : vector<16xi1>, vector<16xi32>
    %reduce_max3A_377 = arith.constant true
    %reduce_max3A_378 = vector.broadcast %reduce_max3A_377 : i1 to vector<16xi1>
    %reduce_max3A_379 = arith.constant -2147483648 : i32
    %reduce_max3A_380 = vector.broadcast %reduce_max3A_379 : i32 to vector<16xi32>
    %reduce_max3A_381 = arith.xori %select_n3A_376, %reduce_max3A_380 : vector<16xi32>
    %reduce_max3A_382 = tpu.scan <max>, %reduce_max3A_381 masked %reduce_max3A_378 : vector<16xi32>, vector<16xi1> -> vector<16xi32>
    %reduce_max3A_383 = arith.xori %reduce_max3A_382, %reduce_max3A_380 : vector<16xi32>
    %reduce_max3A_384 = vector.extract %reduce_max3A_383[15] : i32 from vector<16xi32>
    %multiple_of3A_385 = tpu.assume_multiple %reduce_max3A_384, 128 : i32
    %dma_start3A_386 = arith.constant 0 : i32
    %dma_start3A_387 = arith.constant 11 : i32
    %dma_start3A_388 = arith.constant 0 : i32
    %dma_start3A_389 = arith.constant 0 : i32
    %dma_start3A_390 = arith.constant 0 : i32
    %dma_start3A_391 = tpu.memref_slice %arg6[%dma_start3A_386, %dma_start3A_387, %dma_start3A_388, %dma_start3A_389, %dma_start3A_390] : memref<2x16x4x4x128xf32, #tpu.memory_space<vmem>> -> memref<1x1x4x4x128xf32, #tpu.memory_space<vmem>>
    %dma_start3A_392 = tpu.memref_squeeze %dma_start3A_391 : memref<1x1x4x4x128xf32, #tpu.memory_space<vmem>> -> memref<4x4x128xf32, #tpu.memory_space<vmem>>
    %dma_start3A_393 = arith.constant 0 : i32
    %dma_start3A_394 = arith.constant 0 : i32
    %dma_start3A_395 = tpu.memref_slice %arg2[%dma_start3A_393, %dma_start3A_394, %multiple_of3A_385] : memref<4x4x1000000xf32, #tpu.memory_space<hbm>> -> memref<4x4x128xf32, #tpu.memory_space<hbm>>
    %dma_start3A_396 = arith.constant 0 : i32
    %dma_start3A_397 = arith.constant 0 : i32
    %dma_start3A_398 = arith.constant 0 : i32
    %dma_start3A_399 = tpu.memref_slice %arg6[%dma_start3A_386, %dma_start3A_387, %dma_start3A_396, %dma_start3A_397, %dma_start3A_398] : memref<2x16x4x4x128xf32, #tpu.memory_space<vmem>> -> memref<1x1x4x4x128xf32, #tpu.memory_space<vmem>>
    %dma_start3A_400 = tpu.memref_squeeze %dma_start3A_399 : memref<1x1x4x4x128xf32, #tpu.memory_space<vmem>> -> memref<4x4x128xf32, #tpu.memory_space<vmem>>
    %dma_start3A_401 = arith.constant 0 : i32
    %dma_start3A_402 = arith.constant 0 : i32
    %dma_start3A_403 = tpu.memref_slice %arg2[%dma_start3A_401, %dma_start3A_402, %multiple_of3A_385] : memref<4x4x1000000xf32, #tpu.memory_space<hbm>> -> memref<4x4x128xf32, #tpu.memory_space<hbm>>
    tpu.enqueue_dma source(%dma_start3A_403 : memref<4x4x128xf32, #tpu.memory_space<hbm>>) target(%dma_start3A_400 : memref<4x4x128xf32, #tpu.memory_space<vmem>>) target_semaphore(%arg8 : memref<!tpu.dma_semaphore, #tpu.memory_space<semaphore_mem>>)
    %eq3A_404 = arith.constant 12 : i32
    %eq3A_405 = vector.broadcast %eq3A_404 : i32 to vector<16xi32>
    %eq3A_406 = arith.cmpi eq, %iota3A, %eq3A_405 : vector<16xi32>
    %jit3A_407 = arith.constant 0 : i32
    %broadcast_in_dim3A_408 = vector.broadcast %jit3A_407 : i32 to vector<16xi32>
    %select_n3A_409 = arith.select %eq3A_406, %shift_left3A_14, %broadcast_in_dim3A_408 : vector<16xi1>, vector<16xi32>
    %reduce_max3A_410 = arith.constant true
    %reduce_max3A_411 = vector.broadcast %reduce_max3A_410 : i1 to vector<16xi1>
    %reduce_max3A_412 = arith.constant -2147483648 : i32
    %reduce_max3A_413 = vector.broadcast %reduce_max3A_412 : i32 to vector<16xi32>
    %reduce_max3A_414 = arith.xori %select_n3A_409, %reduce_max3A_413 : vector<16xi32>
    %reduce_max3A_415 = tpu.scan <max>, %reduce_max3A_414 masked %reduce_max3A_411 : vector<16xi32>, vector<16xi1> -> vector<16xi32>
    %reduce_max3A_416 = arith.xori %reduce_max3A_415, %reduce_max3A_413 : vector<16xi32>
    %reduce_max3A_417 = vector.extract %reduce_max3A_416[15] : i32 from vector<16xi32>
    %multiple_of3A_418 = tpu.assume_multiple %reduce_max3A_417, 128 : i32
    %dma_start3A_419 = arith.constant 0 : i32
    %dma_start3A_420 = arith.constant 12 : i32
    %dma_start3A_421 = arith.constant 0 : i32
    %dma_start3A_422 = arith.constant 0 : i32
    %dma_start3A_423 = arith.constant 0 : i32
    %dma_start3A_424 = tpu.memref_slice %arg6[%dma_start3A_419, %dma_start3A_420, %dma_start3A_421, %dma_start3A_422, %dma_start3A_423] : memref<2x16x4x4x128xf32, #tpu.memory_space<vmem>> -> memref<1x1x4x4x128xf32, #tpu.memory_space<vmem>>
    %dma_start3A_425 = tpu.memref_squeeze %dma_start3A_424 : memref<1x1x4x4x128xf32, #tpu.memory_space<vmem>> -> memref<4x4x128xf32, #tpu.memory_space<vmem>>
    %dma_start3A_426 = arith.constant 0 : i32
    %dma_start3A_427 = arith.constant 0 : i32
    %dma_start3A_428 = tpu.memref_slice %arg2[%dma_start3A_426, %dma_start3A_427, %multiple_of3A_418] : memref<4x4x1000000xf32, #tpu.memory_space<hbm>> -> memref<4x4x128xf32, #tpu.memory_space<hbm>>
    %dma_start3A_429 = arith.constant 0 : i32
    %dma_start3A_430 = arith.constant 0 : i32
    %dma_start3A_431 = arith.constant 0 : i32
    %dma_start3A_432 = tpu.memref_slice %arg6[%dma_start3A_419, %dma_start3A_420, %dma_start3A_429, %dma_start3A_430, %dma_start3A_431] : memref<2x16x4x4x128xf32, #tpu.memory_space<vmem>> -> memref<1x1x4x4x128xf32, #tpu.memory_space<vmem>>
    %dma_start3A_433 = tpu.memref_squeeze %dma_start3A_432 : memref<1x1x4x4x128xf32, #tpu.memory_space<vmem>> -> memref<4x4x128xf32, #tpu.memory_space<vmem>>
    %dma_start3A_434 = arith.constant 0 : i32
    %dma_start3A_435 = arith.constant 0 : i32
    %dma_start3A_436 = tpu.memref_slice %arg2[%dma_start3A_434, %dma_start3A_435, %multiple_of3A_418] : memref<4x4x1000000xf32, #tpu.memory_space<hbm>> -> memref<4x4x128xf32, #tpu.memory_space<hbm>>
    tpu.enqueue_dma source(%dma_start3A_436 : memref<4x4x128xf32, #tpu.memory_space<hbm>>) target(%dma_start3A_433 : memref<4x4x128xf32, #tpu.memory_space<vmem>>) target_semaphore(%arg8 : memref<!tpu.dma_semaphore, #tpu.memory_space<semaphore_mem>>)
    %eq3A_437 = arith.constant 13 : i32
    %eq3A_438 = vector.broadcast %eq3A_437 : i32 to vector<16xi32>
    %eq3A_439 = arith.cmpi eq, %iota3A, %eq3A_438 : vector<16xi32>
    %jit3A_440 = arith.constant 0 : i32
    %broadcast_in_dim3A_441 = vector.broadcast %jit3A_440 : i32 to vector<16xi32>
    %select_n3A_442 = arith.select %eq3A_439, %shift_left3A_14, %broadcast_in_dim3A_441 : vector<16xi1>, vector<16xi32>
    %reduce_max3A_443 = arith.constant true
    %reduce_max3A_444 = vector.broadcast %reduce_max3A_443 : i1 to vector<16xi1>
    %reduce_max3A_445 = arith.constant -2147483648 : i32
    %reduce_max3A_446 = vector.broadcast %reduce_max3A_445 : i32 to vector<16xi32>
    %reduce_max3A_447 = arith.xori %select_n3A_442, %reduce_max3A_446 : vector<16xi32>
    %reduce_max3A_448 = tpu.scan <max>, %reduce_max3A_447 masked %reduce_max3A_444 : vector<16xi32>, vector<16xi1> -> vector<16xi32>
    %reduce_max3A_449 = arith.xori %reduce_max3A_448, %reduce_max3A_446 : vector<16xi32>
    %reduce_max3A_450 = vector.extract %reduce_max3A_449[15] : i32 from vector<16xi32>
    %multiple_of3A_451 = tpu.assume_multiple %reduce_max3A_450, 128 : i32
    %dma_start3A_452 = arith.constant 0 : i32
    %dma_start3A_453 = arith.constant 13 : i32
    %dma_start3A_454 = arith.constant 0 : i32
    %dma_start3A_455 = arith.constant 0 : i32
    %dma_start3A_456 = arith.constant 0 : i32
    %dma_start3A_457 = tpu.memref_slice %arg6[%dma_start3A_452, %dma_start3A_453, %dma_start3A_454, %dma_start3A_455, %dma_start3A_456] : memref<2x16x4x4x128xf32, #tpu.memory_space<vmem>> -> memref<1x1x4x4x128xf32, #tpu.memory_space<vmem>>
    %dma_start3A_458 = tpu.memref_squeeze %dma_start3A_457 : memref<1x1x4x4x128xf32, #tpu.memory_space<vmem>> -> memref<4x4x128xf32, #tpu.memory_space<vmem>>
    %dma_start3A_459 = arith.constant 0 : i32
    %dma_start3A_460 = arith.constant 0 : i32
    %dma_start3A_461 = tpu.memref_slice %arg2[%dma_start3A_459, %dma_start3A_460, %multiple_of3A_451] : memref<4x4x1000000xf32, #tpu.memory_space<hbm>> -> memref<4x4x128xf32, #tpu.memory_space<hbm>>
    %dma_start3A_462 = arith.constant 0 : i32
    %dma_start3A_463 = arith.constant 0 : i32
    %dma_start3A_464 = arith.constant 0 : i32
    %dma_start3A_465 = tpu.memref_slice %arg6[%dma_start3A_452, %dma_start3A_453, %dma_start3A_462, %dma_start3A_463, %dma_start3A_464] : memref<2x16x4x4x128xf32, #tpu.memory_space<vmem>> -> memref<1x1x4x4x128xf32, #tpu.memory_space<vmem>>
    %dma_start3A_466 = tpu.memref_squeeze %dma_start3A_465 : memref<1x1x4x4x128xf32, #tpu.memory_space<vmem>> -> memref<4x4x128xf32, #tpu.memory_space<vmem>>
    %dma_start3A_467 = arith.constant 0 : i32
    %dma_start3A_468 = arith.constant 0 : i32
    %dma_start3A_469 = tpu.memref_slice %arg2[%dma_start3A_467, %dma_start3A_468, %multiple_of3A_451] : memref<4x4x1000000xf32, #tpu.memory_space<hbm>> -> memref<4x4x128xf32, #tpu.memory_space<hbm>>
    tpu.enqueue_dma source(%dma_start3A_469 : memref<4x4x128xf32, #tpu.memory_space<hbm>>) target(%dma_start3A_466 : memref<4x4x128xf32, #tpu.memory_space<vmem>>) target_semaphore(%arg8 : memref<!tpu.dma_semaphore, #tpu.memory_space<semaphore_mem>>)
    %eq3A_470 = arith.constant 14 : i32
    %eq3A_471 = vector.broadcast %eq3A_470 : i32 to vector<16xi32>
    %eq3A_472 = arith.cmpi eq, %iota3A, %eq3A_471 : vector<16xi32>
    %jit3A_473 = arith.constant 0 : i32
    %broadcast_in_dim3A_474 = vector.broadcast %jit3A_473 : i32 to vector<16xi32>
    %select_n3A_475 = arith.select %eq3A_472, %shift_left3A_14, %broadcast_in_dim3A_474 : vector<16xi1>, vector<16xi32>
    %reduce_max3A_476 = arith.constant true
    %reduce_max3A_477 = vector.broadcast %reduce_max3A_476 : i1 to vector<16xi1>
    %reduce_max3A_478 = arith.constant -2147483648 : i32
    %reduce_max3A_479 = vector.broadcast %reduce_max3A_478 : i32 to vector<16xi32>
    %reduce_max3A_480 = arith.xori %select_n3A_475, %reduce_max3A_479 : vector<16xi32>
    %reduce_max3A_481 = tpu.scan <max>, %reduce_max3A_480 masked %reduce_max3A_477 : vector<16xi32>, vector<16xi1> -> vector<16xi32>
    %reduce_max3A_482 = arith.xori %reduce_max3A_481, %reduce_max3A_479 : vector<16xi32>
    %reduce_max3A_483 = vector.extract %reduce_max3A_482[15] : i32 from vector<16xi32>
    %multiple_of3A_484 = tpu.assume_multiple %reduce_max3A_483, 128 : i32
    %dma_start3A_485 = arith.constant 0 : i32
    %dma_start3A_486 = arith.constant 14 : i32
    %dma_start3A_487 = arith.constant 0 : i32
    %dma_start3A_488 = arith.constant 0 : i32
    %dma_start3A_489 = arith.constant 0 : i32
    %dma_start3A_490 = tpu.memref_slice %arg6[%dma_start3A_485, %dma_start3A_486, %dma_start3A_487, %dma_start3A_488, %dma_start3A_489] : memref<2x16x4x4x128xf32, #tpu.memory_space<vmem>> -> memref<1x1x4x4x128xf32, #tpu.memory_space<vmem>>
    %dma_start3A_491 = tpu.memref_squeeze %dma_start3A_490 : memref<1x1x4x4x128xf32, #tpu.memory_space<vmem>> -> memref<4x4x128xf32, #tpu.memory_space<vmem>>
    %dma_start3A_492 = arith.constant 0 : i32
    %dma_start3A_493 = arith.constant 0 : i32
    %dma_start3A_494 = tpu.memref_slice %arg2[%dma_start3A_492, %dma_start3A_493, %multiple_of3A_484] : memref<4x4x1000000xf32, #tpu.memory_space<hbm>> -> memref<4x4x128xf32, #tpu.memory_space<hbm>>
    %dma_start3A_495 = arith.constant 0 : i32
    %dma_start3A_496 = arith.constant 0 : i32
    %dma_start3A_497 = arith.constant 0 : i32
    %dma_start3A_498 = tpu.memref_slice %arg6[%dma_start3A_485, %dma_start3A_486, %dma_start3A_495, %dma_start3A_496, %dma_start3A_497] : memref<2x16x4x4x128xf32, #tpu.memory_space<vmem>> -> memref<1x1x4x4x128xf32, #tpu.memory_space<vmem>>
    %dma_start3A_499 = tpu.memref_squeeze %dma_start3A_498 : memref<1x1x4x4x128xf32, #tpu.memory_space<vmem>> -> memref<4x4x128xf32, #tpu.memory_space<vmem>>
    %dma_start3A_500 = arith.constant 0 : i32
    %dma_start3A_501 = arith.constant 0 : i32
    %dma_start3A_502 = tpu.memref_slice %arg2[%dma_start3A_500, %dma_start3A_501, %multiple_of3A_484] : memref<4x4x1000000xf32, #tpu.memory_space<hbm>> -> memref<4x4x128xf32, #tpu.memory_space<hbm>>
    tpu.enqueue_dma source(%dma_start3A_502 : memref<4x4x128xf32, #tpu.memory_space<hbm>>) target(%dma_start3A_499 : memref<4x4x128xf32, #tpu.memory_space<vmem>>) target_semaphore(%arg8 : memref<!tpu.dma_semaphore, #tpu.memory_space<semaphore_mem>>)
    %eq3A_503 = arith.constant 15 : i32
    %eq3A_504 = vector.broadcast %eq3A_503 : i32 to vector<16xi32>
    %eq3A_505 = arith.cmpi eq, %iota3A, %eq3A_504 : vector<16xi32>
    %jit3A_506 = arith.constant 0 : i32
    %broadcast_in_dim3A_507 = vector.broadcast %jit3A_506 : i32 to vector<16xi32>
    %select_n3A_508 = arith.select %eq3A_505, %shift_left3A_14, %broadcast_in_dim3A_507 : vector<16xi1>, vector<16xi32>
    %reduce_max3A_509 = arith.constant true
    %reduce_max3A_510 = vector.broadcast %reduce_max3A_509 : i1 to vector<16xi1>
    %reduce_max3A_511 = arith.constant -2147483648 : i32
    %reduce_max3A_512 = vector.broadcast %reduce_max3A_511 : i32 to vector<16xi32>
    %reduce_max3A_513 = arith.xori %select_n3A_508, %reduce_max3A_512 : vector<16xi32>
    %reduce_max3A_514 = tpu.scan <max>, %reduce_max3A_513 masked %reduce_max3A_510 : vector<16xi32>, vector<16xi1> -> vector<16xi32>
    %reduce_max3A_515 = arith.xori %reduce_max3A_514, %reduce_max3A_512 : vector<16xi32>
    %reduce_max3A_516 = vector.extract %reduce_max3A_515[15] : i32 from vector<16xi32>
    %multiple_of3A_517 = tpu.assume_multiple %reduce_max3A_516, 128 : i32
    %dma_start3A_518 = arith.constant 0 : i32
    %dma_start3A_519 = arith.constant 15 : i32
    %dma_start3A_520 = arith.constant 0 : i32
    %dma_start3A_521 = arith.constant 0 : i32
    %dma_start3A_522 = arith.constant 0 : i32
    %dma_start3A_523 = tpu.memref_slice %arg6[%dma_start3A_518, %dma_start3A_519, %dma_start3A_520, %dma_start3A_521, %dma_start3A_522] : memref<2x16x4x4x128xf32, #tpu.memory_space<vmem>> -> memref<1x1x4x4x128xf32, #tpu.memory_space<vmem>>
    %dma_start3A_524 = tpu.memref_squeeze %dma_start3A_523 : memref<1x1x4x4x128xf32, #tpu.memory_space<vmem>> -> memref<4x4x128xf32, #tpu.memory_space<vmem>>
    %dma_start3A_525 = arith.constant 0 : i32
    %dma_start3A_526 = arith.constant 0 : i32
    %dma_start3A_527 = tpu.memref_slice %arg2[%dma_start3A_525, %dma_start3A_526, %multiple_of3A_517] : memref<4x4x1000000xf32, #tpu.memory_space<hbm>> -> memref<4x4x128xf32, #tpu.memory_space<hbm>>
    %dma_start3A_528 = arith.constant 0 : i32
    %dma_start3A_529 = arith.constant 0 : i32
    %dma_start3A_530 = arith.constant 0 : i32
    %dma_start3A_531 = tpu.memref_slice %arg6[%dma_start3A_518, %dma_start3A_519, %dma_start3A_528, %dma_start3A_529, %dma_start3A_530] : memref<2x16x4x4x128xf32, #tpu.memory_space<vmem>> -> memref<1x1x4x4x128xf32, #tpu.memory_space<vmem>>
    %dma_start3A_532 = tpu.memref_squeeze %dma_start3A_531 : memref<1x1x4x4x128xf32, #tpu.memory_space<vmem>> -> memref<4x4x128xf32, #tpu.memory_space<vmem>>
    %dma_start3A_533 = arith.constant 0 : i32
    %dma_start3A_534 = arith.constant 0 : i32
    %dma_start3A_535 = tpu.memref_slice %arg2[%dma_start3A_533, %dma_start3A_534, %multiple_of3A_517] : memref<4x4x1000000xf32, #tpu.memory_space<hbm>> -> memref<4x4x128xf32, #tpu.memory_space<hbm>>
    tpu.enqueue_dma source(%dma_start3A_535 : memref<4x4x128xf32, #tpu.memory_space<hbm>>) target(%dma_start3A_532 : memref<4x4x128xf32, #tpu.memory_space<vmem>>) target_semaphore(%arg8 : memref<!tpu.dma_semaphore, #tpu.memory_space<semaphore_mem>>)
    %scan3A = arith.constant 0 : i32
    %scan3A_536 = arith.constant 16 : i32
    %scan3A_537 = arith.addi %scan3A, %scan3A_536 : i32
    %scan3A_538 = arith.constant 1 : i32
    scf.for %scan3A_540 = %scan3A to %scan3A_537 step %scan3A_538  : i32 {
      %mul3A_541 = arith.constant 2 : i32
      %mul3A_542 = arith.muli %scan3A_540, %mul3A_541 : i32
      %add3A_543 = arith.constant 1 : i32
      %add3A_544 = arith.addi %mul3A_542, %add3A_543 : i32
      %mul3A_545 = arith.constant 16 : i32
      %mul3A_546 = arith.muli %add3A_544, %mul3A_545 : i32
      %get3A_547 = arith.index_cast %mul3A_546 : i32 to index
      %get3A_548 = tpu.vector_load %arg5[%get3A_547] {strides = array<i32>} : memref<512xi32, #tpu.memory_space<vmem>>, vector<16xi32>,
      %shift_right_logical3A_549 = arith.constant 7 : i32
      %shift_right_logical3A_550 = vector.broadcast %shift_right_logical3A_549 : i32 to vector<16xi32>
      %shift_right_logical3A_551 = arith.shrui %get3A_548, %shift_right_logical3A_550 : vector<16xi32>
      %shift_left3A_552 = arith.constant 7 : i32
      %shift_left3A_553 = vector.broadcast %shift_left3A_552 : i32 to vector<16xi32>
      %shift_left3A_554 = arith.shli %shift_right_logical3A_551, %shift_left3A_553 : vector<16xi32>
      %eq3A_555 = arith.constant 0 : i32
      %eq3A_556 = vector.broadcast %eq3A_555 : i32 to vector<16xi32>
      %eq3A_557 = arith.cmpi eq, %iota3A, %eq3A_556 : vector<16xi32>
      %jit3A_558 = arith.constant 0 : i32
      %broadcast_in_dim3A_559 = vector.broadcast %jit3A_558 : i32 to vector<16xi32>
      %select_n3A_560 = arith.select %eq3A_557, %shift_left3A_554, %broadcast_in_dim3A_559 : vector<16xi1>, vector<16xi32>
      %reduce_max3A_561 = arith.constant true
      %reduce_max3A_562 = vector.broadcast %reduce_max3A_561 : i1 to vector<16xi1>
      %reduce_max3A_563 = arith.constant -2147483648 : i32
      %reduce_max3A_564 = vector.broadcast %reduce_max3A_563 : i32 to vector<16xi32>
      %reduce_max3A_565 = arith.xori %select_n3A_560, %reduce_max3A_564 : vector<16xi32>
      %reduce_max3A_566 = tpu.scan <max>, %reduce_max3A_565 masked %reduce_max3A_562 : vector<16xi32>, vector<16xi1> -> vector<16xi32>
      %reduce_max3A_567 = arith.xori %reduce_max3A_566, %reduce_max3A_564 : vector<16xi32>
      %reduce_max3A_568 = vector.extract %reduce_max3A_567[15] : i32 from vector<16xi32>
      %multiple_of3A_569 = tpu.assume_multiple %reduce_max3A_568, 128 : i32
      %dma_start3A_570 = arith.constant 1 : i32
      %dma_start3A_571 = arith.constant 0 : i32
      %dma_start3A_572 = arith.constant 0 : i32
      %dma_start3A_573 = arith.constant 0 : i32
      %dma_start3A_574 = arith.constant 0 : i32
      %dma_start3A_575 = tpu.memref_slice %arg6[%dma_start3A_570, %dma_start3A_571, %dma_start3A_572, %dma_start3A_573, %dma_start3A_574] : memref<2x16x4x4x128xf32, #tpu.memory_space<vmem>> -> memref<1x1x4x4x128xf32, #tpu.memory_space<vmem>>
      %dma_start3A_576 = tpu.memref_squeeze %dma_start3A_575 : memref<1x1x4x4x128xf32, #tpu.memory_space<vmem>> -> memref<4x4x128xf32, #tpu.memory_space<vmem>>
      %dma_start3A_577 = arith.constant 0 : i32
      %dma_start3A_578 = arith.constant 0 : i32
      %dma_start3A_579 = tpu.memref_slice %arg2[%dma_start3A_577, %dma_start3A_578, %multiple_of3A_569] : memref<4x4x1000000xf32, #tpu.memory_space<hbm>> -> memref<4x4x128xf32, #tpu.memory_space<hbm>>
      %dma_start3A_580 = arith.constant 0 : i32
      %dma_start3A_581 = arith.constant 0 : i32
      %dma_start3A_582 = arith.constant 0 : i32
      %dma_start3A_583 = tpu.memref_slice %arg6[%dma_start3A_570, %dma_start3A_571, %dma_start3A_580, %dma_start3A_581, %dma_start3A_582] : memref<2x16x4x4x128xf32, #tpu.memory_space<vmem>> -> memref<1x1x4x4x128xf32, #tpu.memory_space<vmem>>
      %dma_start3A_584 = tpu.memref_squeeze %dma_start3A_583 : memref<1x1x4x4x128xf32, #tpu.memory_space<vmem>> -> memref<4x4x128xf32, #tpu.memory_space<vmem>>
      %dma_start3A_585 = arith.constant 0 : i32
      %dma_start3A_586 = arith.constant 0 : i32
      %dma_start3A_587 = tpu.memref_slice %arg2[%dma_start3A_585, %dma_start3A_586, %multiple_of3A_569] : memref<4x4x1000000xf32, #tpu.memory_space<hbm>> -> memref<4x4x128xf32, #tpu.memory_space<hbm>>
      tpu.enqueue_dma source(%dma_start3A_587 : memref<4x4x128xf32, #tpu.memory_space<hbm>>) target(%dma_start3A_584 : memref<4x4x128xf32, #tpu.memory_space<vmem>>) target_semaphore(%arg9 : memref<!tpu.dma_semaphore, #tpu.memory_space<semaphore_mem>>)
      %eq3A_588 = arith.constant 1 : i32
      %eq3A_589 = vector.broadcast %eq3A_588 : i32 to vector<16xi32>
      %eq3A_590 = arith.cmpi eq, %iota3A, %eq3A_589 : vector<16xi32>
      %jit3A_591 = arith.constant 0 : i32
      %broadcast_in_dim3A_592 = vector.broadcast %jit3A_591 : i32 to vector<16xi32>
      %select_n3A_593 = arith.select %eq3A_590, %shift_left3A_554, %broadcast_in_dim3A_592 : vector<16xi1>, vector<16xi32>
      %reduce_max3A_594 = arith.constant true
      %reduce_max3A_595 = vector.broadcast %reduce_max3A_594 : i1 to vector<16xi1>
      %reduce_max3A_596 = arith.constant -2147483648 : i32
      %reduce_max3A_597 = vector.broadcast %reduce_max3A_596 : i32 to vector<16xi32>
      %reduce_max3A_598 = arith.xori %select_n3A_593, %reduce_max3A_597 : vector<16xi32>
      %reduce_max3A_599 = tpu.scan <max>, %reduce_max3A_598 masked %reduce_max3A_595 : vector<16xi32>, vector<16xi1> -> vector<16xi32>
      %reduce_max3A_600 = arith.xori %reduce_max3A_599, %reduce_max3A_597 : vector<16xi32>
      %reduce_max3A_601 = vector.extract %reduce_max3A_600[15] : i32 from vector<16xi32>
      %multiple_of3A_602 = tpu.assume_multiple %reduce_max3A_601, 128 : i32
      %dma_start3A_603 = arith.constant 1 : i32
      %dma_start3A_604 = arith.constant 1 : i32
      %dma_start3A_605 = arith.constant 0 : i32
      %dma_start3A_606 = arith.constant 0 : i32
      %dma_start3A_607 = arith.constant 0 : i32
      %dma_start3A_608 = tpu.memref_slice %arg6[%dma_start3A_603, %dma_start3A_604, %dma_start3A_605, %dma_start3A_606, %dma_start3A_607] : memref<2x16x4x4x128xf32, #tpu.memory_space<vmem>> -> memref<1x1x4x4x128xf32, #tpu.memory_space<vmem>>
      %dma_start3A_609 = tpu.memref_squeeze %dma_start3A_608 : memref<1x1x4x4x128xf32, #tpu.memory_space<vmem>> -> memref<4x4x128xf32, #tpu.memory_space<vmem>>
      %dma_start3A_610 = arith.constant 0 : i32
      %dma_start3A_611 = arith.constant 0 : i32
      %dma_start3A_612 = tpu.memref_slice %arg2[%dma_start3A_610, %dma_start3A_611, %multiple_of3A_602] : memref<4x4x1000000xf32, #tpu.memory_space<hbm>> -> memref<4x4x128xf32, #tpu.memory_space<hbm>>
      %dma_start3A_613 = arith.constant 0 : i32
      %dma_start3A_614 = arith.constant 0 : i32
      %dma_start3A_615 = arith.constant 0 : i32
      %dma_start3A_616 = tpu.memref_slice %arg6[%dma_start3A_603, %dma_start3A_604, %dma_start3A_613, %dma_start3A_614, %dma_start3A_615] : memref<2x16x4x4x128xf32, #tpu.memory_space<vmem>> -> memref<1x1x4x4x128xf32, #tpu.memory_space<vmem>>
      %dma_start3A_617 = tpu.memref_squeeze %dma_start3A_616 : memref<1x1x4x4x128xf32, #tpu.memory_space<vmem>> -> memref<4x4x128xf32, #tpu.memory_space<vmem>>
      %dma_start3A_618 = arith.constant 0 : i32
      %dma_start3A_619 = arith.constant 0 : i32
      %dma_start3A_620 = tpu.memref_slice %arg2[%dma_start3A_618, %dma_start3A_619, %multiple_of3A_602] : memref<4x4x1000000xf32, #tpu.memory_space<hbm>> -> memref<4x4x128xf32, #tpu.memory_space<hbm>>
      tpu.enqueue_dma source(%dma_start3A_620 : memref<4x4x128xf32, #tpu.memory_space<hbm>>) target(%dma_start3A_617 : memref<4x4x128xf32, #tpu.memory_space<vmem>>) target_semaphore(%arg9 : memref<!tpu.dma_semaphore, #tpu.memory_space<semaphore_mem>>)
      %eq3A_621 = arith.constant 2 : i32
      %eq3A_622 = vector.broadcast %eq3A_621 : i32 to vector<16xi32>
      %eq3A_623 = arith.cmpi eq, %iota3A, %eq3A_622 : vector<16xi32>
      %jit3A_624 = arith.constant 0 : i32
      %broadcast_in_dim3A_625 = vector.broadcast %jit3A_624 : i32 to vector<16xi32>
      %select_n3A_626 = arith.select %eq3A_623, %shift_left3A_554, %broadcast_in_dim3A_625 : vector<16xi1>, vector<16xi32>
      %reduce_max3A_627 = arith.constant true
      %reduce_max3A_628 = vector.broadcast %reduce_max3A_627 : i1 to vector<16xi1>
      %reduce_max3A_629 = arith.constant -2147483648 : i32
      %reduce_max3A_630 = vector.broadcast %reduce_max3A_629 : i32 to vector<16xi32>
      %reduce_max3A_631 = arith.xori %select_n3A_626, %reduce_max3A_630 : vector<16xi32>
      %reduce_max3A_632 = tpu.scan <max>, %reduce_max3A_631 masked %reduce_max3A_628 : vector<16xi32>, vector<16xi1> -> vector<16xi32>
      %reduce_max3A_633 = arith.xori %reduce_max3A_632, %reduce_max3A_630 : vector<16xi32>
      %reduce_max3A_634 = vector.extract %reduce_max3A_633[15] : i32 from vector<16xi32>
      %multiple_of3A_635 = tpu.assume_multiple %reduce_max3A_634, 128 : i32
      %dma_start3A_636 = arith.constant 1 : i32
      %dma_start3A_637 = arith.constant 2 : i32
      %dma_start3A_638 = arith.constant 0 : i32
      %dma_start3A_639 = arith.constant 0 : i32
      %dma_start3A_640 = arith.constant 0 : i32
      %dma_start3A_641 = tpu.memref_slice %arg6[%dma_start3A_636, %dma_start3A_637, %dma_start3A_638, %dma_start3A_639, %dma_start3A_640] : memref<2x16x4x4x128xf32, #tpu.memory_space<vmem>> -> memref<1x1x4x4x128xf32, #tpu.memory_space<vmem>>
      %dma_start3A_642 = tpu.memref_squeeze %dma_start3A_641 : memref<1x1x4x4x128xf32, #tpu.memory_space<vmem>> -> memref<4x4x128xf32, #tpu.memory_space<vmem>>
      %dma_start3A_643 = arith.constant 0 : i32
      %dma_start3A_644 = arith.constant 0 : i32
      %dma_start3A_645 = tpu.memref_slice %arg2[%dma_start3A_643, %dma_start3A_644, %multiple_of3A_635] : memref<4x4x1000000xf32, #tpu.memory_space<hbm>> -> memref<4x4x128xf32, #tpu.memory_space<hbm>>
      %dma_start3A_646 = arith.constant 0 : i32
      %dma_start3A_647 = arith.constant 0 : i32
      %dma_start3A_648 = arith.constant 0 : i32
      %dma_start3A_649 = tpu.memref_slice %arg6[%dma_start3A_636, %dma_start3A_637, %dma_start3A_646, %dma_start3A_647, %dma_start3A_648] : memref<2x16x4x4x128xf32, #tpu.memory_space<vmem>> -> memref<1x1x4x4x128xf32, #tpu.memory_space<vmem>>
      %dma_start3A_650 = tpu.memref_squeeze %dma_start3A_649 : memref<1x1x4x4x128xf32, #tpu.memory_space<vmem>> -> memref<4x4x128xf32, #tpu.memory_space<vmem>>
      %dma_start3A_651 = arith.constant 0 : i32
      %dma_start3A_652 = arith.constant 0 : i32
      %dma_start3A_653 = tpu.memref_slice %arg2[%dma_start3A_651, %dma_start3A_652, %multiple_of3A_635] : memref<4x4x1000000xf32, #tpu.memory_space<hbm>> -> memref<4x4x128xf32, #tpu.memory_space<hbm>>
      tpu.enqueue_dma source(%dma_start3A_653 : memref<4x4x128xf32, #tpu.memory_space<hbm>>) target(%dma_start3A_650 : memref<4x4x128xf32, #tpu.memory_space<vmem>>) target_semaphore(%arg9 : memref<!tpu.dma_semaphore, #tpu.memory_space<semaphore_mem>>)
      %eq3A_654 = arith.constant 3 : i32
      %eq3A_655 = vector.broadcast %eq3A_654 : i32 to vector<16xi32>
      %eq3A_656 = arith.cmpi eq, %iota3A, %eq3A_655 : vector<16xi32>
      %jit3A_657 = arith.constant 0 : i32
      %broadcast_in_dim3A_658 = vector.broadcast %jit3A_657 : i32 to vector<16xi32>
      %select_n3A_659 = arith.select %eq3A_656, %shift_left3A_554, %broadcast_in_dim3A_658 : vector<16xi1>, vector<16xi32>
      %reduce_max3A_660 = arith.constant true
      %reduce_max3A_661 = vector.broadcast %reduce_max3A_660 : i1 to vector<16xi1>
      %reduce_max3A_662 = arith.constant -2147483648 : i32
      %reduce_max3A_663 = vector.broadcast %reduce_max3A_662 : i32 to vector<16xi32>
      %reduce_max3A_664 = arith.xori %select_n3A_659, %reduce_max3A_663 : vector<16xi32>
      %reduce_max3A_665 = tpu.scan <max>, %reduce_max3A_664 masked %reduce_max3A_661 : vector<16xi32>, vector<16xi1> -> vector<16xi32>
      %reduce_max3A_666 = arith.xori %reduce_max3A_665, %reduce_max3A_663 : vector<16xi32>
      %reduce_max3A_667 = vector.extract %reduce_max3A_666[15] : i32 from vector<16xi32>
      %multiple_of3A_668 = tpu.assume_multiple %reduce_max3A_667, 128 : i32
      %dma_start3A_669 = arith.constant 1 : i32
      %dma_start3A_670 = arith.constant 3 : i32
      %dma_start3A_671 = arith.constant 0 : i32
      %dma_start3A_672 = arith.constant 0 : i32
      %dma_start3A_673 = arith.constant 0 : i32
      %dma_start3A_674 = tpu.memref_slice %arg6[%dma_start3A_669, %dma_start3A_670, %dma_start3A_671, %dma_start3A_672, %dma_start3A_673] : memref<2x16x4x4x128xf32, #tpu.memory_space<vmem>> -> memref<1x1x4x4x128xf32, #tpu.memory_space<vmem>>
      %dma_start3A_675 = tpu.memref_squeeze %dma_start3A_674 : memref<1x1x4x4x128xf32, #tpu.memory_space<vmem>> -> memref<4x4x128xf32, #tpu.memory_space<vmem>>
      %dma_start3A_676 = arith.constant 0 : i32
      %dma_start3A_677 = arith.constant 0 : i32
      %dma_start3A_678 = tpu.memref_slice %arg2[%dma_start3A_676, %dma_start3A_677, %multiple_of3A_668] : memref<4x4x1000000xf32, #tpu.memory_space<hbm>> -> memref<4x4x128xf32, #tpu.memory_space<hbm>>
      %dma_start3A_679 = arith.constant 0 : i32
      %dma_start3A_680 = arith.constant 0 : i32
      %dma_start3A_681 = arith.constant 0 : i32
      %dma_start3A_682 = tpu.memref_slice %arg6[%dma_start3A_669, %dma_start3A_670, %dma_start3A_679, %dma_start3A_680, %dma_start3A_681] : memref<2x16x4x4x128xf32, #tpu.memory_space<vmem>> -> memref<1x1x4x4x128xf32, #tpu.memory_space<vmem>>
      %dma_start3A_683 = tpu.memref_squeeze %dma_start3A_682 : memref<1x1x4x4x128xf32, #tpu.memory_space<vmem>> -> memref<4x4x128xf32, #tpu.memory_space<vmem>>
      %dma_start3A_684 = arith.constant 0 : i32
      %dma_start3A_685 = arith.constant 0 : i32
      %dma_start3A_686 = tpu.memref_slice %arg2[%dma_start3A_684, %dma_start3A_685, %multiple_of3A_668] : memref<4x4x1000000xf32, #tpu.memory_space<hbm>> -> memref<4x4x128xf32, #tpu.memory_space<hbm>>
      tpu.enqueue_dma source(%dma_start3A_686 : memref<4x4x128xf32, #tpu.memory_space<hbm>>) target(%dma_start3A_683 : memref<4x4x128xf32, #tpu.memory_space<vmem>>) target_semaphore(%arg9 : memref<!tpu.dma_semaphore, #tpu.memory_space<semaphore_mem>>)
      %eq3A_687 = arith.constant 4 : i32
      %eq3A_688 = vector.broadcast %eq3A_687 : i32 to vector<16xi32>
      %eq3A_689 = arith.cmpi eq, %iota3A, %eq3A_688 : vector<16xi32>
      %jit3A_690 = arith.constant 0 : i32
      %broadcast_in_dim3A_691 = vector.broadcast %jit3A_690 : i32 to vector<16xi32>
      %select_n3A_692 = arith.select %eq3A_689, %shift_left3A_554, %broadcast_in_dim3A_691 : vector<16xi1>, vector<16xi32>
      %reduce_max3A_693 = arith.constant true
      %reduce_max3A_694 = vector.broadcast %reduce_max3A_693 : i1 to vector<16xi1>
      %reduce_max3A_695 = arith.constant -2147483648 : i32
      %reduce_max3A_696 = vector.broadcast %reduce_max3A_695 : i32 to vector<16xi32>
      %reduce_max3A_697 = arith.xori %select_n3A_692, %reduce_max3A_696 : vector<16xi32>
      %reduce_max3A_698 = tpu.scan <max>, %reduce_max3A_697 masked %reduce_max3A_694 : vector<16xi32>, vector<16xi1> -> vector<16xi32>
      %reduce_max3A_699 = arith.xori %reduce_max3A_698, %reduce_max3A_696 : vector<16xi32>
      %reduce_max3A_700 = vector.extract %reduce_max3A_699[15] : i32 from vector<16xi32>
      %multiple_of3A_701 = tpu.assume_multiple %reduce_max3A_700, 128 : i32
      %dma_start3A_702 = arith.constant 1 : i32
      %dma_start3A_703 = arith.constant 4 : i32
      %dma_start3A_704 = arith.constant 0 : i32
      %dma_start3A_705 = arith.constant 0 : i32
      %dma_start3A_706 = arith.constant 0 : i32
      %dma_start3A_707 = tpu.memref_slice %arg6[%dma_start3A_702, %dma_start3A_703, %dma_start3A_704, %dma_start3A_705, %dma_start3A_706] : memref<2x16x4x4x128xf32, #tpu.memory_space<vmem>> -> memref<1x1x4x4x128xf32, #tpu.memory_space<vmem>>
      %dma_start3A_708 = tpu.memref_squeeze %dma_start3A_707 : memref<1x1x4x4x128xf32, #tpu.memory_space<vmem>> -> memref<4x4x128xf32, #tpu.memory_space<vmem>>
      %dma_start3A_709 = arith.constant 0 : i32
      %dma_start3A_710 = arith.constant 0 : i32
      %dma_start3A_711 = tpu.memref_slice %arg2[%dma_start3A_709, %dma_start3A_710, %multiple_of3A_701] : memref<4x4x1000000xf32, #tpu.memory_space<hbm>> -> memref<4x4x128xf32, #tpu.memory_space<hbm>>
      %dma_start3A_712 = arith.constant 0 : i32
      %dma_start3A_713 = arith.constant 0 : i32
      %dma_start3A_714 = arith.constant 0 : i32
      %dma_start3A_715 = tpu.memref_slice %arg6[%dma_start3A_702, %dma_start3A_703, %dma_start3A_712, %dma_start3A_713, %dma_start3A_714] : memref<2x16x4x4x128xf32, #tpu.memory_space<vmem>> -> memref<1x1x4x4x128xf32, #tpu.memory_space<vmem>>
      %dma_start3A_716 = tpu.memref_squeeze %dma_start3A_715 : memref<1x1x4x4x128xf32, #tpu.memory_space<vmem>> -> memref<4x4x128xf32, #tpu.memory_space<vmem>>
      %dma_start3A_717 = arith.constant 0 : i32
      %dma_start3A_718 = arith.constant 0 : i32
      %dma_start3A_719 = tpu.memref_slice %arg2[%dma_start3A_717, %dma_start3A_718, %multiple_of3A_701] : memref<4x4x1000000xf32, #tpu.memory_space<hbm>> -> memref<4x4x128xf32, #tpu.memory_space<hbm>>
      tpu.enqueue_dma source(%dma_start3A_719 : memref<4x4x128xf32, #tpu.memory_space<hbm>>) target(%dma_start3A_716 : memref<4x4x128xf32, #tpu.memory_space<vmem>>) target_semaphore(%arg9 : memref<!tpu.dma_semaphore, #tpu.memory_space<semaphore_mem>>)
      %eq3A_720 = arith.constant 5 : i32
      %eq3A_721 = vector.broadcast %eq3A_720 : i32 to vector<16xi32>
      %eq3A_722 = arith.cmpi eq, %iota3A, %eq3A_721 : vector<16xi32>
      %jit3A_723 = arith.constant 0 : i32
      %broadcast_in_dim3A_724 = vector.broadcast %jit3A_723 : i32 to vector<16xi32>
      %select_n3A_725 = arith.select %eq3A_722, %shift_left3A_554, %broadcast_in_dim3A_724 : vector<16xi1>, vector<16xi32>
      %reduce_max3A_726 = arith.constant true
      %reduce_max3A_727 = vector.broadcast %reduce_max3A_726 : i1 to vector<16xi1>
      %reduce_max3A_728 = arith.constant -2147483648 : i32
      %reduce_max3A_729 = vector.broadcast %reduce_max3A_728 : i32 to vector<16xi32>
      %reduce_max3A_730 = arith.xori %select_n3A_725, %reduce_max3A_729 : vector<16xi32>
      %reduce_max3A_731 = tpu.scan <max>, %reduce_max3A_730 masked %reduce_max3A_727 : vector<16xi32>, vector<16xi1> -> vector<16xi32>
      %reduce_max3A_732 = arith.xori %reduce_max3A_731, %reduce_max3A_729 : vector<16xi32>
      %reduce_max3A_733 = vector.extract %reduce_max3A_732[15] : i32 from vector<16xi32>
      %multiple_of3A_734 = tpu.assume_multiple %reduce_max3A_733, 128 : i32
      %dma_start3A_735 = arith.constant 1 : i32
      %dma_start3A_736 = arith.constant 5 : i32
      %dma_start3A_737 = arith.constant 0 : i32
      %dma_start3A_738 = arith.constant 0 : i32
      %dma_start3A_739 = arith.constant 0 : i32
      %dma_start3A_740 = tpu.memref_slice %arg6[%dma_start3A_735, %dma_start3A_736, %dma_start3A_737, %dma_start3A_738, %dma_start3A_739] : memref<2x16x4x4x128xf32, #tpu.memory_space<vmem>> -> memref<1x1x4x4x128xf32, #tpu.memory_space<vmem>>
      %dma_start3A_741 = tpu.memref_squeeze %dma_start3A_740 : memref<1x1x4x4x128xf32, #tpu.memory_space<vmem>> -> memref<4x4x128xf32, #tpu.memory_space<vmem>>
      %dma_start3A_742 = arith.constant 0 : i32
      %dma_start3A_743 = arith.constant 0 : i32
      %dma_start3A_744 = tpu.memref_slice %arg2[%dma_start3A_742, %dma_start3A_743, %multiple_of3A_734] : memref<4x4x1000000xf32, #tpu.memory_space<hbm>> -> memref<4x4x128xf32, #tpu.memory_space<hbm>>
      %dma_start3A_745 = arith.constant 0 : i32
      %dma_start3A_746 = arith.constant 0 : i32
      %dma_start3A_747 = arith.constant 0 : i32
      %dma_start3A_748 = tpu.memref_slice %arg6[%dma_start3A_735, %dma_start3A_736, %dma_start3A_745, %dma_start3A_746, %dma_start3A_747] : memref<2x16x4x4x128xf32, #tpu.memory_space<vmem>> -> memref<1x1x4x4x128xf32, #tpu.memory_space<vmem>>
      %dma_start3A_749 = tpu.memref_squeeze %dma_start3A_748 : memref<1x1x4x4x128xf32, #tpu.memory_space<vmem>> -> memref<4x4x128xf32, #tpu.memory_space<vmem>>
      %dma_start3A_750 = arith.constant 0 : i32
      %dma_start3A_751 = arith.constant 0 : i32
      %dma_start3A_752 = tpu.memref_slice %arg2[%dma_start3A_750, %dma_start3A_751, %multiple_of3A_734] : memref<4x4x1000000xf32, #tpu.memory_space<hbm>> -> memref<4x4x128xf32, #tpu.memory_space<hbm>>
      tpu.enqueue_dma source(%dma_start3A_752 : memref<4x4x128xf32, #tpu.memory_space<hbm>>) target(%dma_start3A_749 : memref<4x4x128xf32, #tpu.memory_space<vmem>>) target_semaphore(%arg9 : memref<!tpu.dma_semaphore, #tpu.memory_space<semaphore_mem>>)
      %eq3A_753 = arith.constant 6 : i32
      %eq3A_754 = vector.broadcast %eq3A_753 : i32 to vector<16xi32>
      %eq3A_755 = arith.cmpi eq, %iota3A, %eq3A_754 : vector<16xi32>
      %jit3A_756 = arith.constant 0 : i32
      %broadcast_in_dim3A_757 = vector.broadcast %jit3A_756 : i32 to vector<16xi32>
      %select_n3A_758 = arith.select %eq3A_755, %shift_left3A_554, %broadcast_in_dim3A_757 : vector<16xi1>, vector<16xi32>
      %reduce_max3A_759 = arith.constant true
      %reduce_max3A_760 = vector.broadcast %reduce_max3A_759 : i1 to vector<16xi1>
      %reduce_max3A_761 = arith.constant -2147483648 : i32
      %reduce_max3A_762 = vector.broadcast %reduce_max3A_761 : i32 to vector<16xi32>
      %reduce_max3A_763 = arith.xori %select_n3A_758, %reduce_max3A_762 : vector<16xi32>
      %reduce_max3A_764 = tpu.scan <max>, %reduce_max3A_763 masked %reduce_max3A_760 : vector<16xi32>, vector<16xi1> -> vector<16xi32>
      %reduce_max3A_765 = arith.xori %reduce_max3A_764, %reduce_max3A_762 : vector<16xi32>
      %reduce_max3A_766 = vector.extract %reduce_max3A_765[15] : i32 from vector<16xi32>
      %multiple_of3A_767 = tpu.assume_multiple %reduce_max3A_766, 128 : i32
      %dma_start3A_768 = arith.constant 1 : i32
      %dma_start3A_769 = arith.constant 6 : i32
      %dma_start3A_770 = arith.constant 0 : i32
      %dma_start3A_771 = arith.constant 0 : i32
      %dma_start3A_772 = arith.constant 0 : i32
      %dma_start3A_773 = tpu.memref_slice %arg6[%dma_start3A_768, %dma_start3A_769, %dma_start3A_770, %dma_start3A_771, %dma_start3A_772] : memref<2x16x4x4x128xf32, #tpu.memory_space<vmem>> -> memref<1x1x4x4x128xf32, #tpu.memory_space<vmem>>
      %dma_start3A_774 = tpu.memref_squeeze %dma_start3A_773 : memref<1x1x4x4x128xf32, #tpu.memory_space<vmem>> -> memref<4x4x128xf32, #tpu.memory_space<vmem>>
      %dma_start3A_775 = arith.constant 0 : i32
      %dma_start3A_776 = arith.constant 0 : i32
      %dma_start3A_777 = tpu.memref_slice %arg2[%dma_start3A_775, %dma_start3A_776, %multiple_of3A_767] : memref<4x4x1000000xf32, #tpu.memory_space<hbm>> -> memref<4x4x128xf32, #tpu.memory_space<hbm>>
      %dma_start3A_778 = arith.constant 0 : i32
      %dma_start3A_779 = arith.constant 0 : i32
      %dma_start3A_780 = arith.constant 0 : i32
      %dma_start3A_781 = tpu.memref_slice %arg6[%dma_start3A_768, %dma_start3A_769, %dma_start3A_778, %dma_start3A_779, %dma_start3A_780] : memref<2x16x4x4x128xf32, #tpu.memory_space<vmem>> -> memref<1x1x4x4x128xf32, #tpu.memory_space<vmem>>
      %dma_start3A_782 = tpu.memref_squeeze %dma_start3A_781 : memref<1x1x4x4x128xf32, #tpu.memory_space<vmem>> -> memref<4x4x128xf32, #tpu.memory_space<vmem>>
      %dma_start3A_783 = arith.constant 0 : i32
      %dma_start3A_784 = arith.constant 0 : i32
      %dma_start3A_785 = tpu.memref_slice %arg2[%dma_start3A_783, %dma_start3A_784, %multiple_of3A_767] : memref<4x4x1000000xf32, #tpu.memory_space<hbm>> -> memref<4x4x128xf32, #tpu.memory_space<hbm>>
      tpu.enqueue_dma source(%dma_start3A_785 : memref<4x4x128xf32, #tpu.memory_space<hbm>>) target(%dma_start3A_782 : memref<4x4x128xf32, #tpu.memory_space<vmem>>) target_semaphore(%arg9 : memref<!tpu.dma_semaphore, #tpu.memory_space<semaphore_mem>>)
      %eq3A_786 = arith.constant 7 : i32
      %eq3A_787 = vector.broadcast %eq3A_786 : i32 to vector<16xi32>
      %eq3A_788 = arith.cmpi eq, %iota3A, %eq3A_787 : vector<16xi32>
      %jit3A_789 = arith.constant 0 : i32
      %broadcast_in_dim3A_790 = vector.broadcast %jit3A_789 : i32 to vector<16xi32>
      %select_n3A_791 = arith.select %eq3A_788, %shift_left3A_554, %broadcast_in_dim3A_790 : vector<16xi1>, vector<16xi32>
      %reduce_max3A_792 = arith.constant true
      %reduce_max3A_793 = vector.broadcast %reduce_max3A_792 : i1 to vector<16xi1>
      %reduce_max3A_794 = arith.constant -2147483648 : i32
      %reduce_max3A_795 = vector.broadcast %reduce_max3A_794 : i32 to vector<16xi32>
      %reduce_max3A_796 = arith.xori %select_n3A_791, %reduce_max3A_795 : vector<16xi32>
      %reduce_max3A_797 = tpu.scan <max>, %reduce_max3A_796 masked %reduce_max3A_793 : vector<16xi32>, vector<16xi1> -> vector<16xi32>
      %reduce_max3A_798 = arith.xori %reduce_max3A_797, %reduce_max3A_795 : vector<16xi32>
      %reduce_max3A_799 = vector.extract %reduce_max3A_798[15] : i32 from vector<16xi32>
      %multiple_of3A_800 = tpu.assume_multiple %reduce_max3A_799, 128 : i32
      %dma_start3A_801 = arith.constant 1 : i32
      %dma_start3A_802 = arith.constant 7 : i32
      %dma_start3A_803 = arith.constant 0 : i32
      %dma_start3A_804 = arith.constant 0 : i32
      %dma_start3A_805 = arith.constant 0 : i32
      %dma_start3A_806 = tpu.memref_slice %arg6[%dma_start3A_801, %dma_start3A_802, %dma_start3A_803, %dma_start3A_804, %dma_start3A_805] : memref<2x16x4x4x128xf32, #tpu.memory_space<vmem>> -> memref<1x1x4x4x128xf32, #tpu.memory_space<vmem>>
      %dma_start3A_807 = tpu.memref_squeeze %dma_start3A_806 : memref<1x1x4x4x128xf32, #tpu.memory_space<vmem>> -> memref<4x4x128xf32, #tpu.memory_space<vmem>>
      %dma_start3A_808 = arith.constant 0 : i32
      %dma_start3A_809 = arith.constant 0 : i32
      %dma_start3A_810 = tpu.memref_slice %arg2[%dma_start3A_808, %dma_start3A_809, %multiple_of3A_800] : memref<4x4x1000000xf32, #tpu.memory_space<hbm>> -> memref<4x4x128xf32, #tpu.memory_space<hbm>>
      %dma_start3A_811 = arith.constant 0 : i32
      %dma_start3A_812 = arith.constant 0 : i32
      %dma_start3A_813 = arith.constant 0 : i32
      %dma_start3A_814 = tpu.memref_slice %arg6[%dma_start3A_801, %dma_start3A_802, %dma_start3A_811, %dma_start3A_812, %dma_start3A_813] : memref<2x16x4x4x128xf32, #tpu.memory_space<vmem>> -> memref<1x1x4x4x128xf32, #tpu.memory_space<vmem>>
      %dma_start3A_815 = tpu.memref_squeeze %dma_start3A_814 : memref<1x1x4x4x128xf32, #tpu.memory_space<vmem>> -> memref<4x4x128xf32, #tpu.memory_space<vmem>>
      %dma_start3A_816 = arith.constant 0 : i32
      %dma_start3A_817 = arith.constant 0 : i32
      %dma_start3A_818 = tpu.memref_slice %arg2[%dma_start3A_816, %dma_start3A_817, %multiple_of3A_800] : memref<4x4x1000000xf32, #tpu.memory_space<hbm>> -> memref<4x4x128xf32, #tpu.memory_space<hbm>>
      tpu.enqueue_dma source(%dma_start3A_818 : memref<4x4x128xf32, #tpu.memory_space<hbm>>) target(%dma_start3A_815 : memref<4x4x128xf32, #tpu.memory_space<vmem>>) target_semaphore(%arg9 : memref<!tpu.dma_semaphore, #tpu.memory_space<semaphore_mem>>)
      %eq3A_819 = arith.constant 8 : i32
      %eq3A_820 = vector.broadcast %eq3A_819 : i32 to vector<16xi32>
      %eq3A_821 = arith.cmpi eq, %iota3A, %eq3A_820 : vector<16xi32>
      %jit3A_822 = arith.constant 0 : i32
      %broadcast_in_dim3A_823 = vector.broadcast %jit3A_822 : i32 to vector<16xi32>
      %select_n3A_824 = arith.select %eq3A_821, %shift_left3A_554, %broadcast_in_dim3A_823 : vector<16xi1>, vector<16xi32>
      %reduce_max3A_825 = arith.constant true
      %reduce_max3A_826 = vector.broadcast %reduce_max3A_825 : i1 to vector<16xi1>
      %reduce_max3A_827 = arith.constant -2147483648 : i32
      %reduce_max3A_828 = vector.broadcast %reduce_max3A_827 : i32 to vector<16xi32>
      %reduce_max3A_829 = arith.xori %select_n3A_824, %reduce_max3A_828 : vector<16xi32>
      %reduce_max3A_830 = tpu.scan <max>, %reduce_max3A_829 masked %reduce_max3A_826 : vector<16xi32>, vector<16xi1> -> vector<16xi32>
      %reduce_max3A_831 = arith.xori %reduce_max3A_830, %reduce_max3A_828 : vector<16xi32>
      %reduce_max3A_832 = vector.extract %reduce_max3A_831[15] : i32 from vector<16xi32>
      %multiple_of3A_833 = tpu.assume_multiple %reduce_max3A_832, 128 : i32
      %dma_start3A_834 = arith.constant 1 : i32
      %dma_start3A_835 = arith.constant 8 : i32
      %dma_start3A_836 = arith.constant 0 : i32
      %dma_start3A_837 = arith.constant 0 : i32
      %dma_start3A_838 = arith.constant 0 : i32
      %dma_start3A_839 = tpu.memref_slice %arg6[%dma_start3A_834, %dma_start3A_835, %dma_start3A_836, %dma_start3A_837, %dma_start3A_838] : memref<2x16x4x4x128xf32, #tpu.memory_space<vmem>> -> memref<1x1x4x4x128xf32, #tpu.memory_space<vmem>>
      %dma_start3A_840 = tpu.memref_squeeze %dma_start3A_839 : memref<1x1x4x4x128xf32, #tpu.memory_space<vmem>> -> memref<4x4x128xf32, #tpu.memory_space<vmem>>
      %dma_start3A_841 = arith.constant 0 : i32
      %dma_start3A_842 = arith.constant 0 : i32
      %dma_start3A_843 = tpu.memref_slice %arg2[%dma_start3A_841, %dma_start3A_842, %multiple_of3A_833] : memref<4x4x1000000xf32, #tpu.memory_space<hbm>> -> memref<4x4x128xf32, #tpu.memory_space<hbm>>
      %dma_start3A_844 = arith.constant 0 : i32
      %dma_start3A_845 = arith.constant 0 : i32
      %dma_start3A_846 = arith.constant 0 : i32
      %dma_start3A_847 = tpu.memref_slice %arg6[%dma_start3A_834, %dma_start3A_835, %dma_start3A_844, %dma_start3A_845, %dma_start3A_846] : memref<2x16x4x4x128xf32, #tpu.memory_space<vmem>> -> memref<1x1x4x4x128xf32, #tpu.memory_space<vmem>>
      %dma_start3A_848 = tpu.memref_squeeze %dma_start3A_847 : memref<1x1x4x4x128xf32, #tpu.memory_space<vmem>> -> memref<4x4x128xf32, #tpu.memory_space<vmem>>
      %dma_start3A_849 = arith.constant 0 : i32
      %dma_start3A_850 = arith.constant 0 : i32
      %dma_start3A_851 = tpu.memref_slice %arg2[%dma_start3A_849, %dma_start3A_850, %multiple_of3A_833] : memref<4x4x1000000xf32, #tpu.memory_space<hbm>> -> memref<4x4x128xf32, #tpu.memory_space<hbm>>
      tpu.enqueue_dma source(%dma_start3A_851 : memref<4x4x128xf32, #tpu.memory_space<hbm>>) target(%dma_start3A_848 : memref<4x4x128xf32, #tpu.memory_space<vmem>>) target_semaphore(%arg9 : memref<!tpu.dma_semaphore, #tpu.memory_space<semaphore_mem>>)
      %eq3A_852 = arith.constant 9 : i32
      %eq3A_853 = vector.broadcast %eq3A_852 : i32 to vector<16xi32>
      %eq3A_854 = arith.cmpi eq, %iota3A, %eq3A_853 : vector<16xi32>
      %jit3A_855 = arith.constant 0 : i32
      %broadcast_in_dim3A_856 = vector.broadcast %jit3A_855 : i32 to vector<16xi32>
      %select_n3A_857 = arith.select %eq3A_854, %shift_left3A_554, %broadcast_in_dim3A_856 : vector<16xi1>, vector<16xi32>
      %reduce_max3A_858 = arith.constant true
      %reduce_max3A_859 = vector.broadcast %reduce_max3A_858 : i1 to vector<16xi1>
      %reduce_max3A_860 = arith.constant -2147483648 : i32
      %reduce_max3A_861 = vector.broadcast %reduce_max3A_860 : i32 to vector<16xi32>
      %reduce_max3A_862 = arith.xori %select_n3A_857, %reduce_max3A_861 : vector<16xi32>
      %reduce_max3A_863 = tpu.scan <max>, %reduce_max3A_862 masked %reduce_max3A_859 : vector<16xi32>, vector<16xi1> -> vector<16xi32>
      %reduce_max3A_864 = arith.xori %reduce_max3A_863, %reduce_max3A_861 : vector<16xi32>
      %reduce_max3A_865 = vector.extract %reduce_max3A_864[15] : i32 from vector<16xi32>
      %multiple_of3A_866 = tpu.assume_multiple %reduce_max3A_865, 128 : i32
      %dma_start3A_867 = arith.constant 1 : i32
      %dma_start3A_868 = arith.constant 9 : i32
      %dma_start3A_869 = arith.constant 0 : i32
      %dma_start3A_870 = arith.constant 0 : i32
      %dma_start3A_871 = arith.constant 0 : i32
      %dma_start3A_872 = tpu.memref_slice %arg6[%dma_start3A_867, %dma_start3A_868, %dma_start3A_869, %dma_start3A_870, %dma_start3A_871] : memref<2x16x4x4x128xf32, #tpu.memory_space<vmem>> -> memref<1x1x4x4x128xf32, #tpu.memory_space<vmem>>
      %dma_start3A_873 = tpu.memref_squeeze %dma_start3A_872 : memref<1x1x4x4x128xf32, #tpu.memory_space<vmem>> -> memref<4x4x128xf32, #tpu.memory_space<vmem>>
      %dma_start3A_874 = arith.constant 0 : i32
      %dma_start3A_875 = arith.constant 0 : i32
      %dma_start3A_876 = tpu.memref_slice %arg2[%dma_start3A_874, %dma_start3A_875, %multiple_of3A_866] : memref<4x4x1000000xf32, #tpu.memory_space<hbm>> -> memref<4x4x128xf32, #tpu.memory_space<hbm>>
      %dma_start3A_877 = arith.constant 0 : i32
      %dma_start3A_878 = arith.constant 0 : i32
      %dma_start3A_879 = arith.constant 0 : i32
      %dma_start3A_880 = tpu.memref_slice %arg6[%dma_start3A_867, %dma_start3A_868, %dma_start3A_877, %dma_start3A_878, %dma_start3A_879] : memref<2x16x4x4x128xf32, #tpu.memory_space<vmem>> -> memref<1x1x4x4x128xf32, #tpu.memory_space<vmem>>
      %dma_start3A_881 = tpu.memref_squeeze %dma_start3A_880 : memref<1x1x4x4x128xf32, #tpu.memory_space<vmem>> -> memref<4x4x128xf32, #tpu.memory_space<vmem>>
      %dma_start3A_882 = arith.constant 0 : i32
      %dma_start3A_883 = arith.constant 0 : i32
      %dma_start3A_884 = tpu.memref_slice %arg2[%dma_start3A_882, %dma_start3A_883, %multiple_of3A_866] : memref<4x4x1000000xf32, #tpu.memory_space<hbm>> -> memref<4x4x128xf32, #tpu.memory_space<hbm>>
      tpu.enqueue_dma source(%dma_start3A_884 : memref<4x4x128xf32, #tpu.memory_space<hbm>>) target(%dma_start3A_881 : memref<4x4x128xf32, #tpu.memory_space<vmem>>) target_semaphore(%arg9 : memref<!tpu.dma_semaphore, #tpu.memory_space<semaphore_mem>>)
      %eq3A_885 = arith.constant 10 : i32
      %eq3A_886 = vector.broadcast %eq3A_885 : i32 to vector<16xi32>
      %eq3A_887 = arith.cmpi eq, %iota3A, %eq3A_886 : vector<16xi32>
      %jit3A_888 = arith.constant 0 : i32
      %broadcast_in_dim3A_889 = vector.broadcast %jit3A_888 : i32 to vector<16xi32>
      %select_n3A_890 = arith.select %eq3A_887, %shift_left3A_554, %broadcast_in_dim3A_889 : vector<16xi1>, vector<16xi32>
      %reduce_max3A_891 = arith.constant true
      %reduce_max3A_892 = vector.broadcast %reduce_max3A_891 : i1 to vector<16xi1>
      %reduce_max3A_893 = arith.constant -2147483648 : i32
      %reduce_max3A_894 = vector.broadcast %reduce_max3A_893 : i32 to vector<16xi32>
      %reduce_max3A_895 = arith.xori %select_n3A_890, %reduce_max3A_894 : vector<16xi32>
      %reduce_max3A_896 = tpu.scan <max>, %reduce_max3A_895 masked %reduce_max3A_892 : vector<16xi32>, vector<16xi1> -> vector<16xi32>
      %reduce_max3A_897 = arith.xori %reduce_max3A_896, %reduce_max3A_894 : vector<16xi32>
      %reduce_max3A_898 = vector.extract %reduce_max3A_897[15] : i32 from vector<16xi32>
      %multiple_of3A_899 = tpu.assume_multiple %reduce_max3A_898, 128 : i32
      %dma_start3A_900 = arith.constant 1 : i32
      %dma_start3A_901 = arith.constant 10 : i32
      %dma_start3A_902 = arith.constant 0 : i32
      %dma_start3A_903 = arith.constant 0 : i32
      %dma_start3A_904 = arith.constant 0 : i32
      %dma_start3A_905 = tpu.memref_slice %arg6[%dma_start3A_900, %dma_start3A_901, %dma_start3A_902, %dma_start3A_903, %dma_start3A_904] : memref<2x16x4x4x128xf32, #tpu.memory_space<vmem>> -> memref<1x1x4x4x128xf32, #tpu.memory_space<vmem>>
      %dma_start3A_906 = tpu.memref_squeeze %dma_start3A_905 : memref<1x1x4x4x128xf32, #tpu.memory_space<vmem>> -> memref<4x4x128xf32, #tpu.memory_space<vmem>>
      %dma_start3A_907 = arith.constant 0 : i32
      %dma_start3A_908 = arith.constant 0 : i32
      %dma_start3A_909 = tpu.memref_slice %arg2[%dma_start3A_907, %dma_start3A_908, %multiple_of3A_899] : memref<4x4x1000000xf32, #tpu.memory_space<hbm>> -> memref<4x4x128xf32, #tpu.memory_space<hbm>>
      %dma_start3A_910 = arith.constant 0 : i32
      %dma_start3A_911 = arith.constant 0 : i32
      %dma_start3A_912 = arith.constant 0 : i32
      %dma_start3A_913 = tpu.memref_slice %arg6[%dma_start3A_900, %dma_start3A_901, %dma_start3A_910, %dma_start3A_911, %dma_start3A_912] : memref<2x16x4x4x128xf32, #tpu.memory_space<vmem>> -> memref<1x1x4x4x128xf32, #tpu.memory_space<vmem>>
      %dma_start3A_914 = tpu.memref_squeeze %dma_start3A_913 : memref<1x1x4x4x128xf32, #tpu.memory_space<vmem>> -> memref<4x4x128xf32, #tpu.memory_space<vmem>>
      %dma_start3A_915 = arith.constant 0 : i32
      %dma_start3A_916 = arith.constant 0 : i32
      %dma_start3A_917 = tpu.memref_slice %arg2[%dma_start3A_915, %dma_start3A_916, %multiple_of3A_899] : memref<4x4x1000000xf32, #tpu.memory_space<hbm>> -> memref<4x4x128xf32, #tpu.memory_space<hbm>>
      tpu.enqueue_dma source(%dma_start3A_917 : memref<4x4x128xf32, #tpu.memory_space<hbm>>) target(%dma_start3A_914 : memref<4x4x128xf32, #tpu.memory_space<vmem>>) target_semaphore(%arg9 : memref<!tpu.dma_semaphore, #tpu.memory_space<semaphore_mem>>)
      %eq3A_918 = arith.constant 11 : i32
      %eq3A_919 = vector.broadcast %eq3A_918 : i32 to vector<16xi32>
      %eq3A_920 = arith.cmpi eq, %iota3A, %eq3A_919 : vector<16xi32>
      %jit3A_921 = arith.constant 0 : i32
      %broadcast_in_dim3A_922 = vector.broadcast %jit3A_921 : i32 to vector<16xi32>
      %select_n3A_923 = arith.select %eq3A_920, %shift_left3A_554, %broadcast_in_dim3A_922 : vector<16xi1>, vector<16xi32>
      %reduce_max3A_924 = arith.constant true
      %reduce_max3A_925 = vector.broadcast %reduce_max3A_924 : i1 to vector<16xi1>
      %reduce_max3A_926 = arith.constant -2147483648 : i32
      %reduce_max3A_927 = vector.broadcast %reduce_max3A_926 : i32 to vector<16xi32>
      %reduce_max3A_928 = arith.xori %select_n3A_923, %reduce_max3A_927 : vector<16xi32>
      %reduce_max3A_929 = tpu.scan <max>, %reduce_max3A_928 masked %reduce_max3A_925 : vector<16xi32>, vector<16xi1> -> vector<16xi32>
      %reduce_max3A_930 = arith.xori %reduce_max3A_929, %reduce_max3A_927 : vector<16xi32>
      %reduce_max3A_931 = vector.extract %reduce_max3A_930[15] : i32 from vector<16xi32>
      %multiple_of3A_932 = tpu.assume_multiple %reduce_max3A_931, 128 : i32
      %dma_start3A_933 = arith.constant 1 : i32
      %dma_start3A_934 = arith.constant 11 : i32
      %dma_start3A_935 = arith.constant 0 : i32
      %dma_start3A_936 = arith.constant 0 : i32
      %dma_start3A_937 = arith.constant 0 : i32
      %dma_start3A_938 = tpu.memref_slice %arg6[%dma_start3A_933, %dma_start3A_934, %dma_start3A_935, %dma_start3A_936, %dma_start3A_937] : memref<2x16x4x4x128xf32, #tpu.memory_space<vmem>> -> memref<1x1x4x4x128xf32, #tpu.memory_space<vmem>>
      %dma_start3A_939 = tpu.memref_squeeze %dma_start3A_938 : memref<1x1x4x4x128xf32, #tpu.memory_space<vmem>> -> memref<4x4x128xf32, #tpu.memory_space<vmem>>
      %dma_start3A_940 = arith.constant 0 : i32
      %dma_start3A_941 = arith.constant 0 : i32
      %dma_start3A_942 = tpu.memref_slice %arg2[%dma_start3A_940, %dma_start3A_941, %multiple_of3A_932] : memref<4x4x1000000xf32, #tpu.memory_space<hbm>> -> memref<4x4x128xf32, #tpu.memory_space<hbm>>
      %dma_start3A_943 = arith.constant 0 : i32
      %dma_start3A_944 = arith.constant 0 : i32
      %dma_start3A_945 = arith.constant 0 : i32
      %dma_start3A_946 = tpu.memref_slice %arg6[%dma_start3A_933, %dma_start3A_934, %dma_start3A_943, %dma_start3A_944, %dma_start3A_945] : memref<2x16x4x4x128xf32, #tpu.memory_space<vmem>> -> memref<1x1x4x4x128xf32, #tpu.memory_space<vmem>>
      %dma_start3A_947 = tpu.memref_squeeze %dma_start3A_946 : memref<1x1x4x4x128xf32, #tpu.memory_space<vmem>> -> memref<4x4x128xf32, #tpu.memory_space<vmem>>
      %dma_start3A_948 = arith.constant 0 : i32
      %dma_start3A_949 = arith.constant 0 : i32
      %dma_start3A_950 = tpu.memref_slice %arg2[%dma_start3A_948, %dma_start3A_949, %multiple_of3A_932] : memref<4x4x1000000xf32, #tpu.memory_space<hbm>> -> memref<4x4x128xf32, #tpu.memory_space<hbm>>
      tpu.enqueue_dma source(%dma_start3A_950 : memref<4x4x128xf32, #tpu.memory_space<hbm>>) target(%dma_start3A_947 : memref<4x4x128xf32, #tpu.memory_space<vmem>>) target_semaphore(%arg9 : memref<!tpu.dma_semaphore, #tpu.memory_space<semaphore_mem>>)
      %eq3A_951 = arith.constant 12 : i32
      %eq3A_952 = vector.broadcast %eq3A_951 : i32 to vector<16xi32>
      %eq3A_953 = arith.cmpi eq, %iota3A, %eq3A_952 : vector<16xi32>
      %jit3A_954 = arith.constant 0 : i32
      %broadcast_in_dim3A_955 = vector.broadcast %jit3A_954 : i32 to vector<16xi32>
      %select_n3A_956 = arith.select %eq3A_953, %shift_left3A_554, %broadcast_in_dim3A_955 : vector<16xi1>, vector<16xi32>
      %reduce_max3A_957 = arith.constant true
      %reduce_max3A_958 = vector.broadcast %reduce_max3A_957 : i1 to vector<16xi1>
      %reduce_max3A_959 = arith.constant -2147483648 : i32
      %reduce_max3A_960 = vector.broadcast %reduce_max3A_959 : i32 to vector<16xi32>
      %reduce_max3A_961 = arith.xori %select_n3A_956, %reduce_max3A_960 : vector<16xi32>
      %reduce_max3A_962 = tpu.scan <max>, %reduce_max3A_961 masked %reduce_max3A_958 : vector<16xi32>, vector<16xi1> -> vector<16xi32>
      %reduce_max3A_963 = arith.xori %reduce_max3A_962, %reduce_max3A_960 : vector<16xi32>
      %reduce_max3A_964 = vector.extract %reduce_max3A_963[15] : i32 from vector<16xi32>
      %multiple_of3A_965 = tpu.assume_multiple %reduce_max3A_964, 128 : i32
      %dma_start3A_966 = arith.constant 1 : i32
      %dma_start3A_967 = arith.constant 12 : i32
      %dma_start3A_968 = arith.constant 0 : i32
      %dma_start3A_969 = arith.constant 0 : i32
      %dma_start3A_970 = arith.constant 0 : i32
      %dma_start3A_971 = tpu.memref_slice %arg6[%dma_start3A_966, %dma_start3A_967, %dma_start3A_968, %dma_start3A_969, %dma_start3A_970] : memref<2x16x4x4x128xf32, #tpu.memory_space<vmem>> -> memref<1x1x4x4x128xf32, #tpu.memory_space<vmem>>
      %dma_start3A_972 = tpu.memref_squeeze %dma_start3A_971 : memref<1x1x4x4x128xf32, #tpu.memory_space<vmem>> -> memref<4x4x128xf32, #tpu.memory_space<vmem>>
      %dma_start3A_973 = arith.constant 0 : i32
      %dma_start3A_974 = arith.constant 0 : i32
      %dma_start3A_975 = tpu.memref_slice %arg2[%dma_start3A_973, %dma_start3A_974, %multiple_of3A_965] : memref<4x4x1000000xf32, #tpu.memory_space<hbm>> -> memref<4x4x128xf32, #tpu.memory_space<hbm>>
      %dma_start3A_976 = arith.constant 0 : i32
      %dma_start3A_977 = arith.constant 0 : i32
      %dma_start3A_978 = arith.constant 0 : i32
      %dma_start3A_979 = tpu.memref_slice %arg6[%dma_start3A_966, %dma_start3A_967, %dma_start3A_976, %dma_start3A_977, %dma_start3A_978] : memref<2x16x4x4x128xf32, #tpu.memory_space<vmem>> -> memref<1x1x4x4x128xf32, #tpu.memory_space<vmem>>
      %dma_start3A_980 = tpu.memref_squeeze %dma_start3A_979 : memref<1x1x4x4x128xf32, #tpu.memory_space<vmem>> -> memref<4x4x128xf32, #tpu.memory_space<vmem>>
      %dma_start3A_981 = arith.constant 0 : i32
      %dma_start3A_982 = arith.constant 0 : i32
      %dma_start3A_983 = tpu.memref_slice %arg2[%dma_start3A_981, %dma_start3A_982, %multiple_of3A_965] : memref<4x4x1000000xf32, #tpu.memory_space<hbm>> -> memref<4x4x128xf32, #tpu.memory_space<hbm>>
      tpu.enqueue_dma source(%dma_start3A_983 : memref<4x4x128xf32, #tpu.memory_space<hbm>>) target(%dma_start3A_980 : memref<4x4x128xf32, #tpu.memory_space<vmem>>) target_semaphore(%arg9 : memref<!tpu.dma_semaphore, #tpu.memory_space<semaphore_mem>>)
      %eq3A_984 = arith.constant 13 : i32
      %eq3A_985 = vector.broadcast %eq3A_984 : i32 to vector<16xi32>
      %eq3A_986 = arith.cmpi eq, %iota3A, %eq3A_985 : vector<16xi32>
      %jit3A_987 = arith.constant 0 : i32
      %broadcast_in_dim3A_988 = vector.broadcast %jit3A_987 : i32 to vector<16xi32>
      %select_n3A_989 = arith.select %eq3A_986, %shift_left3A_554, %broadcast_in_dim3A_988 : vector<16xi1>, vector<16xi32>
      %reduce_max3A_990 = arith.constant true
      %reduce_max3A_991 = vector.broadcast %reduce_max3A_990 : i1 to vector<16xi1>
      %reduce_max3A_992 = arith.constant -2147483648 : i32
      %reduce_max3A_993 = vector.broadcast %reduce_max3A_992 : i32 to vector<16xi32>
      %reduce_max3A_994 = arith.xori %select_n3A_989, %reduce_max3A_993 : vector<16xi32>
      %reduce_max3A_995 = tpu.scan <max>, %reduce_max3A_994 masked %reduce_max3A_991 : vector<16xi32>, vector<16xi1> -> vector<16xi32>
      %reduce_max3A_996 = arith.xori %reduce_max3A_995, %reduce_max3A_993 : vector<16xi32>
      %reduce_max3A_997 = vector.extract %reduce_max3A_996[15] : i32 from vector<16xi32>
      %multiple_of3A_998 = tpu.assume_multiple %reduce_max3A_997, 128 : i32
      %dma_start3A_999 = arith.constant 1 : i32
      %dma_start3A_1000 = arith.constant 13 : i32
      %dma_start3A_1001 = arith.constant 0 : i32
      %dma_start3A_1002 = arith.constant 0 : i32
      %dma_start3A_1003 = arith.constant 0 : i32
      %dma_start3A_1004 = tpu.memref_slice %arg6[%dma_start3A_999, %dma_start3A_1000, %dma_start3A_1001, %dma_start3A_1002, %dma_start3A_1003] : memref<2x16x4x4x128xf32, #tpu.memory_space<vmem>> -> memref<1x1x4x4x128xf32, #tpu.memory_space<vmem>>
      %dma_start3A_1005 = tpu.memref_squeeze %dma_start3A_1004 : memref<1x1x4x4x128xf32, #tpu.memory_space<vmem>> -> memref<4x4x128xf32, #tpu.memory_space<vmem>>
      %dma_start3A_1006 = arith.constant 0 : i32
      %dma_start3A_1007 = arith.constant 0 : i32
      %dma_start3A_1008 = tpu.memref_slice %arg2[%dma_start3A_1006, %dma_start3A_1007, %multiple_of3A_998] : memref<4x4x1000000xf32, #tpu.memory_space<hbm>> -> memref<4x4x128xf32, #tpu.memory_space<hbm>>
      %dma_start3A_1009 = arith.constant 0 : i32
      %dma_start3A_1010 = arith.constant 0 : i32
      %dma_start3A_1011 = arith.constant 0 : i32
      %dma_start3A_1012 = tpu.memref_slice %arg6[%dma_start3A_999, %dma_start3A_1000, %dma_start3A_1009, %dma_start3A_1010, %dma_start3A_1011] : memref<2x16x4x4x128xf32, #tpu.memory_space<vmem>> -> memref<1x1x4x4x128xf32, #tpu.memory_space<vmem>>
      %dma_start3A_1013 = tpu.memref_squeeze %dma_start3A_1012 : memref<1x1x4x4x128xf32, #tpu.memory_space<vmem>> -> memref<4x4x128xf32, #tpu.memory_space<vmem>>
      %dma_start3A_1014 = arith.constant 0 : i32
      %dma_start3A_1015 = arith.constant 0 : i32
      %dma_start3A_1016 = tpu.memref_slice %arg2[%dma_start3A_1014, %dma_start3A_1015, %multiple_of3A_998] : memref<4x4x1000000xf32, #tpu.memory_space<hbm>> -> memref<4x4x128xf32, #tpu.memory_space<hbm>>
      tpu.enqueue_dma source(%dma_start3A_1016 : memref<4x4x128xf32, #tpu.memory_space<hbm>>) target(%dma_start3A_1013 : memref<4x4x128xf32, #tpu.memory_space<vmem>>) target_semaphore(%arg9 : memref<!tpu.dma_semaphore, #tpu.memory_space<semaphore_mem>>)
      %eq3A_1017 = arith.constant 14 : i32
      %eq3A_1018 = vector.broadcast %eq3A_1017 : i32 to vector<16xi32>
      %eq3A_1019 = arith.cmpi eq, %iota3A, %eq3A_1018 : vector<16xi32>
      %jit3A_1020 = arith.constant 0 : i32
      %broadcast_in_dim3A_1021 = vector.broadcast %jit3A_1020 : i32 to vector<16xi32>
      %select_n3A_1022 = arith.select %eq3A_1019, %shift_left3A_554, %broadcast_in_dim3A_1021 : vector<16xi1>, vector<16xi32>
      %reduce_max3A_1023 = arith.constant true
      %reduce_max3A_1024 = vector.broadcast %reduce_max3A_1023 : i1 to vector<16xi1>
      %reduce_max3A_1025 = arith.constant -2147483648 : i32
      %reduce_max3A_1026 = vector.broadcast %reduce_max3A_1025 : i32 to vector<16xi32>
      %reduce_max3A_1027 = arith.xori %select_n3A_1022, %reduce_max3A_1026 : vector<16xi32>
      %reduce_max3A_1028 = tpu.scan <max>, %reduce_max3A_1027 masked %reduce_max3A_1024 : vector<16xi32>, vector<16xi1> -> vector<16xi32>
      %reduce_max3A_1029 = arith.xori %reduce_max3A_1028, %reduce_max3A_1026 : vector<16xi32>
      %reduce_max3A_1030 = vector.extract %reduce_max3A_1029[15] : i32 from vector<16xi32>
      %multiple_of3A_1031 = tpu.assume_multiple %reduce_max3A_1030, 128 : i32
      %dma_start3A_1032 = arith.constant 1 : i32
      %dma_start3A_1033 = arith.constant 14 : i32
      %dma_start3A_1034 = arith.constant 0 : i32
      %dma_start3A_1035 = arith.constant 0 : i32
      %dma_start3A_1036 = arith.constant 0 : i32
      %dma_start3A_1037 = tpu.memref_slice %arg6[%dma_start3A_1032, %dma_start3A_1033, %dma_start3A_1034, %dma_start3A_1035, %dma_start3A_1036] : memref<2x16x4x4x128xf32, #tpu.memory_space<vmem>> -> memref<1x1x4x4x128xf32, #tpu.memory_space<vmem>>
      %dma_start3A_1038 = tpu.memref_squeeze %dma_start3A_1037 : memref<1x1x4x4x128xf32, #tpu.memory_space<vmem>> -> memref<4x4x128xf32, #tpu.memory_space<vmem>>
      %dma_start3A_1039 = arith.constant 0 : i32
      %dma_start3A_1040 = arith.constant 0 : i32
      %dma_start3A_1041 = tpu.memref_slice %arg2[%dma_start3A_1039, %dma_start3A_1040, %multiple_of3A_1031] : memref<4x4x1000000xf32, #tpu.memory_space<hbm>> -> memref<4x4x128xf32, #tpu.memory_space<hbm>>
      %dma_start3A_1042 = arith.constant 0 : i32
      %dma_start3A_1043 = arith.constant 0 : i32
      %dma_start3A_1044 = arith.constant 0 : i32
      %dma_start3A_1045 = tpu.memref_slice %arg6[%dma_start3A_1032, %dma_start3A_1033, %dma_start3A_1042, %dma_start3A_1043, %dma_start3A_1044] : memref<2x16x4x4x128xf32, #tpu.memory_space<vmem>> -> memref<1x1x4x4x128xf32, #tpu.memory_space<vmem>>
      %dma_start3A_1046 = tpu.memref_squeeze %dma_start3A_1045 : memref<1x1x4x4x128xf32, #tpu.memory_space<vmem>> -> memref<4x4x128xf32, #tpu.memory_space<vmem>>
      %dma_start3A_1047 = arith.constant 0 : i32
      %dma_start3A_1048 = arith.constant 0 : i32
      %dma_start3A_1049 = tpu.memref_slice %arg2[%dma_start3A_1047, %dma_start3A_1048, %multiple_of3A_1031] : memref<4x4x1000000xf32, #tpu.memory_space<hbm>> -> memref<4x4x128xf32, #tpu.memory_space<hbm>>
      tpu.enqueue_dma source(%dma_start3A_1049 : memref<4x4x128xf32, #tpu.memory_space<hbm>>) target(%dma_start3A_1046 : memref<4x4x128xf32, #tpu.memory_space<vmem>>) target_semaphore(%arg9 : memref<!tpu.dma_semaphore, #tpu.memory_space<semaphore_mem>>)
      %eq3A_1050 = arith.constant 15 : i32
      %eq3A_1051 = vector.broadcast %eq3A_1050 : i32 to vector<16xi32>
      %eq3A_1052 = arith.cmpi eq, %iota3A, %eq3A_1051 : vector<16xi32>
      %jit3A_1053 = arith.constant 0 : i32
      %broadcast_in_dim3A_1054 = vector.broadcast %jit3A_1053 : i32 to vector<16xi32>
      %select_n3A_1055 = arith.select %eq3A_1052, %shift_left3A_554, %broadcast_in_dim3A_1054 : vector<16xi1>, vector<16xi32>
      %reduce_max3A_1056 = arith.constant true
      %reduce_max3A_1057 = vector.broadcast %reduce_max3A_1056 : i1 to vector<16xi1>
      %reduce_max3A_1058 = arith.constant -2147483648 : i32
      %reduce_max3A_1059 = vector.broadcast %reduce_max3A_1058 : i32 to vector<16xi32>
      %reduce_max3A_1060 = arith.xori %select_n3A_1055, %reduce_max3A_1059 : vector<16xi32>
      %reduce_max3A_1061 = tpu.scan <max>, %reduce_max3A_1060 masked %reduce_max3A_1057 : vector<16xi32>, vector<16xi1> -> vector<16xi32>
      %reduce_max3A_1062 = arith.xori %reduce_max3A_1061, %reduce_max3A_1059 : vector<16xi32>
      %reduce_max3A_1063 = vector.extract %reduce_max3A_1062[15] : i32 from vector<16xi32>
      %multiple_of3A_1064 = tpu.assume_multiple %reduce_max3A_1063, 128 : i32
      %dma_start3A_1065 = arith.constant 1 : i32
      %dma_start3A_1066 = arith.constant 15 : i32
      %dma_start3A_1067 = arith.constant 0 : i32
      %dma_start3A_1068 = arith.constant 0 : i32
      %dma_start3A_1069 = arith.constant 0 : i32
      %dma_start3A_1070 = tpu.memref_slice %arg6[%dma_start3A_1065, %dma_start3A_1066, %dma_start3A_1067, %dma_start3A_1068, %dma_start3A_1069] : memref<2x16x4x4x128xf32, #tpu.memory_space<vmem>> -> memref<1x1x4x4x128xf32, #tpu.memory_space<vmem>>
      %dma_start3A_1071 = tpu.memref_squeeze %dma_start3A_1070 : memref<1x1x4x4x128xf32, #tpu.memory_space<vmem>> -> memref<4x4x128xf32, #tpu.memory_space<vmem>>
      %dma_start3A_1072 = arith.constant 0 : i32
      %dma_start3A_1073 = arith.constant 0 : i32
      %dma_start3A_1074 = tpu.memref_slice %arg2[%dma_start3A_1072, %dma_start3A_1073, %multiple_of3A_1064] : memref<4x4x1000000xf32, #tpu.memory_space<hbm>> -> memref<4x4x128xf32, #tpu.memory_space<hbm>>
      %dma_start3A_1075 = arith.constant 0 : i32
      %dma_start3A_1076 = arith.constant 0 : i32
      %dma_start3A_1077 = arith.constant 0 : i32
      %dma_start3A_1078 = tpu.memref_slice %arg6[%dma_start3A_1065, %dma_start3A_1066, %dma_start3A_1075, %dma_start3A_1076, %dma_start3A_1077] : memref<2x16x4x4x128xf32, #tpu.memory_space<vmem>> -> memref<1x1x4x4x128xf32, #tpu.memory_space<vmem>>
      %dma_start3A_1079 = tpu.memref_squeeze %dma_start3A_1078 : memref<1x1x4x4x128xf32, #tpu.memory_space<vmem>> -> memref<4x4x128xf32, #tpu.memory_space<vmem>>
      %dma_start3A_1080 = arith.constant 0 : i32
      %dma_start3A_1081 = arith.constant 0 : i32
      %dma_start3A_1082 = tpu.memref_slice %arg2[%dma_start3A_1080, %dma_start3A_1081, %multiple_of3A_1064] : memref<4x4x1000000xf32, #tpu.memory_space<hbm>> -> memref<4x4x128xf32, #tpu.memory_space<hbm>>
      tpu.enqueue_dma source(%dma_start3A_1082 : memref<4x4x128xf32, #tpu.memory_space<hbm>>) target(%dma_start3A_1079 : memref<4x4x128xf32, #tpu.memory_space<vmem>>) target_semaphore(%arg9 : memref<!tpu.dma_semaphore, #tpu.memory_space<semaphore_mem>>)
      %dma_wait3A = arith.constant 0 : i32
      %dma_wait3A_1083 = arith.constant 0 : i32
      %dma_wait3A_1084 = arith.constant 0 : i32
      %dma_wait3A_1085 = arith.constant 0 : i32
      %dma_wait3A_1086 = arith.constant 0 : i32
      %dma_wait3A_1087 = tpu.memref_slice %arg6[%dma_wait3A, %dma_wait3A_1083, %dma_wait3A_1084, %dma_wait3A_1085, %dma_wait3A_1086] : memref<2x16x4x4x128xf32, #tpu.memory_space<vmem>> -> memref<1x1x4x4x128xf32, #tpu.memory_space<vmem>>
      %dma_wait3A_1088 = tpu.memref_squeeze %dma_wait3A_1087 : memref<1x1x4x4x128xf32, #tpu.memory_space<vmem>> -> memref<4x4x128xf32, #tpu.memory_space<vmem>>
      %dma_wait3A_1089 = arith.constant 0 : i32
      %dma_wait3A_1090 = arith.constant 0 : i32
      %dma_wait3A_1091 = arith.constant 0 : i32
      %dma_wait3A_1092 = tpu.memref_slice %arg2[%dma_wait3A_1089, %dma_wait3A_1090, %dma_wait3A_1091] : memref<4x4x1000000xf32, #tpu.memory_space<hbm>> -> memref<4x4x128xf32, #tpu.memory_space<hbm>>
      %dma_wait3A_1093 = arith.constant 0 : i32
      %dma_wait3A_1094 = arith.constant 0 : i32
      %dma_wait3A_1095 = arith.constant 0 : i32
      %dma_wait3A_1096 = tpu.memref_slice %arg6[%dma_wait3A, %dma_wait3A_1083, %dma_wait3A_1093, %dma_wait3A_1094, %dma_wait3A_1095] : memref<2x16x4x4x128xf32, #tpu.memory_space<vmem>> -> memref<1x1x4x4x128xf32, #tpu.memory_space<vmem>>
      %dma_wait3A_1097 = tpu.memref_squeeze %dma_wait3A_1096 : memref<1x1x4x4x128xf32, #tpu.memory_space<vmem>> -> memref<4x4x128xf32, #tpu.memory_space<vmem>>
      %dma_wait3A_1098 = arith.constant 0 : i32
      %dma_wait3A_1099 = arith.constant 0 : i32
      %dma_wait3A_1100 = arith.constant 0 : i32
      %dma_wait3A_1101 = tpu.memref_slice %arg2[%dma_wait3A_1098, %dma_wait3A_1099, %dma_wait3A_1100] : memref<4x4x1000000xf32, #tpu.memory_space<hbm>> -> memref<4x4x128xf32, #tpu.memory_space<hbm>>
      tpu.wait_dma2 semaphore(%arg8 : memref<!tpu.dma_semaphore, #tpu.memory_space<semaphore_mem>>) src(%dma_wait3A_1101 : memref<4x4x128xf32, #tpu.memory_space<hbm>>) dst(%dma_wait3A_1097 : memref<4x4x128xf32, #tpu.memory_space<vmem>>)
      %dma_wait3A_1102 = arith.constant 0 : i32
      %dma_wait3A_1103 = arith.constant 1 : i32
      %dma_wait3A_1104 = arith.constant 0 : i32
      %dma_wait3A_1105 = arith.constant 0 : i32
      %dma_wait3A_1106 = arith.constant 0 : i32
      %dma_wait3A_1107 = tpu.memref_slice %arg6[%dma_wait3A_1102, %dma_wait3A_1103, %dma_wait3A_1104, %dma_wait3A_1105, %dma_wait3A_1106] : memref<2x16x4x4x128xf32, #tpu.memory_space<vmem>> -> memref<1x1x4x4x128xf32, #tpu.memory_space<vmem>>
      %dma_wait3A_1108 = tpu.memref_squeeze %dma_wait3A_1107 : memref<1x1x4x4x128xf32, #tpu.memory_space<vmem>> -> memref<4x4x128xf32, #tpu.memory_space<vmem>>
      %dma_wait3A_1109 = arith.constant 0 : i32
      %dma_wait3A_1110 = arith.constant 0 : i32
      %dma_wait3A_1111 = arith.constant 0 : i32
      %dma_wait3A_1112 = tpu.memref_slice %arg2[%dma_wait3A_1109, %dma_wait3A_1110, %dma_wait3A_1111] : memref<4x4x1000000xf32, #tpu.memory_space<hbm>> -> memref<4x4x128xf32, #tpu.memory_space<hbm>>
      %dma_wait3A_1113 = arith.constant 0 : i32
      %dma_wait3A_1114 = arith.constant 0 : i32
      %dma_wait3A_1115 = arith.constant 0 : i32
      %dma_wait3A_1116 = tpu.memref_slice %arg6[%dma_wait3A_1102, %dma_wait3A_1103, %dma_wait3A_1113, %dma_wait3A_1114, %dma_wait3A_1115] : memref<2x16x4x4x128xf32, #tpu.memory_space<vmem>> -> memref<1x1x4x4x128xf32, #tpu.memory_space<vmem>>
      %dma_wait3A_1117 = tpu.memref_squeeze %dma_wait3A_1116 : memref<1x1x4x4x128xf32, #tpu.memory_space<vmem>> -> memref<4x4x128xf32, #tpu.memory_space<vmem>>
      %dma_wait3A_1118 = arith.constant 0 : i32
      %dma_wait3A_1119 = arith.constant 0 : i32
      %dma_wait3A_1120 = arith.constant 0 : i32
      %dma_wait3A_1121 = tpu.memref_slice %arg2[%dma_wait3A_1118, %dma_wait3A_1119, %dma_wait3A_1120] : memref<4x4x1000000xf32, #tpu.memory_space<hbm>> -> memref<4x4x128xf32, #tpu.memory_space<hbm>>
      tpu.wait_dma2 semaphore(%arg8 : memref<!tpu.dma_semaphore, #tpu.memory_space<semaphore_mem>>) src(%dma_wait3A_1121 : memref<4x4x128xf32, #tpu.memory_space<hbm>>) dst(%dma_wait3A_1117 : memref<4x4x128xf32, #tpu.memory_space<vmem>>)
      %dma_wait3A_1122 = arith.constant 0 : i32
      %dma_wait3A_1123 = arith.constant 2 : i32
      %dma_wait3A_1124 = arith.constant 0 : i32
      %dma_wait3A_1125 = arith.constant 0 : i32
      %dma_wait3A_1126 = arith.constant 0 : i32
      %dma_wait3A_1127 = tpu.memref_slice %arg6[%dma_wait3A_1122, %dma_wait3A_1123, %dma_wait3A_1124, %dma_wait3A_1125, %dma_wait3A_1126] : memref<2x16x4x4x128xf32, #tpu.memory_space<vmem>> -> memref<1x1x4x4x128xf32, #tpu.memory_space<vmem>>
      %dma_wait3A_1128 = tpu.memref_squeeze %dma_wait3A_1127 : memref<1x1x4x4x128xf32, #tpu.memory_space<vmem>> -> memref<4x4x128xf32, #tpu.memory_space<vmem>>
      %dma_wait3A_1129 = arith.constant 0 : i32
      %dma_wait3A_1130 = arith.constant 0 : i32
      %dma_wait3A_1131 = arith.constant 0 : i32
      %dma_wait3A_1132 = tpu.memref_slice %arg2[%dma_wait3A_1129, %dma_wait3A_1130, %dma_wait3A_1131] : memref<4x4x1000000xf32, #tpu.memory_space<hbm>> -> memref<4x4x128xf32, #tpu.memory_space<hbm>>
      %dma_wait3A_1133 = arith.constant 0 : i32
      %dma_wait3A_1134 = arith.constant 0 : i32
      %dma_wait3A_1135 = arith.constant 0 : i32
      %dma_wait3A_1136 = tpu.memref_slice %arg6[%dma_wait3A_1122, %dma_wait3A_1123, %dma_wait3A_1133, %dma_wait3A_1134, %dma_wait3A_1135] : memref<2x16x4x4x128xf32, #tpu.memory_space<vmem>> -> memref<1x1x4x4x128xf32, #tpu.memory_space<vmem>>
      %dma_wait3A_1137 = tpu.memref_squeeze %dma_wait3A_1136 : memref<1x1x4x4x128xf32, #tpu.memory_space<vmem>> -> memref<4x4x128xf32, #tpu.memory_space<vmem>>
      %dma_wait3A_1138 = arith.constant 0 : i32
      %dma_wait3A_1139 = arith.constant 0 : i32
      %dma_wait3A_1140 = arith.constant 0 : i32
      %dma_wait3A_1141 = tpu.memref_slice %arg2[%dma_wait3A_1138, %dma_wait3A_1139, %dma_wait3A_1140] : memref<4x4x1000000xf32, #tpu.memory_space<hbm>> -> memref<4x4x128xf32, #tpu.memory_space<hbm>>
      tpu.wait_dma2 semaphore(%arg8 : memref<!tpu.dma_semaphore, #tpu.memory_space<semaphore_mem>>) src(%dma_wait3A_1141 : memref<4x4x128xf32, #tpu.memory_space<hbm>>) dst(%dma_wait3A_1137 : memref<4x4x128xf32, #tpu.memory_space<vmem>>)
      %dma_wait3A_1142 = arith.constant 0 : i32
      %dma_wait3A_1143 = arith.constant 3 : i32
      %dma_wait3A_1144 = arith.constant 0 : i32
      %dma_wait3A_1145 = arith.constant 0 : i32
      %dma_wait3A_1146 = arith.constant 0 : i32
      %dma_wait3A_1147 = tpu.memref_slice %arg6[%dma_wait3A_1142, %dma_wait3A_1143, %dma_wait3A_1144, %dma_wait3A_1145, %dma_wait3A_1146] : memref<2x16x4x4x128xf32, #tpu.memory_space<vmem>> -> memref<1x1x4x4x128xf32, #tpu.memory_space<vmem>>
      %dma_wait3A_1148 = tpu.memref_squeeze %dma_wait3A_1147 : memref<1x1x4x4x128xf32, #tpu.memory_space<vmem>> -> memref<4x4x128xf32, #tpu.memory_space<vmem>>
      %dma_wait3A_1149 = arith.constant 0 : i32
      %dma_wait3A_1150 = arith.constant 0 : i32
      %dma_wait3A_1151 = arith.constant 0 : i32
      %dma_wait3A_1152 = tpu.memref_slice %arg2[%dma_wait3A_1149, %dma_wait3A_1150, %dma_wait3A_1151] : memref<4x4x1000000xf32, #tpu.memory_space<hbm>> -> memref<4x4x128xf32, #tpu.memory_space<hbm>>
      %dma_wait3A_1153 = arith.constant 0 : i32
      %dma_wait3A_1154 = arith.constant 0 : i32
      %dma_wait3A_1155 = arith.constant 0 : i32
      %dma_wait3A_1156 = tpu.memref_slice %arg6[%dma_wait3A_1142, %dma_wait3A_1143, %dma_wait3A_1153, %dma_wait3A_1154, %dma_wait3A_1155] : memref<2x16x4x4x128xf32, #tpu.memory_space<vmem>> -> memref<1x1x4x4x128xf32, #tpu.memory_space<vmem>>
      %dma_wait3A_1157 = tpu.memref_squeeze %dma_wait3A_1156 : memref<1x1x4x4x128xf32, #tpu.memory_space<vmem>> -> memref<4x4x128xf32, #tpu.memory_space<vmem>>
      %dma_wait3A_1158 = arith.constant 0 : i32
      %dma_wait3A_1159 = arith.constant 0 : i32
      %dma_wait3A_1160 = arith.constant 0 : i32
      %dma_wait3A_1161 = tpu.memref_slice %arg2[%dma_wait3A_1158, %dma_wait3A_1159, %dma_wait3A_1160] : memref<4x4x1000000xf32, #tpu.memory_space<hbm>> -> memref<4x4x128xf32, #tpu.memory_space<hbm>>
      tpu.wait_dma2 semaphore(%arg8 : memref<!tpu.dma_semaphore, #tpu.memory_space<semaphore_mem>>) src(%dma_wait3A_1161 : memref<4x4x128xf32, #tpu.memory_space<hbm>>) dst(%dma_wait3A_1157 : memref<4x4x128xf32, #tpu.memory_space<vmem>>)
      %dma_wait3A_1162 = arith.constant 0 : i32
      %dma_wait3A_1163 = arith.constant 4 : i32
      %dma_wait3A_1164 = arith.constant 0 : i32
      %dma_wait3A_1165 = arith.constant 0 : i32
      %dma_wait3A_1166 = arith.constant 0 : i32
      %dma_wait3A_1167 = tpu.memref_slice %arg6[%dma_wait3A_1162, %dma_wait3A_1163, %dma_wait3A_1164, %dma_wait3A_1165, %dma_wait3A_1166] : memref<2x16x4x4x128xf32, #tpu.memory_space<vmem>> -> memref<1x1x4x4x128xf32, #tpu.memory_space<vmem>>
      %dma_wait3A_1168 = tpu.memref_squeeze %dma_wait3A_1167 : memref<1x1x4x4x128xf32, #tpu.memory_space<vmem>> -> memref<4x4x128xf32, #tpu.memory_space<vmem>>
      %dma_wait3A_1169 = arith.constant 0 : i32
      %dma_wait3A_1170 = arith.constant 0 : i32
      %dma_wait3A_1171 = arith.constant 0 : i32
      %dma_wait3A_1172 = tpu.memref_slice %arg2[%dma_wait3A_1169, %dma_wait3A_1170, %dma_wait3A_1171] : memref<4x4x1000000xf32, #tpu.memory_space<hbm>> -> memref<4x4x128xf32, #tpu.memory_space<hbm>>
      %dma_wait3A_1173 = arith.constant 0 : i32
      %dma_wait3A_1174 = arith.constant 0 : i32
      %dma_wait3A_1175 = arith.constant 0 : i32
      %dma_wait3A_1176 = tpu.memref_slice %arg6[%dma_wait3A_1162, %dma_wait3A_1163, %dma_wait3A_1173, %dma_wait3A_1174, %dma_wait3A_1175] : memref<2x16x4x4x128xf32, #tpu.memory_space<vmem>> -> memref<1x1x4x4x128xf32, #tpu.memory_space<vmem>>
      %dma_wait3A_1177 = tpu.memref_squeeze %dma_wait3A_1176 : memref<1x1x4x4x128xf32, #tpu.memory_space<vmem>> -> memref<4x4x128xf32, #tpu.memory_space<vmem>>
      %dma_wait3A_1178 = arith.constant 0 : i32
      %dma_wait3A_1179 = arith.constant 0 : i32
      %dma_wait3A_1180 = arith.constant 0 : i32
      %dma_wait3A_1181 = tpu.memref_slice %arg2[%dma_wait3A_1178, %dma_wait3A_1179, %dma_wait3A_1180] : memref<4x4x1000000xf32, #tpu.memory_space<hbm>> -> memref<4x4x128xf32, #tpu.memory_space<hbm>>
      tpu.wait_dma2 semaphore(%arg8 : memref<!tpu.dma_semaphore, #tpu.memory_space<semaphore_mem>>) src(%dma_wait3A_1181 : memref<4x4x128xf32, #tpu.memory_space<hbm>>) dst(%dma_wait3A_1177 : memref<4x4x128xf32, #tpu.memory_space<vmem>>)
      %dma_wait3A_1182 = arith.constant 0 : i32
      %dma_wait3A_1183 = arith.constant 5 : i32
      %dma_wait3A_1184 = arith.constant 0 : i32
      %dma_wait3A_1185 = arith.constant 0 : i32
      %dma_wait3A_1186 = arith.constant 0 : i32
      %dma_wait3A_1187 = tpu.memref_slice %arg6[%dma_wait3A_1182, %dma_wait3A_1183, %dma_wait3A_1184, %dma_wait3A_1185, %dma_wait3A_1186] : memref<2x16x4x4x128xf32, #tpu.memory_space<vmem>> -> memref<1x1x4x4x128xf32, #tpu.memory_space<vmem>>
      %dma_wait3A_1188 = tpu.memref_squeeze %dma_wait3A_1187 : memref<1x1x4x4x128xf32, #tpu.memory_space<vmem>> -> memref<4x4x128xf32, #tpu.memory_space<vmem>>
      %dma_wait3A_1189 = arith.constant 0 : i32
      %dma_wait3A_1190 = arith.constant 0 : i32
      %dma_wait3A_1191 = arith.constant 0 : i32
      %dma_wait3A_1192 = tpu.memref_slice %arg2[%dma_wait3A_1189, %dma_wait3A_1190, %dma_wait3A_1191] : memref<4x4x1000000xf32, #tpu.memory_space<hbm>> -> memref<4x4x128xf32, #tpu.memory_space<hbm>>
      %dma_wait3A_1193 = arith.constant 0 : i32
      %dma_wait3A_1194 = arith.constant 0 : i32
      %dma_wait3A_1195 = arith.constant 0 : i32
      %dma_wait3A_1196 = tpu.memref_slice %arg6[%dma_wait3A_1182, %dma_wait3A_1183, %dma_wait3A_1193, %dma_wait3A_1194, %dma_wait3A_1195] : memref<2x16x4x4x128xf32, #tpu.memory_space<vmem>> -> memref<1x1x4x4x128xf32, #tpu.memory_space<vmem>>
      %dma_wait3A_1197 = tpu.memref_squeeze %dma_wait3A_1196 : memref<1x1x4x4x128xf32, #tpu.memory_space<vmem>> -> memref<4x4x128xf32, #tpu.memory_space<vmem>>
      %dma_wait3A_1198 = arith.constant 0 : i32
      %dma_wait3A_1199 = arith.constant 0 : i32
      %dma_wait3A_1200 = arith.constant 0 : i32
      %dma_wait3A_1201 = tpu.memref_slice %arg2[%dma_wait3A_1198, %dma_wait3A_1199, %dma_wait3A_1200] : memref<4x4x1000000xf32, #tpu.memory_space<hbm>> -> memref<4x4x128xf32, #tpu.memory_space<hbm>>
      tpu.wait_dma2 semaphore(%arg8 : memref<!tpu.dma_semaphore, #tpu.memory_space<semaphore_mem>>) src(%dma_wait3A_1201 : memref<4x4x128xf32, #tpu.memory_space<hbm>>) dst(%dma_wait3A_1197 : memref<4x4x128xf32, #tpu.memory_space<vmem>>)
      %dma_wait3A_1202 = arith.constant 0 : i32
      %dma_wait3A_1203 = arith.constant 6 : i32
      %dma_wait3A_1204 = arith.constant 0 : i32
      %dma_wait3A_1205 = arith.constant 0 : i32
      %dma_wait3A_1206 = arith.constant 0 : i32
      %dma_wait3A_1207 = tpu.memref_slice %arg6[%dma_wait3A_1202, %dma_wait3A_1203, %dma_wait3A_1204, %dma_wait3A_1205, %dma_wait3A_1206] : memref<2x16x4x4x128xf32, #tpu.memory_space<vmem>> -> memref<1x1x4x4x128xf32, #tpu.memory_space<vmem>>
      %dma_wait3A_1208 = tpu.memref_squeeze %dma_wait3A_1207 : memref<1x1x4x4x128xf32, #tpu.memory_space<vmem>> -> memref<4x4x128xf32, #tpu.memory_space<vmem>>
      %dma_wait3A_1209 = arith.constant 0 : i32
      %dma_wait3A_1210 = arith.constant 0 : i32
      %dma_wait3A_1211 = arith.constant 0 : i32
      %dma_wait3A_1212 = tpu.memref_slice %arg2[%dma_wait3A_1209, %dma_wait3A_1210, %dma_wait3A_1211] : memref<4x4x1000000xf32, #tpu.memory_space<hbm>> -> memref<4x4x128xf32, #tpu.memory_space<hbm>>
      %dma_wait3A_1213 = arith.constant 0 : i32
      %dma_wait3A_1214 = arith.constant 0 : i32
      %dma_wait3A_1215 = arith.constant 0 : i32
      %dma_wait3A_1216 = tpu.memref_slice %arg6[%dma_wait3A_1202, %dma_wait3A_1203, %dma_wait3A_1213, %dma_wait3A_1214, %dma_wait3A_1215] : memref<2x16x4x4x128xf32, #tpu.memory_space<vmem>> -> memref<1x1x4x4x128xf32, #tpu.memory_space<vmem>>
      %dma_wait3A_1217 = tpu.memref_squeeze %dma_wait3A_1216 : memref<1x1x4x4x128xf32, #tpu.memory_space<vmem>> -> memref<4x4x128xf32, #tpu.memory_space<vmem>>
      %dma_wait3A_1218 = arith.constant 0 : i32
      %dma_wait3A_1219 = arith.constant 0 : i32
      %dma_wait3A_1220 = arith.constant 0 : i32
      %dma_wait3A_1221 = tpu.memref_slice %arg2[%dma_wait3A_1218, %dma_wait3A_1219, %dma_wait3A_1220] : memref<4x4x1000000xf32, #tpu.memory_space<hbm>> -> memref<4x4x128xf32, #tpu.memory_space<hbm>>
      tpu.wait_dma2 semaphore(%arg8 : memref<!tpu.dma_semaphore, #tpu.memory_space<semaphore_mem>>) src(%dma_wait3A_1221 : memref<4x4x128xf32, #tpu.memory_space<hbm>>) dst(%dma_wait3A_1217 : memref<4x4x128xf32, #tpu.memory_space<vmem>>)
      %dma_wait3A_1222 = arith.constant 0 : i32
      %dma_wait3A_1223 = arith.constant 7 : i32
      %dma_wait3A_1224 = arith.constant 0 : i32
      %dma_wait3A_1225 = arith.constant 0 : i32
      %dma_wait3A_1226 = arith.constant 0 : i32
      %dma_wait3A_1227 = tpu.memref_slice %arg6[%dma_wait3A_1222, %dma_wait3A_1223, %dma_wait3A_1224, %dma_wait3A_1225, %dma_wait3A_1226] : memref<2x16x4x4x128xf32, #tpu.memory_space<vmem>> -> memref<1x1x4x4x128xf32, #tpu.memory_space<vmem>>
      %dma_wait3A_1228 = tpu.memref_squeeze %dma_wait3A_1227 : memref<1x1x4x4x128xf32, #tpu.memory_space<vmem>> -> memref<4x4x128xf32, #tpu.memory_space<vmem>>
      %dma_wait3A_1229 = arith.constant 0 : i32
      %dma_wait3A_1230 = arith.constant 0 : i32
      %dma_wait3A_1231 = arith.constant 0 : i32
      %dma_wait3A_1232 = tpu.memref_slice %arg2[%dma_wait3A_1229, %dma_wait3A_1230, %dma_wait3A_1231] : memref<4x4x1000000xf32, #tpu.memory_space<hbm>> -> memref<4x4x128xf32, #tpu.memory_space<hbm>>
      %dma_wait3A_1233 = arith.constant 0 : i32
      %dma_wait3A_1234 = arith.constant 0 : i32
      %dma_wait3A_1235 = arith.constant 0 : i32
      %dma_wait3A_1236 = tpu.memref_slice %arg6[%dma_wait3A_1222, %dma_wait3A_1223, %dma_wait3A_1233, %dma_wait3A_1234, %dma_wait3A_1235] : memref<2x16x4x4x128xf32, #tpu.memory_space<vmem>> -> memref<1x1x4x4x128xf32, #tpu.memory_space<vmem>>
      %dma_wait3A_1237 = tpu.memref_squeeze %dma_wait3A_1236 : memref<1x1x4x4x128xf32, #tpu.memory_space<vmem>> -> memref<4x4x128xf32, #tpu.memory_space<vmem>>
      %dma_wait3A_1238 = arith.constant 0 : i32
      %dma_wait3A_1239 = arith.constant 0 : i32
      %dma_wait3A_1240 = arith.constant 0 : i32
      %dma_wait3A_1241 = tpu.memref_slice %arg2[%dma_wait3A_1238, %dma_wait3A_1239, %dma_wait3A_1240] : memref<4x4x1000000xf32, #tpu.memory_space<hbm>> -> memref<4x4x128xf32, #tpu.memory_space<hbm>>
      tpu.wait_dma2 semaphore(%arg8 : memref<!tpu.dma_semaphore, #tpu.memory_space<semaphore_mem>>) src(%dma_wait3A_1241 : memref<4x4x128xf32, #tpu.memory_space<hbm>>) dst(%dma_wait3A_1237 : memref<4x4x128xf32, #tpu.memory_space<vmem>>)
      %dma_wait3A_1242 = arith.constant 0 : i32
      %dma_wait3A_1243 = arith.constant 8 : i32
      %dma_wait3A_1244 = arith.constant 0 : i32
      %dma_wait3A_1245 = arith.constant 0 : i32
      %dma_wait3A_1246 = arith.constant 0 : i32
      %dma_wait3A_1247 = tpu.memref_slice %arg6[%dma_wait3A_1242, %dma_wait3A_1243, %dma_wait3A_1244, %dma_wait3A_1245, %dma_wait3A_1246] : memref<2x16x4x4x128xf32, #tpu.memory_space<vmem>> -> memref<1x1x4x4x128xf32, #tpu.memory_space<vmem>>
      %dma_wait3A_1248 = tpu.memref_squeeze %dma_wait3A_1247 : memref<1x1x4x4x128xf32, #tpu.memory_space<vmem>> -> memref<4x4x128xf32, #tpu.memory_space<vmem>>
      %dma_wait3A_1249 = arith.constant 0 : i32
      %dma_wait3A_1250 = arith.constant 0 : i32
      %dma_wait3A_1251 = arith.constant 0 : i32
      %dma_wait3A_1252 = tpu.memref_slice %arg2[%dma_wait3A_1249, %dma_wait3A_1250, %dma_wait3A_1251] : memref<4x4x1000000xf32, #tpu.memory_space<hbm>> -> memref<4x4x128xf32, #tpu.memory_space<hbm>>
      %dma_wait3A_1253 = arith.constant 0 : i32
      %dma_wait3A_1254 = arith.constant 0 : i32
      %dma_wait3A_1255 = arith.constant 0 : i32
      %dma_wait3A_1256 = tpu.memref_slice %arg6[%dma_wait3A_1242, %dma_wait3A_1243, %dma_wait3A_1253, %dma_wait3A_1254, %dma_wait3A_1255] : memref<2x16x4x4x128xf32, #tpu.memory_space<vmem>> -> memref<1x1x4x4x128xf32, #tpu.memory_space<vmem>>
      %dma_wait3A_1257 = tpu.memref_squeeze %dma_wait3A_1256 : memref<1x1x4x4x128xf32, #tpu.memory_space<vmem>> -> memref<4x4x128xf32, #tpu.memory_space<vmem>>
      %dma_wait3A_1258 = arith.constant 0 : i32
      %dma_wait3A_1259 = arith.constant 0 : i32
      %dma_wait3A_1260 = arith.constant 0 : i32
      %dma_wait3A_1261 = tpu.memref_slice %arg2[%dma_wait3A_1258, %dma_wait3A_1259, %dma_wait3A_1260] : memref<4x4x1000000xf32, #tpu.memory_space<hbm>> -> memref<4x4x128xf32, #tpu.memory_space<hbm>>
      tpu.wait_dma2 semaphore(%arg8 : memref<!tpu.dma_semaphore, #tpu.memory_space<semaphore_mem>>) src(%dma_wait3A_1261 : memref<4x4x128xf32, #tpu.memory_space<hbm>>) dst(%dma_wait3A_1257 : memref<4x4x128xf32, #tpu.memory_space<vmem>>)
      %dma_wait3A_1262 = arith.constant 0 : i32
      %dma_wait3A_1263 = arith.constant 9 : i32
      %dma_wait3A_1264 = arith.constant 0 : i32
      %dma_wait3A_1265 = arith.constant 0 : i32
      %dma_wait3A_1266 = arith.constant 0 : i32
      %dma_wait3A_1267 = tpu.memref_slice %arg6[%dma_wait3A_1262, %dma_wait3A_1263, %dma_wait3A_1264, %dma_wait3A_1265, %dma_wait3A_1266] : memref<2x16x4x4x128xf32, #tpu.memory_space<vmem>> -> memref<1x1x4x4x128xf32, #tpu.memory_space<vmem>>
      %dma_wait3A_1268 = tpu.memref_squeeze %dma_wait3A_1267 : memref<1x1x4x4x128xf32, #tpu.memory_space<vmem>> -> memref<4x4x128xf32, #tpu.memory_space<vmem>>
      %dma_wait3A_1269 = arith.constant 0 : i32
      %dma_wait3A_1270 = arith.constant 0 : i32
      %dma_wait3A_1271 = arith.constant 0 : i32
      %dma_wait3A_1272 = tpu.memref_slice %arg2[%dma_wait3A_1269, %dma_wait3A_1270, %dma_wait3A_1271] : memref<4x4x1000000xf32, #tpu.memory_space<hbm>> -> memref<4x4x128xf32, #tpu.memory_space<hbm>>
      %dma_wait3A_1273 = arith.constant 0 : i32
      %dma_wait3A_1274 = arith.constant 0 : i32
      %dma_wait3A_1275 = arith.constant 0 : i32
      %dma_wait3A_1276 = tpu.memref_slice %arg6[%dma_wait3A_1262, %dma_wait3A_1263, %dma_wait3A_1273, %dma_wait3A_1274, %dma_wait3A_1275] : memref<2x16x4x4x128xf32, #tpu.memory_space<vmem>> -> memref<1x1x4x4x128xf32, #tpu.memory_space<vmem>>
      %dma_wait3A_1277 = tpu.memref_squeeze %dma_wait3A_1276 : memref<1x1x4x4x128xf32, #tpu.memory_space<vmem>> -> memref<4x4x128xf32, #tpu.memory_space<vmem>>
      %dma_wait3A_1278 = arith.constant 0 : i32
      %dma_wait3A_1279 = arith.constant 0 : i32
      %dma_wait3A_1280 = arith.constant 0 : i32
      %dma_wait3A_1281 = tpu.memref_slice %arg2[%dma_wait3A_1278, %dma_wait3A_1279, %dma_wait3A_1280] : memref<4x4x1000000xf32, #tpu.memory_space<hbm>> -> memref<4x4x128xf32, #tpu.memory_space<hbm>>
      tpu.wait_dma2 semaphore(%arg8 : memref<!tpu.dma_semaphore, #tpu.memory_space<semaphore_mem>>) src(%dma_wait3A_1281 : memref<4x4x128xf32, #tpu.memory_space<hbm>>) dst(%dma_wait3A_1277 : memref<4x4x128xf32, #tpu.memory_space<vmem>>)
      %dma_wait3A_1282 = arith.constant 0 : i32
      %dma_wait3A_1283 = arith.constant 10 : i32
      %dma_wait3A_1284 = arith.constant 0 : i32
      %dma_wait3A_1285 = arith.constant 0 : i32
      %dma_wait3A_1286 = arith.constant 0 : i32
      %dma_wait3A_1287 = tpu.memref_slice %arg6[%dma_wait3A_1282, %dma_wait3A_1283, %dma_wait3A_1284, %dma_wait3A_1285, %dma_wait3A_1286] : memref<2x16x4x4x128xf32, #tpu.memory_space<vmem>> -> memref<1x1x4x4x128xf32, #tpu.memory_space<vmem>>
      %dma_wait3A_1288 = tpu.memref_squeeze %dma_wait3A_1287 : memref<1x1x4x4x128xf32, #tpu.memory_space<vmem>> -> memref<4x4x128xf32, #tpu.memory_space<vmem>>
      %dma_wait3A_1289 = arith.constant 0 : i32
      %dma_wait3A_1290 = arith.constant 0 : i32
      %dma_wait3A_1291 = arith.constant 0 : i32
      %dma_wait3A_1292 = tpu.memref_slice %arg2[%dma_wait3A_1289, %dma_wait3A_1290, %dma_wait3A_1291] : memref<4x4x1000000xf32, #tpu.memory_space<hbm>> -> memref<4x4x128xf32, #tpu.memory_space<hbm>>
      %dma_wait3A_1293 = arith.constant 0 : i32
      %dma_wait3A_1294 = arith.constant 0 : i32
      %dma_wait3A_1295 = arith.constant 0 : i32
      %dma_wait3A_1296 = tpu.memref_slice %arg6[%dma_wait3A_1282, %dma_wait3A_1283, %dma_wait3A_1293, %dma_wait3A_1294, %dma_wait3A_1295] : memref<2x16x4x4x128xf32, #tpu.memory_space<vmem>> -> memref<1x1x4x4x128xf32, #tpu.memory_space<vmem>>
      %dma_wait3A_1297 = tpu.memref_squeeze %dma_wait3A_1296 : memref<1x1x4x4x128xf32, #tpu.memory_space<vmem>> -> memref<4x4x128xf32, #tpu.memory_space<vmem>>
      %dma_wait3A_1298 = arith.constant 0 : i32
      %dma_wait3A_1299 = arith.constant 0 : i32
      %dma_wait3A_1300 = arith.constant 0 : i32
      %dma_wait3A_1301 = tpu.memref_slice %arg2[%dma_wait3A_1298, %dma_wait3A_1299, %dma_wait3A_1300] : memref<4x4x1000000xf32, #tpu.memory_space<hbm>> -> memref<4x4x128xf32, #tpu.memory_space<hbm>>
      tpu.wait_dma2 semaphore(%arg8 : memref<!tpu.dma_semaphore, #tpu.memory_space<semaphore_mem>>) src(%dma_wait3A_1301 : memref<4x4x128xf32, #tpu.memory_space<hbm>>) dst(%dma_wait3A_1297 : memref<4x4x128xf32, #tpu.memory_space<vmem>>)
      %dma_wait3A_1302 = arith.constant 0 : i32
      %dma_wait3A_1303 = arith.constant 11 : i32
      %dma_wait3A_1304 = arith.constant 0 : i32
      %dma_wait3A_1305 = arith.constant 0 : i32
      %dma_wait3A_1306 = arith.constant 0 : i32
      %dma_wait3A_1307 = tpu.memref_slice %arg6[%dma_wait3A_1302, %dma_wait3A_1303, %dma_wait3A_1304, %dma_wait3A_1305, %dma_wait3A_1306] : memref<2x16x4x4x128xf32, #tpu.memory_space<vmem>> -> memref<1x1x4x4x128xf32, #tpu.memory_space<vmem>>
      %dma_wait3A_1308 = tpu.memref_squeeze %dma_wait3A_1307 : memref<1x1x4x4x128xf32, #tpu.memory_space<vmem>> -> memref<4x4x128xf32, #tpu.memory_space<vmem>>
      %dma_wait3A_1309 = arith.constant 0 : i32
      %dma_wait3A_1310 = arith.constant 0 : i32
      %dma_wait3A_1311 = arith.constant 0 : i32
      %dma_wait3A_1312 = tpu.memref_slice %arg2[%dma_wait3A_1309, %dma_wait3A_1310, %dma_wait3A_1311] : memref<4x4x1000000xf32, #tpu.memory_space<hbm>> -> memref<4x4x128xf32, #tpu.memory_space<hbm>>
      %dma_wait3A_1313 = arith.constant 0 : i32
      %dma_wait3A_1314 = arith.constant 0 : i32
      %dma_wait3A_1315 = arith.constant 0 : i32
      %dma_wait3A_1316 = tpu.memref_slice %arg6[%dma_wait3A_1302, %dma_wait3A_1303, %dma_wait3A_1313, %dma_wait3A_1314, %dma_wait3A_1315] : memref<2x16x4x4x128xf32, #tpu.memory_space<vmem>> -> memref<1x1x4x4x128xf32, #tpu.memory_space<vmem>>
      %dma_wait3A_1317 = tpu.memref_squeeze %dma_wait3A_1316 : memref<1x1x4x4x128xf32, #tpu.memory_space<vmem>> -> memref<4x4x128xf32, #tpu.memory_space<vmem>>
      %dma_wait3A_1318 = arith.constant 0 : i32
      %dma_wait3A_1319 = arith.constant 0 : i32
      %dma_wait3A_1320 = arith.constant 0 : i32
      %dma_wait3A_1321 = tpu.memref_slice %arg2[%dma_wait3A_1318, %dma_wait3A_1319, %dma_wait3A_1320] : memref<4x4x1000000xf32, #tpu.memory_space<hbm>> -> memref<4x4x128xf32, #tpu.memory_space<hbm>>
      tpu.wait_dma2 semaphore(%arg8 : memref<!tpu.dma_semaphore, #tpu.memory_space<semaphore_mem>>) src(%dma_wait3A_1321 : memref<4x4x128xf32, #tpu.memory_space<hbm>>) dst(%dma_wait3A_1317 : memref<4x4x128xf32, #tpu.memory_space<vmem>>)
      %dma_wait3A_1322 = arith.constant 0 : i32
      %dma_wait3A_1323 = arith.constant 12 : i32
      %dma_wait3A_1324 = arith.constant 0 : i32
      %dma_wait3A_1325 = arith.constant 0 : i32
      %dma_wait3A_1326 = arith.constant 0 : i32
      %dma_wait3A_1327 = tpu.memref_slice %arg6[%dma_wait3A_1322, %dma_wait3A_1323, %dma_wait3A_1324, %dma_wait3A_1325, %dma_wait3A_1326] : memref<2x16x4x4x128xf32, #tpu.memory_space<vmem>> -> memref<1x1x4x4x128xf32, #tpu.memory_space<vmem>>
      %dma_wait3A_1328 = tpu.memref_squeeze %dma_wait3A_1327 : memref<1x1x4x4x128xf32, #tpu.memory_space<vmem>> -> memref<4x4x128xf32, #tpu.memory_space<vmem>>
      %dma_wait3A_1329 = arith.constant 0 : i32
      %dma_wait3A_1330 = arith.constant 0 : i32
      %dma_wait3A_1331 = arith.constant 0 : i32
      %dma_wait3A_1332 = tpu.memref_slice %arg2[%dma_wait3A_1329, %dma_wait3A_1330, %dma_wait3A_1331] : memref<4x4x1000000xf32, #tpu.memory_space<hbm>> -> memref<4x4x128xf32, #tpu.memory_space<hbm>>
      %dma_wait3A_1333 = arith.constant 0 : i32
      %dma_wait3A_1334 = arith.constant 0 : i32
      %dma_wait3A_1335 = arith.constant 0 : i32
      %dma_wait3A_1336 = tpu.memref_slice %arg6[%dma_wait3A_1322, %dma_wait3A_1323, %dma_wait3A_1333, %dma_wait3A_1334, %dma_wait3A_1335] : memref<2x16x4x4x128xf32, #tpu.memory_space<vmem>> -> memref<1x1x4x4x128xf32, #tpu.memory_space<vmem>>
      %dma_wait3A_1337 = tpu.memref_squeeze %dma_wait3A_1336 : memref<1x1x4x4x128xf32, #tpu.memory_space<vmem>> -> memref<4x4x128xf32, #tpu.memory_space<vmem>>
      %dma_wait3A_1338 = arith.constant 0 : i32
      %dma_wait3A_1339 = arith.constant 0 : i32
      %dma_wait3A_1340 = arith.constant 0 : i32
      %dma_wait3A_1341 = tpu.memref_slice %arg2[%dma_wait3A_1338, %dma_wait3A_1339, %dma_wait3A_1340] : memref<4x4x1000000xf32, #tpu.memory_space<hbm>> -> memref<4x4x128xf32, #tpu.memory_space<hbm>>
      tpu.wait_dma2 semaphore(%arg8 : memref<!tpu.dma_semaphore, #tpu.memory_space<semaphore_mem>>) src(%dma_wait3A_1341 : memref<4x4x128xf32, #tpu.memory_space<hbm>>) dst(%dma_wait3A_1337 : memref<4x4x128xf32, #tpu.memory_space<vmem>>)
      %dma_wait3A_1342 = arith.constant 0 : i32
      %dma_wait3A_1343 = arith.constant 13 : i32
      %dma_wait3A_1344 = arith.constant 0 : i32
      %dma_wait3A_1345 = arith.constant 0 : i32
      %dma_wait3A_1346 = arith.constant 0 : i32
      %dma_wait3A_1347 = tpu.memref_slice %arg6[%dma_wait3A_1342, %dma_wait3A_1343, %dma_wait3A_1344, %dma_wait3A_1345, %dma_wait3A_1346] : memref<2x16x4x4x128xf32, #tpu.memory_space<vmem>> -> memref<1x1x4x4x128xf32, #tpu.memory_space<vmem>>
      %dma_wait3A_1348 = tpu.memref_squeeze %dma_wait3A_1347 : memref<1x1x4x4x128xf32, #tpu.memory_space<vmem>> -> memref<4x4x128xf32, #tpu.memory_space<vmem>>
      %dma_wait3A_1349 = arith.constant 0 : i32
      %dma_wait3A_1350 = arith.constant 0 : i32
      %dma_wait3A_1351 = arith.constant 0 : i32
      %dma_wait3A_1352 = tpu.memref_slice %arg2[%dma_wait3A_1349, %dma_wait3A_1350, %dma_wait3A_1351] : memref<4x4x1000000xf32, #tpu.memory_space<hbm>> -> memref<4x4x128xf32, #tpu.memory_space<hbm>>
      %dma_wait3A_1353 = arith.constant 0 : i32
      %dma_wait3A_1354 = arith.constant 0 : i32
      %dma_wait3A_1355 = arith.constant 0 : i32
      %dma_wait3A_1356 = tpu.memref_slice %arg6[%dma_wait3A_1342, %dma_wait3A_1343, %dma_wait3A_1353, %dma_wait3A_1354, %dma_wait3A_1355] : memref<2x16x4x4x128xf32, #tpu.memory_space<vmem>> -> memref<1x1x4x4x128xf32, #tpu.memory_space<vmem>>
      %dma_wait3A_1357 = tpu.memref_squeeze %dma_wait3A_1356 : memref<1x1x4x4x128xf32, #tpu.memory_space<vmem>> -> memref<4x4x128xf32, #tpu.memory_space<vmem>>
      %dma_wait3A_1358 = arith.constant 0 : i32
      %dma_wait3A_1359 = arith.constant 0 : i32
      %dma_wait3A_1360 = arith.constant 0 : i32
      %dma_wait3A_1361 = tpu.memref_slice %arg2[%dma_wait3A_1358, %dma_wait3A_1359, %dma_wait3A_1360] : memref<4x4x1000000xf32, #tpu.memory_space<hbm>> -> memref<4x4x128xf32, #tpu.memory_space<hbm>>
      tpu.wait_dma2 semaphore(%arg8 : memref<!tpu.dma_semaphore, #tpu.memory_space<semaphore_mem>>) src(%dma_wait3A_1361 : memref<4x4x128xf32, #tpu.memory_space<hbm>>) dst(%dma_wait3A_1357 : memref<4x4x128xf32, #tpu.memory_space<vmem>>)
      %dma_wait3A_1362 = arith.constant 0 : i32
      %dma_wait3A_1363 = arith.constant 14 : i32
      %dma_wait3A_1364 = arith.constant 0 : i32
      %dma_wait3A_1365 = arith.constant 0 : i32
      %dma_wait3A_1366 = arith.constant 0 : i32
      %dma_wait3A_1367 = tpu.memref_slice %arg6[%dma_wait3A_1362, %dma_wait3A_1363, %dma_wait3A_1364, %dma_wait3A_1365, %dma_wait3A_1366] : memref<2x16x4x4x128xf32, #tpu.memory_space<vmem>> -> memref<1x1x4x4x128xf32, #tpu.memory_space<vmem>>
      %dma_wait3A_1368 = tpu.memref_squeeze %dma_wait3A_1367 : memref<1x1x4x4x128xf32, #tpu.memory_space<vmem>> -> memref<4x4x128xf32, #tpu.memory_space<vmem>>
      %dma_wait3A_1369 = arith.constant 0 : i32
      %dma_wait3A_1370 = arith.constant 0 : i32
      %dma_wait3A_1371 = arith.constant 0 : i32
      %dma_wait3A_1372 = tpu.memref_slice %arg2[%dma_wait3A_1369, %dma_wait3A_1370, %dma_wait3A_1371] : memref<4x4x1000000xf32, #tpu.memory_space<hbm>> -> memref<4x4x128xf32, #tpu.memory_space<hbm>>
      %dma_wait3A_1373 = arith.constant 0 : i32
      %dma_wait3A_1374 = arith.constant 0 : i32
      %dma_wait3A_1375 = arith.constant 0 : i32
      %dma_wait3A_1376 = tpu.memref_slice %arg6[%dma_wait3A_1362, %dma_wait3A_1363, %dma_wait3A_1373, %dma_wait3A_1374, %dma_wait3A_1375] : memref<2x16x4x4x128xf32, #tpu.memory_space<vmem>> -> memref<1x1x4x4x128xf32, #tpu.memory_space<vmem>>
      %dma_wait3A_1377 = tpu.memref_squeeze %dma_wait3A_1376 : memref<1x1x4x4x128xf32, #tpu.memory_space<vmem>> -> memref<4x4x128xf32, #tpu.memory_space<vmem>>
      %dma_wait3A_1378 = arith.constant 0 : i32
      %dma_wait3A_1379 = arith.constant 0 : i32
      %dma_wait3A_1380 = arith.constant 0 : i32
      %dma_wait3A_1381 = tpu.memref_slice %arg2[%dma_wait3A_1378, %dma_wait3A_1379, %dma_wait3A_1380] : memref<4x4x1000000xf32, #tpu.memory_space<hbm>> -> memref<4x4x128xf32, #tpu.memory_space<hbm>>
      tpu.wait_dma2 semaphore(%arg8 : memref<!tpu.dma_semaphore, #tpu.memory_space<semaphore_mem>>) src(%dma_wait3A_1381 : memref<4x4x128xf32, #tpu.memory_space<hbm>>) dst(%dma_wait3A_1377 : memref<4x4x128xf32, #tpu.memory_space<vmem>>)
      %dma_wait3A_1382 = arith.constant 0 : i32
      %dma_wait3A_1383 = arith.constant 15 : i32
      %dma_wait3A_1384 = arith.constant 0 : i32
      %dma_wait3A_1385 = arith.constant 0 : i32
      %dma_wait3A_1386 = arith.constant 0 : i32
      %dma_wait3A_1387 = tpu.memref_slice %arg6[%dma_wait3A_1382, %dma_wait3A_1383, %dma_wait3A_1384, %dma_wait3A_1385, %dma_wait3A_1386] : memref<2x16x4x4x128xf32, #tpu.memory_space<vmem>> -> memref<1x1x4x4x128xf32, #tpu.memory_space<vmem>>
      %dma_wait3A_1388 = tpu.memref_squeeze %dma_wait3A_1387 : memref<1x1x4x4x128xf32, #tpu.memory_space<vmem>> -> memref<4x4x128xf32, #tpu.memory_space<vmem>>
      %dma_wait3A_1389 = arith.constant 0 : i32
      %dma_wait3A_1390 = arith.constant 0 : i32
      %dma_wait3A_1391 = arith.constant 0 : i32
      %dma_wait3A_1392 = tpu.memref_slice %arg2[%dma_wait3A_1389, %dma_wait3A_1390, %dma_wait3A_1391] : memref<4x4x1000000xf32, #tpu.memory_space<hbm>> -> memref<4x4x128xf32, #tpu.memory_space<hbm>>
      %dma_wait3A_1393 = arith.constant 0 : i32
      %dma_wait3A_1394 = arith.constant 0 : i32
      %dma_wait3A_1395 = arith.constant 0 : i32
      %dma_wait3A_1396 = tpu.memref_slice %arg6[%dma_wait3A_1382, %dma_wait3A_1383, %dma_wait3A_1393, %dma_wait3A_1394, %dma_wait3A_1395] : memref<2x16x4x4x128xf32, #tpu.memory_space<vmem>> -> memref<1x1x4x4x128xf32, #tpu.memory_space<vmem>>
      %dma_wait3A_1397 = tpu.memref_squeeze %dma_wait3A_1396 : memref<1x1x4x4x128xf32, #tpu.memory_space<vmem>> -> memref<4x4x128xf32, #tpu.memory_space<vmem>>
      %dma_wait3A_1398 = arith.constant 0 : i32
      %dma_wait3A_1399 = arith.constant 0 : i32
      %dma_wait3A_1400 = arith.constant 0 : i32
      %dma_wait3A_1401 = tpu.memref_slice %arg2[%dma_wait3A_1398, %dma_wait3A_1399, %dma_wait3A_1400] : memref<4x4x1000000xf32, #tpu.memory_space<hbm>> -> memref<4x4x128xf32, #tpu.memory_space<hbm>>
      tpu.wait_dma2 semaphore(%arg8 : memref<!tpu.dma_semaphore, #tpu.memory_space<semaphore_mem>>) src(%dma_wait3A_1401 : memref<4x4x128xf32, #tpu.memory_space<hbm>>) dst(%dma_wait3A_1397 : memref<4x4x128xf32, #tpu.memory_space<vmem>>)
      %mul3A_1402 = arith.constant 16 : i32
      %mul3A_1403 = arith.muli %mul3A_542, %mul3A_1402 : i32
      %get3A_1404 = arith.index_cast %mul3A_1403 : i32 to index
      %get3A_1405 = tpu.vector_load %arg5[%get3A_1404] {strides = array<i32>} : memref<512xi32, #tpu.memory_space<vmem>>, vector<16xi32>,
      %rem3A_1406 = arith.constant 128 : i32
      %rem3A_1407 = vector.broadcast %rem3A_1406 : i32 to vector<16xi32>
      %rem3A_1408 = arith.remsi %get3A_1405, %rem3A_1407 : vector<16xi32>
      %eq3A_1409 = arith.constant 0 : i32
      %eq3A_1410 = vector.broadcast %eq3A_1409 : i32 to vector<16xi32>
      %eq3A_1411 = arith.cmpi eq, %iota3A, %eq3A_1410 : vector<16xi32>
      %jit3A_1412 = arith.constant 0 : i32
      %broadcast_in_dim3A_1413 = vector.broadcast %jit3A_1412 : i32 to vector<16xi32>
      %select_n3A_1414 = arith.select %eq3A_1411, %rem3A_1408, %broadcast_in_dim3A_1413 : vector<16xi1>, vector<16xi32>
      %reduce_max3A_1415 = arith.constant true
      %reduce_max3A_1416 = vector.broadcast %reduce_max3A_1415 : i1 to vector<16xi1>
      %reduce_max3A_1417 = arith.constant -2147483648 : i32
      %reduce_max3A_1418 = vector.broadcast %reduce_max3A_1417 : i32 to vector<16xi32>
      %reduce_max3A_1419 = arith.xori %select_n3A_1414, %reduce_max3A_1418 : vector<16xi32>
      %reduce_max3A_1420 = tpu.scan <max>, %reduce_max3A_1419 masked %reduce_max3A_1416 : vector<16xi32>, vector<16xi1> -> vector<16xi32>
      %reduce_max3A_1421 = arith.xori %reduce_max3A_1420, %reduce_max3A_1418 : vector<16xi32>
      %reduce_max3A_1422 = vector.extract %reduce_max3A_1421[15] : i32 from vector<16xi32>
      %broadcast_in_dim3A_1423 = vector.broadcast %reduce_max3A_1422 : i32 to vector<16xi32>
      %broadcast_in_dim3A_1424 = arith.constant 0 : i32
      %broadcast_in_dim3A_1425 = vector.broadcast %broadcast_in_dim3A_1424 : i32 to vector<16xi32>
      %broadcast_in_dim3A_1426 = arith.constant 0 : i32
      %broadcast_in_dim3A_1427 = vector.broadcast %broadcast_in_dim3A_1426 : i32 to vector<16xi32>
      %gather3A = tpu.vector_load_idx %arg6[%broadcast_in_dim3A_1425, %broadcast_in_dim3A_1427, %div3A_4, %rem3A_6, %broadcast_in_dim3A_1423] : memref<2x16x4x4x128xf32, #tpu.memory_space<vmem>>[vector<16xi32>, vector<16xi32>, vector<16xi32>, vector<16xi32>, vector<16xi32>], vector<16xf32>,
      %mul3A_1428 = arith.constant 16 : i32
      %mul3A_1429 = arith.muli %mul3A_542, %mul3A_1428 : i32
      %add3A_1430 = arith.constant 0 : i32
      %add3A_1431 = arith.addi %mul3A_1429, %add3A_1430 : i32
      %broadcast_in_dim3A_1432 = vector.broadcast %add3A_1431 : i32 to vector<16xi32>
      tpu.vector_store_idx %arg7[%div3A_4, %rem3A_6, %broadcast_in_dim3A_1432], %gather3A : memref<4x4x512xf32, #tpu.memory_space<vmem>>[vector<16xi32>, vector<16xi32>, vector<16xi32>], vector<16xf32>,
      %eq3A_1433 = arith.constant 1 : i32
      %eq3A_1434 = vector.broadcast %eq3A_1433 : i32 to vector<16xi32>
      %eq3A_1435 = arith.cmpi eq, %iota3A, %eq3A_1434 : vector<16xi32>
      %jit3A_1436 = arith.constant 0 : i32
      %broadcast_in_dim3A_1437 = vector.broadcast %jit3A_1436 : i32 to vector<16xi32>
      %select_n3A_1438 = arith.select %eq3A_1435, %rem3A_1408, %broadcast_in_dim3A_1437 : vector<16xi1>, vector<16xi32>
      %reduce_max3A_1439 = arith.constant true
      %reduce_max3A_1440 = vector.broadcast %reduce_max3A_1439 : i1 to vector<16xi1>
      %reduce_max3A_1441 = arith.constant -2147483648 : i32
      %reduce_max3A_1442 = vector.broadcast %reduce_max3A_1441 : i32 to vector<16xi32>
      %reduce_max3A_1443 = arith.xori %select_n3A_1438, %reduce_max3A_1442 : vector<16xi32>
      %reduce_max3A_1444 = tpu.scan <max>, %reduce_max3A_1443 masked %reduce_max3A_1440 : vector<16xi32>, vector<16xi1> -> vector<16xi32>
      %reduce_max3A_1445 = arith.xori %reduce_max3A_1444, %reduce_max3A_1442 : vector<16xi32>
      %reduce_max3A_1446 = vector.extract %reduce_max3A_1445[15] : i32 from vector<16xi32>
      %broadcast_in_dim3A_1447 = vector.broadcast %reduce_max3A_1446 : i32 to vector<16xi32>
      %broadcast_in_dim3A_1448 = arith.constant 0 : i32
      %broadcast_in_dim3A_1449 = vector.broadcast %broadcast_in_dim3A_1448 : i32 to vector<16xi32>
      %broadcast_in_dim3A_1450 = arith.constant 1 : i32
      %broadcast_in_dim3A_1451 = vector.broadcast %broadcast_in_dim3A_1450 : i32 to vector<16xi32>
      %gather3A_1452 = tpu.vector_load_idx %arg6[%broadcast_in_dim3A_1449, %broadcast_in_dim3A_1451, %div3A_4, %rem3A_6, %broadcast_in_dim3A_1447] : memref<2x16x4x4x128xf32, #tpu.memory_space<vmem>>[vector<16xi32>, vector<16xi32>, vector<16xi32>, vector<16xi32>, vector<16xi32>], vector<16xf32>,
      %mul3A_1453 = arith.constant 16 : i32
      %mul3A_1454 = arith.muli %mul3A_542, %mul3A_1453 : i32
      %add3A_1455 = arith.constant 1 : i32
      %add3A_1456 = arith.addi %mul3A_1454, %add3A_1455 : i32
      %broadcast_in_dim3A_1457 = vector.broadcast %add3A_1456 : i32 to vector<16xi32>
      tpu.vector_store_idx %arg7[%div3A_4, %rem3A_6, %broadcast_in_dim3A_1457], %gather3A_1452 : memref<4x4x512xf32, #tpu.memory_space<vmem>>[vector<16xi32>, vector<16xi32>, vector<16xi32>], vector<16xf32>,
      %eq3A_1458 = arith.constant 2 : i32
      %eq3A_1459 = vector.broadcast %eq3A_1458 : i32 to vector<16xi32>
      %eq3A_1460 = arith.cmpi eq, %iota3A, %eq3A_1459 : vector<16xi32>
      %jit3A_1461 = arith.constant 0 : i32
      %broadcast_in_dim3A_1462 = vector.broadcast %jit3A_1461 : i32 to vector<16xi32>
      %select_n3A_1463 = arith.select %eq3A_1460, %rem3A_1408, %broadcast_in_dim3A_1462 : vector<16xi1>, vector<16xi32>
      %reduce_max3A_1464 = arith.constant true
      %reduce_max3A_1465 = vector.broadcast %reduce_max3A_1464 : i1 to vector<16xi1>
      %reduce_max3A_1466 = arith.constant -2147483648 : i32
      %reduce_max3A_1467 = vector.broadcast %reduce_max3A_1466 : i32 to vector<16xi32>
      %reduce_max3A_1468 = arith.xori %select_n3A_1463, %reduce_max3A_1467 : vector<16xi32>
      %reduce_max3A_1469 = tpu.scan <max>, %reduce_max3A_1468 masked %reduce_max3A_1465 : vector<16xi32>, vector<16xi1> -> vector<16xi32>
      %reduce_max3A_1470 = arith.xori %reduce_max3A_1469, %reduce_max3A_1467 : vector<16xi32>
      %reduce_max3A_1471 = vector.extract %reduce_max3A_1470[15] : i32 from vector<16xi32>
      %broadcast_in_dim3A_1472 = vector.broadcast %reduce_max3A_1471 : i32 to vector<16xi32>
      %broadcast_in_dim3A_1473 = arith.constant 0 : i32
      %broadcast_in_dim3A_1474 = vector.broadcast %broadcast_in_dim3A_1473 : i32 to vector<16xi32>
      %broadcast_in_dim3A_1475 = arith.constant 2 : i32
      %broadcast_in_dim3A_1476 = vector.broadcast %broadcast_in_dim3A_1475 : i32 to vector<16xi32>
      %gather3A_1477 = tpu.vector_load_idx %arg6[%broadcast_in_dim3A_1474, %broadcast_in_dim3A_1476, %div3A_4, %rem3A_6, %broadcast_in_dim3A_1472] : memref<2x16x4x4x128xf32, #tpu.memory_space<vmem>>[vector<16xi32>, vector<16xi32>, vector<16xi32>, vector<16xi32>, vector<16xi32>], vector<16xf32>,
      %mul3A_1478 = arith.constant 16 : i32
      %mul3A_1479 = arith.muli %mul3A_542, %mul3A_1478 : i32
      %add3A_1480 = arith.constant 2 : i32
      %add3A_1481 = arith.addi %mul3A_1479, %add3A_1480 : i32
      %broadcast_in_dim3A_1482 = vector.broadcast %add3A_1481 : i32 to vector<16xi32>
      tpu.vector_store_idx %arg7[%div3A_4, %rem3A_6, %broadcast_in_dim3A_1482], %gather3A_1477 : memref<4x4x512xf32, #tpu.memory_space<vmem>>[vector<16xi32>, vector<16xi32>, vector<16xi32>], vector<16xf32>,
      %eq3A_1483 = arith.constant 3 : i32
      %eq3A_1484 = vector.broadcast %eq3A_1483 : i32 to vector<16xi32>
      %eq3A_1485 = arith.cmpi eq, %iota3A, %eq3A_1484 : vector<16xi32>
      %jit3A_1486 = arith.constant 0 : i32
      %broadcast_in_dim3A_1487 = vector.broadcast %jit3A_1486 : i32 to vector<16xi32>
      %select_n3A_1488 = arith.select %eq3A_1485, %rem3A_1408, %broadcast_in_dim3A_1487 : vector<16xi1>, vector<16xi32>
      %reduce_max3A_1489 = arith.constant true
      %reduce_max3A_1490 = vector.broadcast %reduce_max3A_1489 : i1 to vector<16xi1>
      %reduce_max3A_1491 = arith.constant -2147483648 : i32
      %reduce_max3A_1492 = vector.broadcast %reduce_max3A_1491 : i32 to vector<16xi32>
      %reduce_max3A_1493 = arith.xori %select_n3A_1488, %reduce_max3A_1492 : vector<16xi32>
      %reduce_max3A_1494 = tpu.scan <max>, %reduce_max3A_1493 masked %reduce_max3A_1490 : vector<16xi32>, vector<16xi1> -> vector<16xi32>
      %reduce_max3A_1495 = arith.xori %reduce_max3A_1494, %reduce_max3A_1492 : vector<16xi32>
      %reduce_max3A_1496 = vector.extract %reduce_max3A_1495[15] : i32 from vector<16xi32>
      %broadcast_in_dim3A_1497 = vector.broadcast %reduce_max3A_1496 : i32 to vector<16xi32>
      %broadcast_in_dim3A_1498 = arith.constant 0 : i32
      %broadcast_in_dim3A_1499 = vector.broadcast %broadcast_in_dim3A_1498 : i32 to vector<16xi32>
      %broadcast_in_dim3A_1500 = arith.constant 3 : i32
      %broadcast_in_dim3A_1501 = vector.broadcast %broadcast_in_dim3A_1500 : i32 to vector<16xi32>
      %gather3A_1502 = tpu.vector_load_idx %arg6[%broadcast_in_dim3A_1499, %broadcast_in_dim3A_1501, %div3A_4, %rem3A_6, %broadcast_in_dim3A_1497] : memref<2x16x4x4x128xf32, #tpu.memory_space<vmem>>[vector<16xi32>, vector<16xi32>, vector<16xi32>, vector<16xi32>, vector<16xi32>], vector<16xf32>,
      %mul3A_1503 = arith.constant 16 : i32
      %mul3A_1504 = arith.muli %mul3A_542, %mul3A_1503 : i32
      %add3A_1505 = arith.constant 3 : i32
      %add3A_1506 = arith.addi %mul3A_1504, %add3A_1505 : i32
      %broadcast_in_dim3A_1507 = vector.broadcast %add3A_1506 : i32 to vector<16xi32>
      tpu.vector_store_idx %arg7[%div3A_4, %rem3A_6, %broadcast_in_dim3A_1507], %gather3A_1502 : memref<4x4x512xf32, #tpu.memory_space<vmem>>[vector<16xi32>, vector<16xi32>, vector<16xi32>], vector<16xf32>,
      %eq3A_1508 = arith.constant 4 : i32
      %eq3A_1509 = vector.broadcast %eq3A_1508 : i32 to vector<16xi32>
      %eq3A_1510 = arith.cmpi eq, %iota3A, %eq3A_1509 : vector<16xi32>
      %jit3A_1511 = arith.constant 0 : i32
      %broadcast_in_dim3A_1512 = vector.broadcast %jit3A_1511 : i32 to vector<16xi32>
      %select_n3A_1513 = arith.select %eq3A_1510, %rem3A_1408, %broadcast_in_dim3A_1512 : vector<16xi1>, vector<16xi32>
      %reduce_max3A_1514 = arith.constant true
      %reduce_max3A_1515 = vector.broadcast %reduce_max3A_1514 : i1 to vector<16xi1>
      %reduce_max3A_1516 = arith.constant -2147483648 : i32
      %reduce_max3A_1517 = vector.broadcast %reduce_max3A_1516 : i32 to vector<16xi32>
      %reduce_max3A_1518 = arith.xori %select_n3A_1513, %reduce_max3A_1517 : vector<16xi32>
      %reduce_max3A_1519 = tpu.scan <max>, %reduce_max3A_1518 masked %reduce_max3A_1515 : vector<16xi32>, vector<16xi1> -> vector<16xi32>
      %reduce_max3A_1520 = arith.xori %reduce_max3A_1519, %reduce_max3A_1517 : vector<16xi32>
      %reduce_max3A_1521 = vector.extract %reduce_max3A_1520[15] : i32 from vector<16xi32>
      %broadcast_in_dim3A_1522 = vector.broadcast %reduce_max3A_1521 : i32 to vector<16xi32>
      %broadcast_in_dim3A_1523 = arith.constant 0 : i32
      %broadcast_in_dim3A_1524 = vector.broadcast %broadcast_in_dim3A_1523 : i32 to vector<16xi32>
      %broadcast_in_dim3A_1525 = arith.constant 4 : i32
      %broadcast_in_dim3A_1526 = vector.broadcast %broadcast_in_dim3A_1525 : i32 to vector<16xi32>
      %gather3A_1527 = tpu.vector_load_idx %arg6[%broadcast_in_dim3A_1524, %broadcast_in_dim3A_1526, %div3A_4, %rem3A_6, %broadcast_in_dim3A_1522] : memref<2x16x4x4x128xf32, #tpu.memory_space<vmem>>[vector<16xi32>, vector<16xi32>, vector<16xi32>, vector<16xi32>, vector<16xi32>], vector<16xf32>,
      %mul3A_1528 = arith.constant 16 : i32
      %mul3A_1529 = arith.muli %mul3A_542, %mul3A_1528 : i32
      %add3A_1530 = arith.constant 4 : i32
      %add3A_1531 = arith.addi %mul3A_1529, %add3A_1530 : i32
      %broadcast_in_dim3A_1532 = vector.broadcast %add3A_1531 : i32 to vector<16xi32>
      tpu.vector_store_idx %arg7[%div3A_4, %rem3A_6, %broadcast_in_dim3A_1532], %gather3A_1527 : memref<4x4x512xf32, #tpu.memory_space<vmem>>[vector<16xi32>, vector<16xi32>, vector<16xi32>], vector<16xf32>,
      %eq3A_1533 = arith.constant 5 : i32
      %eq3A_1534 = vector.broadcast %eq3A_1533 : i32 to vector<16xi32>
      %eq3A_1535 = arith.cmpi eq, %iota3A, %eq3A_1534 : vector<16xi32>
      %jit3A_1536 = arith.constant 0 : i32
      %broadcast_in_dim3A_1537 = vector.broadcast %jit3A_1536 : i32 to vector<16xi32>
      %select_n3A_1538 = arith.select %eq3A_1535, %rem3A_1408, %broadcast_in_dim3A_1537 : vector<16xi1>, vector<16xi32>
      %reduce_max3A_1539 = arith.constant true
      %reduce_max3A_1540 = vector.broadcast %reduce_max3A_1539 : i1 to vector<16xi1>
      %reduce_max3A_1541 = arith.constant -2147483648 : i32
      %reduce_max3A_1542 = vector.broadcast %reduce_max3A_1541 : i32 to vector<16xi32>
      %reduce_max3A_1543 = arith.xori %select_n3A_1538, %reduce_max3A_1542 : vector<16xi32>
      %reduce_max3A_1544 = tpu.scan <max>, %reduce_max3A_1543 masked %reduce_max3A_1540 : vector<16xi32>, vector<16xi1> -> vector<16xi32>
      %reduce_max3A_1545 = arith.xori %reduce_max3A_1544, %reduce_max3A_1542 : vector<16xi32>
      %reduce_max3A_1546 = vector.extract %reduce_max3A_1545[15] : i32 from vector<16xi32>
      %broadcast_in_dim3A_1547 = vector.broadcast %reduce_max3A_1546 : i32 to vector<16xi32>
      %broadcast_in_dim3A_1548 = arith.constant 0 : i32
      %broadcast_in_dim3A_1549 = vector.broadcast %broadcast_in_dim3A_1548 : i32 to vector<16xi32>
      %broadcast_in_dim3A_1550 = arith.constant 5 : i32
      %broadcast_in_dim3A_1551 = vector.broadcast %broadcast_in_dim3A_1550 : i32 to vector<16xi32>
      %gather3A_1552 = tpu.vector_load_idx %arg6[%broadcast_in_dim3A_1549, %broadcast_in_dim3A_1551, %div3A_4, %rem3A_6, %broadcast_in_dim3A_1547] : memref<2x16x4x4x128xf32, #tpu.memory_space<vmem>>[vector<16xi32>, vector<16xi32>, vector<16xi32>, vector<16xi32>, vector<16xi32>], vector<16xf32>,
      %mul3A_1553 = arith.constant 16 : i32
      %mul3A_1554 = arith.muli %mul3A_542, %mul3A_1553 : i32
      %add3A_1555 = arith.constant 5 : i32
      %add3A_1556 = arith.addi %mul3A_1554, %add3A_1555 : i32
      %broadcast_in_dim3A_1557 = vector.broadcast %add3A_1556 : i32 to vector<16xi32>
      tpu.vector_store_idx %arg7[%div3A_4, %rem3A_6, %broadcast_in_dim3A_1557], %gather3A_1552 : memref<4x4x512xf32, #tpu.memory_space<vmem>>[vector<16xi32>, vector<16xi32>, vector<16xi32>], vector<16xf32>,
      %eq3A_1558 = arith.constant 6 : i32
      %eq3A_1559 = vector.broadcast %eq3A_1558 : i32 to vector<16xi32>
      %eq3A_1560 = arith.cmpi eq, %iota3A, %eq3A_1559 : vector<16xi32>
      %jit3A_1561 = arith.constant 0 : i32
      %broadcast_in_dim3A_1562 = vector.broadcast %jit3A_1561 : i32 to vector<16xi32>
      %select_n3A_1563 = arith.select %eq3A_1560, %rem3A_1408, %broadcast_in_dim3A_1562 : vector<16xi1>, vector<16xi32>
      %reduce_max3A_1564 = arith.constant true
      %reduce_max3A_1565 = vector.broadcast %reduce_max3A_1564 : i1 to vector<16xi1>
      %reduce_max3A_1566 = arith.constant -2147483648 : i32
      %reduce_max3A_1567 = vector.broadcast %reduce_max3A_1566 : i32 to vector<16xi32>
      %reduce_max3A_1568 = arith.xori %select_n3A_1563, %reduce_max3A_1567 : vector<16xi32>
      %reduce_max3A_1569 = tpu.scan <max>, %reduce_max3A_1568 masked %reduce_max3A_1565 : vector<16xi32>, vector<16xi1> -> vector<16xi32>
      %reduce_max3A_1570 = arith.xori %reduce_max3A_1569, %reduce_max3A_1567 : vector<16xi32>
      %reduce_max3A_1571 = vector.extract %reduce_max3A_1570[15] : i32 from vector<16xi32>
      %broadcast_in_dim3A_1572 = vector.broadcast %reduce_max3A_1571 : i32 to vector<16xi32>
      %broadcast_in_dim3A_1573 = arith.constant 0 : i32
      %broadcast_in_dim3A_1574 = vector.broadcast %broadcast_in_dim3A_1573 : i32 to vector<16xi32>
      %broadcast_in_dim3A_1575 = arith.constant 6 : i32
      %broadcast_in_dim3A_1576 = vector.broadcast %broadcast_in_dim3A_1575 : i32 to vector<16xi32>
      %gather3A_1577 = tpu.vector_load_idx %arg6[%broadcast_in_dim3A_1574, %broadcast_in_dim3A_1576, %div3A_4, %rem3A_6, %broadcast_in_dim3A_1572] : memref<2x16x4x4x128xf32, #tpu.memory_space<vmem>>[vector<16xi32>, vector<16xi32>, vector<16xi32>, vector<16xi32>, vector<16xi32>], vector<16xf32>,
      %mul3A_1578 = arith.constant 16 : i32
      %mul3A_1579 = arith.muli %mul3A_542, %mul3A_1578 : i32
      %add3A_1580 = arith.constant 6 : i32
      %add3A_1581 = arith.addi %mul3A_1579, %add3A_1580 : i32
      %broadcast_in_dim3A_1582 = vector.broadcast %add3A_1581 : i32 to vector<16xi32>
      tpu.vector_store_idx %arg7[%div3A_4, %rem3A_6, %broadcast_in_dim3A_1582], %gather3A_1577 : memref<4x4x512xf32, #tpu.memory_space<vmem>>[vector<16xi32>, vector<16xi32>, vector<16xi32>], vector<16xf32>,
      %eq3A_1583 = arith.constant 7 : i32
      %eq3A_1584 = vector.broadcast %eq3A_1583 : i32 to vector<16xi32>
      %eq3A_1585 = arith.cmpi eq, %iota3A, %eq3A_1584 : vector<16xi32>
      %jit3A_1586 = arith.constant 0 : i32
      %broadcast_in_dim3A_1587 = vector.broadcast %jit3A_1586 : i32 to vector<16xi32>
      %select_n3A_1588 = arith.select %eq3A_1585, %rem3A_1408, %broadcast_in_dim3A_1587 : vector<16xi1>, vector<16xi32>
      %reduce_max3A_1589 = arith.constant true
      %reduce_max3A_1590 = vector.broadcast %reduce_max3A_1589 : i1 to vector<16xi1>
      %reduce_max3A_1591 = arith.constant -2147483648 : i32
      %reduce_max3A_1592 = vector.broadcast %reduce_max3A_1591 : i32 to vector<16xi32>
      %reduce_max3A_1593 = arith.xori %select_n3A_1588, %reduce_max3A_1592 : vector<16xi32>
      %reduce_max3A_1594 = tpu.scan <max>, %reduce_max3A_1593 masked %reduce_max3A_1590 : vector<16xi32>, vector<16xi1> -> vector<16xi32>
      %reduce_max3A_1595 = arith.xori %reduce_max3A_1594, %reduce_max3A_1592 : vector<16xi32>
      %reduce_max3A_1596 = vector.extract %reduce_max3A_1595[15] : i32 from vector<16xi32>
      %broadcast_in_dim3A_1597 = vector.broadcast %reduce_max3A_1596 : i32 to vector<16xi32>
      %broadcast_in_dim3A_1598 = arith.constant 0 : i32
      %broadcast_in_dim3A_1599 = vector.broadcast %broadcast_in_dim3A_1598 : i32 to vector<16xi32>
      %broadcast_in_dim3A_1600 = arith.constant 7 : i32
      %broadcast_in_dim3A_1601 = vector.broadcast %broadcast_in_dim3A_1600 : i32 to vector<16xi32>
      %gather3A_1602 = tpu.vector_load_idx %arg6[%broadcast_in_dim3A_1599, %broadcast_in_dim3A_1601, %div3A_4, %rem3A_6, %broadcast_in_dim3A_1597] : memref<2x16x4x4x128xf32, #tpu.memory_space<vmem>>[vector<16xi32>, vector<16xi32>, vector<16xi32>, vector<16xi32>, vector<16xi32>], vector<16xf32>,
      %mul3A_1603 = arith.constant 16 : i32
      %mul3A_1604 = arith.muli %mul3A_542, %mul3A_1603 : i32
      %add3A_1605 = arith.constant 7 : i32
      %add3A_1606 = arith.addi %mul3A_1604, %add3A_1605 : i32
      %broadcast_in_dim3A_1607 = vector.broadcast %add3A_1606 : i32 to vector<16xi32>
      tpu.vector_store_idx %arg7[%div3A_4, %rem3A_6, %broadcast_in_dim3A_1607], %gather3A_1602 : memref<4x4x512xf32, #tpu.memory_space<vmem>>[vector<16xi32>, vector<16xi32>, vector<16xi32>], vector<16xf32>,
      %eq3A_1608 = arith.constant 8 : i32
      %eq3A_1609 = vector.broadcast %eq3A_1608 : i32 to vector<16xi32>
      %eq3A_1610 = arith.cmpi eq, %iota3A, %eq3A_1609 : vector<16xi32>
      %jit3A_1611 = arith.constant 0 : i32
      %broadcast_in_dim3A_1612 = vector.broadcast %jit3A_1611 : i32 to vector<16xi32>
      %select_n3A_1613 = arith.select %eq3A_1610, %rem3A_1408, %broadcast_in_dim3A_1612 : vector<16xi1>, vector<16xi32>
      %reduce_max3A_1614 = arith.constant true
      %reduce_max3A_1615 = vector.broadcast %reduce_max3A_1614 : i1 to vector<16xi1>
      %reduce_max3A_1616 = arith.constant -2147483648 : i32
      %reduce_max3A_1617 = vector.broadcast %reduce_max3A_1616 : i32 to vector<16xi32>
      %reduce_max3A_1618 = arith.xori %select_n3A_1613, %reduce_max3A_1617 : vector<16xi32>
      %reduce_max3A_1619 = tpu.scan <max>, %reduce_max3A_1618 masked %reduce_max3A_1615 : vector<16xi32>, vector<16xi1> -> vector<16xi32>
      %reduce_max3A_1620 = arith.xori %reduce_max3A_1619, %reduce_max3A_1617 : vector<16xi32>
      %reduce_max3A_1621 = vector.extract %reduce_max3A_1620[15] : i32 from vector<16xi32>
      %broadcast_in_dim3A_1622 = vector.broadcast %reduce_max3A_1621 : i32 to vector<16xi32>
      %broadcast_in_dim3A_1623 = arith.constant 0 : i32
      %broadcast_in_dim3A_1624 = vector.broadcast %broadcast_in_dim3A_1623 : i32 to vector<16xi32>
      %broadcast_in_dim3A_1625 = arith.constant 8 : i32
      %broadcast_in_dim3A_1626 = vector.broadcast %broadcast_in_dim3A_1625 : i32 to vector<16xi32>
      %gather3A_1627 = tpu.vector_load_idx %arg6[%broadcast_in_dim3A_1624, %broadcast_in_dim3A_1626, %div3A_4, %rem3A_6, %broadcast_in_dim3A_1622] : memref<2x16x4x4x128xf32, #tpu.memory_space<vmem>>[vector<16xi32>, vector<16xi32>, vector<16xi32>, vector<16xi32>, vector<16xi32>], vector<16xf32>,
      %mul3A_1628 = arith.constant 16 : i32
      %mul3A_1629 = arith.muli %mul3A_542, %mul3A_1628 : i32
      %add3A_1630 = arith.constant 8 : i32
      %add3A_1631 = arith.addi %mul3A_1629, %add3A_1630 : i32
      %broadcast_in_dim3A_1632 = vector.broadcast %add3A_1631 : i32 to vector<16xi32>
      tpu.vector_store_idx %arg7[%div3A_4, %rem3A_6, %broadcast_in_dim3A_1632], %gather3A_1627 : memref<4x4x512xf32, #tpu.memory_space<vmem>>[vector<16xi32>, vector<16xi32>, vector<16xi32>], vector<16xf32>,
      %eq3A_1633 = arith.constant 9 : i32
      %eq3A_1634 = vector.broadcast %eq3A_1633 : i32 to vector<16xi32>
      %eq3A_1635 = arith.cmpi eq, %iota3A, %eq3A_1634 : vector<16xi32>
      %jit3A_1636 = arith.constant 0 : i32
      %broadcast_in_dim3A_1637 = vector.broadcast %jit3A_1636 : i32 to vector<16xi32>
      %select_n3A_1638 = arith.select %eq3A_1635, %rem3A_1408, %broadcast_in_dim3A_1637 : vector<16xi1>, vector<16xi32>
      %reduce_max3A_1639 = arith.constant true
      %reduce_max3A_1640 = vector.broadcast %reduce_max3A_1639 : i1 to vector<16xi1>
      %reduce_max3A_1641 = arith.constant -2147483648 : i32
      %reduce_max3A_1642 = vector.broadcast %reduce_max3A_1641 : i32 to vector<16xi32>
      %reduce_max3A_1643 = arith.xori %select_n3A_1638, %reduce_max3A_1642 : vector<16xi32>
      %reduce_max3A_1644 = tpu.scan <max>, %reduce_max3A_1643 masked %reduce_max3A_1640 : vector<16xi32>, vector<16xi1> -> vector<16xi32>
      %reduce_max3A_1645 = arith.xori %reduce_max3A_1644, %reduce_max3A_1642 : vector<16xi32>
      %reduce_max3A_1646 = vector.extract %reduce_max3A_1645[15] : i32 from vector<16xi32>
      %broadcast_in_dim3A_1647 = vector.broadcast %reduce_max3A_1646 : i32 to vector<16xi32>
      %broadcast_in_dim3A_1648 = arith.constant 0 : i32
      %broadcast_in_dim3A_1649 = vector.broadcast %broadcast_in_dim3A_1648 : i32 to vector<16xi32>
      %broadcast_in_dim3A_1650 = arith.constant 9 : i32
      %broadcast_in_dim3A_1651 = vector.broadcast %broadcast_in_dim3A_1650 : i32 to vector<16xi32>
      %gather3A_1652 = tpu.vector_load_idx %arg6[%broadcast_in_dim3A_1649, %broadcast_in_dim3A_1651, %div3A_4, %rem3A_6, %broadcast_in_dim3A_1647] : memref<2x16x4x4x128xf32, #tpu.memory_space<vmem>>[vector<16xi32>, vector<16xi32>, vector<16xi32>, vector<16xi32>, vector<16xi32>], vector<16xf32>,
      %mul3A_1653 = arith.constant 16 : i32
      %mul3A_1654 = arith.muli %mul3A_542, %mul3A_1653 : i32
      %add3A_1655 = arith.constant 9 : i32
      %add3A_1656 = arith.addi %mul3A_1654, %add3A_1655 : i32
      %broadcast_in_dim3A_1657 = vector.broadcast %add3A_1656 : i32 to vector<16xi32>
      tpu.vector_store_idx %arg7[%div3A_4, %rem3A_6, %broadcast_in_dim3A_1657], %gather3A_1652 : memref<4x4x512xf32, #tpu.memory_space<vmem>>[vector<16xi32>, vector<16xi32>, vector<16xi32>], vector<16xf32>,
      %eq3A_1658 = arith.constant 10 : i32
      %eq3A_1659 = vector.broadcast %eq3A_1658 : i32 to vector<16xi32>
      %eq3A_1660 = arith.cmpi eq, %iota3A, %eq3A_1659 : vector<16xi32>
      %jit3A_1661 = arith.constant 0 : i32
      %broadcast_in_dim3A_1662 = vector.broadcast %jit3A_1661 : i32 to vector<16xi32>
      %select_n3A_1663 = arith.select %eq3A_1660, %rem3A_1408, %broadcast_in_dim3A_1662 : vector<16xi1>, vector<16xi32>
      %reduce_max3A_1664 = arith.constant true
      %reduce_max3A_1665 = vector.broadcast %reduce_max3A_1664 : i1 to vector<16xi1>
      %reduce_max3A_1666 = arith.constant -2147483648 : i32
      %reduce_max3A_1667 = vector.broadcast %reduce_max3A_1666 : i32 to vector<16xi32>
      %reduce_max3A_1668 = arith.xori %select_n3A_1663, %reduce_max3A_1667 : vector<16xi32>
      %reduce_max3A_1669 = tpu.scan <max>, %reduce_max3A_1668 masked %reduce_max3A_1665 : vector<16xi32>, vector<16xi1> -> vector<16xi32>
      %reduce_max3A_1670 = arith.xori %reduce_max3A_1669, %reduce_max3A_1667 : vector<16xi32>
      %reduce_max3A_1671 = vector.extract %reduce_max3A_1670[15] : i32 from vector<16xi32>
      %broadcast_in_dim3A_1672 = vector.broadcast %reduce_max3A_1671 : i32 to vector<16xi32>
      %broadcast_in_dim3A_1673 = arith.constant 0 : i32
      %broadcast_in_dim3A_1674 = vector.broadcast %broadcast_in_dim3A_1673 : i32 to vector<16xi32>
      %broadcast_in_dim3A_1675 = arith.constant 10 : i32
      %broadcast_in_dim3A_1676 = vector.broadcast %broadcast_in_dim3A_1675 : i32 to vector<16xi32>
      %gather3A_1677 = tpu.vector_load_idx %arg6[%broadcast_in_dim3A_1674, %broadcast_in_dim3A_1676, %div3A_4, %rem3A_6, %broadcast_in_dim3A_1672] : memref<2x16x4x4x128xf32, #tpu.memory_space<vmem>>[vector<16xi32>, vector<16xi32>, vector<16xi32>, vector<16xi32>, vector<16xi32>], vector<16xf32>,
      %mul3A_1678 = arith.constant 16 : i32
      %mul3A_1679 = arith.muli %mul3A_542, %mul3A_1678 : i32
      %add3A_1680 = arith.constant 10 : i32
      %add3A_1681 = arith.addi %mul3A_1679, %add3A_1680 : i32
      %broadcast_in_dim3A_1682 = vector.broadcast %add3A_1681 : i32 to vector<16xi32>
      tpu.vector_store_idx %arg7[%div3A_4, %rem3A_6, %broadcast_in_dim3A_1682], %gather3A_1677 : memref<4x4x512xf32, #tpu.memory_space<vmem>>[vector<16xi32>, vector<16xi32>, vector<16xi32>], vector<16xf32>,
      %eq3A_1683 = arith.constant 11 : i32
      %eq3A_1684 = vector.broadcast %eq3A_1683 : i32 to vector<16xi32>
      %eq3A_1685 = arith.cmpi eq, %iota3A, %eq3A_1684 : vector<16xi32>
      %jit3A_1686 = arith.constant 0 : i32
      %broadcast_in_dim3A_1687 = vector.broadcast %jit3A_1686 : i32 to vector<16xi32>
      %select_n3A_1688 = arith.select %eq3A_1685, %rem3A_1408, %broadcast_in_dim3A_1687 : vector<16xi1>, vector<16xi32>
      %reduce_max3A_1689 = arith.constant true
      %reduce_max3A_1690 = vector.broadcast %reduce_max3A_1689 : i1 to vector<16xi1>
      %reduce_max3A_1691 = arith.constant -2147483648 : i32
      %reduce_max3A_1692 = vector.broadcast %reduce_max3A_1691 : i32 to vector<16xi32>
      %reduce_max3A_1693 = arith.xori %select_n3A_1688, %reduce_max3A_1692 : vector<16xi32>
      %reduce_max3A_1694 = tpu.scan <max>, %reduce_max3A_1693 masked %reduce_max3A_1690 : vector<16xi32>, vector<16xi1> -> vector<16xi32>
      %reduce_max3A_1695 = arith.xori %reduce_max3A_1694, %reduce_max3A_1692 : vector<16xi32>
      %reduce_max3A_1696 = vector.extract %reduce_max3A_1695[15] : i32 from vector<16xi32>
      %broadcast_in_dim3A_1697 = vector.broadcast %reduce_max3A_1696 : i32 to vector<16xi32>
      %broadcast_in_dim3A_1698 = arith.constant 0 : i32
      %broadcast_in_dim3A_1699 = vector.broadcast %broadcast_in_dim3A_1698 : i32 to vector<16xi32>
      %broadcast_in_dim3A_1700 = arith.constant 11 : i32
      %broadcast_in_dim3A_1701 = vector.broadcast %broadcast_in_dim3A_1700 : i32 to vector<16xi32>
      %gather3A_1702 = tpu.vector_load_idx %arg6[%broadcast_in_dim3A_1699, %broadcast_in_dim3A_1701, %div3A_4, %rem3A_6, %broadcast_in_dim3A_1697] : memref<2x16x4x4x128xf32, #tpu.memory_space<vmem>>[vector<16xi32>, vector<16xi32>, vector<16xi32>, vector<16xi32>, vector<16xi32>], vector<16xf32>,
      %mul3A_1703 = arith.constant 16 : i32
      %mul3A_1704 = arith.muli %mul3A_542, %mul3A_1703 : i32
      %add3A_1705 = arith.constant 11 : i32
      %add3A_1706 = arith.addi %mul3A_1704, %add3A_1705 : i32
      %broadcast_in_dim3A_1707 = vector.broadcast %add3A_1706 : i32 to vector<16xi32>
      tpu.vector_store_idx %arg7[%div3A_4, %rem3A_6, %broadcast_in_dim3A_1707], %gather3A_1702 : memref<4x4x512xf32, #tpu.memory_space<vmem>>[vector<16xi32>, vector<16xi32>, vector<16xi32>], vector<16xf32>,
      %eq3A_1708 = arith.constant 12 : i32
      %eq3A_1709 = vector.broadcast %eq3A_1708 : i32 to vector<16xi32>
      %eq3A_1710 = arith.cmpi eq, %iota3A, %eq3A_1709 : vector<16xi32>
      %jit3A_1711 = arith.constant 0 : i32
      %broadcast_in_dim3A_1712 = vector.broadcast %jit3A_1711 : i32 to vector<16xi32>
      %select_n3A_1713 = arith.select %eq3A_1710, %rem3A_1408, %broadcast_in_dim3A_1712 : vector<16xi1>, vector<16xi32>
      %reduce_max3A_1714 = arith.constant true
      %reduce_max3A_1715 = vector.broadcast %reduce_max3A_1714 : i1 to vector<16xi1>
      %reduce_max3A_1716 = arith.constant -2147483648 : i32
      %reduce_max3A_1717 = vector.broadcast %reduce_max3A_1716 : i32 to vector<16xi32>
      %reduce_max3A_1718 = arith.xori %select_n3A_1713, %reduce_max3A_1717 : vector<16xi32>
      %reduce_max3A_1719 = tpu.scan <max>, %reduce_max3A_1718 masked %reduce_max3A_1715 : vector<16xi32>, vector<16xi1> -> vector<16xi32>
      %reduce_max3A_1720 = arith.xori %reduce_max3A_1719, %reduce_max3A_1717 : vector<16xi32>
      %reduce_max3A_1721 = vector.extract %reduce_max3A_1720[15] : i32 from vector<16xi32>
      %broadcast_in_dim3A_1722 = vector.broadcast %reduce_max3A_1721 : i32 to vector<16xi32>
      %broadcast_in_dim3A_1723 = arith.constant 0 : i32
      %broadcast_in_dim3A_1724 = vector.broadcast %broadcast_in_dim3A_1723 : i32 to vector<16xi32>
      %broadcast_in_dim3A_1725 = arith.constant 12 : i32
      %broadcast_in_dim3A_1726 = vector.broadcast %broadcast_in_dim3A_1725 : i32 to vector<16xi32>
      %gather3A_1727 = tpu.vector_load_idx %arg6[%broadcast_in_dim3A_1724, %broadcast_in_dim3A_1726, %div3A_4, %rem3A_6, %broadcast_in_dim3A_1722] : memref<2x16x4x4x128xf32, #tpu.memory_space<vmem>>[vector<16xi32>, vector<16xi32>, vector<16xi32>, vector<16xi32>, vector<16xi32>], vector<16xf32>,
      %mul3A_1728 = arith.constant 16 : i32
      %mul3A_1729 = arith.muli %mul3A_542, %mul3A_1728 : i32
      %add3A_1730 = arith.constant 12 : i32
      %add3A_1731 = arith.addi %mul3A_1729, %add3A_1730 : i32
      %broadcast_in_dim3A_1732 = vector.broadcast %add3A_1731 : i32 to vector<16xi32>
      tpu.vector_store_idx %arg7[%div3A_4, %rem3A_6, %broadcast_in_dim3A_1732], %gather3A_1727 : memref<4x4x512xf32, #tpu.memory_space<vmem>>[vector<16xi32>, vector<16xi32>, vector<16xi32>], vector<16xf32>,
      %eq3A_1733 = arith.constant 13 : i32
      %eq3A_1734 = vector.broadcast %eq3A_1733 : i32 to vector<16xi32>
      %eq3A_1735 = arith.cmpi eq, %iota3A, %eq3A_1734 : vector<16xi32>
      %jit3A_1736 = arith.constant 0 : i32
      %broadcast_in_dim3A_1737 = vector.broadcast %jit3A_1736 : i32 to vector<16xi32>
      %select_n3A_1738 = arith.select %eq3A_1735, %rem3A_1408, %broadcast_in_dim3A_1737 : vector<16xi1>, vector<16xi32>
      %reduce_max3A_1739 = arith.constant true
      %reduce_max3A_1740 = vector.broadcast %reduce_max3A_1739 : i1 to vector<16xi1>
      %reduce_max3A_1741 = arith.constant -2147483648 : i32
      %reduce_max3A_1742 = vector.broadcast %reduce_max3A_1741 : i32 to vector<16xi32>
      %reduce_max3A_1743 = arith.xori %select_n3A_1738, %reduce_max3A_1742 : vector<16xi32>
      %reduce_max3A_1744 = tpu.scan <max>, %reduce_max3A_1743 masked %reduce_max3A_1740 : vector<16xi32>, vector<16xi1> -> vector<16xi32>
      %reduce_max3A_1745 = arith.xori %reduce_max3A_1744, %reduce_max3A_1742 : vector<16xi32>
      %reduce_max3A_1746 = vector.extract %reduce_max3A_1745[15] : i32 from vector<16xi32>
      %broadcast_in_dim3A_1747 = vector.broadcast %reduce_max3A_1746 : i32 to vector<16xi32>
      %broadcast_in_dim3A_1748 = arith.constant 0 : i32
      %broadcast_in_dim3A_1749 = vector.broadcast %broadcast_in_dim3A_1748 : i32 to vector<16xi32>
      %broadcast_in_dim3A_1750 = arith.constant 13 : i32
      %broadcast_in_dim3A_1751 = vector.broadcast %broadcast_in_dim3A_1750 : i32 to vector<16xi32>
      %gather3A_1752 = tpu.vector_load_idx %arg6[%broadcast_in_dim3A_1749, %broadcast_in_dim3A_1751, %div3A_4, %rem3A_6, %broadcast_in_dim3A_1747] : memref<2x16x4x4x128xf32, #tpu.memory_space<vmem>>[vector<16xi32>, vector<16xi32>, vector<16xi32>, vector<16xi32>, vector<16xi32>], vector<16xf32>,
      %mul3A_1753 = arith.constant 16 : i32
      %mul3A_1754 = arith.muli %mul3A_542, %mul3A_1753 : i32
      %add3A_1755 = arith.constant 13 : i32
      %add3A_1756 = arith.addi %mul3A_1754, %add3A_1755 : i32
      %broadcast_in_dim3A_1757 = vector.broadcast %add3A_1756 : i32 to vector<16xi32>
      tpu.vector_store_idx %arg7[%div3A_4, %rem3A_6, %broadcast_in_dim3A_1757], %gather3A_1752 : memref<4x4x512xf32, #tpu.memory_space<vmem>>[vector<16xi32>, vector<16xi32>, vector<16xi32>], vector<16xf32>,
      %eq3A_1758 = arith.constant 14 : i32
      %eq3A_1759 = vector.broadcast %eq3A_1758 : i32 to vector<16xi32>
      %eq3A_1760 = arith.cmpi eq, %iota3A, %eq3A_1759 : vector<16xi32>
      %jit3A_1761 = arith.constant 0 : i32
      %broadcast_in_dim3A_1762 = vector.broadcast %jit3A_1761 : i32 to vector<16xi32>
      %select_n3A_1763 = arith.select %eq3A_1760, %rem3A_1408, %broadcast_in_dim3A_1762 : vector<16xi1>, vector<16xi32>
      %reduce_max3A_1764 = arith.constant true
      %reduce_max3A_1765 = vector.broadcast %reduce_max3A_1764 : i1 to vector<16xi1>
      %reduce_max3A_1766 = arith.constant -2147483648 : i32
      %reduce_max3A_1767 = vector.broadcast %reduce_max3A_1766 : i32 to vector<16xi32>
      %reduce_max3A_1768 = arith.xori %select_n3A_1763, %reduce_max3A_1767 : vector<16xi32>
      %reduce_max3A_1769 = tpu.scan <max>, %reduce_max3A_1768 masked %reduce_max3A_1765 : vector<16xi32>, vector<16xi1> -> vector<16xi32>
      %reduce_max3A_1770 = arith.xori %reduce_max3A_1769, %reduce_max3A_1767 : vector<16xi32>
      %reduce_max3A_1771 = vector.extract %reduce_max3A_1770[15] : i32 from vector<16xi32>
      %broadcast_in_dim3A_1772 = vector.broadcast %reduce_max3A_1771 : i32 to vector<16xi32>
      %broadcast_in_dim3A_1773 = arith.constant 0 : i32
      %broadcast_in_dim3A_1774 = vector.broadcast %broadcast_in_dim3A_1773 : i32 to vector<16xi32>
      %broadcast_in_dim3A_1775 = arith.constant 14 : i32
      %broadcast_in_dim3A_1776 = vector.broadcast %broadcast_in_dim3A_1775 : i32 to vector<16xi32>
      %gather3A_1777 = tpu.vector_load_idx %arg6[%broadcast_in_dim3A_1774, %broadcast_in_dim3A_1776, %div3A_4, %rem3A_6, %broadcast_in_dim3A_1772] : memref<2x16x4x4x128xf32, #tpu.memory_space<vmem>>[vector<16xi32>, vector<16xi32>, vector<16xi32>, vector<16xi32>, vector<16xi32>], vector<16xf32>,
      %mul3A_1778 = arith.constant 16 : i32
      %mul3A_1779 = arith.muli %mul3A_542, %mul3A_1778 : i32
      %add3A_1780 = arith.constant 14 : i32
      %add3A_1781 = arith.addi %mul3A_1779, %add3A_1780 : i32
      %broadcast_in_dim3A_1782 = vector.broadcast %add3A_1781 : i32 to vector<16xi32>
      tpu.vector_store_idx %arg7[%div3A_4, %rem3A_6, %broadcast_in_dim3A_1782], %gather3A_1777 : memref<4x4x512xf32, #tpu.memory_space<vmem>>[vector<16xi32>, vector<16xi32>, vector<16xi32>], vector<16xf32>,
      %eq3A_1783 = arith.constant 15 : i32
      %eq3A_1784 = vector.broadcast %eq3A_1783 : i32 to vector<16xi32>
      %eq3A_1785 = arith.cmpi eq, %iota3A, %eq3A_1784 : vector<16xi32>
      %jit3A_1786 = arith.constant 0 : i32
      %broadcast_in_dim3A_1787 = vector.broadcast %jit3A_1786 : i32 to vector<16xi32>
      %select_n3A_1788 = arith.select %eq3A_1785, %rem3A_1408, %broadcast_in_dim3A_1787 : vector<16xi1>, vector<16xi32>
      %reduce_max3A_1789 = arith.constant true
      %reduce_max3A_1790 = vector.broadcast %reduce_max3A_1789 : i1 to vector<16xi1>
      %reduce_max3A_1791 = arith.constant -2147483648 : i32
      %reduce_max3A_1792 = vector.broadcast %reduce_max3A_1791 : i32 to vector<16xi32>
      %reduce_max3A_1793 = arith.xori %select_n3A_1788, %reduce_max3A_1792 : vector<16xi32>
      %reduce_max3A_1794 = tpu.scan <max>, %reduce_max3A_1793 masked %reduce_max3A_1790 : vector<16xi32>, vector<16xi1> -> vector<16xi32>
      %reduce_max3A_1795 = arith.xori %reduce_max3A_1794, %reduce_max3A_1792 : vector<16xi32>
      %reduce_max3A_1796 = vector.extract %reduce_max3A_1795[15] : i32 from vector<16xi32>
      %broadcast_in_dim3A_1797 = vector.broadcast %reduce_max3A_1796 : i32 to vector<16xi32>
      %broadcast_in_dim3A_1798 = arith.constant 0 : i32
      %broadcast_in_dim3A_1799 = vector.broadcast %broadcast_in_dim3A_1798 : i32 to vector<16xi32>
      %broadcast_in_dim3A_1800 = arith.constant 15 : i32
      %broadcast_in_dim3A_1801 = vector.broadcast %broadcast_in_dim3A_1800 : i32 to vector<16xi32>
      %gather3A_1802 = tpu.vector_load_idx %arg6[%broadcast_in_dim3A_1799, %broadcast_in_dim3A_1801, %div3A_4, %rem3A_6, %broadcast_in_dim3A_1797] : memref<2x16x4x4x128xf32, #tpu.memory_space<vmem>>[vector<16xi32>, vector<16xi32>, vector<16xi32>, vector<16xi32>, vector<16xi32>], vector<16xf32>,
      %mul3A_1803 = arith.constant 16 : i32
      %mul3A_1804 = arith.muli %mul3A_542, %mul3A_1803 : i32
      %add3A_1805 = arith.constant 15 : i32
      %add3A_1806 = arith.addi %mul3A_1804, %add3A_1805 : i32
      %broadcast_in_dim3A_1807 = vector.broadcast %add3A_1806 : i32 to vector<16xi32>
      tpu.vector_store_idx %arg7[%div3A_4, %rem3A_6, %broadcast_in_dim3A_1807], %gather3A_1802 : memref<4x4x512xf32, #tpu.memory_space<vmem>>[vector<16xi32>, vector<16xi32>, vector<16xi32>], vector<16xf32>,
      %add3A_1808 = arith.constant 2 : i32
      %add3A_1809 = arith.addi %mul3A_542, %add3A_1808 : i32
      %lt3A = arith.constant 32 : i32
      %lt3A_1810 = arith.cmpi slt, %add3A_1809, %lt3A : i32
      %convert_element_type3A = arith.extui %lt3A_1810 : i1 to i32
      %cond3A = arith.constant 0 : i32
      %cond3A_1811 = arith.cmpi ne, %convert_element_type3A, %cond3A : i32
      scf.if %cond3A_1811 {
        %add3A_2539 = arith.constant 2 : i32
        %add3A_2540 = arith.addi %mul3A_542, %add3A_2539 : i32
        %mul3A_2541 = arith.constant 16 : i32
        %mul3A_2542 = arith.muli %add3A_2540, %mul3A_2541 : i32
        %get3A_2543 = arith.index_cast %mul3A_2542 : i32 to index
        %get3A_2544 = tpu.vector_load %arg5[%get3A_2543] {strides = array<i32>} : memref<512xi32, #tpu.memory_space<vmem>>, vector<16xi32>,
        %shift_right_logical3A_2545 = arith.constant 7 : i32
        %shift_right_logical3A_2546 = vector.broadcast %shift_right_logical3A_2545 : i32 to vector<16xi32>
        %shift_right_logical3A_2547 = arith.shrui %get3A_2544, %shift_right_logical3A_2546 : vector<16xi32>
        %shift_left3A_2548 = arith.constant 7 : i32
        %shift_left3A_2549 = vector.broadcast %shift_left3A_2548 : i32 to vector<16xi32>
        %shift_left3A_2550 = arith.shli %shift_right_logical3A_2547, %shift_left3A_2549 : vector<16xi32>
        %eq3A_2551 = arith.constant 0 : i32
        %eq3A_2552 = vector.broadcast %eq3A_2551 : i32 to vector<16xi32>
        %eq3A_2553 = arith.cmpi eq, %iota3A, %eq3A_2552 : vector<16xi32>
        %jit3A_2554 = arith.constant 0 : i32
        %broadcast_in_dim3A_2555 = vector.broadcast %jit3A_2554 : i32 to vector<16xi32>
        %select_n3A_2556 = arith.select %eq3A_2553, %shift_left3A_2550, %broadcast_in_dim3A_2555 : vector<16xi1>, vector<16xi32>
        %reduce_max3A_2557 = arith.constant true
        %reduce_max3A_2558 = vector.broadcast %reduce_max3A_2557 : i1 to vector<16xi1>
        %reduce_max3A_2559 = arith.constant -2147483648 : i32
        %reduce_max3A_2560 = vector.broadcast %reduce_max3A_2559 : i32 to vector<16xi32>
        %reduce_max3A_2561 = arith.xori %select_n3A_2556, %reduce_max3A_2560 : vector<16xi32>
        %reduce_max3A_2562 = tpu.scan <max>, %reduce_max3A_2561 masked %reduce_max3A_2558 : vector<16xi32>, vector<16xi1> -> vector<16xi32>
        %reduce_max3A_2563 = arith.xori %reduce_max3A_2562, %reduce_max3A_2560 : vector<16xi32>
        %reduce_max3A_2564 = vector.extract %reduce_max3A_2563[15] : i32 from vector<16xi32>
        %multiple_of3A_2565 = tpu.assume_multiple %reduce_max3A_2564, 128 : i32
        %dma_start3A_2566 = arith.constant 0 : i32
        %dma_start3A_2567 = arith.constant 0 : i32
        %dma_start3A_2568 = arith.constant 0 : i32
        %dma_start3A_2569 = arith.constant 0 : i32
        %dma_start3A_2570 = arith.constant 0 : i32
        %dma_start3A_2571 = tpu.memref_slice %arg6[%dma_start3A_2566, %dma_start3A_2567, %dma_start3A_2568, %dma_start3A_2569, %dma_start3A_2570] : memref<2x16x4x4x128xf32, #tpu.memory_space<vmem>> -> memref<1x1x4x4x128xf32, #tpu.memory_space<vmem>>
        %dma_start3A_2572 = tpu.memref_squeeze %dma_start3A_2571 : memref<1x1x4x4x128xf32, #tpu.memory_space<vmem>> -> memref<4x4x128xf32, #tpu.memory_space<vmem>>
        %dma_start3A_2573 = arith.constant 0 : i32
        %dma_start3A_2574 = arith.constant 0 : i32
        %dma_start3A_2575 = tpu.memref_slice %arg2[%dma_start3A_2573, %dma_start3A_2574, %multiple_of3A_2565] : memref<4x4x1000000xf32, #tpu.memory_space<hbm>> -> memref<4x4x128xf32, #tpu.memory_space<hbm>>
        %dma_start3A_2576 = arith.constant 0 : i32
        %dma_start3A_2577 = arith.constant 0 : i32
        %dma_start3A_2578 = arith.constant 0 : i32
        %dma_start3A_2579 = tpu.memref_slice %arg6[%dma_start3A_2566, %dma_start3A_2567, %dma_start3A_2576, %dma_start3A_2577, %dma_start3A_2578] : memref<2x16x4x4x128xf32, #tpu.memory_space<vmem>> -> memref<1x1x4x4x128xf32, #tpu.memory_space<vmem>>
        %dma_start3A_2580 = tpu.memref_squeeze %dma_start3A_2579 : memref<1x1x4x4x128xf32, #tpu.memory_space<vmem>> -> memref<4x4x128xf32, #tpu.memory_space<vmem>>
        %dma_start3A_2581 = arith.constant 0 : i32
        %dma_start3A_2582 = arith.constant 0 : i32
        %dma_start3A_2583 = tpu.memref_slice %arg2[%dma_start3A_2581, %dma_start3A_2582, %multiple_of3A_2565] : memref<4x4x1000000xf32, #tpu.memory_space<hbm>> -> memref<4x4x128xf32, #tpu.memory_space<hbm>>
        tpu.enqueue_dma source(%dma_start3A_2583 : memref<4x4x128xf32, #tpu.memory_space<hbm>>) target(%dma_start3A_2580 : memref<4x4x128xf32, #tpu.memory_space<vmem>>) target_semaphore(%arg8 : memref<!tpu.dma_semaphore, #tpu.memory_space<semaphore_mem>>)
        %eq3A_2584 = arith.constant 1 : i32
        %eq3A_2585 = vector.broadcast %eq3A_2584 : i32 to vector<16xi32>
        %eq3A_2586 = arith.cmpi eq, %iota3A, %eq3A_2585 : vector<16xi32>
        %jit3A_2587 = arith.constant 0 : i32
        %broadcast_in_dim3A_2588 = vector.broadcast %jit3A_2587 : i32 to vector<16xi32>
        %select_n3A_2589 = arith.select %eq3A_2586, %shift_left3A_2550, %broadcast_in_dim3A_2588 : vector<16xi1>, vector<16xi32>
        %reduce_max3A_2590 = arith.constant true
        %reduce_max3A_2591 = vector.broadcast %reduce_max3A_2590 : i1 to vector<16xi1>
        %reduce_max3A_2592 = arith.constant -2147483648 : i32
        %reduce_max3A_2593 = vector.broadcast %reduce_max3A_2592 : i32 to vector<16xi32>
        %reduce_max3A_2594 = arith.xori %select_n3A_2589, %reduce_max3A_2593 : vector<16xi32>
        %reduce_max3A_2595 = tpu.scan <max>, %reduce_max3A_2594 masked %reduce_max3A_2591 : vector<16xi32>, vector<16xi1> -> vector<16xi32>
        %reduce_max3A_2596 = arith.xori %reduce_max3A_2595, %reduce_max3A_2593 : vector<16xi32>
        %reduce_max3A_2597 = vector.extract %reduce_max3A_2596[15] : i32 from vector<16xi32>
        %multiple_of3A_2598 = tpu.assume_multiple %reduce_max3A_2597, 128 : i32
        %dma_start3A_2599 = arith.constant 0 : i32
        %dma_start3A_2600 = arith.constant 1 : i32
        %dma_start3A_2601 = arith.constant 0 : i32
        %dma_start3A_2602 = arith.constant 0 : i32
        %dma_start3A_2603 = arith.constant 0 : i32
        %dma_start3A_2604 = tpu.memref_slice %arg6[%dma_start3A_2599, %dma_start3A_2600, %dma_start3A_2601, %dma_start3A_2602, %dma_start3A_2603] : memref<2x16x4x4x128xf32, #tpu.memory_space<vmem>> -> memref<1x1x4x4x128xf32, #tpu.memory_space<vmem>>
        %dma_start3A_2605 = tpu.memref_squeeze %dma_start3A_2604 : memref<1x1x4x4x128xf32, #tpu.memory_space<vmem>> -> memref<4x4x128xf32, #tpu.memory_space<vmem>>
        %dma_start3A_2606 = arith.constant 0 : i32
        %dma_start3A_2607 = arith.constant 0 : i32
        %dma_start3A_2608 = tpu.memref_slice %arg2[%dma_start3A_2606, %dma_start3A_2607, %multiple_of3A_2598] : memref<4x4x1000000xf32, #tpu.memory_space<hbm>> -> memref<4x4x128xf32, #tpu.memory_space<hbm>>
        %dma_start3A_2609 = arith.constant 0 : i32
        %dma_start3A_2610 = arith.constant 0 : i32
        %dma_start3A_2611 = arith.constant 0 : i32
        %dma_start3A_2612 = tpu.memref_slice %arg6[%dma_start3A_2599, %dma_start3A_2600, %dma_start3A_2609, %dma_start3A_2610, %dma_start3A_2611] : memref<2x16x4x4x128xf32, #tpu.memory_space<vmem>> -> memref<1x1x4x4x128xf32, #tpu.memory_space<vmem>>
        %dma_start3A_2613 = tpu.memref_squeeze %dma_start3A_2612 : memref<1x1x4x4x128xf32, #tpu.memory_space<vmem>> -> memref<4x4x128xf32, #tpu.memory_space<vmem>>
        %dma_start3A_2614 = arith.constant 0 : i32
        %dma_start3A_2615 = arith.constant 0 : i32
        %dma_start3A_2616 = tpu.memref_slice %arg2[%dma_start3A_2614, %dma_start3A_2615, %multiple_of3A_2598] : memref<4x4x1000000xf32, #tpu.memory_space<hbm>> -> memref<4x4x128xf32, #tpu.memory_space<hbm>>
        tpu.enqueue_dma source(%dma_start3A_2616 : memref<4x4x128xf32, #tpu.memory_space<hbm>>) target(%dma_start3A_2613 : memref<4x4x128xf32, #tpu.memory_space<vmem>>) target_semaphore(%arg8 : memref<!tpu.dma_semaphore, #tpu.memory_space<semaphore_mem>>)
        %eq3A_2617 = arith.constant 2 : i32
        %eq3A_2618 = vector.broadcast %eq3A_2617 : i32 to vector<16xi32>
        %eq3A_2619 = arith.cmpi eq, %iota3A, %eq3A_2618 : vector<16xi32>
        %jit3A_2620 = arith.constant 0 : i32
        %broadcast_in_dim3A_2621 = vector.broadcast %jit3A_2620 : i32 to vector<16xi32>
        %select_n3A_2622 = arith.select %eq3A_2619, %shift_left3A_2550, %broadcast_in_dim3A_2621 : vector<16xi1>, vector<16xi32>
        %reduce_max3A_2623 = arith.constant true
        %reduce_max3A_2624 = vector.broadcast %reduce_max3A_2623 : i1 to vector<16xi1>
        %reduce_max3A_2625 = arith.constant -2147483648 : i32
        %reduce_max3A_2626 = vector.broadcast %reduce_max3A_2625 : i32 to vector<16xi32>
        %reduce_max3A_2627 = arith.xori %select_n3A_2622, %reduce_max3A_2626 : vector<16xi32>
        %reduce_max3A_2628 = tpu.scan <max>, %reduce_max3A_2627 masked %reduce_max3A_2624 : vector<16xi32>, vector<16xi1> -> vector<16xi32>
        %reduce_max3A_2629 = arith.xori %reduce_max3A_2628, %reduce_max3A_2626 : vector<16xi32>
        %reduce_max3A_2630 = vector.extract %reduce_max3A_2629[15] : i32 from vector<16xi32>
        %multiple_of3A_2631 = tpu.assume_multiple %reduce_max3A_2630, 128 : i32
        %dma_start3A_2632 = arith.constant 0 : i32
        %dma_start3A_2633 = arith.constant 2 : i32
        %dma_start3A_2634 = arith.constant 0 : i32
        %dma_start3A_2635 = arith.constant 0 : i32
        %dma_start3A_2636 = arith.constant 0 : i32
        %dma_start3A_2637 = tpu.memref_slice %arg6[%dma_start3A_2632, %dma_start3A_2633, %dma_start3A_2634, %dma_start3A_2635, %dma_start3A_2636] : memref<2x16x4x4x128xf32, #tpu.memory_space<vmem>> -> memref<1x1x4x4x128xf32, #tpu.memory_space<vmem>>
        %dma_start3A_2638 = tpu.memref_squeeze %dma_start3A_2637 : memref<1x1x4x4x128xf32, #tpu.memory_space<vmem>> -> memref<4x4x128xf32, #tpu.memory_space<vmem>>
        %dma_start3A_2639 = arith.constant 0 : i32
        %dma_start3A_2640 = arith.constant 0 : i32
        %dma_start3A_2641 = tpu.memref_slice %arg2[%dma_start3A_2639, %dma_start3A_2640, %multiple_of3A_2631] : memref<4x4x1000000xf32, #tpu.memory_space<hbm>> -> memref<4x4x128xf32, #tpu.memory_space<hbm>>
        %dma_start3A_2642 = arith.constant 0 : i32
        %dma_start3A_2643 = arith.constant 0 : i32
        %dma_start3A_2644 = arith.constant 0 : i32
        %dma_start3A_2645 = tpu.memref_slice %arg6[%dma_start3A_2632, %dma_start3A_2633, %dma_start3A_2642, %dma_start3A_2643, %dma_start3A_2644] : memref<2x16x4x4x128xf32, #tpu.memory_space<vmem>> -> memref<1x1x4x4x128xf32, #tpu.memory_space<vmem>>
        %dma_start3A_2646 = tpu.memref_squeeze %dma_start3A_2645 : memref<1x1x4x4x128xf32, #tpu.memory_space<vmem>> -> memref<4x4x128xf32, #tpu.memory_space<vmem>>
        %dma_start3A_2647 = arith.constant 0 : i32
        %dma_start3A_2648 = arith.constant 0 : i32
        %dma_start3A_2649 = tpu.memref_slice %arg2[%dma_start3A_2647, %dma_start3A_2648, %multiple_of3A_2631] : memref<4x4x1000000xf32, #tpu.memory_space<hbm>> -> memref<4x4x128xf32, #tpu.memory_space<hbm>>
        tpu.enqueue_dma source(%dma_start3A_2649 : memref<4x4x128xf32, #tpu.memory_space<hbm>>) target(%dma_start3A_2646 : memref<4x4x128xf32, #tpu.memory_space<vmem>>) target_semaphore(%arg8 : memref<!tpu.dma_semaphore, #tpu.memory_space<semaphore_mem>>)
        %eq3A_2650 = arith.constant 3 : i32
        %eq3A_2651 = vector.broadcast %eq3A_2650 : i32 to vector<16xi32>
        %eq3A_2652 = arith.cmpi eq, %iota3A, %eq3A_2651 : vector<16xi32>
        %jit3A_2653 = arith.constant 0 : i32
        %broadcast_in_dim3A_2654 = vector.broadcast %jit3A_2653 : i32 to vector<16xi32>
        %select_n3A_2655 = arith.select %eq3A_2652, %shift_left3A_2550, %broadcast_in_dim3A_2654 : vector<16xi1>, vector<16xi32>
        %reduce_max3A_2656 = arith.constant true
        %reduce_max3A_2657 = vector.broadcast %reduce_max3A_2656 : i1 to vector<16xi1>
        %reduce_max3A_2658 = arith.constant -2147483648 : i32
        %reduce_max3A_2659 = vector.broadcast %reduce_max3A_2658 : i32 to vector<16xi32>
        %reduce_max3A_2660 = arith.xori %select_n3A_2655, %reduce_max3A_2659 : vector<16xi32>
        %reduce_max3A_2661 = tpu.scan <max>, %reduce_max3A_2660 masked %reduce_max3A_2657 : vector<16xi32>, vector<16xi1> -> vector<16xi32>
        %reduce_max3A_2662 = arith.xori %reduce_max3A_2661, %reduce_max3A_2659 : vector<16xi32>
        %reduce_max3A_2663 = vector.extract %reduce_max3A_2662[15] : i32 from vector<16xi32>
        %multiple_of3A_2664 = tpu.assume_multiple %reduce_max3A_2663, 128 : i32
        %dma_start3A_2665 = arith.constant 0 : i32
        %dma_start3A_2666 = arith.constant 3 : i32
        %dma_start3A_2667 = arith.constant 0 : i32
        %dma_start3A_2668 = arith.constant 0 : i32
        %dma_start3A_2669 = arith.constant 0 : i32
        %dma_start3A_2670 = tpu.memref_slice %arg6[%dma_start3A_2665, %dma_start3A_2666, %dma_start3A_2667, %dma_start3A_2668, %dma_start3A_2669] : memref<2x16x4x4x128xf32, #tpu.memory_space<vmem>> -> memref<1x1x4x4x128xf32, #tpu.memory_space<vmem>>
        %dma_start3A_2671 = tpu.memref_squeeze %dma_start3A_2670 : memref<1x1x4x4x128xf32, #tpu.memory_space<vmem>> -> memref<4x4x128xf32, #tpu.memory_space<vmem>>
        %dma_start3A_2672 = arith.constant 0 : i32
        %dma_start3A_2673 = arith.constant 0 : i32
        %dma_start3A_2674 = tpu.memref_slice %arg2[%dma_start3A_2672, %dma_start3A_2673, %multiple_of3A_2664] : memref<4x4x1000000xf32, #tpu.memory_space<hbm>> -> memref<4x4x128xf32, #tpu.memory_space<hbm>>
        %dma_start3A_2675 = arith.constant 0 : i32
        %dma_start3A_2676 = arith.constant 0 : i32
        %dma_start3A_2677 = arith.constant 0 : i32
        %dma_start3A_2678 = tpu.memref_slice %arg6[%dma_start3A_2665, %dma_start3A_2666, %dma_start3A_2675, %dma_start3A_2676, %dma_start3A_2677] : memref<2x16x4x4x128xf32, #tpu.memory_space<vmem>> -> memref<1x1x4x4x128xf32, #tpu.memory_space<vmem>>
        %dma_start3A_2679 = tpu.memref_squeeze %dma_start3A_2678 : memref<1x1x4x4x128xf32, #tpu.memory_space<vmem>> -> memref<4x4x128xf32, #tpu.memory_space<vmem>>
        %dma_start3A_2680 = arith.constant 0 : i32
        %dma_start3A_2681 = arith.constant 0 : i32
        %dma_start3A_2682 = tpu.memref_slice %arg2[%dma_start3A_2680, %dma_start3A_2681, %multiple_of3A_2664] : memref<4x4x1000000xf32, #tpu.memory_space<hbm>> -> memref<4x4x128xf32, #tpu.memory_space<hbm>>
        tpu.enqueue_dma source(%dma_start3A_2682 : memref<4x4x128xf32, #tpu.memory_space<hbm>>) target(%dma_start3A_2679 : memref<4x4x128xf32, #tpu.memory_space<vmem>>) target_semaphore(%arg8 : memref<!tpu.dma_semaphore, #tpu.memory_space<semaphore_mem>>)
        %eq3A_2683 = arith.constant 4 : i32
        %eq3A_2684 = vector.broadcast %eq3A_2683 : i32 to vector<16xi32>
        %eq3A_2685 = arith.cmpi eq, %iota3A, %eq3A_2684 : vector<16xi32>
        %jit3A_2686 = arith.constant 0 : i32
        %broadcast_in_dim3A_2687 = vector.broadcast %jit3A_2686 : i32 to vector<16xi32>
        %select_n3A_2688 = arith.select %eq3A_2685, %shift_left3A_2550, %broadcast_in_dim3A_2687 : vector<16xi1>, vector<16xi32>
        %reduce_max3A_2689 = arith.constant true
        %reduce_max3A_2690 = vector.broadcast %reduce_max3A_2689 : i1 to vector<16xi1>
        %reduce_max3A_2691 = arith.constant -2147483648 : i32
        %reduce_max3A_2692 = vector.broadcast %reduce_max3A_2691 : i32 to vector<16xi32>
        %reduce_max3A_2693 = arith.xori %select_n3A_2688, %reduce_max3A_2692 : vector<16xi32>
        %reduce_max3A_2694 = tpu.scan <max>, %reduce_max3A_2693 masked %reduce_max3A_2690 : vector<16xi32>, vector<16xi1> -> vector<16xi32>
        %reduce_max3A_2695 = arith.xori %reduce_max3A_2694, %reduce_max3A_2692 : vector<16xi32>
        %reduce_max3A_2696 = vector.extract %reduce_max3A_2695[15] : i32 from vector<16xi32>
        %multiple_of3A_2697 = tpu.assume_multiple %reduce_max3A_2696, 128 : i32
        %dma_start3A_2698 = arith.constant 0 : i32
        %dma_start3A_2699 = arith.constant 4 : i32
        %dma_start3A_2700 = arith.constant 0 : i32
        %dma_start3A_2701 = arith.constant 0 : i32
        %dma_start3A_2702 = arith.constant 0 : i32
        %dma_start3A_2703 = tpu.memref_slice %arg6[%dma_start3A_2698, %dma_start3A_2699, %dma_start3A_2700, %dma_start3A_2701, %dma_start3A_2702] : memref<2x16x4x4x128xf32, #tpu.memory_space<vmem>> -> memref<1x1x4x4x128xf32, #tpu.memory_space<vmem>>
        %dma_start3A_2704 = tpu.memref_squeeze %dma_start3A_2703 : memref<1x1x4x4x128xf32, #tpu.memory_space<vmem>> -> memref<4x4x128xf32, #tpu.memory_space<vmem>>
        %dma_start3A_2705 = arith.constant 0 : i32
        %dma_start3A_2706 = arith.constant 0 : i32
        %dma_start3A_2707 = tpu.memref_slice %arg2[%dma_start3A_2705, %dma_start3A_2706, %multiple_of3A_2697] : memref<4x4x1000000xf32, #tpu.memory_space<hbm>> -> memref<4x4x128xf32, #tpu.memory_space<hbm>>
        %dma_start3A_2708 = arith.constant 0 : i32
        %dma_start3A_2709 = arith.constant 0 : i32
        %dma_start3A_2710 = arith.constant 0 : i32
        %dma_start3A_2711 = tpu.memref_slice %arg6[%dma_start3A_2698, %dma_start3A_2699, %dma_start3A_2708, %dma_start3A_2709, %dma_start3A_2710] : memref<2x16x4x4x128xf32, #tpu.memory_space<vmem>> -> memref<1x1x4x4x128xf32, #tpu.memory_space<vmem>>
        %dma_start3A_2712 = tpu.memref_squeeze %dma_start3A_2711 : memref<1x1x4x4x128xf32, #tpu.memory_space<vmem>> -> memref<4x4x128xf32, #tpu.memory_space<vmem>>
        %dma_start3A_2713 = arith.constant 0 : i32
        %dma_start3A_2714 = arith.constant 0 : i32
        %dma_start3A_2715 = tpu.memref_slice %arg2[%dma_start3A_2713, %dma_start3A_2714, %multiple_of3A_2697] : memref<4x4x1000000xf32, #tpu.memory_space<hbm>> -> memref<4x4x128xf32, #tpu.memory_space<hbm>>
        tpu.enqueue_dma source(%dma_start3A_2715 : memref<4x4x128xf32, #tpu.memory_space<hbm>>) target(%dma_start3A_2712 : memref<4x4x128xf32, #tpu.memory_space<vmem>>) target_semaphore(%arg8 : memref<!tpu.dma_semaphore, #tpu.memory_space<semaphore_mem>>)
        %eq3A_2716 = arith.constant 5 : i32
        %eq3A_2717 = vector.broadcast %eq3A_2716 : i32 to vector<16xi32>
        %eq3A_2718 = arith.cmpi eq, %iota3A, %eq3A_2717 : vector<16xi32>
        %jit3A_2719 = arith.constant 0 : i32
        %broadcast_in_dim3A_2720 = vector.broadcast %jit3A_2719 : i32 to vector<16xi32>
        %select_n3A_2721 = arith.select %eq3A_2718, %shift_left3A_2550, %broadcast_in_dim3A_2720 : vector<16xi1>, vector<16xi32>
        %reduce_max3A_2722 = arith.constant true
        %reduce_max3A_2723 = vector.broadcast %reduce_max3A_2722 : i1 to vector<16xi1>
        %reduce_max3A_2724 = arith.constant -2147483648 : i32
        %reduce_max3A_2725 = vector.broadcast %reduce_max3A_2724 : i32 to vector<16xi32>
        %reduce_max3A_2726 = arith.xori %select_n3A_2721, %reduce_max3A_2725 : vector<16xi32>
        %reduce_max3A_2727 = tpu.scan <max>, %reduce_max3A_2726 masked %reduce_max3A_2723 : vector<16xi32>, vector<16xi1> -> vector<16xi32>
        %reduce_max3A_2728 = arith.xori %reduce_max3A_2727, %reduce_max3A_2725 : vector<16xi32>
        %reduce_max3A_2729 = vector.extract %reduce_max3A_2728[15] : i32 from vector<16xi32>
        %multiple_of3A_2730 = tpu.assume_multiple %reduce_max3A_2729, 128 : i32
        %dma_start3A_2731 = arith.constant 0 : i32
        %dma_start3A_2732 = arith.constant 5 : i32
        %dma_start3A_2733 = arith.constant 0 : i32
        %dma_start3A_2734 = arith.constant 0 : i32
        %dma_start3A_2735 = arith.constant 0 : i32
        %dma_start3A_2736 = tpu.memref_slice %arg6[%dma_start3A_2731, %dma_start3A_2732, %dma_start3A_2733, %dma_start3A_2734, %dma_start3A_2735] : memref<2x16x4x4x128xf32, #tpu.memory_space<vmem>> -> memref<1x1x4x4x128xf32, #tpu.memory_space<vmem>>
        %dma_start3A_2737 = tpu.memref_squeeze %dma_start3A_2736 : memref<1x1x4x4x128xf32, #tpu.memory_space<vmem>> -> memref<4x4x128xf32, #tpu.memory_space<vmem>>
        %dma_start3A_2738 = arith.constant 0 : i32
        %dma_start3A_2739 = arith.constant 0 : i32
        %dma_start3A_2740 = tpu.memref_slice %arg2[%dma_start3A_2738, %dma_start3A_2739, %multiple_of3A_2730] : memref<4x4x1000000xf32, #tpu.memory_space<hbm>> -> memref<4x4x128xf32, #tpu.memory_space<hbm>>
        %dma_start3A_2741 = arith.constant 0 : i32
        %dma_start3A_2742 = arith.constant 0 : i32
        %dma_start3A_2743 = arith.constant 0 : i32
        %dma_start3A_2744 = tpu.memref_slice %arg6[%dma_start3A_2731, %dma_start3A_2732, %dma_start3A_2741, %dma_start3A_2742, %dma_start3A_2743] : memref<2x16x4x4x128xf32, #tpu.memory_space<vmem>> -> memref<1x1x4x4x128xf32, #tpu.memory_space<vmem>>
        %dma_start3A_2745 = tpu.memref_squeeze %dma_start3A_2744 : memref<1x1x4x4x128xf32, #tpu.memory_space<vmem>> -> memref<4x4x128xf32, #tpu.memory_space<vmem>>
        %dma_start3A_2746 = arith.constant 0 : i32
        %dma_start3A_2747 = arith.constant 0 : i32
        %dma_start3A_2748 = tpu.memref_slice %arg2[%dma_start3A_2746, %dma_start3A_2747, %multiple_of3A_2730] : memref<4x4x1000000xf32, #tpu.memory_space<hbm>> -> memref<4x4x128xf32, #tpu.memory_space<hbm>>
        tpu.enqueue_dma source(%dma_start3A_2748 : memref<4x4x128xf32, #tpu.memory_space<hbm>>) target(%dma_start3A_2745 : memref<4x4x128xf32, #tpu.memory_space<vmem>>) target_semaphore(%arg8 : memref<!tpu.dma_semaphore, #tpu.memory_space<semaphore_mem>>)
        %eq3A_2749 = arith.constant 6 : i32
        %eq3A_2750 = vector.broadcast %eq3A_2749 : i32 to vector<16xi32>
        %eq3A_2751 = arith.cmpi eq, %iota3A, %eq3A_2750 : vector<16xi32>
        %jit3A_2752 = arith.constant 0 : i32
        %broadcast_in_dim3A_2753 = vector.broadcast %jit3A_2752 : i32 to vector<16xi32>
        %select_n3A_2754 = arith.select %eq3A_2751, %shift_left3A_2550, %broadcast_in_dim3A_2753 : vector<16xi1>, vector<16xi32>
        %reduce_max3A_2755 = arith.constant true
        %reduce_max3A_2756 = vector.broadcast %reduce_max3A_2755 : i1 to vector<16xi1>
        %reduce_max3A_2757 = arith.constant -2147483648 : i32
        %reduce_max3A_2758 = vector.broadcast %reduce_max3A_2757 : i32 to vector<16xi32>
        %reduce_max3A_2759 = arith.xori %select_n3A_2754, %reduce_max3A_2758 : vector<16xi32>
        %reduce_max3A_2760 = tpu.scan <max>, %reduce_max3A_2759 masked %reduce_max3A_2756 : vector<16xi32>, vector<16xi1> -> vector<16xi32>
        %reduce_max3A_2761 = arith.xori %reduce_max3A_2760, %reduce_max3A_2758 : vector<16xi32>
        %reduce_max3A_2762 = vector.extract %reduce_max3A_2761[15] : i32 from vector<16xi32>
        %multiple_of3A_2763 = tpu.assume_multiple %reduce_max3A_2762, 128 : i32
        %dma_start3A_2764 = arith.constant 0 : i32
        %dma_start3A_2765 = arith.constant 6 : i32
        %dma_start3A_2766 = arith.constant 0 : i32
        %dma_start3A_2767 = arith.constant 0 : i32
        %dma_start3A_2768 = arith.constant 0 : i32
        %dma_start3A_2769 = tpu.memref_slice %arg6[%dma_start3A_2764, %dma_start3A_2765, %dma_start3A_2766, %dma_start3A_2767, %dma_start3A_2768] : memref<2x16x4x4x128xf32, #tpu.memory_space<vmem>> -> memref<1x1x4x4x128xf32, #tpu.memory_space<vmem>>
        %dma_start3A_2770 = tpu.memref_squeeze %dma_start3A_2769 : memref<1x1x4x4x128xf32, #tpu.memory_space<vmem>> -> memref<4x4x128xf32, #tpu.memory_space<vmem>>
        %dma_start3A_2771 = arith.constant 0 : i32
        %dma_start3A_2772 = arith.constant 0 : i32
        %dma_start3A_2773 = tpu.memref_slice %arg2[%dma_start3A_2771, %dma_start3A_2772, %multiple_of3A_2763] : memref<4x4x1000000xf32, #tpu.memory_space<hbm>> -> memref<4x4x128xf32, #tpu.memory_space<hbm>>
        %dma_start3A_2774 = arith.constant 0 : i32
        %dma_start3A_2775 = arith.constant 0 : i32
        %dma_start3A_2776 = arith.constant 0 : i32
        %dma_start3A_2777 = tpu.memref_slice %arg6[%dma_start3A_2764, %dma_start3A_2765, %dma_start3A_2774, %dma_start3A_2775, %dma_start3A_2776] : memref<2x16x4x4x128xf32, #tpu.memory_space<vmem>> -> memref<1x1x4x4x128xf32, #tpu.memory_space<vmem>>
        %dma_start3A_2778 = tpu.memref_squeeze %dma_start3A_2777 : memref<1x1x4x4x128xf32, #tpu.memory_space<vmem>> -> memref<4x4x128xf32, #tpu.memory_space<vmem>>
        %dma_start3A_2779 = arith.constant 0 : i32
        %dma_start3A_2780 = arith.constant 0 : i32
        %dma_start3A_2781 = tpu.memref_slice %arg2[%dma_start3A_2779, %dma_start3A_2780, %multiple_of3A_2763] : memref<4x4x1000000xf32, #tpu.memory_space<hbm>> -> memref<4x4x128xf32, #tpu.memory_space<hbm>>
        tpu.enqueue_dma source(%dma_start3A_2781 : memref<4x4x128xf32, #tpu.memory_space<hbm>>) target(%dma_start3A_2778 : memref<4x4x128xf32, #tpu.memory_space<vmem>>) target_semaphore(%arg8 : memref<!tpu.dma_semaphore, #tpu.memory_space<semaphore_mem>>)
        %eq3A_2782 = arith.constant 7 : i32
        %eq3A_2783 = vector.broadcast %eq3A_2782 : i32 to vector<16xi32>
        %eq3A_2784 = arith.cmpi eq, %iota3A, %eq3A_2783 : vector<16xi32>
        %jit3A_2785 = arith.constant 0 : i32
        %broadcast_in_dim3A_2786 = vector.broadcast %jit3A_2785 : i32 to vector<16xi32>
        %select_n3A_2787 = arith.select %eq3A_2784, %shift_left3A_2550, %broadcast_in_dim3A_2786 : vector<16xi1>, vector<16xi32>
        %reduce_max3A_2788 = arith.constant true
        %reduce_max3A_2789 = vector.broadcast %reduce_max3A_2788 : i1 to vector<16xi1>
        %reduce_max3A_2790 = arith.constant -2147483648 : i32
        %reduce_max3A_2791 = vector.broadcast %reduce_max3A_2790 : i32 to vector<16xi32>
        %reduce_max3A_2792 = arith.xori %select_n3A_2787, %reduce_max3A_2791 : vector<16xi32>
        %reduce_max3A_2793 = tpu.scan <max>, %reduce_max3A_2792 masked %reduce_max3A_2789 : vector<16xi32>, vector<16xi1> -> vector<16xi32>
        %reduce_max3A_2794 = arith.xori %reduce_max3A_2793, %reduce_max3A_2791 : vector<16xi32>
        %reduce_max3A_2795 = vector.extract %reduce_max3A_2794[15] : i32 from vector<16xi32>
        %multiple_of3A_2796 = tpu.assume_multiple %reduce_max3A_2795, 128 : i32
        %dma_start3A_2797 = arith.constant 0 : i32
        %dma_start3A_2798 = arith.constant 7 : i32
        %dma_start3A_2799 = arith.constant 0 : i32
        %dma_start3A_2800 = arith.constant 0 : i32
        %dma_start3A_2801 = arith.constant 0 : i32
        %dma_start3A_2802 = tpu.memref_slice %arg6[%dma_start3A_2797, %dma_start3A_2798, %dma_start3A_2799, %dma_start3A_2800, %dma_start3A_2801] : memref<2x16x4x4x128xf32, #tpu.memory_space<vmem>> -> memref<1x1x4x4x128xf32, #tpu.memory_space<vmem>>
        %dma_start3A_2803 = tpu.memref_squeeze %dma_start3A_2802 : memref<1x1x4x4x128xf32, #tpu.memory_space<vmem>> -> memref<4x4x128xf32, #tpu.memory_space<vmem>>
        %dma_start3A_2804 = arith.constant 0 : i32
        %dma_start3A_2805 = arith.constant 0 : i32
        %dma_start3A_2806 = tpu.memref_slice %arg2[%dma_start3A_2804, %dma_start3A_2805, %multiple_of3A_2796] : memref<4x4x1000000xf32, #tpu.memory_space<hbm>> -> memref<4x4x128xf32, #tpu.memory_space<hbm>>
        %dma_start3A_2807 = arith.constant 0 : i32
        %dma_start3A_2808 = arith.constant 0 : i32
        %dma_start3A_2809 = arith.constant 0 : i32
        %dma_start3A_2810 = tpu.memref_slice %arg6[%dma_start3A_2797, %dma_start3A_2798, %dma_start3A_2807, %dma_start3A_2808, %dma_start3A_2809] : memref<2x16x4x4x128xf32, #tpu.memory_space<vmem>> -> memref<1x1x4x4x128xf32, #tpu.memory_space<vmem>>
        %dma_start3A_2811 = tpu.memref_squeeze %dma_start3A_2810 : memref<1x1x4x4x128xf32, #tpu.memory_space<vmem>> -> memref<4x4x128xf32, #tpu.memory_space<vmem>>
        %dma_start3A_2812 = arith.constant 0 : i32
        %dma_start3A_2813 = arith.constant 0 : i32
        %dma_start3A_2814 = tpu.memref_slice %arg2[%dma_start3A_2812, %dma_start3A_2813, %multiple_of3A_2796] : memref<4x4x1000000xf32, #tpu.memory_space<hbm>> -> memref<4x4x128xf32, #tpu.memory_space<hbm>>
        tpu.enqueue_dma source(%dma_start3A_2814 : memref<4x4x128xf32, #tpu.memory_space<hbm>>) target(%dma_start3A_2811 : memref<4x4x128xf32, #tpu.memory_space<vmem>>) target_semaphore(%arg8 : memref<!tpu.dma_semaphore, #tpu.memory_space<semaphore_mem>>)
        %eq3A_2815 = arith.constant 8 : i32
        %eq3A_2816 = vector.broadcast %eq3A_2815 : i32 to vector<16xi32>
        %eq3A_2817 = arith.cmpi eq, %iota3A, %eq3A_2816 : vector<16xi32>
        %jit3A_2818 = arith.constant 0 : i32
        %broadcast_in_dim3A_2819 = vector.broadcast %jit3A_2818 : i32 to vector<16xi32>
        %select_n3A_2820 = arith.select %eq3A_2817, %shift_left3A_2550, %broadcast_in_dim3A_2819 : vector<16xi1>, vector<16xi32>
        %reduce_max3A_2821 = arith.constant true
        %reduce_max3A_2822 = vector.broadcast %reduce_max3A_2821 : i1 to vector<16xi1>
        %reduce_max3A_2823 = arith.constant -2147483648 : i32
        %reduce_max3A_2824 = vector.broadcast %reduce_max3A_2823 : i32 to vector<16xi32>
        %reduce_max3A_2825 = arith.xori %select_n3A_2820, %reduce_max3A_2824 : vector<16xi32>
        %reduce_max3A_2826 = tpu.scan <max>, %reduce_max3A_2825 masked %reduce_max3A_2822 : vector<16xi32>, vector<16xi1> -> vector<16xi32>
        %reduce_max3A_2827 = arith.xori %reduce_max3A_2826, %reduce_max3A_2824 : vector<16xi32>
        %reduce_max3A_2828 = vector.extract %reduce_max3A_2827[15] : i32 from vector<16xi32>
        %multiple_of3A_2829 = tpu.assume_multiple %reduce_max3A_2828, 128 : i32
        %dma_start3A_2830 = arith.constant 0 : i32
        %dma_start3A_2831 = arith.constant 8 : i32
        %dma_start3A_2832 = arith.constant 0 : i32
        %dma_start3A_2833 = arith.constant 0 : i32
        %dma_start3A_2834 = arith.constant 0 : i32
        %dma_start3A_2835 = tpu.memref_slice %arg6[%dma_start3A_2830, %dma_start3A_2831, %dma_start3A_2832, %dma_start3A_2833, %dma_start3A_2834] : memref<2x16x4x4x128xf32, #tpu.memory_space<vmem>> -> memref<1x1x4x4x128xf32, #tpu.memory_space<vmem>>
        %dma_start3A_2836 = tpu.memref_squeeze %dma_start3A_2835 : memref<1x1x4x4x128xf32, #tpu.memory_space<vmem>> -> memref<4x4x128xf32, #tpu.memory_space<vmem>>
        %dma_start3A_2837 = arith.constant 0 : i32
        %dma_start3A_2838 = arith.constant 0 : i32
        %dma_start3A_2839 = tpu.memref_slice %arg2[%dma_start3A_2837, %dma_start3A_2838, %multiple_of3A_2829] : memref<4x4x1000000xf32, #tpu.memory_space<hbm>> -> memref<4x4x128xf32, #tpu.memory_space<hbm>>
        %dma_start3A_2840 = arith.constant 0 : i32
        %dma_start3A_2841 = arith.constant 0 : i32
        %dma_start3A_2842 = arith.constant 0 : i32
        %dma_start3A_2843 = tpu.memref_slice %arg6[%dma_start3A_2830, %dma_start3A_2831, %dma_start3A_2840, %dma_start3A_2841, %dma_start3A_2842] : memref<2x16x4x4x128xf32, #tpu.memory_space<vmem>> -> memref<1x1x4x4x128xf32, #tpu.memory_space<vmem>>
        %dma_start3A_2844 = tpu.memref_squeeze %dma_start3A_2843 : memref<1x1x4x4x128xf32, #tpu.memory_space<vmem>> -> memref<4x4x128xf32, #tpu.memory_space<vmem>>
        %dma_start3A_2845 = arith.constant 0 : i32
        %dma_start3A_2846 = arith.constant 0 : i32
        %dma_start3A_2847 = tpu.memref_slice %arg2[%dma_start3A_2845, %dma_start3A_2846, %multiple_of3A_2829] : memref<4x4x1000000xf32, #tpu.memory_space<hbm>> -> memref<4x4x128xf32, #tpu.memory_space<hbm>>
        tpu.enqueue_dma source(%dma_start3A_2847 : memref<4x4x128xf32, #tpu.memory_space<hbm>>) target(%dma_start3A_2844 : memref<4x4x128xf32, #tpu.memory_space<vmem>>) target_semaphore(%arg8 : memref<!tpu.dma_semaphore, #tpu.memory_space<semaphore_mem>>)
        %eq3A_2848 = arith.constant 9 : i32
        %eq3A_2849 = vector.broadcast %eq3A_2848 : i32 to vector<16xi32>
        %eq3A_2850 = arith.cmpi eq, %iota3A, %eq3A_2849 : vector<16xi32>
        %jit3A_2851 = arith.constant 0 : i32
        %broadcast_in_dim3A_2852 = vector.broadcast %jit3A_2851 : i32 to vector<16xi32>
        %select_n3A_2853 = arith.select %eq3A_2850, %shift_left3A_2550, %broadcast_in_dim3A_2852 : vector<16xi1>, vector<16xi32>
        %reduce_max3A_2854 = arith.constant true
        %reduce_max3A_2855 = vector.broadcast %reduce_max3A_2854 : i1 to vector<16xi1>
        %reduce_max3A_2856 = arith.constant -2147483648 : i32
        %reduce_max3A_2857 = vector.broadcast %reduce_max3A_2856 : i32 to vector<16xi32>
        %reduce_max3A_2858 = arith.xori %select_n3A_2853, %reduce_max3A_2857 : vector<16xi32>
        %reduce_max3A_2859 = tpu.scan <max>, %reduce_max3A_2858 masked %reduce_max3A_2855 : vector<16xi32>, vector<16xi1> -> vector<16xi32>
        %reduce_max3A_2860 = arith.xori %reduce_max3A_2859, %reduce_max3A_2857 : vector<16xi32>
        %reduce_max3A_2861 = vector.extract %reduce_max3A_2860[15] : i32 from vector<16xi32>
        %multiple_of3A_2862 = tpu.assume_multiple %reduce_max3A_2861, 128 : i32
        %dma_start3A_2863 = arith.constant 0 : i32
        %dma_start3A_2864 = arith.constant 9 : i32
        %dma_start3A_2865 = arith.constant 0 : i32
        %dma_start3A_2866 = arith.constant 0 : i32
        %dma_start3A_2867 = arith.constant 0 : i32
        %dma_start3A_2868 = tpu.memref_slice %arg6[%dma_start3A_2863, %dma_start3A_2864, %dma_start3A_2865, %dma_start3A_2866, %dma_start3A_2867] : memref<2x16x4x4x128xf32, #tpu.memory_space<vmem>> -> memref<1x1x4x4x128xf32, #tpu.memory_space<vmem>>
        %dma_start3A_2869 = tpu.memref_squeeze %dma_start3A_2868 : memref<1x1x4x4x128xf32, #tpu.memory_space<vmem>> -> memref<4x4x128xf32, #tpu.memory_space<vmem>>
        %dma_start3A_2870 = arith.constant 0 : i32
        %dma_start3A_2871 = arith.constant 0 : i32
        %dma_start3A_2872 = tpu.memref_slice %arg2[%dma_start3A_2870, %dma_start3A_2871, %multiple_of3A_2862] : memref<4x4x1000000xf32, #tpu.memory_space<hbm>> -> memref<4x4x128xf32, #tpu.memory_space<hbm>>
        %dma_start3A_2873 = arith.constant 0 : i32
        %dma_start3A_2874 = arith.constant 0 : i32
        %dma_start3A_2875 = arith.constant 0 : i32
        %dma_start3A_2876 = tpu.memref_slice %arg6[%dma_start3A_2863, %dma_start3A_2864, %dma_start3A_2873, %dma_start3A_2874, %dma_start3A_2875] : memref<2x16x4x4x128xf32, #tpu.memory_space<vmem>> -> memref<1x1x4x4x128xf32, #tpu.memory_space<vmem>>
        %dma_start3A_2877 = tpu.memref_squeeze %dma_start3A_2876 : memref<1x1x4x4x128xf32, #tpu.memory_space<vmem>> -> memref<4x4x128xf32, #tpu.memory_space<vmem>>
        %dma_start3A_2878 = arith.constant 0 : i32
        %dma_start3A_2879 = arith.constant 0 : i32
        %dma_start3A_2880 = tpu.memref_slice %arg2[%dma_start3A_2878, %dma_start3A_2879, %multiple_of3A_2862] : memref<4x4x1000000xf32, #tpu.memory_space<hbm>> -> memref<4x4x128xf32, #tpu.memory_space<hbm>>
        tpu.enqueue_dma source(%dma_start3A_2880 : memref<4x4x128xf32, #tpu.memory_space<hbm>>) target(%dma_start3A_2877 : memref<4x4x128xf32, #tpu.memory_space<vmem>>) target_semaphore(%arg8 : memref<!tpu.dma_semaphore, #tpu.memory_space<semaphore_mem>>)
        %eq3A_2881 = arith.constant 10 : i32
        %eq3A_2882 = vector.broadcast %eq3A_2881 : i32 to vector<16xi32>
        %eq3A_2883 = arith.cmpi eq, %iota3A, %eq3A_2882 : vector<16xi32>
        %jit3A_2884 = arith.constant 0 : i32
        %broadcast_in_dim3A_2885 = vector.broadcast %jit3A_2884 : i32 to vector<16xi32>
        %select_n3A_2886 = arith.select %eq3A_2883, %shift_left3A_2550, %broadcast_in_dim3A_2885 : vector<16xi1>, vector<16xi32>
        %reduce_max3A_2887 = arith.constant true
        %reduce_max3A_2888 = vector.broadcast %reduce_max3A_2887 : i1 to vector<16xi1>
        %reduce_max3A_2889 = arith.constant -2147483648 : i32
        %reduce_max3A_2890 = vector.broadcast %reduce_max3A_2889 : i32 to vector<16xi32>
        %reduce_max3A_2891 = arith.xori %select_n3A_2886, %reduce_max3A_2890 : vector<16xi32>
        %reduce_max3A_2892 = tpu.scan <max>, %reduce_max3A_2891 masked %reduce_max3A_2888 : vector<16xi32>, vector<16xi1> -> vector<16xi32>
        %reduce_max3A_2893 = arith.xori %reduce_max3A_2892, %reduce_max3A_2890 : vector<16xi32>
        %reduce_max3A_2894 = vector.extract %reduce_max3A_2893[15] : i32 from vector<16xi32>
        %multiple_of3A_2895 = tpu.assume_multiple %reduce_max3A_2894, 128 : i32
        %dma_start3A_2896 = arith.constant 0 : i32
        %dma_start3A_2897 = arith.constant 10 : i32
        %dma_start3A_2898 = arith.constant 0 : i32
        %dma_start3A_2899 = arith.constant 0 : i32
        %dma_start3A_2900 = arith.constant 0 : i32
        %dma_start3A_2901 = tpu.memref_slice %arg6[%dma_start3A_2896, %dma_start3A_2897, %dma_start3A_2898, %dma_start3A_2899, %dma_start3A_2900] : memref<2x16x4x4x128xf32, #tpu.memory_space<vmem>> -> memref<1x1x4x4x128xf32, #tpu.memory_space<vmem>>
        %dma_start3A_2902 = tpu.memref_squeeze %dma_start3A_2901 : memref<1x1x4x4x128xf32, #tpu.memory_space<vmem>> -> memref<4x4x128xf32, #tpu.memory_space<vmem>>
        %dma_start3A_2903 = arith.constant 0 : i32
        %dma_start3A_2904 = arith.constant 0 : i32
        %dma_start3A_2905 = tpu.memref_slice %arg2[%dma_start3A_2903, %dma_start3A_2904, %multiple_of3A_2895] : memref<4x4x1000000xf32, #tpu.memory_space<hbm>> -> memref<4x4x128xf32, #tpu.memory_space<hbm>>
        %dma_start3A_2906 = arith.constant 0 : i32
        %dma_start3A_2907 = arith.constant 0 : i32
        %dma_start3A_2908 = arith.constant 0 : i32
        %dma_start3A_2909 = tpu.memref_slice %arg6[%dma_start3A_2896, %dma_start3A_2897, %dma_start3A_2906, %dma_start3A_2907, %dma_start3A_2908] : memref<2x16x4x4x128xf32, #tpu.memory_space<vmem>> -> memref<1x1x4x4x128xf32, #tpu.memory_space<vmem>>
        %dma_start3A_2910 = tpu.memref_squeeze %dma_start3A_2909 : memref<1x1x4x4x128xf32, #tpu.memory_space<vmem>> -> memref<4x4x128xf32, #tpu.memory_space<vmem>>
        %dma_start3A_2911 = arith.constant 0 : i32
        %dma_start3A_2912 = arith.constant 0 : i32
        %dma_start3A_2913 = tpu.memref_slice %arg2[%dma_start3A_2911, %dma_start3A_2912, %multiple_of3A_2895] : memref<4x4x1000000xf32, #tpu.memory_space<hbm>> -> memref<4x4x128xf32, #tpu.memory_space<hbm>>
        tpu.enqueue_dma source(%dma_start3A_2913 : memref<4x4x128xf32, #tpu.memory_space<hbm>>) target(%dma_start3A_2910 : memref<4x4x128xf32, #tpu.memory_space<vmem>>) target_semaphore(%arg8 : memref<!tpu.dma_semaphore, #tpu.memory_space<semaphore_mem>>)
        %eq3A_2914 = arith.constant 11 : i32
        %eq3A_2915 = vector.broadcast %eq3A_2914 : i32 to vector<16xi32>
        %eq3A_2916 = arith.cmpi eq, %iota3A, %eq3A_2915 : vector<16xi32>
        %jit3A_2917 = arith.constant 0 : i32
        %broadcast_in_dim3A_2918 = vector.broadcast %jit3A_2917 : i32 to vector<16xi32>
        %select_n3A_2919 = arith.select %eq3A_2916, %shift_left3A_2550, %broadcast_in_dim3A_2918 : vector<16xi1>, vector<16xi32>
        %reduce_max3A_2920 = arith.constant true
        %reduce_max3A_2921 = vector.broadcast %reduce_max3A_2920 : i1 to vector<16xi1>
        %reduce_max3A_2922 = arith.constant -2147483648 : i32
        %reduce_max3A_2923 = vector.broadcast %reduce_max3A_2922 : i32 to vector<16xi32>
        %reduce_max3A_2924 = arith.xori %select_n3A_2919, %reduce_max3A_2923 : vector<16xi32>
        %reduce_max3A_2925 = tpu.scan <max>, %reduce_max3A_2924 masked %reduce_max3A_2921 : vector<16xi32>, vector<16xi1> -> vector<16xi32>
        %reduce_max3A_2926 = arith.xori %reduce_max3A_2925, %reduce_max3A_2923 : vector<16xi32>
        %reduce_max3A_2927 = vector.extract %reduce_max3A_2926[15] : i32 from vector<16xi32>
        %multiple_of3A_2928 = tpu.assume_multiple %reduce_max3A_2927, 128 : i32
        %dma_start3A_2929 = arith.constant 0 : i32
        %dma_start3A_2930 = arith.constant 11 : i32
        %dma_start3A_2931 = arith.constant 0 : i32
        %dma_start3A_2932 = arith.constant 0 : i32
        %dma_start3A_2933 = arith.constant 0 : i32
        %dma_start3A_2934 = tpu.memref_slice %arg6[%dma_start3A_2929, %dma_start3A_2930, %dma_start3A_2931, %dma_start3A_2932, %dma_start3A_2933] : memref<2x16x4x4x128xf32, #tpu.memory_space<vmem>> -> memref<1x1x4x4x128xf32, #tpu.memory_space<vmem>>
        %dma_start3A_2935 = tpu.memref_squeeze %dma_start3A_2934 : memref<1x1x4x4x128xf32, #tpu.memory_space<vmem>> -> memref<4x4x128xf32, #tpu.memory_space<vmem>>
        %dma_start3A_2936 = arith.constant 0 : i32
        %dma_start3A_2937 = arith.constant 0 : i32
        %dma_start3A_2938 = tpu.memref_slice %arg2[%dma_start3A_2936, %dma_start3A_2937, %multiple_of3A_2928] : memref<4x4x1000000xf32, #tpu.memory_space<hbm>> -> memref<4x4x128xf32, #tpu.memory_space<hbm>>
        %dma_start3A_2939 = arith.constant 0 : i32
        %dma_start3A_2940 = arith.constant 0 : i32
        %dma_start3A_2941 = arith.constant 0 : i32
        %dma_start3A_2942 = tpu.memref_slice %arg6[%dma_start3A_2929, %dma_start3A_2930, %dma_start3A_2939, %dma_start3A_2940, %dma_start3A_2941] : memref<2x16x4x4x128xf32, #tpu.memory_space<vmem>> -> memref<1x1x4x4x128xf32, #tpu.memory_space<vmem>>
        %dma_start3A_2943 = tpu.memref_squeeze %dma_start3A_2942 : memref<1x1x4x4x128xf32, #tpu.memory_space<vmem>> -> memref<4x4x128xf32, #tpu.memory_space<vmem>>
        %dma_start3A_2944 = arith.constant 0 : i32
        %dma_start3A_2945 = arith.constant 0 : i32
        %dma_start3A_2946 = tpu.memref_slice %arg2[%dma_start3A_2944, %dma_start3A_2945, %multiple_of3A_2928] : memref<4x4x1000000xf32, #tpu.memory_space<hbm>> -> memref<4x4x128xf32, #tpu.memory_space<hbm>>
        tpu.enqueue_dma source(%dma_start3A_2946 : memref<4x4x128xf32, #tpu.memory_space<hbm>>) target(%dma_start3A_2943 : memref<4x4x128xf32, #tpu.memory_space<vmem>>) target_semaphore(%arg8 : memref<!tpu.dma_semaphore, #tpu.memory_space<semaphore_mem>>)
        %eq3A_2947 = arith.constant 12 : i32
        %eq3A_2948 = vector.broadcast %eq3A_2947 : i32 to vector<16xi32>
        %eq3A_2949 = arith.cmpi eq, %iota3A, %eq3A_2948 : vector<16xi32>
        %jit3A_2950 = arith.constant 0 : i32
        %broadcast_in_dim3A_2951 = vector.broadcast %jit3A_2950 : i32 to vector<16xi32>
        %select_n3A_2952 = arith.select %eq3A_2949, %shift_left3A_2550, %broadcast_in_dim3A_2951 : vector<16xi1>, vector<16xi32>
        %reduce_max3A_2953 = arith.constant true
        %reduce_max3A_2954 = vector.broadcast %reduce_max3A_2953 : i1 to vector<16xi1>
        %reduce_max3A_2955 = arith.constant -2147483648 : i32
        %reduce_max3A_2956 = vector.broadcast %reduce_max3A_2955 : i32 to vector<16xi32>
        %reduce_max3A_2957 = arith.xori %select_n3A_2952, %reduce_max3A_2956 : vector<16xi32>
        %reduce_max3A_2958 = tpu.scan <max>, %reduce_max3A_2957 masked %reduce_max3A_2954 : vector<16xi32>, vector<16xi1> -> vector<16xi32>
        %reduce_max3A_2959 = arith.xori %reduce_max3A_2958, %reduce_max3A_2956 : vector<16xi32>
        %reduce_max3A_2960 = vector.extract %reduce_max3A_2959[15] : i32 from vector<16xi32>
        %multiple_of3A_2961 = tpu.assume_multiple %reduce_max3A_2960, 128 : i32
        %dma_start3A_2962 = arith.constant 0 : i32
        %dma_start3A_2963 = arith.constant 12 : i32
        %dma_start3A_2964 = arith.constant 0 : i32
        %dma_start3A_2965 = arith.constant 0 : i32
        %dma_start3A_2966 = arith.constant 0 : i32
        %dma_start3A_2967 = tpu.memref_slice %arg6[%dma_start3A_2962, %dma_start3A_2963, %dma_start3A_2964, %dma_start3A_2965, %dma_start3A_2966] : memref<2x16x4x4x128xf32, #tpu.memory_space<vmem>> -> memref<1x1x4x4x128xf32, #tpu.memory_space<vmem>>
        %dma_start3A_2968 = tpu.memref_squeeze %dma_start3A_2967 : memref<1x1x4x4x128xf32, #tpu.memory_space<vmem>> -> memref<4x4x128xf32, #tpu.memory_space<vmem>>
        %dma_start3A_2969 = arith.constant 0 : i32
        %dma_start3A_2970 = arith.constant 0 : i32
        %dma_start3A_2971 = tpu.memref_slice %arg2[%dma_start3A_2969, %dma_start3A_2970, %multiple_of3A_2961] : memref<4x4x1000000xf32, #tpu.memory_space<hbm>> -> memref<4x4x128xf32, #tpu.memory_space<hbm>>
        %dma_start3A_2972 = arith.constant 0 : i32
        %dma_start3A_2973 = arith.constant 0 : i32
        %dma_start3A_2974 = arith.constant 0 : i32
        %dma_start3A_2975 = tpu.memref_slice %arg6[%dma_start3A_2962, %dma_start3A_2963, %dma_start3A_2972, %dma_start3A_2973, %dma_start3A_2974] : memref<2x16x4x4x128xf32, #tpu.memory_space<vmem>> -> memref<1x1x4x4x128xf32, #tpu.memory_space<vmem>>
        %dma_start3A_2976 = tpu.memref_squeeze %dma_start3A_2975 : memref<1x1x4x4x128xf32, #tpu.memory_space<vmem>> -> memref<4x4x128xf32, #tpu.memory_space<vmem>>
        %dma_start3A_2977 = arith.constant 0 : i32
        %dma_start3A_2978 = arith.constant 0 : i32
        %dma_start3A_2979 = tpu.memref_slice %arg2[%dma_start3A_2977, %dma_start3A_2978, %multiple_of3A_2961] : memref<4x4x1000000xf32, #tpu.memory_space<hbm>> -> memref<4x4x128xf32, #tpu.memory_space<hbm>>
        tpu.enqueue_dma source(%dma_start3A_2979 : memref<4x4x128xf32, #tpu.memory_space<hbm>>) target(%dma_start3A_2976 : memref<4x4x128xf32, #tpu.memory_space<vmem>>) target_semaphore(%arg8 : memref<!tpu.dma_semaphore, #tpu.memory_space<semaphore_mem>>)
        %eq3A_2980 = arith.constant 13 : i32
        %eq3A_2981 = vector.broadcast %eq3A_2980 : i32 to vector<16xi32>
        %eq3A_2982 = arith.cmpi eq, %iota3A, %eq3A_2981 : vector<16xi32>
        %jit3A_2983 = arith.constant 0 : i32
        %broadcast_in_dim3A_2984 = vector.broadcast %jit3A_2983 : i32 to vector<16xi32>
        %select_n3A_2985 = arith.select %eq3A_2982, %shift_left3A_2550, %broadcast_in_dim3A_2984 : vector<16xi1>, vector<16xi32>
        %reduce_max3A_2986 = arith.constant true
        %reduce_max3A_2987 = vector.broadcast %reduce_max3A_2986 : i1 to vector<16xi1>
        %reduce_max3A_2988 = arith.constant -2147483648 : i32
        %reduce_max3A_2989 = vector.broadcast %reduce_max3A_2988 : i32 to vector<16xi32>
        %reduce_max3A_2990 = arith.xori %select_n3A_2985, %reduce_max3A_2989 : vector<16xi32>
        %reduce_max3A_2991 = tpu.scan <max>, %reduce_max3A_2990 masked %reduce_max3A_2987 : vector<16xi32>, vector<16xi1> -> vector<16xi32>
        %reduce_max3A_2992 = arith.xori %reduce_max3A_2991, %reduce_max3A_2989 : vector<16xi32>
        %reduce_max3A_2993 = vector.extract %reduce_max3A_2992[15] : i32 from vector<16xi32>
        %multiple_of3A_2994 = tpu.assume_multiple %reduce_max3A_2993, 128 : i32
        %dma_start3A_2995 = arith.constant 0 : i32
        %dma_start3A_2996 = arith.constant 13 : i32
        %dma_start3A_2997 = arith.constant 0 : i32
        %dma_start3A_2998 = arith.constant 0 : i32
        %dma_start3A_2999 = arith.constant 0 : i32
        %dma_start3A_3000 = tpu.memref_slice %arg6[%dma_start3A_2995, %dma_start3A_2996, %dma_start3A_2997, %dma_start3A_2998, %dma_start3A_2999] : memref<2x16x4x4x128xf32, #tpu.memory_space<vmem>> -> memref<1x1x4x4x128xf32, #tpu.memory_space<vmem>>
        %dma_start3A_3001 = tpu.memref_squeeze %dma_start3A_3000 : memref<1x1x4x4x128xf32, #tpu.memory_space<vmem>> -> memref<4x4x128xf32, #tpu.memory_space<vmem>>
        %dma_start3A_3002 = arith.constant 0 : i32
        %dma_start3A_3003 = arith.constant 0 : i32
        %dma_start3A_3004 = tpu.memref_slice %arg2[%dma_start3A_3002, %dma_start3A_3003, %multiple_of3A_2994] : memref<4x4x1000000xf32, #tpu.memory_space<hbm>> -> memref<4x4x128xf32, #tpu.memory_space<hbm>>
        %dma_start3A_3005 = arith.constant 0 : i32
        %dma_start3A_3006 = arith.constant 0 : i32
        %dma_start3A_3007 = arith.constant 0 : i32
        %dma_start3A_3008 = tpu.memref_slice %arg6[%dma_start3A_2995, %dma_start3A_2996, %dma_start3A_3005, %dma_start3A_3006, %dma_start3A_3007] : memref<2x16x4x4x128xf32, #tpu.memory_space<vmem>> -> memref<1x1x4x4x128xf32, #tpu.memory_space<vmem>>
        %dma_start3A_3009 = tpu.memref_squeeze %dma_start3A_3008 : memref<1x1x4x4x128xf32, #tpu.memory_space<vmem>> -> memref<4x4x128xf32, #tpu.memory_space<vmem>>
        %dma_start3A_3010 = arith.constant 0 : i32
        %dma_start3A_3011 = arith.constant 0 : i32
        %dma_start3A_3012 = tpu.memref_slice %arg2[%dma_start3A_3010, %dma_start3A_3011, %multiple_of3A_2994] : memref<4x4x1000000xf32, #tpu.memory_space<hbm>> -> memref<4x4x128xf32, #tpu.memory_space<hbm>>
        tpu.enqueue_dma source(%dma_start3A_3012 : memref<4x4x128xf32, #tpu.memory_space<hbm>>) target(%dma_start3A_3009 : memref<4x4x128xf32, #tpu.memory_space<vmem>>) target_semaphore(%arg8 : memref<!tpu.dma_semaphore, #tpu.memory_space<semaphore_mem>>)
        %eq3A_3013 = arith.constant 14 : i32
        %eq3A_3014 = vector.broadcast %eq3A_3013 : i32 to vector<16xi32>
        %eq3A_3015 = arith.cmpi eq, %iota3A, %eq3A_3014 : vector<16xi32>
        %jit3A_3016 = arith.constant 0 : i32
        %broadcast_in_dim3A_3017 = vector.broadcast %jit3A_3016 : i32 to vector<16xi32>
        %select_n3A_3018 = arith.select %eq3A_3015, %shift_left3A_2550, %broadcast_in_dim3A_3017 : vector<16xi1>, vector<16xi32>
        %reduce_max3A_3019 = arith.constant true
        %reduce_max3A_3020 = vector.broadcast %reduce_max3A_3019 : i1 to vector<16xi1>
        %reduce_max3A_3021 = arith.constant -2147483648 : i32
        %reduce_max3A_3022 = vector.broadcast %reduce_max3A_3021 : i32 to vector<16xi32>
        %reduce_max3A_3023 = arith.xori %select_n3A_3018, %reduce_max3A_3022 : vector<16xi32>
        %reduce_max3A_3024 = tpu.scan <max>, %reduce_max3A_3023 masked %reduce_max3A_3020 : vector<16xi32>, vector<16xi1> -> vector<16xi32>
        %reduce_max3A_3025 = arith.xori %reduce_max3A_3024, %reduce_max3A_3022 : vector<16xi32>
        %reduce_max3A_3026 = vector.extract %reduce_max3A_3025[15] : i32 from vector<16xi32>
        %multiple_of3A_3027 = tpu.assume_multiple %reduce_max3A_3026, 128 : i32
        %dma_start3A_3028 = arith.constant 0 : i32
        %dma_start3A_3029 = arith.constant 14 : i32
        %dma_start3A_3030 = arith.constant 0 : i32
        %dma_start3A_3031 = arith.constant 0 : i32
        %dma_start3A_3032 = arith.constant 0 : i32
        %dma_start3A_3033 = tpu.memref_slice %arg6[%dma_start3A_3028, %dma_start3A_3029, %dma_start3A_3030, %dma_start3A_3031, %dma_start3A_3032] : memref<2x16x4x4x128xf32, #tpu.memory_space<vmem>> -> memref<1x1x4x4x128xf32, #tpu.memory_space<vmem>>
        %dma_start3A_3034 = tpu.memref_squeeze %dma_start3A_3033 : memref<1x1x4x4x128xf32, #tpu.memory_space<vmem>> -> memref<4x4x128xf32, #tpu.memory_space<vmem>>
        %dma_start3A_3035 = arith.constant 0 : i32
        %dma_start3A_3036 = arith.constant 0 : i32
        %dma_start3A_3037 = tpu.memref_slice %arg2[%dma_start3A_3035, %dma_start3A_3036, %multiple_of3A_3027] : memref<4x4x1000000xf32, #tpu.memory_space<hbm>> -> memref<4x4x128xf32, #tpu.memory_space<hbm>>
        %dma_start3A_3038 = arith.constant 0 : i32
        %dma_start3A_3039 = arith.constant 0 : i32
        %dma_start3A_3040 = arith.constant 0 : i32
        %dma_start3A_3041 = tpu.memref_slice %arg6[%dma_start3A_3028, %dma_start3A_3029, %dma_start3A_3038, %dma_start3A_3039, %dma_start3A_3040] : memref<2x16x4x4x128xf32, #tpu.memory_space<vmem>> -> memref<1x1x4x4x128xf32, #tpu.memory_space<vmem>>
        %dma_start3A_3042 = tpu.memref_squeeze %dma_start3A_3041 : memref<1x1x4x4x128xf32, #tpu.memory_space<vmem>> -> memref<4x4x128xf32, #tpu.memory_space<vmem>>
        %dma_start3A_3043 = arith.constant 0 : i32
        %dma_start3A_3044 = arith.constant 0 : i32
        %dma_start3A_3045 = tpu.memref_slice %arg2[%dma_start3A_3043, %dma_start3A_3044, %multiple_of3A_3027] : memref<4x4x1000000xf32, #tpu.memory_space<hbm>> -> memref<4x4x128xf32, #tpu.memory_space<hbm>>
        tpu.enqueue_dma source(%dma_start3A_3045 : memref<4x4x128xf32, #tpu.memory_space<hbm>>) target(%dma_start3A_3042 : memref<4x4x128xf32, #tpu.memory_space<vmem>>) target_semaphore(%arg8 : memref<!tpu.dma_semaphore, #tpu.memory_space<semaphore_mem>>)
        %eq3A_3046 = arith.constant 15 : i32
        %eq3A_3047 = vector.broadcast %eq3A_3046 : i32 to vector<16xi32>
        %eq3A_3048 = arith.cmpi eq, %iota3A, %eq3A_3047 : vector<16xi32>
        %jit3A_3049 = arith.constant 0 : i32
        %broadcast_in_dim3A_3050 = vector.broadcast %jit3A_3049 : i32 to vector<16xi32>
        %select_n3A_3051 = arith.select %eq3A_3048, %shift_left3A_2550, %broadcast_in_dim3A_3050 : vector<16xi1>, vector<16xi32>
        %reduce_max3A_3052 = arith.constant true
        %reduce_max3A_3053 = vector.broadcast %reduce_max3A_3052 : i1 to vector<16xi1>
        %reduce_max3A_3054 = arith.constant -2147483648 : i32
        %reduce_max3A_3055 = vector.broadcast %reduce_max3A_3054 : i32 to vector<16xi32>
        %reduce_max3A_3056 = arith.xori %select_n3A_3051, %reduce_max3A_3055 : vector<16xi32>
        %reduce_max3A_3057 = tpu.scan <max>, %reduce_max3A_3056 masked %reduce_max3A_3053 : vector<16xi32>, vector<16xi1> -> vector<16xi32>
        %reduce_max3A_3058 = arith.xori %reduce_max3A_3057, %reduce_max3A_3055 : vector<16xi32>
        %reduce_max3A_3059 = vector.extract %reduce_max3A_3058[15] : i32 from vector<16xi32>
        %multiple_of3A_3060 = tpu.assume_multiple %reduce_max3A_3059, 128 : i32
        %dma_start3A_3061 = arith.constant 0 : i32
        %dma_start3A_3062 = arith.constant 15 : i32
        %dma_start3A_3063 = arith.constant 0 : i32
        %dma_start3A_3064 = arith.constant 0 : i32
        %dma_start3A_3065 = arith.constant 0 : i32
        %dma_start3A_3066 = tpu.memref_slice %arg6[%dma_start3A_3061, %dma_start3A_3062, %dma_start3A_3063, %dma_start3A_3064, %dma_start3A_3065] : memref<2x16x4x4x128xf32, #tpu.memory_space<vmem>> -> memref<1x1x4x4x128xf32, #tpu.memory_space<vmem>>
        %dma_start3A_3067 = tpu.memref_squeeze %dma_start3A_3066 : memref<1x1x4x4x128xf32, #tpu.memory_space<vmem>> -> memref<4x4x128xf32, #tpu.memory_space<vmem>>
        %dma_start3A_3068 = arith.constant 0 : i32
        %dma_start3A_3069 = arith.constant 0 : i32
        %dma_start3A_3070 = tpu.memref_slice %arg2[%dma_start3A_3068, %dma_start3A_3069, %multiple_of3A_3060] : memref<4x4x1000000xf32, #tpu.memory_space<hbm>> -> memref<4x4x128xf32, #tpu.memory_space<hbm>>
        %dma_start3A_3071 = arith.constant 0 : i32
        %dma_start3A_3072 = arith.constant 0 : i32
        %dma_start3A_3073 = arith.constant 0 : i32
        %dma_start3A_3074 = tpu.memref_slice %arg6[%dma_start3A_3061, %dma_start3A_3062, %dma_start3A_3071, %dma_start3A_3072, %dma_start3A_3073] : memref<2x16x4x4x128xf32, #tpu.memory_space<vmem>> -> memref<1x1x4x4x128xf32, #tpu.memory_space<vmem>>
        %dma_start3A_3075 = tpu.memref_squeeze %dma_start3A_3074 : memref<1x1x4x4x128xf32, #tpu.memory_space<vmem>> -> memref<4x4x128xf32, #tpu.memory_space<vmem>>
        %dma_start3A_3076 = arith.constant 0 : i32
        %dma_start3A_3077 = arith.constant 0 : i32
        %dma_start3A_3078 = tpu.memref_slice %arg2[%dma_start3A_3076, %dma_start3A_3077, %multiple_of3A_3060] : memref<4x4x1000000xf32, #tpu.memory_space<hbm>> -> memref<4x4x128xf32, #tpu.memory_space<hbm>>
        tpu.enqueue_dma source(%dma_start3A_3078 : memref<4x4x128xf32, #tpu.memory_space<hbm>>) target(%dma_start3A_3075 : memref<4x4x128xf32, #tpu.memory_space<vmem>>) target_semaphore(%arg8 : memref<!tpu.dma_semaphore, #tpu.memory_space<semaphore_mem>>)
      } else {
      }
      %dma_wait3A_1812 = arith.constant 1 : i32
      %dma_wait3A_1813 = arith.constant 0 : i32
      %dma_wait3A_1814 = arith.constant 0 : i32
      %dma_wait3A_1815 = arith.constant 0 : i32
      %dma_wait3A_1816 = arith.constant 0 : i32
      %dma_wait3A_1817 = tpu.memref_slice %arg6[%dma_wait3A_1812, %dma_wait3A_1813, %dma_wait3A_1814, %dma_wait3A_1815, %dma_wait3A_1816] : memref<2x16x4x4x128xf32, #tpu.memory_space<vmem>> -> memref<1x1x4x4x128xf32, #tpu.memory_space<vmem>>
      %dma_wait3A_1818 = tpu.memref_squeeze %dma_wait3A_1817 : memref<1x1x4x4x128xf32, #tpu.memory_space<vmem>> -> memref<4x4x128xf32, #tpu.memory_space<vmem>>
      %dma_wait3A_1819 = arith.constant 0 : i32
      %dma_wait3A_1820 = arith.constant 0 : i32
      %dma_wait3A_1821 = arith.constant 0 : i32
      %dma_wait3A_1822 = tpu.memref_slice %arg2[%dma_wait3A_1819, %dma_wait3A_1820, %dma_wait3A_1821] : memref<4x4x1000000xf32, #tpu.memory_space<hbm>> -> memref<4x4x128xf32, #tpu.memory_space<hbm>>
      %dma_wait3A_1823 = arith.constant 0 : i32
      %dma_wait3A_1824 = arith.constant 0 : i32
      %dma_wait3A_1825 = arith.constant 0 : i32
      %dma_wait3A_1826 = tpu.memref_slice %arg6[%dma_wait3A_1812, %dma_wait3A_1813, %dma_wait3A_1823, %dma_wait3A_1824, %dma_wait3A_1825] : memref<2x16x4x4x128xf32, #tpu.memory_space<vmem>> -> memref<1x1x4x4x128xf32, #tpu.memory_space<vmem>>
      %dma_wait3A_1827 = tpu.memref_squeeze %dma_wait3A_1826 : memref<1x1x4x4x128xf32, #tpu.memory_space<vmem>> -> memref<4x4x128xf32, #tpu.memory_space<vmem>>
      %dma_wait3A_1828 = arith.constant 0 : i32
      %dma_wait3A_1829 = arith.constant 0 : i32
      %dma_wait3A_1830 = arith.constant 0 : i32
      %dma_wait3A_1831 = tpu.memref_slice %arg2[%dma_wait3A_1828, %dma_wait3A_1829, %dma_wait3A_1830] : memref<4x4x1000000xf32, #tpu.memory_space<hbm>> -> memref<4x4x128xf32, #tpu.memory_space<hbm>>
      tpu.wait_dma2 semaphore(%arg9 : memref<!tpu.dma_semaphore, #tpu.memory_space<semaphore_mem>>) src(%dma_wait3A_1831 : memref<4x4x128xf32, #tpu.memory_space<hbm>>) dst(%dma_wait3A_1827 : memref<4x4x128xf32, #tpu.memory_space<vmem>>)
      %dma_wait3A_1832 = arith.constant 1 : i32
      %dma_wait3A_1833 = arith.constant 1 : i32
      %dma_wait3A_1834 = arith.constant 0 : i32
      %dma_wait3A_1835 = arith.constant 0 : i32
      %dma_wait3A_1836 = arith.constant 0 : i32
      %dma_wait3A_1837 = tpu.memref_slice %arg6[%dma_wait3A_1832, %dma_wait3A_1833, %dma_wait3A_1834, %dma_wait3A_1835, %dma_wait3A_1836] : memref<2x16x4x4x128xf32, #tpu.memory_space<vmem>> -> memref<1x1x4x4x128xf32, #tpu.memory_space<vmem>>
      %dma_wait3A_1838 = tpu.memref_squeeze %dma_wait3A_1837 : memref<1x1x4x4x128xf32, #tpu.memory_space<vmem>> -> memref<4x4x128xf32, #tpu.memory_space<vmem>>
      %dma_wait3A_1839 = arith.constant 0 : i32
      %dma_wait3A_1840 = arith.constant 0 : i32
      %dma_wait3A_1841 = arith.constant 0 : i32
      %dma_wait3A_1842 = tpu.memref_slice %arg2[%dma_wait3A_1839, %dma_wait3A_1840, %dma_wait3A_1841] : memref<4x4x1000000xf32, #tpu.memory_space<hbm>> -> memref<4x4x128xf32, #tpu.memory_space<hbm>>
      %dma_wait3A_1843 = arith.constant 0 : i32
      %dma_wait3A_1844 = arith.constant 0 : i32
      %dma_wait3A_1845 = arith.constant 0 : i32
      %dma_wait3A_1846 = tpu.memref_slice %arg6[%dma_wait3A_1832, %dma_wait3A_1833, %dma_wait3A_1843, %dma_wait3A_1844, %dma_wait3A_1845] : memref<2x16x4x4x128xf32, #tpu.memory_space<vmem>> -> memref<1x1x4x4x128xf32, #tpu.memory_space<vmem>>
      %dma_wait3A_1847 = tpu.memref_squeeze %dma_wait3A_1846 : memref<1x1x4x4x128xf32, #tpu.memory_space<vmem>> -> memref<4x4x128xf32, #tpu.memory_space<vmem>>
      %dma_wait3A_1848 = arith.constant 0 : i32
      %dma_wait3A_1849 = arith.constant 0 : i32
      %dma_wait3A_1850 = arith.constant 0 : i32
      %dma_wait3A_1851 = tpu.memref_slice %arg2[%dma_wait3A_1848, %dma_wait3A_1849, %dma_wait3A_1850] : memref<4x4x1000000xf32, #tpu.memory_space<hbm>> -> memref<4x4x128xf32, #tpu.memory_space<hbm>>
      tpu.wait_dma2 semaphore(%arg9 : memref<!tpu.dma_semaphore, #tpu.memory_space<semaphore_mem>>) src(%dma_wait3A_1851 : memref<4x4x128xf32, #tpu.memory_space<hbm>>) dst(%dma_wait3A_1847 : memref<4x4x128xf32, #tpu.memory_space<vmem>>)
      %dma_wait3A_1852 = arith.constant 1 : i32
      %dma_wait3A_1853 = arith.constant 2 : i32
      %dma_wait3A_1854 = arith.constant 0 : i32
      %dma_wait3A_1855 = arith.constant 0 : i32
      %dma_wait3A_1856 = arith.constant 0 : i32
      %dma_wait3A_1857 = tpu.memref_slice %arg6[%dma_wait3A_1852, %dma_wait3A_1853, %dma_wait3A_1854, %dma_wait3A_1855, %dma_wait3A_1856] : memref<2x16x4x4x128xf32, #tpu.memory_space<vmem>> -> memref<1x1x4x4x128xf32, #tpu.memory_space<vmem>>
      %dma_wait3A_1858 = tpu.memref_squeeze %dma_wait3A_1857 : memref<1x1x4x4x128xf32, #tpu.memory_space<vmem>> -> memref<4x4x128xf32, #tpu.memory_space<vmem>>
      %dma_wait3A_1859 = arith.constant 0 : i32
      %dma_wait3A_1860 = arith.constant 0 : i32
      %dma_wait3A_1861 = arith.constant 0 : i32
      %dma_wait3A_1862 = tpu.memref_slice %arg2[%dma_wait3A_1859, %dma_wait3A_1860, %dma_wait3A_1861] : memref<4x4x1000000xf32, #tpu.memory_space<hbm>> -> memref<4x4x128xf32, #tpu.memory_space<hbm>>
      %dma_wait3A_1863 = arith.constant 0 : i32
      %dma_wait3A_1864 = arith.constant 0 : i32
      %dma_wait3A_1865 = arith.constant 0 : i32
      %dma_wait3A_1866 = tpu.memref_slice %arg6[%dma_wait3A_1852, %dma_wait3A_1853, %dma_wait3A_1863, %dma_wait3A_1864, %dma_wait3A_1865] : memref<2x16x4x4x128xf32, #tpu.memory_space<vmem>> -> memref<1x1x4x4x128xf32, #tpu.memory_space<vmem>>
      %dma_wait3A_1867 = tpu.memref_squeeze %dma_wait3A_1866 : memref<1x1x4x4x128xf32, #tpu.memory_space<vmem>> -> memref<4x4x128xf32, #tpu.memory_space<vmem>>
      %dma_wait3A_1868 = arith.constant 0 : i32
      %dma_wait3A_1869 = arith.constant 0 : i32
      %dma_wait3A_1870 = arith.constant 0 : i32
      %dma_wait3A_1871 = tpu.memref_slice %arg2[%dma_wait3A_1868, %dma_wait3A_1869, %dma_wait3A_1870] : memref<4x4x1000000xf32, #tpu.memory_space<hbm>> -> memref<4x4x128xf32, #tpu.memory_space<hbm>>
      tpu.wait_dma2 semaphore(%arg9 : memref<!tpu.dma_semaphore, #tpu.memory_space<semaphore_mem>>) src(%dma_wait3A_1871 : memref<4x4x128xf32, #tpu.memory_space<hbm>>) dst(%dma_wait3A_1867 : memref<4x4x128xf32, #tpu.memory_space<vmem>>)
      %dma_wait3A_1872 = arith.constant 1 : i32
      %dma_wait3A_1873 = arith.constant 3 : i32
      %dma_wait3A_1874 = arith.constant 0 : i32
      %dma_wait3A_1875 = arith.constant 0 : i32
      %dma_wait3A_1876 = arith.constant 0 : i32
      %dma_wait3A_1877 = tpu.memref_slice %arg6[%dma_wait3A_1872, %dma_wait3A_1873, %dma_wait3A_1874, %dma_wait3A_1875, %dma_wait3A_1876] : memref<2x16x4x4x128xf32, #tpu.memory_space<vmem>> -> memref<1x1x4x4x128xf32, #tpu.memory_space<vmem>>
      %dma_wait3A_1878 = tpu.memref_squeeze %dma_wait3A_1877 : memref<1x1x4x4x128xf32, #tpu.memory_space<vmem>> -> memref<4x4x128xf32, #tpu.memory_space<vmem>>
      %dma_wait3A_1879 = arith.constant 0 : i32
      %dma_wait3A_1880 = arith.constant 0 : i32
      %dma_wait3A_1881 = arith.constant 0 : i32
      %dma_wait3A_1882 = tpu.memref_slice %arg2[%dma_wait3A_1879, %dma_wait3A_1880, %dma_wait3A_1881] : memref<4x4x1000000xf32, #tpu.memory_space<hbm>> -> memref<4x4x128xf32, #tpu.memory_space<hbm>>
      %dma_wait3A_1883 = arith.constant 0 : i32
      %dma_wait3A_1884 = arith.constant 0 : i32
      %dma_wait3A_1885 = arith.constant 0 : i32
      %dma_wait3A_1886 = tpu.memref_slice %arg6[%dma_wait3A_1872, %dma_wait3A_1873, %dma_wait3A_1883, %dma_wait3A_1884, %dma_wait3A_1885] : memref<2x16x4x4x128xf32, #tpu.memory_space<vmem>> -> memref<1x1x4x4x128xf32, #tpu.memory_space<vmem>>
      %dma_wait3A_1887 = tpu.memref_squeeze %dma_wait3A_1886 : memref<1x1x4x4x128xf32, #tpu.memory_space<vmem>> -> memref<4x4x128xf32, #tpu.memory_space<vmem>>
      %dma_wait3A_1888 = arith.constant 0 : i32
      %dma_wait3A_1889 = arith.constant 0 : i32
      %dma_wait3A_1890 = arith.constant 0 : i32
      %dma_wait3A_1891 = tpu.memref_slice %arg2[%dma_wait3A_1888, %dma_wait3A_1889, %dma_wait3A_1890] : memref<4x4x1000000xf32, #tpu.memory_space<hbm>> -> memref<4x4x128xf32, #tpu.memory_space<hbm>>
      tpu.wait_dma2 semaphore(%arg9 : memref<!tpu.dma_semaphore, #tpu.memory_space<semaphore_mem>>) src(%dma_wait3A_1891 : memref<4x4x128xf32, #tpu.memory_space<hbm>>) dst(%dma_wait3A_1887 : memref<4x4x128xf32, #tpu.memory_space<vmem>>)
      %dma_wait3A_1892 = arith.constant 1 : i32
      %dma_wait3A_1893 = arith.constant 4 : i32
      %dma_wait3A_1894 = arith.constant 0 : i32
      %dma_wait3A_1895 = arith.constant 0 : i32
      %dma_wait3A_1896 = arith.constant 0 : i32
      %dma_wait3A_1897 = tpu.memref_slice %arg6[%dma_wait3A_1892, %dma_wait3A_1893, %dma_wait3A_1894, %dma_wait3A_1895, %dma_wait3A_1896] : memref<2x16x4x4x128xf32, #tpu.memory_space<vmem>> -> memref<1x1x4x4x128xf32, #tpu.memory_space<vmem>>
      %dma_wait3A_1898 = tpu.memref_squeeze %dma_wait3A_1897 : memref<1x1x4x4x128xf32, #tpu.memory_space<vmem>> -> memref<4x4x128xf32, #tpu.memory_space<vmem>>
      %dma_wait3A_1899 = arith.constant 0 : i32
      %dma_wait3A_1900 = arith.constant 0 : i32
      %dma_wait3A_1901 = arith.constant 0 : i32
      %dma_wait3A_1902 = tpu.memref_slice %arg2[%dma_wait3A_1899, %dma_wait3A_1900, %dma_wait3A_1901] : memref<4x4x1000000xf32, #tpu.memory_space<hbm>> -> memref<4x4x128xf32, #tpu.memory_space<hbm>>
      %dma_wait3A_1903 = arith.constant 0 : i32
      %dma_wait3A_1904 = arith.constant 0 : i32
      %dma_wait3A_1905 = arith.constant 0 : i32
      %dma_wait3A_1906 = tpu.memref_slice %arg6[%dma_wait3A_1892, %dma_wait3A_1893, %dma_wait3A_1903, %dma_wait3A_1904, %dma_wait3A_1905] : memref<2x16x4x4x128xf32, #tpu.memory_space<vmem>> -> memref<1x1x4x4x128xf32, #tpu.memory_space<vmem>>
      %dma_wait3A_1907 = tpu.memref_squeeze %dma_wait3A_1906 : memref<1x1x4x4x128xf32, #tpu.memory_space<vmem>> -> memref<4x4x128xf32, #tpu.memory_space<vmem>>
      %dma_wait3A_1908 = arith.constant 0 : i32
      %dma_wait3A_1909 = arith.constant 0 : i32
      %dma_wait3A_1910 = arith.constant 0 : i32
      %dma_wait3A_1911 = tpu.memref_slice %arg2[%dma_wait3A_1908, %dma_wait3A_1909, %dma_wait3A_1910] : memref<4x4x1000000xf32, #tpu.memory_space<hbm>> -> memref<4x4x128xf32, #tpu.memory_space<hbm>>
      tpu.wait_dma2 semaphore(%arg9 : memref<!tpu.dma_semaphore, #tpu.memory_space<semaphore_mem>>) src(%dma_wait3A_1911 : memref<4x4x128xf32, #tpu.memory_space<hbm>>) dst(%dma_wait3A_1907 : memref<4x4x128xf32, #tpu.memory_space<vmem>>)
      %dma_wait3A_1912 = arith.constant 1 : i32
      %dma_wait3A_1913 = arith.constant 5 : i32
      %dma_wait3A_1914 = arith.constant 0 : i32
      %dma_wait3A_1915 = arith.constant 0 : i32
      %dma_wait3A_1916 = arith.constant 0 : i32
      %dma_wait3A_1917 = tpu.memref_slice %arg6[%dma_wait3A_1912, %dma_wait3A_1913, %dma_wait3A_1914, %dma_wait3A_1915, %dma_wait3A_1916] : memref<2x16x4x4x128xf32, #tpu.memory_space<vmem>> -> memref<1x1x4x4x128xf32, #tpu.memory_space<vmem>>
      %dma_wait3A_1918 = tpu.memref_squeeze %dma_wait3A_1917 : memref<1x1x4x4x128xf32, #tpu.memory_space<vmem>> -> memref<4x4x128xf32, #tpu.memory_space<vmem>>
      %dma_wait3A_1919 = arith.constant 0 : i32
      %dma_wait3A_1920 = arith.constant 0 : i32
      %dma_wait3A_1921 = arith.constant 0 : i32
      %dma_wait3A_1922 = tpu.memref_slice %arg2[%dma_wait3A_1919, %dma_wait3A_1920, %dma_wait3A_1921] : memref<4x4x1000000xf32, #tpu.memory_space<hbm>> -> memref<4x4x128xf32, #tpu.memory_space<hbm>>
      %dma_wait3A_1923 = arith.constant 0 : i32
      %dma_wait3A_1924 = arith.constant 0 : i32
      %dma_wait3A_1925 = arith.constant 0 : i32
      %dma_wait3A_1926 = tpu.memref_slice %arg6[%dma_wait3A_1912, %dma_wait3A_1913, %dma_wait3A_1923, %dma_wait3A_1924, %dma_wait3A_1925] : memref<2x16x4x4x128xf32, #tpu.memory_space<vmem>> -> memref<1x1x4x4x128xf32, #tpu.memory_space<vmem>>
      %dma_wait3A_1927 = tpu.memref_squeeze %dma_wait3A_1926 : memref<1x1x4x4x128xf32, #tpu.memory_space<vmem>> -> memref<4x4x128xf32, #tpu.memory_space<vmem>>
      %dma_wait3A_1928 = arith.constant 0 : i32
      %dma_wait3A_1929 = arith.constant 0 : i32
      %dma_wait3A_1930 = arith.constant 0 : i32
      %dma_wait3A_1931 = tpu.memref_slice %arg2[%dma_wait3A_1928, %dma_wait3A_1929, %dma_wait3A_1930] : memref<4x4x1000000xf32, #tpu.memory_space<hbm>> -> memref<4x4x128xf32, #tpu.memory_space<hbm>>
      tpu.wait_dma2 semaphore(%arg9 : memref<!tpu.dma_semaphore, #tpu.memory_space<semaphore_mem>>) src(%dma_wait3A_1931 : memref<4x4x128xf32, #tpu.memory_space<hbm>>) dst(%dma_wait3A_1927 : memref<4x4x128xf32, #tpu.memory_space<vmem>>)
      %dma_wait3A_1932 = arith.constant 1 : i32
      %dma_wait3A_1933 = arith.constant 6 : i32
      %dma_wait3A_1934 = arith.constant 0 : i32
      %dma_wait3A_1935 = arith.constant 0 : i32
      %dma_wait3A_1936 = arith.constant 0 : i32
      %dma_wait3A_1937 = tpu.memref_slice %arg6[%dma_wait3A_1932, %dma_wait3A_1933, %dma_wait3A_1934, %dma_wait3A_1935, %dma_wait3A_1936] : memref<2x16x4x4x128xf32, #tpu.memory_space<vmem>> -> memref<1x1x4x4x128xf32, #tpu.memory_space<vmem>>
      %dma_wait3A_1938 = tpu.memref_squeeze %dma_wait3A_1937 : memref<1x1x4x4x128xf32, #tpu.memory_space<vmem>> -> memref<4x4x128xf32, #tpu.memory_space<vmem>>
      %dma_wait3A_1939 = arith.constant 0 : i32
      %dma_wait3A_1940 = arith.constant 0 : i32
      %dma_wait3A_1941 = arith.constant 0 : i32
      %dma_wait3A_1942 = tpu.memref_slice %arg2[%dma_wait3A_1939, %dma_wait3A_1940, %dma_wait3A_1941] : memref<4x4x1000000xf32, #tpu.memory_space<hbm>> -> memref<4x4x128xf32, #tpu.memory_space<hbm>>
      %dma_wait3A_1943 = arith.constant 0 : i32
      %dma_wait3A_1944 = arith.constant 0 : i32
      %dma_wait3A_1945 = arith.constant 0 : i32
      %dma_wait3A_1946 = tpu.memref_slice %arg6[%dma_wait3A_1932, %dma_wait3A_1933, %dma_wait3A_1943, %dma_wait3A_1944, %dma_wait3A_1945] : memref<2x16x4x4x128xf32, #tpu.memory_space<vmem>> -> memref<1x1x4x4x128xf32, #tpu.memory_space<vmem>>
      %dma_wait3A_1947 = tpu.memref_squeeze %dma_wait3A_1946 : memref<1x1x4x4x128xf32, #tpu.memory_space<vmem>> -> memref<4x4x128xf32, #tpu.memory_space<vmem>>
      %dma_wait3A_1948 = arith.constant 0 : i32
      %dma_wait3A_1949 = arith.constant 0 : i32
      %dma_wait3A_1950 = arith.constant 0 : i32
      %dma_wait3A_1951 = tpu.memref_slice %arg2[%dma_wait3A_1948, %dma_wait3A_1949, %dma_wait3A_1950] : memref<4x4x1000000xf32, #tpu.memory_space<hbm>> -> memref<4x4x128xf32, #tpu.memory_space<hbm>>
      tpu.wait_dma2 semaphore(%arg9 : memref<!tpu.dma_semaphore, #tpu.memory_space<semaphore_mem>>) src(%dma_wait3A_1951 : memref<4x4x128xf32, #tpu.memory_space<hbm>>) dst(%dma_wait3A_1947 : memref<4x4x128xf32, #tpu.memory_space<vmem>>)
      %dma_wait3A_1952 = arith.constant 1 : i32
      %dma_wait3A_1953 = arith.constant 7 : i32
      %dma_wait3A_1954 = arith.constant 0 : i32
      %dma_wait3A_1955 = arith.constant 0 : i32
      %dma_wait3A_1956 = arith.constant 0 : i32
      %dma_wait3A_1957 = tpu.memref_slice %arg6[%dma_wait3A_1952, %dma_wait3A_1953, %dma_wait3A_1954, %dma_wait3A_1955, %dma_wait3A_1956] : memref<2x16x4x4x128xf32, #tpu.memory_space<vmem>> -> memref<1x1x4x4x128xf32, #tpu.memory_space<vmem>>
      %dma_wait3A_1958 = tpu.memref_squeeze %dma_wait3A_1957 : memref<1x1x4x4x128xf32, #tpu.memory_space<vmem>> -> memref<4x4x128xf32, #tpu.memory_space<vmem>>
      %dma_wait3A_1959 = arith.constant 0 : i32
      %dma_wait3A_1960 = arith.constant 0 : i32
      %dma_wait3A_1961 = arith.constant 0 : i32
      %dma_wait3A_1962 = tpu.memref_slice %arg2[%dma_wait3A_1959, %dma_wait3A_1960, %dma_wait3A_1961] : memref<4x4x1000000xf32, #tpu.memory_space<hbm>> -> memref<4x4x128xf32, #tpu.memory_space<hbm>>
      %dma_wait3A_1963 = arith.constant 0 : i32
      %dma_wait3A_1964 = arith.constant 0 : i32
      %dma_wait3A_1965 = arith.constant 0 : i32
      %dma_wait3A_1966 = tpu.memref_slice %arg6[%dma_wait3A_1952, %dma_wait3A_1953, %dma_wait3A_1963, %dma_wait3A_1964, %dma_wait3A_1965] : memref<2x16x4x4x128xf32, #tpu.memory_space<vmem>> -> memref<1x1x4x4x128xf32, #tpu.memory_space<vmem>>
      %dma_wait3A_1967 = tpu.memref_squeeze %dma_wait3A_1966 : memref<1x1x4x4x128xf32, #tpu.memory_space<vmem>> -> memref<4x4x128xf32, #tpu.memory_space<vmem>>
      %dma_wait3A_1968 = arith.constant 0 : i32
      %dma_wait3A_1969 = arith.constant 0 : i32
      %dma_wait3A_1970 = arith.constant 0 : i32
      %dma_wait3A_1971 = tpu.memref_slice %arg2[%dma_wait3A_1968, %dma_wait3A_1969, %dma_wait3A_1970] : memref<4x4x1000000xf32, #tpu.memory_space<hbm>> -> memref<4x4x128xf32, #tpu.memory_space<hbm>>
      tpu.wait_dma2 semaphore(%arg9 : memref<!tpu.dma_semaphore, #tpu.memory_space<semaphore_mem>>) src(%dma_wait3A_1971 : memref<4x4x128xf32, #tpu.memory_space<hbm>>) dst(%dma_wait3A_1967 : memref<4x4x128xf32, #tpu.memory_space<vmem>>)
      %dma_wait3A_1972 = arith.constant 1 : i32
      %dma_wait3A_1973 = arith.constant 8 : i32
      %dma_wait3A_1974 = arith.constant 0 : i32
      %dma_wait3A_1975 = arith.constant 0 : i32
      %dma_wait3A_1976 = arith.constant 0 : i32
      %dma_wait3A_1977 = tpu.memref_slice %arg6[%dma_wait3A_1972, %dma_wait3A_1973, %dma_wait3A_1974, %dma_wait3A_1975, %dma_wait3A_1976] : memref<2x16x4x4x128xf32, #tpu.memory_space<vmem>> -> memref<1x1x4x4x128xf32, #tpu.memory_space<vmem>>
      %dma_wait3A_1978 = tpu.memref_squeeze %dma_wait3A_1977 : memref<1x1x4x4x128xf32, #tpu.memory_space<vmem>> -> memref<4x4x128xf32, #tpu.memory_space<vmem>>
      %dma_wait3A_1979 = arith.constant 0 : i32
      %dma_wait3A_1980 = arith.constant 0 : i32
      %dma_wait3A_1981 = arith.constant 0 : i32
      %dma_wait3A_1982 = tpu.memref_slice %arg2[%dma_wait3A_1979, %dma_wait3A_1980, %dma_wait3A_1981] : memref<4x4x1000000xf32, #tpu.memory_space<hbm>> -> memref<4x4x128xf32, #tpu.memory_space<hbm>>
      %dma_wait3A_1983 = arith.constant 0 : i32
      %dma_wait3A_1984 = arith.constant 0 : i32
      %dma_wait3A_1985 = arith.constant 0 : i32
      %dma_wait3A_1986 = tpu.memref_slice %arg6[%dma_wait3A_1972, %dma_wait3A_1973, %dma_wait3A_1983, %dma_wait3A_1984, %dma_wait3A_1985] : memref<2x16x4x4x128xf32, #tpu.memory_space<vmem>> -> memref<1x1x4x4x128xf32, #tpu.memory_space<vmem>>
      %dma_wait3A_1987 = tpu.memref_squeeze %dma_wait3A_1986 : memref<1x1x4x4x128xf32, #tpu.memory_space<vmem>> -> memref<4x4x128xf32, #tpu.memory_space<vmem>>
      %dma_wait3A_1988 = arith.constant 0 : i32
      %dma_wait3A_1989 = arith.constant 0 : i32
      %dma_wait3A_1990 = arith.constant 0 : i32
      %dma_wait3A_1991 = tpu.memref_slice %arg2[%dma_wait3A_1988, %dma_wait3A_1989, %dma_wait3A_1990] : memref<4x4x1000000xf32, #tpu.memory_space<hbm>> -> memref<4x4x128xf32, #tpu.memory_space<hbm>>
      tpu.wait_dma2 semaphore(%arg9 : memref<!tpu.dma_semaphore, #tpu.memory_space<semaphore_mem>>) src(%dma_wait3A_1991 : memref<4x4x128xf32, #tpu.memory_space<hbm>>) dst(%dma_wait3A_1987 : memref<4x4x128xf32, #tpu.memory_space<vmem>>)
      %dma_wait3A_1992 = arith.constant 1 : i32
      %dma_wait3A_1993 = arith.constant 9 : i32
      %dma_wait3A_1994 = arith.constant 0 : i32
      %dma_wait3A_1995 = arith.constant 0 : i32
      %dma_wait3A_1996 = arith.constant 0 : i32
      %dma_wait3A_1997 = tpu.memref_slice %arg6[%dma_wait3A_1992, %dma_wait3A_1993, %dma_wait3A_1994, %dma_wait3A_1995, %dma_wait3A_1996] : memref<2x16x4x4x128xf32, #tpu.memory_space<vmem>> -> memref<1x1x4x4x128xf32, #tpu.memory_space<vmem>>
      %dma_wait3A_1998 = tpu.memref_squeeze %dma_wait3A_1997 : memref<1x1x4x4x128xf32, #tpu.memory_space<vmem>> -> memref<4x4x128xf32, #tpu.memory_space<vmem>>
      %dma_wait3A_1999 = arith.constant 0 : i32
      %dma_wait3A_2000 = arith.constant 0 : i32
      %dma_wait3A_2001 = arith.constant 0 : i32
      %dma_wait3A_2002 = tpu.memref_slice %arg2[%dma_wait3A_1999, %dma_wait3A_2000, %dma_wait3A_2001] : memref<4x4x1000000xf32, #tpu.memory_space<hbm>> -> memref<4x4x128xf32, #tpu.memory_space<hbm>>
      %dma_wait3A_2003 = arith.constant 0 : i32
      %dma_wait3A_2004 = arith.constant 0 : i32
      %dma_wait3A_2005 = arith.constant 0 : i32
      %dma_wait3A_2006 = tpu.memref_slice %arg6[%dma_wait3A_1992, %dma_wait3A_1993, %dma_wait3A_2003, %dma_wait3A_2004, %dma_wait3A_2005] : memref<2x16x4x4x128xf32, #tpu.memory_space<vmem>> -> memref<1x1x4x4x128xf32, #tpu.memory_space<vmem>>
      %dma_wait3A_2007 = tpu.memref_squeeze %dma_wait3A_2006 : memref<1x1x4x4x128xf32, #tpu.memory_space<vmem>> -> memref<4x4x128xf32, #tpu.memory_space<vmem>>
      %dma_wait3A_2008 = arith.constant 0 : i32
      %dma_wait3A_2009 = arith.constant 0 : i32
      %dma_wait3A_2010 = arith.constant 0 : i32
      %dma_wait3A_2011 = tpu.memref_slice %arg2[%dma_wait3A_2008, %dma_wait3A_2009, %dma_wait3A_2010] : memref<4x4x1000000xf32, #tpu.memory_space<hbm>> -> memref<4x4x128xf32, #tpu.memory_space<hbm>>
      tpu.wait_dma2 semaphore(%arg9 : memref<!tpu.dma_semaphore, #tpu.memory_space<semaphore_mem>>) src(%dma_wait3A_2011 : memref<4x4x128xf32, #tpu.memory_space<hbm>>) dst(%dma_wait3A_2007 : memref<4x4x128xf32, #tpu.memory_space<vmem>>)
      %dma_wait3A_2012 = arith.constant 1 : i32
      %dma_wait3A_2013 = arith.constant 10 : i32
      %dma_wait3A_2014 = arith.constant 0 : i32
      %dma_wait3A_2015 = arith.constant 0 : i32
      %dma_wait3A_2016 = arith.constant 0 : i32
      %dma_wait3A_2017 = tpu.memref_slice %arg6[%dma_wait3A_2012, %dma_wait3A_2013, %dma_wait3A_2014, %dma_wait3A_2015, %dma_wait3A_2016] : memref<2x16x4x4x128xf32, #tpu.memory_space<vmem>> -> memref<1x1x4x4x128xf32, #tpu.memory_space<vmem>>
      %dma_wait3A_2018 = tpu.memref_squeeze %dma_wait3A_2017 : memref<1x1x4x4x128xf32, #tpu.memory_space<vmem>> -> memref<4x4x128xf32, #tpu.memory_space<vmem>>
      %dma_wait3A_2019 = arith.constant 0 : i32
      %dma_wait3A_2020 = arith.constant 0 : i32
      %dma_wait3A_2021 = arith.constant 0 : i32
      %dma_wait3A_2022 = tpu.memref_slice %arg2[%dma_wait3A_2019, %dma_wait3A_2020, %dma_wait3A_2021] : memref<4x4x1000000xf32, #tpu.memory_space<hbm>> -> memref<4x4x128xf32, #tpu.memory_space<hbm>>
      %dma_wait3A_2023 = arith.constant 0 : i32
      %dma_wait3A_2024 = arith.constant 0 : i32
      %dma_wait3A_2025 = arith.constant 0 : i32
      %dma_wait3A_2026 = tpu.memref_slice %arg6[%dma_wait3A_2012, %dma_wait3A_2013, %dma_wait3A_2023, %dma_wait3A_2024, %dma_wait3A_2025] : memref<2x16x4x4x128xf32, #tpu.memory_space<vmem>> -> memref<1x1x4x4x128xf32, #tpu.memory_space<vmem>>
      %dma_wait3A_2027 = tpu.memref_squeeze %dma_wait3A_2026 : memref<1x1x4x4x128xf32, #tpu.memory_space<vmem>> -> memref<4x4x128xf32, #tpu.memory_space<vmem>>
      %dma_wait3A_2028 = arith.constant 0 : i32
      %dma_wait3A_2029 = arith.constant 0 : i32
      %dma_wait3A_2030 = arith.constant 0 : i32
      %dma_wait3A_2031 = tpu.memref_slice %arg2[%dma_wait3A_2028, %dma_wait3A_2029, %dma_wait3A_2030] : memref<4x4x1000000xf32, #tpu.memory_space<hbm>> -> memref<4x4x128xf32, #tpu.memory_space<hbm>>
      tpu.wait_dma2 semaphore(%arg9 : memref<!tpu.dma_semaphore, #tpu.memory_space<semaphore_mem>>) src(%dma_wait3A_2031 : memref<4x4x128xf32, #tpu.memory_space<hbm>>) dst(%dma_wait3A_2027 : memref<4x4x128xf32, #tpu.memory_space<vmem>>)
      %dma_wait3A_2032 = arith.constant 1 : i32
      %dma_wait3A_2033 = arith.constant 11 : i32
      %dma_wait3A_2034 = arith.constant 0 : i32
      %dma_wait3A_2035 = arith.constant 0 : i32
      %dma_wait3A_2036 = arith.constant 0 : i32
      %dma_wait3A_2037 = tpu.memref_slice %arg6[%dma_wait3A_2032, %dma_wait3A_2033, %dma_wait3A_2034, %dma_wait3A_2035, %dma_wait3A_2036] : memref<2x16x4x4x128xf32, #tpu.memory_space<vmem>> -> memref<1x1x4x4x128xf32, #tpu.memory_space<vmem>>
      %dma_wait3A_2038 = tpu.memref_squeeze %dma_wait3A_2037 : memref<1x1x4x4x128xf32, #tpu.memory_space<vmem>> -> memref<4x4x128xf32, #tpu.memory_space<vmem>>
      %dma_wait3A_2039 = arith.constant 0 : i32
      %dma_wait3A_2040 = arith.constant 0 : i32
      %dma_wait3A_2041 = arith.constant 0 : i32
      %dma_wait3A_2042 = tpu.memref_slice %arg2[%dma_wait3A_2039, %dma_wait3A_2040, %dma_wait3A_2041] : memref<4x4x1000000xf32, #tpu.memory_space<hbm>> -> memref<4x4x128xf32, #tpu.memory_space<hbm>>
      %dma_wait3A_2043 = arith.constant 0 : i32
      %dma_wait3A_2044 = arith.constant 0 : i32
      %dma_wait3A_2045 = arith.constant 0 : i32
      %dma_wait3A_2046 = tpu.memref_slice %arg6[%dma_wait3A_2032, %dma_wait3A_2033, %dma_wait3A_2043, %dma_wait3A_2044, %dma_wait3A_2045] : memref<2x16x4x4x128xf32, #tpu.memory_space<vmem>> -> memref<1x1x4x4x128xf32, #tpu.memory_space<vmem>>
      %dma_wait3A_2047 = tpu.memref_squeeze %dma_wait3A_2046 : memref<1x1x4x4x128xf32, #tpu.memory_space<vmem>> -> memref<4x4x128xf32, #tpu.memory_space<vmem>>
      %dma_wait3A_2048 = arith.constant 0 : i32
      %dma_wait3A_2049 = arith.constant 0 : i32
      %dma_wait3A_2050 = arith.constant 0 : i32
      %dma_wait3A_2051 = tpu.memref_slice %arg2[%dma_wait3A_2048, %dma_wait3A_2049, %dma_wait3A_2050] : memref<4x4x1000000xf32, #tpu.memory_space<hbm>> -> memref<4x4x128xf32, #tpu.memory_space<hbm>>
      tpu.wait_dma2 semaphore(%arg9 : memref<!tpu.dma_semaphore, #tpu.memory_space<semaphore_mem>>) src(%dma_wait3A_2051 : memref<4x4x128xf32, #tpu.memory_space<hbm>>) dst(%dma_wait3A_2047 : memref<4x4x128xf32, #tpu.memory_space<vmem>>)
      %dma_wait3A_2052 = arith.constant 1 : i32
      %dma_wait3A_2053 = arith.constant 12 : i32
      %dma_wait3A_2054 = arith.constant 0 : i32
      %dma_wait3A_2055 = arith.constant 0 : i32
      %dma_wait3A_2056 = arith.constant 0 : i32
      %dma_wait3A_2057 = tpu.memref_slice %arg6[%dma_wait3A_2052, %dma_wait3A_2053, %dma_wait3A_2054, %dma_wait3A_2055, %dma_wait3A_2056] : memref<2x16x4x4x128xf32, #tpu.memory_space<vmem>> -> memref<1x1x4x4x128xf32, #tpu.memory_space<vmem>>
      %dma_wait3A_2058 = tpu.memref_squeeze %dma_wait3A_2057 : memref<1x1x4x4x128xf32, #tpu.memory_space<vmem>> -> memref<4x4x128xf32, #tpu.memory_space<vmem>>
      %dma_wait3A_2059 = arith.constant 0 : i32
      %dma_wait3A_2060 = arith.constant 0 : i32
      %dma_wait3A_2061 = arith.constant 0 : i32
      %dma_wait3A_2062 = tpu.memref_slice %arg2[%dma_wait3A_2059, %dma_wait3A_2060, %dma_wait3A_2061] : memref<4x4x1000000xf32, #tpu.memory_space<hbm>> -> memref<4x4x128xf32, #tpu.memory_space<hbm>>
      %dma_wait3A_2063 = arith.constant 0 : i32
      %dma_wait3A_2064 = arith.constant 0 : i32
      %dma_wait3A_2065 = arith.constant 0 : i32
      %dma_wait3A_2066 = tpu.memref_slice %arg6[%dma_wait3A_2052, %dma_wait3A_2053, %dma_wait3A_2063, %dma_wait3A_2064, %dma_wait3A_2065] : memref<2x16x4x4x128xf32, #tpu.memory_space<vmem>> -> memref<1x1x4x4x128xf32, #tpu.memory_space<vmem>>
      %dma_wait3A_2067 = tpu.memref_squeeze %dma_wait3A_2066 : memref<1x1x4x4x128xf32, #tpu.memory_space<vmem>> -> memref<4x4x128xf32, #tpu.memory_space<vmem>>
      %dma_wait3A_2068 = arith.constant 0 : i32
      %dma_wait3A_2069 = arith.constant 0 : i32
      %dma_wait3A_2070 = arith.constant 0 : i32
      %dma_wait3A_2071 = tpu.memref_slice %arg2[%dma_wait3A_2068, %dma_wait3A_2069, %dma_wait3A_2070] : memref<4x4x1000000xf32, #tpu.memory_space<hbm>> -> memref<4x4x128xf32, #tpu.memory_space<hbm>>
      tpu.wait_dma2 semaphore(%arg9 : memref<!tpu.dma_semaphore, #tpu.memory_space<semaphore_mem>>) src(%dma_wait3A_2071 : memref<4x4x128xf32, #tpu.memory_space<hbm>>) dst(%dma_wait3A_2067 : memref<4x4x128xf32, #tpu.memory_space<vmem>>)
      %dma_wait3A_2072 = arith.constant 1 : i32
      %dma_wait3A_2073 = arith.constant 13 : i32
      %dma_wait3A_2074 = arith.constant 0 : i32
      %dma_wait3A_2075 = arith.constant 0 : i32
      %dma_wait3A_2076 = arith.constant 0 : i32
      %dma_wait3A_2077 = tpu.memref_slice %arg6[%dma_wait3A_2072, %dma_wait3A_2073, %dma_wait3A_2074, %dma_wait3A_2075, %dma_wait3A_2076] : memref<2x16x4x4x128xf32, #tpu.memory_space<vmem>> -> memref<1x1x4x4x128xf32, #tpu.memory_space<vmem>>
      %dma_wait3A_2078 = tpu.memref_squeeze %dma_wait3A_2077 : memref<1x1x4x4x128xf32, #tpu.memory_space<vmem>> -> memref<4x4x128xf32, #tpu.memory_space<vmem>>
      %dma_wait3A_2079 = arith.constant 0 : i32
      %dma_wait3A_2080 = arith.constant 0 : i32
      %dma_wait3A_2081 = arith.constant 0 : i32
      %dma_wait3A_2082 = tpu.memref_slice %arg2[%dma_wait3A_2079, %dma_wait3A_2080, %dma_wait3A_2081] : memref<4x4x1000000xf32, #tpu.memory_space<hbm>> -> memref<4x4x128xf32, #tpu.memory_space<hbm>>
      %dma_wait3A_2083 = arith.constant 0 : i32
      %dma_wait3A_2084 = arith.constant 0 : i32
      %dma_wait3A_2085 = arith.constant 0 : i32
      %dma_wait3A_2086 = tpu.memref_slice %arg6[%dma_wait3A_2072, %dma_wait3A_2073, %dma_wait3A_2083, %dma_wait3A_2084, %dma_wait3A_2085] : memref<2x16x4x4x128xf32, #tpu.memory_space<vmem>> -> memref<1x1x4x4x128xf32, #tpu.memory_space<vmem>>
      %dma_wait3A_2087 = tpu.memref_squeeze %dma_wait3A_2086 : memref<1x1x4x4x128xf32, #tpu.memory_space<vmem>> -> memref<4x4x128xf32, #tpu.memory_space<vmem>>
      %dma_wait3A_2088 = arith.constant 0 : i32
      %dma_wait3A_2089 = arith.constant 0 : i32
      %dma_wait3A_2090 = arith.constant 0 : i32
      %dma_wait3A_2091 = tpu.memref_slice %arg2[%dma_wait3A_2088, %dma_wait3A_2089, %dma_wait3A_2090] : memref<4x4x1000000xf32, #tpu.memory_space<hbm>> -> memref<4x4x128xf32, #tpu.memory_space<hbm>>
      tpu.wait_dma2 semaphore(%arg9 : memref<!tpu.dma_semaphore, #tpu.memory_space<semaphore_mem>>) src(%dma_wait3A_2091 : memref<4x4x128xf32, #tpu.memory_space<hbm>>) dst(%dma_wait3A_2087 : memref<4x4x128xf32, #tpu.memory_space<vmem>>)
      %dma_wait3A_2092 = arith.constant 1 : i32
      %dma_wait3A_2093 = arith.constant 14 : i32
      %dma_wait3A_2094 = arith.constant 0 : i32
      %dma_wait3A_2095 = arith.constant 0 : i32
      %dma_wait3A_2096 = arith.constant 0 : i32
      %dma_wait3A_2097 = tpu.memref_slice %arg6[%dma_wait3A_2092, %dma_wait3A_2093, %dma_wait3A_2094, %dma_wait3A_2095, %dma_wait3A_2096] : memref<2x16x4x4x128xf32, #tpu.memory_space<vmem>> -> memref<1x1x4x4x128xf32, #tpu.memory_space<vmem>>
      %dma_wait3A_2098 = tpu.memref_squeeze %dma_wait3A_2097 : memref<1x1x4x4x128xf32, #tpu.memory_space<vmem>> -> memref<4x4x128xf32, #tpu.memory_space<vmem>>
      %dma_wait3A_2099 = arith.constant 0 : i32
      %dma_wait3A_2100 = arith.constant 0 : i32
      %dma_wait3A_2101 = arith.constant 0 : i32
      %dma_wait3A_2102 = tpu.memref_slice %arg2[%dma_wait3A_2099, %dma_wait3A_2100, %dma_wait3A_2101] : memref<4x4x1000000xf32, #tpu.memory_space<hbm>> -> memref<4x4x128xf32, #tpu.memory_space<hbm>>
      %dma_wait3A_2103 = arith.constant 0 : i32
      %dma_wait3A_2104 = arith.constant 0 : i32
      %dma_wait3A_2105 = arith.constant 0 : i32
      %dma_wait3A_2106 = tpu.memref_slice %arg6[%dma_wait3A_2092, %dma_wait3A_2093, %dma_wait3A_2103, %dma_wait3A_2104, %dma_wait3A_2105] : memref<2x16x4x4x128xf32, #tpu.memory_space<vmem>> -> memref<1x1x4x4x128xf32, #tpu.memory_space<vmem>>
      %dma_wait3A_2107 = tpu.memref_squeeze %dma_wait3A_2106 : memref<1x1x4x4x128xf32, #tpu.memory_space<vmem>> -> memref<4x4x128xf32, #tpu.memory_space<vmem>>
      %dma_wait3A_2108 = arith.constant 0 : i32
      %dma_wait3A_2109 = arith.constant 0 : i32
      %dma_wait3A_2110 = arith.constant 0 : i32
      %dma_wait3A_2111 = tpu.memref_slice %arg2[%dma_wait3A_2108, %dma_wait3A_2109, %dma_wait3A_2110] : memref<4x4x1000000xf32, #tpu.memory_space<hbm>> -> memref<4x4x128xf32, #tpu.memory_space<hbm>>
      tpu.wait_dma2 semaphore(%arg9 : memref<!tpu.dma_semaphore, #tpu.memory_space<semaphore_mem>>) src(%dma_wait3A_2111 : memref<4x4x128xf32, #tpu.memory_space<hbm>>) dst(%dma_wait3A_2107 : memref<4x4x128xf32, #tpu.memory_space<vmem>>)
      %dma_wait3A_2112 = arith.constant 1 : i32
      %dma_wait3A_2113 = arith.constant 15 : i32
      %dma_wait3A_2114 = arith.constant 0 : i32
      %dma_wait3A_2115 = arith.constant 0 : i32
      %dma_wait3A_2116 = arith.constant 0 : i32
      %dma_wait3A_2117 = tpu.memref_slice %arg6[%dma_wait3A_2112, %dma_wait3A_2113, %dma_wait3A_2114, %dma_wait3A_2115, %dma_wait3A_2116] : memref<2x16x4x4x128xf32, #tpu.memory_space<vmem>> -> memref<1x1x4x4x128xf32, #tpu.memory_space<vmem>>
      %dma_wait3A_2118 = tpu.memref_squeeze %dma_wait3A_2117 : memref<1x1x4x4x128xf32, #tpu.memory_space<vmem>> -> memref<4x4x128xf32, #tpu.memory_space<vmem>>
      %dma_wait3A_2119 = arith.constant 0 : i32
      %dma_wait3A_2120 = arith.constant 0 : i32
      %dma_wait3A_2121 = arith.constant 0 : i32
      %dma_wait3A_2122 = tpu.memref_slice %arg2[%dma_wait3A_2119, %dma_wait3A_2120, %dma_wait3A_2121] : memref<4x4x1000000xf32, #tpu.memory_space<hbm>> -> memref<4x4x128xf32, #tpu.memory_space<hbm>>
      %dma_wait3A_2123 = arith.constant 0 : i32
      %dma_wait3A_2124 = arith.constant 0 : i32
      %dma_wait3A_2125 = arith.constant 0 : i32
      %dma_wait3A_2126 = tpu.memref_slice %arg6[%dma_wait3A_2112, %dma_wait3A_2113, %dma_wait3A_2123, %dma_wait3A_2124, %dma_wait3A_2125] : memref<2x16x4x4x128xf32, #tpu.memory_space<vmem>> -> memref<1x1x4x4x128xf32, #tpu.memory_space<vmem>>
      %dma_wait3A_2127 = tpu.memref_squeeze %dma_wait3A_2126 : memref<1x1x4x4x128xf32, #tpu.memory_space<vmem>> -> memref<4x4x128xf32, #tpu.memory_space<vmem>>
      %dma_wait3A_2128 = arith.constant 0 : i32
      %dma_wait3A_2129 = arith.constant 0 : i32
      %dma_wait3A_2130 = arith.constant 0 : i32
      %dma_wait3A_2131 = tpu.memref_slice %arg2[%dma_wait3A_2128, %dma_wait3A_2129, %dma_wait3A_2130] : memref<4x4x1000000xf32, #tpu.memory_space<hbm>> -> memref<4x4x128xf32, #tpu.memory_space<hbm>>
      tpu.wait_dma2 semaphore(%arg9 : memref<!tpu.dma_semaphore, #tpu.memory_space<semaphore_mem>>) src(%dma_wait3A_2131 : memref<4x4x128xf32, #tpu.memory_space<hbm>>) dst(%dma_wait3A_2127 : memref<4x4x128xf32, #tpu.memory_space<vmem>>)
      %mul3A_2132 = arith.constant 16 : i32
      %mul3A_2133 = arith.muli %add3A_544, %mul3A_2132 : i32
      %get3A_2134 = arith.index_cast %mul3A_2133 : i32 to index
      %get3A_2135 = tpu.vector_load %arg5[%get3A_2134] {strides = array<i32>} : memref<512xi32, #tpu.memory_space<vmem>>, vector<16xi32>,
      %rem3A_2136 = arith.constant 128 : i32
      %rem3A_2137 = vector.broadcast %rem3A_2136 : i32 to vector<16xi32>
      %rem3A_2138 = arith.remsi %get3A_2135, %rem3A_2137 : vector<16xi32>
      %eq3A_2139 = arith.constant 0 : i32
      %eq3A_2140 = vector.broadcast %eq3A_2139 : i32 to vector<16xi32>
      %eq3A_2141 = arith.cmpi eq, %iota3A, %eq3A_2140 : vector<16xi32>
      %jit3A_2142 = arith.constant 0 : i32
      %broadcast_in_dim3A_2143 = vector.broadcast %jit3A_2142 : i32 to vector<16xi32>
      %select_n3A_2144 = arith.select %eq3A_2141, %rem3A_2138, %broadcast_in_dim3A_2143 : vector<16xi1>, vector<16xi32>
      %reduce_max3A_2145 = arith.constant true
      %reduce_max3A_2146 = vector.broadcast %reduce_max3A_2145 : i1 to vector<16xi1>
      %reduce_max3A_2147 = arith.constant -2147483648 : i32
      %reduce_max3A_2148 = vector.broadcast %reduce_max3A_2147 : i32 to vector<16xi32>
      %reduce_max3A_2149 = arith.xori %select_n3A_2144, %reduce_max3A_2148 : vector<16xi32>
      %reduce_max3A_2150 = tpu.scan <max>, %reduce_max3A_2149 masked %reduce_max3A_2146 : vector<16xi32>, vector<16xi1> -> vector<16xi32>
      %reduce_max3A_2151 = arith.xori %reduce_max3A_2150, %reduce_max3A_2148 : vector<16xi32>
      %reduce_max3A_2152 = vector.extract %reduce_max3A_2151[15] : i32 from vector<16xi32>
      %broadcast_in_dim3A_2153 = vector.broadcast %reduce_max3A_2152 : i32 to vector<16xi32>
      %broadcast_in_dim3A_2154 = arith.constant 1 : i32
      %broadcast_in_dim3A_2155 = vector.broadcast %broadcast_in_dim3A_2154 : i32 to vector<16xi32>
      %broadcast_in_dim3A_2156 = arith.constant 0 : i32
      %broadcast_in_dim3A_2157 = vector.broadcast %broadcast_in_dim3A_2156 : i32 to vector<16xi32>
      %gather3A_2158 = tpu.vector_load_idx %arg6[%broadcast_in_dim3A_2155, %broadcast_in_dim3A_2157, %div3A_4, %rem3A_6, %broadcast_in_dim3A_2153] : memref<2x16x4x4x128xf32, #tpu.memory_space<vmem>>[vector<16xi32>, vector<16xi32>, vector<16xi32>, vector<16xi32>, vector<16xi32>], vector<16xf32>,
      %mul3A_2159 = arith.constant 16 : i32
      %mul3A_2160 = arith.muli %add3A_544, %mul3A_2159 : i32
      %add3A_2161 = arith.constant 0 : i32
      %add3A_2162 = arith.addi %mul3A_2160, %add3A_2161 : i32
      %broadcast_in_dim3A_2163 = vector.broadcast %add3A_2162 : i32 to vector<16xi32>
      tpu.vector_store_idx %arg7[%div3A_4, %rem3A_6, %broadcast_in_dim3A_2163], %gather3A_2158 : memref<4x4x512xf32, #tpu.memory_space<vmem>>[vector<16xi32>, vector<16xi32>, vector<16xi32>], vector<16xf32>,
      %eq3A_2164 = arith.constant 1 : i32
      %eq3A_2165 = vector.broadcast %eq3A_2164 : i32 to vector<16xi32>
      %eq3A_2166 = arith.cmpi eq, %iota3A, %eq3A_2165 : vector<16xi32>
      %jit3A_2167 = arith.constant 0 : i32
      %broadcast_in_dim3A_2168 = vector.broadcast %jit3A_2167 : i32 to vector<16xi32>
      %select_n3A_2169 = arith.select %eq3A_2166, %rem3A_2138, %broadcast_in_dim3A_2168 : vector<16xi1>, vector<16xi32>
      %reduce_max3A_2170 = arith.constant true
      %reduce_max3A_2171 = vector.broadcast %reduce_max3A_2170 : i1 to vector<16xi1>
      %reduce_max3A_2172 = arith.constant -2147483648 : i32
      %reduce_max3A_2173 = vector.broadcast %reduce_max3A_2172 : i32 to vector<16xi32>
      %reduce_max3A_2174 = arith.xori %select_n3A_2169, %reduce_max3A_2173 : vector<16xi32>
      %reduce_max3A_2175 = tpu.scan <max>, %reduce_max3A_2174 masked %reduce_max3A_2171 : vector<16xi32>, vector<16xi1> -> vector<16xi32>
      %reduce_max3A_2176 = arith.xori %reduce_max3A_2175, %reduce_max3A_2173 : vector<16xi32>
      %reduce_max3A_2177 = vector.extract %reduce_max3A_2176[15] : i32 from vector<16xi32>
      %broadcast_in_dim3A_2178 = vector.broadcast %reduce_max3A_2177 : i32 to vector<16xi32>
      %broadcast_in_dim3A_2179 = arith.constant 1 : i32
      %broadcast_in_dim3A_2180 = vector.broadcast %broadcast_in_dim3A_2179 : i32 to vector<16xi32>
      %broadcast_in_dim3A_2181 = arith.constant 1 : i32
      %broadcast_in_dim3A_2182 = vector.broadcast %broadcast_in_dim3A_2181 : i32 to vector<16xi32>
      %gather3A_2183 = tpu.vector_load_idx %arg6[%broadcast_in_dim3A_2180, %broadcast_in_dim3A_2182, %div3A_4, %rem3A_6, %broadcast_in_dim3A_2178] : memref<2x16x4x4x128xf32, #tpu.memory_space<vmem>>[vector<16xi32>, vector<16xi32>, vector<16xi32>, vector<16xi32>, vector<16xi32>], vector<16xf32>,
      %mul3A_2184 = arith.constant 16 : i32
      %mul3A_2185 = arith.muli %add3A_544, %mul3A_2184 : i32
      %add3A_2186 = arith.constant 1 : i32
      %add3A_2187 = arith.addi %mul3A_2185, %add3A_2186 : i32
      %broadcast_in_dim3A_2188 = vector.broadcast %add3A_2187 : i32 to vector<16xi32>
      tpu.vector_store_idx %arg7[%div3A_4, %rem3A_6, %broadcast_in_dim3A_2188], %gather3A_2183 : memref<4x4x512xf32, #tpu.memory_space<vmem>>[vector<16xi32>, vector<16xi32>, vector<16xi32>], vector<16xf32>,
      %eq3A_2189 = arith.constant 2 : i32
      %eq3A_2190 = vector.broadcast %eq3A_2189 : i32 to vector<16xi32>
      %eq3A_2191 = arith.cmpi eq, %iota3A, %eq3A_2190 : vector<16xi32>
      %jit3A_2192 = arith.constant 0 : i32
      %broadcast_in_dim3A_2193 = vector.broadcast %jit3A_2192 : i32 to vector<16xi32>
      %select_n3A_2194 = arith.select %eq3A_2191, %rem3A_2138, %broadcast_in_dim3A_2193 : vector<16xi1>, vector<16xi32>
      %reduce_max3A_2195 = arith.constant true
      %reduce_max3A_2196 = vector.broadcast %reduce_max3A_2195 : i1 to vector<16xi1>
      %reduce_max3A_2197 = arith.constant -2147483648 : i32
      %reduce_max3A_2198 = vector.broadcast %reduce_max3A_2197 : i32 to vector<16xi32>
      %reduce_max3A_2199 = arith.xori %select_n3A_2194, %reduce_max3A_2198 : vector<16xi32>
      %reduce_max3A_2200 = tpu.scan <max>, %reduce_max3A_2199 masked %reduce_max3A_2196 : vector<16xi32>, vector<16xi1> -> vector<16xi32>
      %reduce_max3A_2201 = arith.xori %reduce_max3A_2200, %reduce_max3A_2198 : vector<16xi32>
      %reduce_max3A_2202 = vector.extract %reduce_max3A_2201[15] : i32 from vector<16xi32>
      %broadcast_in_dim3A_2203 = vector.broadcast %reduce_max3A_2202 : i32 to vector<16xi32>
      %broadcast_in_dim3A_2204 = arith.constant 1 : i32
      %broadcast_in_dim3A_2205 = vector.broadcast %broadcast_in_dim3A_2204 : i32 to vector<16xi32>
      %broadcast_in_dim3A_2206 = arith.constant 2 : i32
      %broadcast_in_dim3A_2207 = vector.broadcast %broadcast_in_dim3A_2206 : i32 to vector<16xi32>
      %gather3A_2208 = tpu.vector_load_idx %arg6[%broadcast_in_dim3A_2205, %broadcast_in_dim3A_2207, %div3A_4, %rem3A_6, %broadcast_in_dim3A_2203] : memref<2x16x4x4x128xf32, #tpu.memory_space<vmem>>[vector<16xi32>, vector<16xi32>, vector<16xi32>, vector<16xi32>, vector<16xi32>], vector<16xf32>,
      %mul3A_2209 = arith.constant 16 : i32
      %mul3A_2210 = arith.muli %add3A_544, %mul3A_2209 : i32
      %add3A_2211 = arith.constant 2 : i32
      %add3A_2212 = arith.addi %mul3A_2210, %add3A_2211 : i32
      %broadcast_in_dim3A_2213 = vector.broadcast %add3A_2212 : i32 to vector<16xi32>
      tpu.vector_store_idx %arg7[%div3A_4, %rem3A_6, %broadcast_in_dim3A_2213], %gather3A_2208 : memref<4x4x512xf32, #tpu.memory_space<vmem>>[vector<16xi32>, vector<16xi32>, vector<16xi32>], vector<16xf32>,
      %eq3A_2214 = arith.constant 3 : i32
      %eq3A_2215 = vector.broadcast %eq3A_2214 : i32 to vector<16xi32>
      %eq3A_2216 = arith.cmpi eq, %iota3A, %eq3A_2215 : vector<16xi32>
      %jit3A_2217 = arith.constant 0 : i32
      %broadcast_in_dim3A_2218 = vector.broadcast %jit3A_2217 : i32 to vector<16xi32>
      %select_n3A_2219 = arith.select %eq3A_2216, %rem3A_2138, %broadcast_in_dim3A_2218 : vector<16xi1>, vector<16xi32>
      %reduce_max3A_2220 = arith.constant true
      %reduce_max3A_2221 = vector.broadcast %reduce_max3A_2220 : i1 to vector<16xi1>
      %reduce_max3A_2222 = arith.constant -2147483648 : i32
      %reduce_max3A_2223 = vector.broadcast %reduce_max3A_2222 : i32 to vector<16xi32>
      %reduce_max3A_2224 = arith.xori %select_n3A_2219, %reduce_max3A_2223 : vector<16xi32>
      %reduce_max3A_2225 = tpu.scan <max>, %reduce_max3A_2224 masked %reduce_max3A_2221 : vector<16xi32>, vector<16xi1> -> vector<16xi32>
      %reduce_max3A_2226 = arith.xori %reduce_max3A_2225, %reduce_max3A_2223 : vector<16xi32>
      %reduce_max3A_2227 = vector.extract %reduce_max3A_2226[15] : i32 from vector<16xi32>
      %broadcast_in_dim3A_2228 = vector.broadcast %reduce_max3A_2227 : i32 to vector<16xi32>
      %broadcast_in_dim3A_2229 = arith.constant 1 : i32
      %broadcast_in_dim3A_2230 = vector.broadcast %broadcast_in_dim3A_2229 : i32 to vector<16xi32>
      %broadcast_in_dim3A_2231 = arith.constant 3 : i32
      %broadcast_in_dim3A_2232 = vector.broadcast %broadcast_in_dim3A_2231 : i32 to vector<16xi32>
      %gather3A_2233 = tpu.vector_load_idx %arg6[%broadcast_in_dim3A_2230, %broadcast_in_dim3A_2232, %div3A_4, %rem3A_6, %broadcast_in_dim3A_2228] : memref<2x16x4x4x128xf32, #tpu.memory_space<vmem>>[vector<16xi32>, vector<16xi32>, vector<16xi32>, vector<16xi32>, vector<16xi32>], vector<16xf32>,
      %mul3A_2234 = arith.constant 16 : i32
      %mul3A_2235 = arith.muli %add3A_544, %mul3A_2234 : i32
      %add3A_2236 = arith.constant 3 : i32
      %add3A_2237 = arith.addi %mul3A_2235, %add3A_2236 : i32
      %broadcast_in_dim3A_2238 = vector.broadcast %add3A_2237 : i32 to vector<16xi32>
      tpu.vector_store_idx %arg7[%div3A_4, %rem3A_6, %broadcast_in_dim3A_2238], %gather3A_2233 : memref<4x4x512xf32, #tpu.memory_space<vmem>>[vector<16xi32>, vector<16xi32>, vector<16xi32>], vector<16xf32>,
      %eq3A_2239 = arith.constant 4 : i32
      %eq3A_2240 = vector.broadcast %eq3A_2239 : i32 to vector<16xi32>
      %eq3A_2241 = arith.cmpi eq, %iota3A, %eq3A_2240 : vector<16xi32>
      %jit3A_2242 = arith.constant 0 : i32
      %broadcast_in_dim3A_2243 = vector.broadcast %jit3A_2242 : i32 to vector<16xi32>
      %select_n3A_2244 = arith.select %eq3A_2241, %rem3A_2138, %broadcast_in_dim3A_2243 : vector<16xi1>, vector<16xi32>
      %reduce_max3A_2245 = arith.constant true
      %reduce_max3A_2246 = vector.broadcast %reduce_max3A_2245 : i1 to vector<16xi1>
      %reduce_max3A_2247 = arith.constant -2147483648 : i32
      %reduce_max3A_2248 = vector.broadcast %reduce_max3A_2247 : i32 to vector<16xi32>
      %reduce_max3A_2249 = arith.xori %select_n3A_2244, %reduce_max3A_2248 : vector<16xi32>
      %reduce_max3A_2250 = tpu.scan <max>, %reduce_max3A_2249 masked %reduce_max3A_2246 : vector<16xi32>, vector<16xi1> -> vector<16xi32>
      %reduce_max3A_2251 = arith.xori %reduce_max3A_2250, %reduce_max3A_2248 : vector<16xi32>
      %reduce_max3A_2252 = vector.extract %reduce_max3A_2251[15] : i32 from vector<16xi32>
      %broadcast_in_dim3A_2253 = vector.broadcast %reduce_max3A_2252 : i32 to vector<16xi32>
      %broadcast_in_dim3A_2254 = arith.constant 1 : i32
      %broadcast_in_dim3A_2255 = vector.broadcast %broadcast_in_dim3A_2254 : i32 to vector<16xi32>
      %broadcast_in_dim3A_2256 = arith.constant 4 : i32
      %broadcast_in_dim3A_2257 = vector.broadcast %broadcast_in_dim3A_2256 : i32 to vector<16xi32>
      %gather3A_2258 = tpu.vector_load_idx %arg6[%broadcast_in_dim3A_2255, %broadcast_in_dim3A_2257, %div3A_4, %rem3A_6, %broadcast_in_dim3A_2253] : memref<2x16x4x4x128xf32, #tpu.memory_space<vmem>>[vector<16xi32>, vector<16xi32>, vector<16xi32>, vector<16xi32>, vector<16xi32>], vector<16xf32>,
      %mul3A_2259 = arith.constant 16 : i32
      %mul3A_2260 = arith.muli %add3A_544, %mul3A_2259 : i32
      %add3A_2261 = arith.constant 4 : i32
      %add3A_2262 = arith.addi %mul3A_2260, %add3A_2261 : i32
      %broadcast_in_dim3A_2263 = vector.broadcast %add3A_2262 : i32 to vector<16xi32>
      tpu.vector_store_idx %arg7[%div3A_4, %rem3A_6, %broadcast_in_dim3A_2263], %gather3A_2258 : memref<4x4x512xf32, #tpu.memory_space<vmem>>[vector<16xi32>, vector<16xi32>, vector<16xi32>], vector<16xf32>,
      %eq3A_2264 = arith.constant 5 : i32
      %eq3A_2265 = vector.broadcast %eq3A_2264 : i32 to vector<16xi32>
      %eq3A_2266 = arith.cmpi eq, %iota3A, %eq3A_2265 : vector<16xi32>
      %jit3A_2267 = arith.constant 0 : i32
      %broadcast_in_dim3A_2268 = vector.broadcast %jit3A_2267 : i32 to vector<16xi32>
      %select_n3A_2269 = arith.select %eq3A_2266, %rem3A_2138, %broadcast_in_dim3A_2268 : vector<16xi1>, vector<16xi32>
      %reduce_max3A_2270 = arith.constant true
      %reduce_max3A_2271 = vector.broadcast %reduce_max3A_2270 : i1 to vector<16xi1>
      %reduce_max3A_2272 = arith.constant -2147483648 : i32
      %reduce_max3A_2273 = vector.broadcast %reduce_max3A_2272 : i32 to vector<16xi32>
      %reduce_max3A_2274 = arith.xori %select_n3A_2269, %reduce_max3A_2273 : vector<16xi32>
      %reduce_max3A_2275 = tpu.scan <max>, %reduce_max3A_2274 masked %reduce_max3A_2271 : vector<16xi32>, vector<16xi1> -> vector<16xi32>
      %reduce_max3A_2276 = arith.xori %reduce_max3A_2275, %reduce_max3A_2273 : vector<16xi32>
      %reduce_max3A_2277 = vector.extract %reduce_max3A_2276[15] : i32 from vector<16xi32>
      %broadcast_in_dim3A_2278 = vector.broadcast %reduce_max3A_2277 : i32 to vector<16xi32>
      %broadcast_in_dim3A_2279 = arith.constant 1 : i32
      %broadcast_in_dim3A_2280 = vector.broadcast %broadcast_in_dim3A_2279 : i32 to vector<16xi32>
      %broadcast_in_dim3A_2281 = arith.constant 5 : i32
      %broadcast_in_dim3A_2282 = vector.broadcast %broadcast_in_dim3A_2281 : i32 to vector<16xi32>
      %gather3A_2283 = tpu.vector_load_idx %arg6[%broadcast_in_dim3A_2280, %broadcast_in_dim3A_2282, %div3A_4, %rem3A_6, %broadcast_in_dim3A_2278] : memref<2x16x4x4x128xf32, #tpu.memory_space<vmem>>[vector<16xi32>, vector<16xi32>, vector<16xi32>, vector<16xi32>, vector<16xi32>], vector<16xf32>,
      %mul3A_2284 = arith.constant 16 : i32
      %mul3A_2285 = arith.muli %add3A_544, %mul3A_2284 : i32
      %add3A_2286 = arith.constant 5 : i32
      %add3A_2287 = arith.addi %mul3A_2285, %add3A_2286 : i32
      %broadcast_in_dim3A_2288 = vector.broadcast %add3A_2287 : i32 to vector<16xi32>
      tpu.vector_store_idx %arg7[%div3A_4, %rem3A_6, %broadcast_in_dim3A_2288], %gather3A_2283 : memref<4x4x512xf32, #tpu.memory_space<vmem>>[vector<16xi32>, vector<16xi32>, vector<16xi32>], vector<16xf32>,
      %eq3A_2289 = arith.constant 6 : i32
      %eq3A_2290 = vector.broadcast %eq3A_2289 : i32 to vector<16xi32>
      %eq3A_2291 = arith.cmpi eq, %iota3A, %eq3A_2290 : vector<16xi32>
      %jit3A_2292 = arith.constant 0 : i32
      %broadcast_in_dim3A_2293 = vector.broadcast %jit3A_2292 : i32 to vector<16xi32>
      %select_n3A_2294 = arith.select %eq3A_2291, %rem3A_2138, %broadcast_in_dim3A_2293 : vector<16xi1>, vector<16xi32>
      %reduce_max3A_2295 = arith.constant true
      %reduce_max3A_2296 = vector.broadcast %reduce_max3A_2295 : i1 to vector<16xi1>
      %reduce_max3A_2297 = arith.constant -2147483648 : i32
      %reduce_max3A_2298 = vector.broadcast %reduce_max3A_2297 : i32 to vector<16xi32>
      %reduce_max3A_2299 = arith.xori %select_n3A_2294, %reduce_max3A_2298 : vector<16xi32>
      %reduce_max3A_2300 = tpu.scan <max>, %reduce_max3A_2299 masked %reduce_max3A_2296 : vector<16xi32>, vector<16xi1> -> vector<16xi32>
      %reduce_max3A_2301 = arith.xori %reduce_max3A_2300, %reduce_max3A_2298 : vector<16xi32>
      %reduce_max3A_2302 = vector.extract %reduce_max3A_2301[15] : i32 from vector<16xi32>
      %broadcast_in_dim3A_2303 = vector.broadcast %reduce_max3A_2302 : i32 to vector<16xi32>
      %broadcast_in_dim3A_2304 = arith.constant 1 : i32
      %broadcast_in_dim3A_2305 = vector.broadcast %broadcast_in_dim3A_2304 : i32 to vector<16xi32>
      %broadcast_in_dim3A_2306 = arith.constant 6 : i32
      %broadcast_in_dim3A_2307 = vector.broadcast %broadcast_in_dim3A_2306 : i32 to vector<16xi32>
      %gather3A_2308 = tpu.vector_load_idx %arg6[%broadcast_in_dim3A_2305, %broadcast_in_dim3A_2307, %div3A_4, %rem3A_6, %broadcast_in_dim3A_2303] : memref<2x16x4x4x128xf32, #tpu.memory_space<vmem>>[vector<16xi32>, vector<16xi32>, vector<16xi32>, vector<16xi32>, vector<16xi32>], vector<16xf32>,
      %mul3A_2309 = arith.constant 16 : i32
      %mul3A_2310 = arith.muli %add3A_544, %mul3A_2309 : i32
      %add3A_2311 = arith.constant 6 : i32
      %add3A_2312 = arith.addi %mul3A_2310, %add3A_2311 : i32
      %broadcast_in_dim3A_2313 = vector.broadcast %add3A_2312 : i32 to vector<16xi32>
      tpu.vector_store_idx %arg7[%div3A_4, %rem3A_6, %broadcast_in_dim3A_2313], %gather3A_2308 : memref<4x4x512xf32, #tpu.memory_space<vmem>>[vector<16xi32>, vector<16xi32>, vector<16xi32>], vector<16xf32>,
      %eq3A_2314 = arith.constant 7 : i32
      %eq3A_2315 = vector.broadcast %eq3A_2314 : i32 to vector<16xi32>
      %eq3A_2316 = arith.cmpi eq, %iota3A, %eq3A_2315 : vector<16xi32>
      %jit3A_2317 = arith.constant 0 : i32
      %broadcast_in_dim3A_2318 = vector.broadcast %jit3A_2317 : i32 to vector<16xi32>
      %select_n3A_2319 = arith.select %eq3A_2316, %rem3A_2138, %broadcast_in_dim3A_2318 : vector<16xi1>, vector<16xi32>
      %reduce_max3A_2320 = arith.constant true
      %reduce_max3A_2321 = vector.broadcast %reduce_max3A_2320 : i1 to vector<16xi1>
      %reduce_max3A_2322 = arith.constant -2147483648 : i32
      %reduce_max3A_2323 = vector.broadcast %reduce_max3A_2322 : i32 to vector<16xi32>
      %reduce_max3A_2324 = arith.xori %select_n3A_2319, %reduce_max3A_2323 : vector<16xi32>
      %reduce_max3A_2325 = tpu.scan <max>, %reduce_max3A_2324 masked %reduce_max3A_2321 : vector<16xi32>, vector<16xi1> -> vector<16xi32>
      %reduce_max3A_2326 = arith.xori %reduce_max3A_2325, %reduce_max3A_2323 : vector<16xi32>
      %reduce_max3A_2327 = vector.extract %reduce_max3A_2326[15] : i32 from vector<16xi32>
      %broadcast_in_dim3A_2328 = vector.broadcast %reduce_max3A_2327 : i32 to vector<16xi32>
      %broadcast_in_dim3A_2329 = arith.constant 1 : i32
      %broadcast_in_dim3A_2330 = vector.broadcast %broadcast_in_dim3A_2329 : i32 to vector<16xi32>
      %broadcast_in_dim3A_2331 = arith.constant 7 : i32
      %broadcast_in_dim3A_2332 = vector.broadcast %broadcast_in_dim3A_2331 : i32 to vector<16xi32>
      %gather3A_2333 = tpu.vector_load_idx %arg6[%broadcast_in_dim3A_2330, %broadcast_in_dim3A_2332, %div3A_4, %rem3A_6, %broadcast_in_dim3A_2328] : memref<2x16x4x4x128xf32, #tpu.memory_space<vmem>>[vector<16xi32>, vector<16xi32>, vector<16xi32>, vector<16xi32>, vector<16xi32>], vector<16xf32>,
      %mul3A_2334 = arith.constant 16 : i32
      %mul3A_2335 = arith.muli %add3A_544, %mul3A_2334 : i32
      %add3A_2336 = arith.constant 7 : i32
      %add3A_2337 = arith.addi %mul3A_2335, %add3A_2336 : i32
      %broadcast_in_dim3A_2338 = vector.broadcast %add3A_2337 : i32 to vector<16xi32>
      tpu.vector_store_idx %arg7[%div3A_4, %rem3A_6, %broadcast_in_dim3A_2338], %gather3A_2333 : memref<4x4x512xf32, #tpu.memory_space<vmem>>[vector<16xi32>, vector<16xi32>, vector<16xi32>], vector<16xf32>,
      %eq3A_2339 = arith.constant 8 : i32
      %eq3A_2340 = vector.broadcast %eq3A_2339 : i32 to vector<16xi32>
      %eq3A_2341 = arith.cmpi eq, %iota3A, %eq3A_2340 : vector<16xi32>
      %jit3A_2342 = arith.constant 0 : i32
      %broadcast_in_dim3A_2343 = vector.broadcast %jit3A_2342 : i32 to vector<16xi32>
      %select_n3A_2344 = arith.select %eq3A_2341, %rem3A_2138, %broadcast_in_dim3A_2343 : vector<16xi1>, vector<16xi32>
      %reduce_max3A_2345 = arith.constant true
      %reduce_max3A_2346 = vector.broadcast %reduce_max3A_2345 : i1 to vector<16xi1>
      %reduce_max3A_2347 = arith.constant -2147483648 : i32
      %reduce_max3A_2348 = vector.broadcast %reduce_max3A_2347 : i32 to vector<16xi32>
      %reduce_max3A_2349 = arith.xori %select_n3A_2344, %reduce_max3A_2348 : vector<16xi32>
      %reduce_max3A_2350 = tpu.scan <max>, %reduce_max3A_2349 masked %reduce_max3A_2346 : vector<16xi32>, vector<16xi1> -> vector<16xi32>
      %reduce_max3A_2351 = arith.xori %reduce_max3A_2350, %reduce_max3A_2348 : vector<16xi32>
      %reduce_max3A_2352 = vector.extract %reduce_max3A_2351[15] : i32 from vector<16xi32>
      %broadcast_in_dim3A_2353 = vector.broadcast %reduce_max3A_2352 : i32 to vector<16xi32>
      %broadcast_in_dim3A_2354 = arith.constant 1 : i32
      %broadcast_in_dim3A_2355 = vector.broadcast %broadcast_in_dim3A_2354 : i32 to vector<16xi32>
      %broadcast_in_dim3A_2356 = arith.constant 8 : i32
      %broadcast_in_dim3A_2357 = vector.broadcast %broadcast_in_dim3A_2356 : i32 to vector<16xi32>
      %gather3A_2358 = tpu.vector_load_idx %arg6[%broadcast_in_dim3A_2355, %broadcast_in_dim3A_2357, %div3A_4, %rem3A_6, %broadcast_in_dim3A_2353] : memref<2x16x4x4x128xf32, #tpu.memory_space<vmem>>[vector<16xi32>, vector<16xi32>, vector<16xi32>, vector<16xi32>, vector<16xi32>], vector<16xf32>,
      %mul3A_2359 = arith.constant 16 : i32
      %mul3A_2360 = arith.muli %add3A_544, %mul3A_2359 : i32
      %add3A_2361 = arith.constant 8 : i32
      %add3A_2362 = arith.addi %mul3A_2360, %add3A_2361 : i32
      %broadcast_in_dim3A_2363 = vector.broadcast %add3A_2362 : i32 to vector<16xi32>
      tpu.vector_store_idx %arg7[%div3A_4, %rem3A_6, %broadcast_in_dim3A_2363], %gather3A_2358 : memref<4x4x512xf32, #tpu.memory_space<vmem>>[vector<16xi32>, vector<16xi32>, vector<16xi32>], vector<16xf32>,
      %eq3A_2364 = arith.constant 9 : i32
      %eq3A_2365 = vector.broadcast %eq3A_2364 : i32 to vector<16xi32>
      %eq3A_2366 = arith.cmpi eq, %iota3A, %eq3A_2365 : vector<16xi32>
      %jit3A_2367 = arith.constant 0 : i32
      %broadcast_in_dim3A_2368 = vector.broadcast %jit3A_2367 : i32 to vector<16xi32>
      %select_n3A_2369 = arith.select %eq3A_2366, %rem3A_2138, %broadcast_in_dim3A_2368 : vector<16xi1>, vector<16xi32>
      %reduce_max3A_2370 = arith.constant true
      %reduce_max3A_2371 = vector.broadcast %reduce_max3A_2370 : i1 to vector<16xi1>
      %reduce_max3A_2372 = arith.constant -2147483648 : i32
      %reduce_max3A_2373 = vector.broadcast %reduce_max3A_2372 : i32 to vector<16xi32>
      %reduce_max3A_2374 = arith.xori %select_n3A_2369, %reduce_max3A_2373 : vector<16xi32>
      %reduce_max3A_2375 = tpu.scan <max>, %reduce_max3A_2374 masked %reduce_max3A_2371 : vector<16xi32>, vector<16xi1> -> vector<16xi32>
      %reduce_max3A_2376 = arith.xori %reduce_max3A_2375, %reduce_max3A_2373 : vector<16xi32>
      %reduce_max3A_2377 = vector.extract %reduce_max3A_2376[15] : i32 from vector<16xi32>
      %broadcast_in_dim3A_2378 = vector.broadcast %reduce_max3A_2377 : i32 to vector<16xi32>
      %broadcast_in_dim3A_2379 = arith.constant 1 : i32
      %broadcast_in_dim3A_2380 = vector.broadcast %broadcast_in_dim3A_2379 : i32 to vector<16xi32>
      %broadcast_in_dim3A_2381 = arith.constant 9 : i32
      %broadcast_in_dim3A_2382 = vector.broadcast %broadcast_in_dim3A_2381 : i32 to vector<16xi32>
      %gather3A_2383 = tpu.vector_load_idx %arg6[%broadcast_in_dim3A_2380, %broadcast_in_dim3A_2382, %div3A_4, %rem3A_6, %broadcast_in_dim3A_2378] : memref<2x16x4x4x128xf32, #tpu.memory_space<vmem>>[vector<16xi32>, vector<16xi32>, vector<16xi32>, vector<16xi32>, vector<16xi32>], vector<16xf32>,
      %mul3A_2384 = arith.constant 16 : i32
      %mul3A_2385 = arith.muli %add3A_544, %mul3A_2384 : i32
      %add3A_2386 = arith.constant 9 : i32
      %add3A_2387 = arith.addi %mul3A_2385, %add3A_2386 : i32
      %broadcast_in_dim3A_2388 = vector.broadcast %add3A_2387 : i32 to vector<16xi32>
      tpu.vector_store_idx %arg7[%div3A_4, %rem3A_6, %broadcast_in_dim3A_2388], %gather3A_2383 : memref<4x4x512xf32, #tpu.memory_space<vmem>>[vector<16xi32>, vector<16xi32>, vector<16xi32>], vector<16xf32>,
      %eq3A_2389 = arith.constant 10 : i32
      %eq3A_2390 = vector.broadcast %eq3A_2389 : i32 to vector<16xi32>
      %eq3A_2391 = arith.cmpi eq, %iota3A, %eq3A_2390 : vector<16xi32>
      %jit3A_2392 = arith.constant 0 : i32
      %broadcast_in_dim3A_2393 = vector.broadcast %jit3A_2392 : i32 to vector<16xi32>
      %select_n3A_2394 = arith.select %eq3A_2391, %rem3A_2138, %broadcast_in_dim3A_2393 : vector<16xi1>, vector<16xi32>
      %reduce_max3A_2395 = arith.constant true
      %reduce_max3A_2396 = vector.broadcast %reduce_max3A_2395 : i1 to vector<16xi1>
      %reduce_max3A_2397 = arith.constant -2147483648 : i32
      %reduce_max3A_2398 = vector.broadcast %reduce_max3A_2397 : i32 to vector<16xi32>
      %reduce_max3A_2399 = arith.xori %select_n3A_2394, %reduce_max3A_2398 : vector<16xi32>
      %reduce_max3A_2400 = tpu.scan <max>, %reduce_max3A_2399 masked %reduce_max3A_2396 : vector<16xi32>, vector<16xi1> -> vector<16xi32>
      %reduce_max3A_2401 = arith.xori %reduce_max3A_2400, %reduce_max3A_2398 : vector<16xi32>
      %reduce_max3A_2402 = vector.extract %reduce_max3A_2401[15] : i32 from vector<16xi32>
      %broadcast_in_dim3A_2403 = vector.broadcast %reduce_max3A_2402 : i32 to vector<16xi32>
      %broadcast_in_dim3A_2404 = arith.constant 1 : i32
      %broadcast_in_dim3A_2405 = vector.broadcast %broadcast_in_dim3A_2404 : i32 to vector<16xi32>
      %broadcast_in_dim3A_2406 = arith.constant 10 : i32
      %broadcast_in_dim3A_2407 = vector.broadcast %broadcast_in_dim3A_2406 : i32 to vector<16xi32>
      %gather3A_2408 = tpu.vector_load_idx %arg6[%broadcast_in_dim3A_2405, %broadcast_in_dim3A_2407, %div3A_4, %rem3A_6, %broadcast_in_dim3A_2403] : memref<2x16x4x4x128xf32, #tpu.memory_space<vmem>>[vector<16xi32>, vector<16xi32>, vector<16xi32>, vector<16xi32>, vector<16xi32>], vector<16xf32>,
      %mul3A_2409 = arith.constant 16 : i32
      %mul3A_2410 = arith.muli %add3A_544, %mul3A_2409 : i32
      %add3A_2411 = arith.constant 10 : i32
      %add3A_2412 = arith.addi %mul3A_2410, %add3A_2411 : i32
      %broadcast_in_dim3A_2413 = vector.broadcast %add3A_2412 : i32 to vector<16xi32>
      tpu.vector_store_idx %arg7[%div3A_4, %rem3A_6, %broadcast_in_dim3A_2413], %gather3A_2408 : memref<4x4x512xf32, #tpu.memory_space<vmem>>[vector<16xi32>, vector<16xi32>, vector<16xi32>], vector<16xf32>,
      %eq3A_2414 = arith.constant 11 : i32
      %eq3A_2415 = vector.broadcast %eq3A_2414 : i32 to vector<16xi32>
      %eq3A_2416 = arith.cmpi eq, %iota3A, %eq3A_2415 : vector<16xi32>
      %jit3A_2417 = arith.constant 0 : i32
      %broadcast_in_dim3A_2418 = vector.broadcast %jit3A_2417 : i32 to vector<16xi32>
      %select_n3A_2419 = arith.select %eq3A_2416, %rem3A_2138, %broadcast_in_dim3A_2418 : vector<16xi1>, vector<16xi32>
      %reduce_max3A_2420 = arith.constant true
      %reduce_max3A_2421 = vector.broadcast %reduce_max3A_2420 : i1 to vector<16xi1>
      %reduce_max3A_2422 = arith.constant -2147483648 : i32
      %reduce_max3A_2423 = vector.broadcast %reduce_max3A_2422 : i32 to vector<16xi32>
      %reduce_max3A_2424 = arith.xori %select_n3A_2419, %reduce_max3A_2423 : vector<16xi32>
      %reduce_max3A_2425 = tpu.scan <max>, %reduce_max3A_2424 masked %reduce_max3A_2421 : vector<16xi32>, vector<16xi1> -> vector<16xi32>
      %reduce_max3A_2426 = arith.xori %reduce_max3A_2425, %reduce_max3A_2423 : vector<16xi32>
      %reduce_max3A_2427 = vector.extract %reduce_max3A_2426[15] : i32 from vector<16xi32>
      %broadcast_in_dim3A_2428 = vector.broadcast %reduce_max3A_2427 : i32 to vector<16xi32>
      %broadcast_in_dim3A_2429 = arith.constant 1 : i32
      %broadcast_in_dim3A_2430 = vector.broadcast %broadcast_in_dim3A_2429 : i32 to vector<16xi32>
      %broadcast_in_dim3A_2431 = arith.constant 11 : i32
      %broadcast_in_dim3A_2432 = vector.broadcast %broadcast_in_dim3A_2431 : i32 to vector<16xi32>
      %gather3A_2433 = tpu.vector_load_idx %arg6[%broadcast_in_dim3A_2430, %broadcast_in_dim3A_2432, %div3A_4, %rem3A_6, %broadcast_in_dim3A_2428] : memref<2x16x4x4x128xf32, #tpu.memory_space<vmem>>[vector<16xi32>, vector<16xi32>, vector<16xi32>, vector<16xi32>, vector<16xi32>], vector<16xf32>,
      %mul3A_2434 = arith.constant 16 : i32
      %mul3A_2435 = arith.muli %add3A_544, %mul3A_2434 : i32
      %add3A_2436 = arith.constant 11 : i32
      %add3A_2437 = arith.addi %mul3A_2435, %add3A_2436 : i32
      %broadcast_in_dim3A_2438 = vector.broadcast %add3A_2437 : i32 to vector<16xi32>
      tpu.vector_store_idx %arg7[%div3A_4, %rem3A_6, %broadcast_in_dim3A_2438], %gather3A_2433 : memref<4x4x512xf32, #tpu.memory_space<vmem>>[vector<16xi32>, vector<16xi32>, vector<16xi32>], vector<16xf32>,
      %eq3A_2439 = arith.constant 12 : i32
      %eq3A_2440 = vector.broadcast %eq3A_2439 : i32 to vector<16xi32>
      %eq3A_2441 = arith.cmpi eq, %iota3A, %eq3A_2440 : vector<16xi32>
      %jit3A_2442 = arith.constant 0 : i32
      %broadcast_in_dim3A_2443 = vector.broadcast %jit3A_2442 : i32 to vector<16xi32>
      %select_n3A_2444 = arith.select %eq3A_2441, %rem3A_2138, %broadcast_in_dim3A_2443 : vector<16xi1>, vector<16xi32>
      %reduce_max3A_2445 = arith.constant true
      %reduce_max3A_2446 = vector.broadcast %reduce_max3A_2445 : i1 to vector<16xi1>
      %reduce_max3A_2447 = arith.constant -2147483648 : i32
      %reduce_max3A_2448 = vector.broadcast %reduce_max3A_2447 : i32 to vector<16xi32>
      %reduce_max3A_2449 = arith.xori %select_n3A_2444, %reduce_max3A_2448 : vector<16xi32>
      %reduce_max3A_2450 = tpu.scan <max>, %reduce_max3A_2449 masked %reduce_max3A_2446 : vector<16xi32>, vector<16xi1> -> vector<16xi32>
      %reduce_max3A_2451 = arith.xori %reduce_max3A_2450, %reduce_max3A_2448 : vector<16xi32>
      %reduce_max3A_2452 = vector.extract %reduce_max3A_2451[15] : i32 from vector<16xi32>
      %broadcast_in_dim3A_2453 = vector.broadcast %reduce_max3A_2452 : i32 to vector<16xi32>
      %broadcast_in_dim3A_2454 = arith.constant 1 : i32
      %broadcast_in_dim3A_2455 = vector.broadcast %broadcast_in_dim3A_2454 : i32 to vector<16xi32>
      %broadcast_in_dim3A_2456 = arith.constant 12 : i32
      %broadcast_in_dim3A_2457 = vector.broadcast %broadcast_in_dim3A_2456 : i32 to vector<16xi32>
      %gather3A_2458 = tpu.vector_load_idx %arg6[%broadcast_in_dim3A_2455, %broadcast_in_dim3A_2457, %div3A_4, %rem3A_6, %broadcast_in_dim3A_2453] : memref<2x16x4x4x128xf32, #tpu.memory_space<vmem>>[vector<16xi32>, vector<16xi32>, vector<16xi32>, vector<16xi32>, vector<16xi32>], vector<16xf32>,
      %mul3A_2459 = arith.constant 16 : i32
      %mul3A_2460 = arith.muli %add3A_544, %mul3A_2459 : i32
      %add3A_2461 = arith.constant 12 : i32
      %add3A_2462 = arith.addi %mul3A_2460, %add3A_2461 : i32
      %broadcast_in_dim3A_2463 = vector.broadcast %add3A_2462 : i32 to vector<16xi32>
      tpu.vector_store_idx %arg7[%div3A_4, %rem3A_6, %broadcast_in_dim3A_2463], %gather3A_2458 : memref<4x4x512xf32, #tpu.memory_space<vmem>>[vector<16xi32>, vector<16xi32>, vector<16xi32>], vector<16xf32>,
      %eq3A_2464 = arith.constant 13 : i32
      %eq3A_2465 = vector.broadcast %eq3A_2464 : i32 to vector<16xi32>
      %eq3A_2466 = arith.cmpi eq, %iota3A, %eq3A_2465 : vector<16xi32>
      %jit3A_2467 = arith.constant 0 : i32
      %broadcast_in_dim3A_2468 = vector.broadcast %jit3A_2467 : i32 to vector<16xi32>
      %select_n3A_2469 = arith.select %eq3A_2466, %rem3A_2138, %broadcast_in_dim3A_2468 : vector<16xi1>, vector<16xi32>
      %reduce_max3A_2470 = arith.constant true
      %reduce_max3A_2471 = vector.broadcast %reduce_max3A_2470 : i1 to vector<16xi1>
      %reduce_max3A_2472 = arith.constant -2147483648 : i32
      %reduce_max3A_2473 = vector.broadcast %reduce_max3A_2472 : i32 to vector<16xi32>
      %reduce_max3A_2474 = arith.xori %select_n3A_2469, %reduce_max3A_2473 : vector<16xi32>
      %reduce_max3A_2475 = tpu.scan <max>, %reduce_max3A_2474 masked %reduce_max3A_2471 : vector<16xi32>, vector<16xi1> -> vector<16xi32>
      %reduce_max3A_2476 = arith.xori %reduce_max3A_2475, %reduce_max3A_2473 : vector<16xi32>
      %reduce_max3A_2477 = vector.extract %reduce_max3A_2476[15] : i32 from vector<16xi32>
      %broadcast_in_dim3A_2478 = vector.broadcast %reduce_max3A_2477 : i32 to vector<16xi32>
      %broadcast_in_dim3A_2479 = arith.constant 1 : i32
      %broadcast_in_dim3A_2480 = vector.broadcast %broadcast_in_dim3A_2479 : i32 to vector<16xi32>
      %broadcast_in_dim3A_2481 = arith.constant 13 : i32
      %broadcast_in_dim3A_2482 = vector.broadcast %broadcast_in_dim3A_2481 : i32 to vector<16xi32>
      %gather3A_2483 = tpu.vector_load_idx %arg6[%broadcast_in_dim3A_2480, %broadcast_in_dim3A_2482, %div3A_4, %rem3A_6, %broadcast_in_dim3A_2478] : memref<2x16x4x4x128xf32, #tpu.memory_space<vmem>>[vector<16xi32>, vector<16xi32>, vector<16xi32>, vector<16xi32>, vector<16xi32>], vector<16xf32>,
      %mul3A_2484 = arith.constant 16 : i32
      %mul3A_2485 = arith.muli %add3A_544, %mul3A_2484 : i32
      %add3A_2486 = arith.constant 13 : i32
      %add3A_2487 = arith.addi %mul3A_2485, %add3A_2486 : i32
      %broadcast_in_dim3A_2488 = vector.broadcast %add3A_2487 : i32 to vector<16xi32>
      tpu.vector_store_idx %arg7[%div3A_4, %rem3A_6, %broadcast_in_dim3A_2488], %gather3A_2483 : memref<4x4x512xf32, #tpu.memory_space<vmem>>[vector<16xi32>, vector<16xi32>, vector<16xi32>], vector<16xf32>,
      %eq3A_2489 = arith.constant 14 : i32
      %eq3A_2490 = vector.broadcast %eq3A_2489 : i32 to vector<16xi32>
      %eq3A_2491 = arith.cmpi eq, %iota3A, %eq3A_2490 : vector<16xi32>
      %jit3A_2492 = arith.constant 0 : i32
      %broadcast_in_dim3A_2493 = vector.broadcast %jit3A_2492 : i32 to vector<16xi32>
      %select_n3A_2494 = arith.select %eq3A_2491, %rem3A_2138, %broadcast_in_dim3A_2493 : vector<16xi1>, vector<16xi32>
      %reduce_max3A_2495 = arith.constant true
      %reduce_max3A_2496 = vector.broadcast %reduce_max3A_2495 : i1 to vector<16xi1>
      %reduce_max3A_2497 = arith.constant -2147483648 : i32
      %reduce_max3A_2498 = vector.broadcast %reduce_max3A_2497 : i32 to vector<16xi32>
      %reduce_max3A_2499 = arith.xori %select_n3A_2494, %reduce_max3A_2498 : vector<16xi32>
      %reduce_max3A_2500 = tpu.scan <max>, %reduce_max3A_2499 masked %reduce_max3A_2496 : vector<16xi32>, vector<16xi1> -> vector<16xi32>
      %reduce_max3A_2501 = arith.xori %reduce_max3A_2500, %reduce_max3A_2498 : vector<16xi32>
      %reduce_max3A_2502 = vector.extract %reduce_max3A_2501[15] : i32 from vector<16xi32>
      %broadcast_in_dim3A_2503 = vector.broadcast %reduce_max3A_2502 : i32 to vector<16xi32>
      %broadcast_in_dim3A_2504 = arith.constant 1 : i32
      %broadcast_in_dim3A_2505 = vector.broadcast %broadcast_in_dim3A_2504 : i32 to vector<16xi32>
      %broadcast_in_dim3A_2506 = arith.constant 14 : i32
      %broadcast_in_dim3A_2507 = vector.broadcast %broadcast_in_dim3A_2506 : i32 to vector<16xi32>
      %gather3A_2508 = tpu.vector_load_idx %arg6[%broadcast_in_dim3A_2505, %broadcast_in_dim3A_2507, %div3A_4, %rem3A_6, %broadcast_in_dim3A_2503] : memref<2x16x4x4x128xf32, #tpu.memory_space<vmem>>[vector<16xi32>, vector<16xi32>, vector<16xi32>, vector<16xi32>, vector<16xi32>], vector<16xf32>,
      %mul3A_2509 = arith.constant 16 : i32
      %mul3A_2510 = arith.muli %add3A_544, %mul3A_2509 : i32
      %add3A_2511 = arith.constant 14 : i32
      %add3A_2512 = arith.addi %mul3A_2510, %add3A_2511 : i32
      %broadcast_in_dim3A_2513 = vector.broadcast %add3A_2512 : i32 to vector<16xi32>
      tpu.vector_store_idx %arg7[%div3A_4, %rem3A_6, %broadcast_in_dim3A_2513], %gather3A_2508 : memref<4x4x512xf32, #tpu.memory_space<vmem>>[vector<16xi32>, vector<16xi32>, vector<16xi32>], vector<16xf32>,
      %eq3A_2514 = arith.constant 15 : i32
      %eq3A_2515 = vector.broadcast %eq3A_2514 : i32 to vector<16xi32>
      %eq3A_2516 = arith.cmpi eq, %iota3A, %eq3A_2515 : vector<16xi32>
      %jit3A_2517 = arith.constant 0 : i32
      %broadcast_in_dim3A_2518 = vector.broadcast %jit3A_2517 : i32 to vector<16xi32>
      %select_n3A_2519 = arith.select %eq3A_2516, %rem3A_2138, %broadcast_in_dim3A_2518 : vector<16xi1>, vector<16xi32>
      %reduce_max3A_2520 = arith.constant true
      %reduce_max3A_2521 = vector.broadcast %reduce_max3A_2520 : i1 to vector<16xi1>
      %reduce_max3A_2522 = arith.constant -2147483648 : i32
      %reduce_max3A_2523 = vector.broadcast %reduce_max3A_2522 : i32 to vector<16xi32>
      %reduce_max3A_2524 = arith.xori %select_n3A_2519, %reduce_max3A_2523 : vector<16xi32>
      %reduce_max3A_2525 = tpu.scan <max>, %reduce_max3A_2524 masked %reduce_max3A_2521 : vector<16xi32>, vector<16xi1> -> vector<16xi32>
      %reduce_max3A_2526 = arith.xori %reduce_max3A_2525, %reduce_max3A_2523 : vector<16xi32>
      %reduce_max3A_2527 = vector.extract %reduce_max3A_2526[15] : i32 from vector<16xi32>
      %broadcast_in_dim3A_2528 = vector.broadcast %reduce_max3A_2527 : i32 to vector<16xi32>
      %broadcast_in_dim3A_2529 = arith.constant 1 : i32
      %broadcast_in_dim3A_2530 = vector.broadcast %broadcast_in_dim3A_2529 : i32 to vector<16xi32>
      %broadcast_in_dim3A_2531 = arith.constant 15 : i32
      %broadcast_in_dim3A_2532 = vector.broadcast %broadcast_in_dim3A_2531 : i32 to vector<16xi32>
      %gather3A_2533 = tpu.vector_load_idx %arg6[%broadcast_in_dim3A_2530, %broadcast_in_dim3A_2532, %div3A_4, %rem3A_6, %broadcast_in_dim3A_2528] : memref<2x16x4x4x128xf32, #tpu.memory_space<vmem>>[vector<16xi32>, vector<16xi32>, vector<16xi32>, vector<16xi32>, vector<16xi32>], vector<16xf32>,
      %mul3A_2534 = arith.constant 16 : i32
      %mul3A_2535 = arith.muli %add3A_544, %mul3A_2534 : i32
      %add3A_2536 = arith.constant 15 : i32
      %add3A_2537 = arith.addi %mul3A_2535, %add3A_2536 : i32
      %broadcast_in_dim3A_2538 = vector.broadcast %add3A_2537 : i32 to vector<16xi32>
      tpu.vector_store_idx %arg7[%div3A_4, %rem3A_6, %broadcast_in_dim3A_2538], %gather3A_2533 : memref<4x4x512xf32, #tpu.memory_space<vmem>>[vector<16xi32>, vector<16xi32>, vector<16xi32>], vector<16xf32>,
    }
    %scan3A_539 = arith.constant 16 : i32
    "tpu.region"() ({
      %run_scoped3A = tpu.sem_alloc : memref<!tpu.dma_semaphore, #tpu.memory_space<semaphore_mem>>
      %dma_start3A_540 = arith.constant 0 : i32
      %dma_start3A_541 = arith.constant 0 : i32
      %dma_start3A_542 = tpu.memref_slice %arg4[%dma_start3A_540, %dma_start3A_541, %mul3A_2] : memref<4x4x16384xf32, #tpu.memory_space<hbm>> -> memref<4x4x512xf32, #tpu.memory_space<hbm>>
      %dma_start3A_543 = arith.constant 0 : i32
      %dma_start3A_544 = arith.constant 0 : i32
      %dma_start3A_545 = tpu.memref_slice %arg4[%dma_start3A_543, %dma_start3A_544, %mul3A_2] : memref<4x4x16384xf32, #tpu.memory_space<hbm>> -> memref<4x4x512xf32, #tpu.memory_space<hbm>>
      tpu.enqueue_dma source(%arg7 : memref<4x4x512xf32, #tpu.memory_space<vmem>>) target(%dma_start3A_545 : memref<4x4x512xf32, #tpu.memory_space<hbm>>) target_semaphore(%run_scoped3A : memref<!tpu.dma_semaphore, #tpu.memory_space<semaphore_mem>>)
      %dma_wait3A = arith.constant 0 : i32
      %dma_wait3A_546 = arith.constant 0 : i32
      %dma_wait3A_547 = tpu.memref_slice %arg4[%dma_wait3A, %dma_wait3A_546, %mul3A_2] : memref<4x4x16384xf32, #tpu.memory_space<hbm>> -> memref<4x4x512xf32, #tpu.memory_space<hbm>>
      %dma_wait3A_548 = arith.constant 0 : i32
      %dma_wait3A_549 = arith.constant 0 : i32
      %dma_wait3A_550 = tpu.memref_slice %arg4[%dma_wait3A_548, %dma_wait3A_549, %mul3A_2] : memref<4x4x16384xf32, #tpu.memory_space<hbm>> -> memref<4x4x512xf32, #tpu.memory_space<hbm>>
      tpu.wait_dma2 semaphore(%run_scoped3A : memref<!tpu.dma_semaphore, #tpu.memory_space<semaphore_mem>>) src(%arg7 : memref<4x4x512xf32, #tpu.memory_space<vmem>>) dst(%dma_wait3A_550 : memref<4x4x512xf32, #tpu.memory_space<hbm>>)
      tpu.yield
    }) : () -> ()
    return
  }
}

</mosaic_0001>

<sc_bundles>
// kernel: kernel.3.cloned.1.call-start
scs
__scs_entry_jumppad:
0x0: {  	(pc) =	sbr.rel $0x88, $3  }
0x1: {  	(tag) =	ssettag $0x0;
	lr =	simm.s32 $0x1  }
0x2: {  	[smem:$0x3F9F] =	sst lr;
	_ =	strace $0xD0000000  }
0x3: {  	_ = 	snop  }
0x4: {  	_ = 	snop  }
0x5: {  	_ = 	snop  }
0x6: {  	_ = 	snop  }
0x7: {  	_ = 	snop  }
__scs_overlays_trampoline_lowered:
0x8: {  	[smem:$0x3FAE] =	sst s0  }
0x9: {  	[smem:$0x3FAF] =	sst s1  }
0xa: {  	[smem:$0x3FB0] =	sst s2  }
0xb: {  	[smem:$0x3FB1] =	sst s3  }
0xc: {  	[smem:$0x3FB2] =	sst s4  }
0xd: {  	[smem:$0x3FB3] =	sst s5  }
0xe: {  	[smem:$0x3FB4] =	sst s6  }
0xf: {  	[smem:$0x3FB5] =	sst s7  }
0x10: {  	[smem:$0x3FB6] =	sst s8  }
0x11: {  	[smem:$0x3FB7] =	sst s9;
	s0 =	simm.s32 @!p0 $0x0  }
0x12: {  	s1 =	sld [smem:$0x3F9D];
	s0 =	simm.s32 @p0 $0x1  }
0x13: {  	[smem:$0x3FB8] =	sst s0;
	s0 =	simm.s32 @!p1 $0x0  }
0x14: {  	s2 =	sld [smem:$0x3F9C];
	s0 =	simm.s32 @p1 $0x1  }
0x15: {  	[smem:$0x3FB9] =	sst s0;
	s0 =	simm.s32 @!p2 $0x0  }
0x16: {  	s3 =	sld [smem:$0x3FDB];
	s0 =	simm.s32 @p2 $0x1  }
0x17: {  	s4 =	simm.s32 $0x1BF5;
	[smem:$0x3FBB] =	sst s0  }
0x18: {  	s0 =	sld [smem:$0x3F9E];
	_ =	swait.ge [sflag:s4], $0x0  }
0x19: {  	s7 =	sld [smem:$0x3F9F]  }
0x1a: {  	s8 =	sadd.s32 $0xFFFFE003, lr  }
0x1b: {  	s9 =	sadd.s32 $0xFFFFFEF7, lr;
	s5 =	simm.s32 $0xFFFFFFFF;
	p2 =	slt.u32 s8, $0xFFFFF086  }
0x1c: {  	p1 =	slt.u32 s9, $0xF7A;
	s5 =	simm.s32 @!p2 $0x0  }
0x1d: {  	s5 =	simm.s32 @p1 $0x1;
	p0 =	seq.s32 s7, s2  }
0x1e: {  	s7 =	smul.u32 @!p0 $0xF7A, s2;
	p2 =	seq.s32 @!p0 s5, $0x0  }
0x1f: {  	s9 =	smul.u32 $0xF7A, s1;
	s8 =	simm.s32 @!p0 $0x1BF5;
	p2 =	por !p2, p0  }
0x20: {  	[sflag:s8] =	ssyncset.s32 @!p0 $0xFFFFF086;
	s6 =	sadd.s32 @!p0 s3, s7;
	s7 =	simm.s32 @!p0 $0x108  }
0x21: {  	s3 =	sadd.s32 s3, s9;
	s6 =	sadd.s32 @!p0 $0x88, s6;
	s7 =	simm.s32 @p2 $0x1082  }
0x22: {  	[simem:s7], [sflag:s8] =	dma.local @!p0 [hbm:s6], $0xF7A  }
0x23: {  	s9 =	sor.u32 $0xD0000000, s2;
	s6 =	simm.s32 $0x108;
	_ =	swait.ge @!p0 [sflag:s8], $0x0  }
0x24: {  	s3 =	sadd.s32 $0x88, s3;
	s6 =	simm.s32 @!p1 $0x1082;
	[sflag:s4] =	ssyncset.s32 $0xFFFFF086  }
0x25: {  	[simem:s6], [sflag:s4] =	dma.local [hbm:s3], $0xF7A  }
0x26: {  	[smem:$0x3F9F] =	sst s1;
	(tag) =	ssettag s2;
	_ =	strace s9  }
0x27: {  	s1 =	sld [smem:$0x3FAF]  }
0x28: {  	s2 =	sld [smem:$0x3FB0]  }
0x29: {  	s4 =	sld [smem:$0x3FB2]  }
0x2a: {  	p0 =	seq.s32 s5, $0x0;
	s5 =	sld [smem:$0x3FB3]  }
0x2b: {  	s6 =	sld [smem:$0x3FB4]  }
0x2c: {  	s7 =	sld [smem:$0x3FB5]  }
0x2d: {  	s3 =	simm.s32 $0x108;
	s8 =	sld [smem:$0x3FB6]  }
0x2e: {  	s3 =	simm.s32 @!p0 $0x1082;
	s9 =	sld [smem:$0x3FB7]  }
0x2f: {  	lr =	sadd.s32 s0, s3;
	s0 =	sld [smem:$0x3FAE]  }
0x30: {  	s3 =	sld [smem:$0x3FB1]  }
0x31: {  	[smem:$0x3FBA] =	sst s10  }
0x32: {  	s10 =	sld [smem:$0x3FB8];
	_ =	sdelay $0x3  }
0x33: {  	p0 =	seq.s32 s10, $0x1;
	s10 =	sld [smem:$0x3FBA];
	_ =	sdelay $0x3  }
0x34: {  	[smem:$0x3FBA] =	sst s10  }
0x35: {  	s10 =	sld [smem:$0x3FB9];
	_ =	sdelay $0x3  }
0x36: {  	p1 =	seq.s32 s10, $0x1;
	s10 =	sld [smem:$0x3FBA];
	_ =	sdelay $0x3  }
0x37: {  	[smem:$0x3FBA] =	sst s10  }
0x38: {  	s10 =	sld [smem:$0x3FBB]  }
0x39: {  	_ = 	snop;
	(pc) =	sbr.ind lr, $3  }
0x3a: {  	_ = 	snop  }
0x3b: {  	_ = 	snop  }
0x3c: {  	p2 =	seq.s32 s10, $0x1;
	s10 =	sld [smem:$0x3FBA]  }
0x3d: {  	_ =	shalt  }
0x3e: {  	_ =	shalt  }
0x3f: {  	_ =	shalt  }
0x40: {  	_ =	shalt  }
0x41: {  	_ =	shalt  }
0x42: {  	_ =	shalt  }
0x43: {  	_ =	shalt  }
0x44: {  	_ =	shalt  }
0x45: {  	_ =	shalt  }
0x46: {  	_ =	shalt  }
0x47: {  	_ =	shalt  }
0x48: {  	_ =	shalt  }
0x49: {  	_ =	shalt  }
0x4a: {  	_ =	shalt  }
0x4b: {  	_ =	shalt  }
0x4c: {  	_ =	shalt  }
0x4d: {  	_ =	shalt  }
0x4e: {  	_ =	shalt  }
0x4f: {  	_ =	shalt  }
0x50: {  	_ =	shalt  }
0x51: {  	_ =	shalt  }
0x52: {  	_ =	shalt  }
0x53: {  	_ =	shalt  }
0x54: {  	_ =	shalt  }
0x55: {  	_ =	shalt  }
0x56: {  	_ =	shalt  }
0x57: {  	_ =	shalt  }
0x58: {  	_ =	shalt  }
0x59: {  	_ =	shalt  }
0x5a: {  	_ =	shalt  }
0x5b: {  	_ =	shalt  }
0x5c: {  	_ =	shalt  }
0x5d: {  	_ =	shalt  }
0x5e: {  	_ =	shalt  }
0x5f: {  	_ =	shalt  }
0x60: {  	_ =	shalt  }
0x61: {  	_ =	shalt  }
0x62: {  	_ =	shalt  }
0x63: {  	_ =	shalt  }
0x64: {  	_ =	shalt  }
0x65: {  	_ =	shalt  }
0x66: {  	_ =	shalt  }
0x67: {  	_ =	shalt  }
0x68: {  	_ =	shalt  }
0x69: {  	_ =	shalt  }
0x6a: {  	_ =	shalt  }
0x6b: {  	_ =	shalt  }
0x6c: {  	_ =	shalt  }
0x6d: {  	_ =	shalt  }
0x6e: {  	_ =	shalt  }
0x6f: {  	_ =	shalt  }
0x70: {  	_ =	shalt  }
0x71: {  	_ =	shalt  }
0x72: {  	_ =	shalt  }
0x73: {  	_ =	shalt  }
0x74: {  	_ =	shalt  }
0x75: {  	_ =	shalt  }
0x76: {  	_ =	shalt  }
0x77: {  	_ =	shalt  }
0x78: {  	_ =	shalt  }
0x79: {  	_ =	shalt  }
0x7a: {  	_ =	shalt  }
0x7b: {  	_ =	shalt  }
0x7c: {  	_ =	shalt  }
0x7d: {  	_ =	shalt  }
0x7e: {  	_ =	shalt  }
0x7f: {  	_ =	shalt  }
0x80: {  	_ =	shalt  }
0x81: {  	_ =	shalt  }
0x82: {  	_ =	shalt  }
0x83: {  	_ =	shalt  }
0x84: {  	_ =	shalt  }
0x85: {  	_ =	shalt  }
0x86: {  	_ =	shalt  }
0x87: {  	_ =	shalt  }
.Lfunc_end0:
.L_simem_size_0:
called_computation_lowered:
.L_overlay_start_0:
0x88: {  	s2 =	sld [smem:$0x3FD9]  }
0x89: {  	s3 =	sld [smem:$0x3FFE];
	_ =	sdelay $0x1  }
0x8a: {  	s1 =	srdreg.scid  }
0x8b: {  	s0 =	sand.u32 $0x1, s1  }
0x8c: {  	s18 =	sshll.u32 s0, $0xA;
	s2 =	sadd.s32 s3, s2  }
0x8d: {  	s2 =	sadd.s32 s2, s18  }
0x8e: {  	[smem:$0x3FC6] =	sst s2  }
0x8f: {  	_ = 	snop  }
0x90: {  	s2 =	sld [smem:$0x3FC9]  }
0x91: {  	s19 =	sld [smem:$0x3FC8]  }
0x92: {  	s4 =	sld [smem:$0x3FD0];
	(tm) =	ssettm $0x1  }
0x93: {  	s5 =	sld [smem:$0x3FFB];
	_ =	sdelay $0x3  }
0x94: {  	_ =	strace s5  }
0x95: {  	s5 =	sld [smem:$0x3FFC];
	_ =	sdelay $0x3  }
0x96: {  	_ =	strace s5  }
0x97: {  	s5 =	sld [smem:$0x3FFD];
	_ =	sdelay $0x3  }
0x98: {  	_ =	strace s5  }
0x99: {  	_ =	strace $0x8FFFFFFF  }
0x9a: {  	s20 =	sld [smem:$0x3FDB];
	_ =	sdelay $0x1  }
0x9b: {  	s6 =	simm.s32 $_scs_section_size  }
0x9c: {  	s7 =	simm.s32 $_size__tile_overlayer_lowered;
	s8 =	simm.s32 $_tile_overlayer_lowered  }
0x9d: {  	s23 =	simm.s32 $0x1BFF;
	s22 =	sshll.u32 s8, $0x1;
	s5 =	sadd.s32 s6, s20  }
0x9e: {  	s9 =	simm.s32 $0x0;
	s21 =	sshll.u32 s7, $0x1;
	s7 =	sadd.s32 s22, s5  }
0x9f: {  	[timem:s9], [sflag:s23] =	dma.local [hbm:s7], s21  }
0xa0: {  	_ =	swait.ge [sflag:s23], s21  }
0xa1: {  	s6 =	ssub.s32 $0x0, s21;
	[sflag:s23] =	ssyncset.done $0x0  }
0xa2: {  	[sflag:s23] =	ssyncadd.s32 s6;
	_ =	sdelay $0x1  }
0xa3: {  	s24 =	simm.s32 $0x1B8B  }
0xa4: {  	_ =	swait.ge [sflag:s24], $0x1  }
0xa5: {  	[sflag:s24] =	ssyncset.done $0x0  }
0xa6: {  	s25 =	simm.s32 $0x1B8E;
	[sflag:s24] =	ssyncadd.s32 $0xFFFFFFFF  }
0xa7: {  	s26 =	simm.s32 $execute0_lowered;
	[smem:$0x3FD2] =	sst s25  }
0xa8: {  	s6 =	sshll.u32 s26, $0x1;
	_ =	strace $0x80000046;
	[dreg:$0x1] =	wrdreg $0xFFFFFFFF  }
0xa9: {  	s28 =	simm.s32 $_size_execute0_lowered;
	s5 =	sadd.s32 s5, s6;
	[dreg:$0x0] =	wrdreg $0x0  }
0xaa: {  	s6 =	sshll.u32 s28, $0x1;
	[dreg:$0x2] =	wrdreg s5  }
0xab: {  	[dreg:$0x3] =	wrdreg s6  }
0xac: {  	[dreg:$0x4] =	wrdreg $0xC0  }
0xad: {  	_ =	task [dreg:s9], $0x5FFFF  }
0xae: {  	[dreg:$0x1] =	wrdreg $0xFFFFFFFF  }
0xaf: {  	[dreg:$0x0] =	wrdreg $0x60  }
0xb0: {  	[dreg:$0x2] =	wrdreg s19  }
0xb1: {  	[dreg:$0x3] =	wrdreg s2  }
0xb2: {  	[dreg:$0x4] =	wrdreg s4  }
0xb3: {  	[dreg:$0x5] =	wrdreg $0x9  }
0xb4: {  	_ =	task.clear_ibuf [dreg:s9], $0x6FFFF;
	_ =	strace $0x90000046  }
0xb5: {  	s29 =	simm.s32 $0x9;
	_ =	strace $0x80000048  }
0xb6: {  	_ =	swait.ge [sflag:s29], $0x1  }
0xb7: {  	[sflag:s29] =	ssyncadd.s32 $0xFFFFFFFF  }
0xb8: {  	_ =	strace $0x90000048  }
0xb9: {  	_ =	sfence  }
0xba: {  	s30 =	sld [smem:$0x0];
	_ =	sdelay $0x2  }
0xbb: {  	s31 =	sshll.u32 s1, $0xD;
	s1 =	sshrl.u32 s1, $0x2  }
0xbc: {  	s3 =	sand.u32 $0x4000, s31;
	s1 =	sadd.s32 s1, s30  }
0xbd: {  	s0 =	sor.u32 s3, s0;
	s1 =	sshll.u32 s1, $0x11  }
0xbe: {  	s0 =	sor.u32 s1, s0  }
0xbf: {  	s0 =	sadd.s32 $0x8F2B, s0  }
0xc0: {  	[sflag:s0] =	ssyncadd.remote.s32 $0x1  }
0xc1: {  	_ =	sfence.sel $0xFFFF  }
0xc2: {  	[dreg:$0x0] =	wrdreg $0xFFFFFFFF;
	(pc) =	sbr.abs _section_cstart, $3  }
0xc3: {  	[dreg:$0x1] =	wrdreg $0xFFFFFFFF  }
0xc4: {  	_ =	task.clear_ibuf [dreg:s9], $0x2FFFF;
	_ =	strace $0x9FFFFFFF  }
0xc5: {  	(tm) =	ssettm $0x7FFFFFFF  }
tec
execute0_lowered:
.L_overlay_start_1:
0x0: {  	(tag) =	ssettag $0x1  }
0x1: {  	vm0 =	vmmov $0x1  }
0x2: {  	vm1 =	vcmask $0x308;
	v0 =	vimm.s32 $0x1980;
	vm3 =	vcmask $0x300  }
0x3: {  	vm2 =	vcmask $0x70C;
	vm4 =	vcmask $0x704;
	v0 =	vsel vm3, $0x0, v0  }
0x4: {  	s0 =	rddreg [dreg:$0x0];
	vm5 =	vcmask $0xB08;
	vm6 =	vcmask $0xF0C;
	v0 =	vsel vm4, $0x80, v0  }
0x5: {  	s1 =	rddreg [dreg:$0x1];
	vm7 =	vcmask $0x1310;
	vm8 =	vcmask $0x1714;
	v0 =	vsel vm5, $0x100, v0  }
0x6: {  	s2 =	rddreg [dreg:$0x2];
	s3 =	srdreg.scid;
	vm9 =	vcmask $0x1B18;
	vm10 =	vcmask $0x1F1C;
	v0 =	vsel vm6, $0x180, v0  }
0x7: {  	s4 =	stileid.u32;
	s6 =	simm.s32 $0x0;
	s7 =	simm.s32 $0x3D0A00;
	vm11 =	vcmask $0x2320;
	vm12 =	vcmask $0x2724;
	v0 =	vsel vm7, $0x800, v0  }
0x8: {  	s18 =	simm.s32 $0x3;
	s9 =	simm.s32 $0x200;
	vm13 =	vcmask $0x2B28;
	vm14 =	vcmask $0x2F2C;
	s20 =	simm.s32 $0x5A00;
	v0 =	vsel vm8, $0x880, v0  }
0x9: {  	s21 =	simm.s32 $0x6200;
	s22 =	simm.s32 $0x6A00;
	v1 =	vlaneseq.u32;
	vm15 =	vcmask $0x3B38;
	s28 =	simm.s32 $0x9200;
	v0 =	vsel vm9, $0x900, v0  }
0xa: {  	s29 =	simm.s32 $0x9A00;
	s30 =	simm.s32 $0xA200;
	s31 =	simm.s32 $0xAA00;
	vm3 =	vcmask $0xB10;
	vm4 =	vcmask $0xF14;
	v0 =	vsel vm10, $0x980, v0  }
0xb: {  	s8 =	simm.s32 $0xE200;
	s10 =	simm.s32 $0xEA00;
	s11 =	simm.s32 $0xF200;
	vm5 =	vcmask $0x1318;
	vm6 =	vcmask $0x171C;
	v0 =	vsel vm11, $0x1000, v0  }
0xc: {  	s12 =	simm.s32 $0xFA00;
	s13 =	simm.s32 $0x1;
	s14 =	simm.s32 $0x10200;
	vm7 =	vcmask $0x1B20;
	vm8 =	vcmask $0x1F24;
	v0 =	vsel vm12, $0x1080, v0  }
0xd: {  	s15 =	simm.s32 $0x2;
	s17 =	simm.s32 $0x0;
	s3 =	sand.u32 $0x1, s3;
	vm9 =	vcmask $0x2328;
	vm10 =	vcmask $0x272C;
	v0 =	vsel vm13, $0x1100, v0  }
0xe: {  	s4 =	sshll.u32 s4, $0xA;
	[smem:$0x7FF] =	sst s6;
	s6 =	simm.s32 $0xDA00;
	vm11 =	vcmask $0x2B30;
	v0 =	vsel vm14, $0x1180, v0;
	vm14 =	vcmask $0x3330  }
0xf: {  	s5 =	sshll.u32 s3, $0x9;
	s3 =	ssub.s32 $0x2, s3;
	_ =	strace $0x80000047;
	vm12 =	vcmask $0x2F34;
	v2 =	vsel vm14, $0x1800, v0;
	vm14 =	vcmask $0x3734  }
0x10: {  	s4 =	sor.u32 s5, s4;
	s23 =	sshrl.u32 s3, $0x1;
	s5 =	simm.s32 $0xD200;
	vm13 =	vcmask $0x3338;
	v0 =	vmul.u32 $0x80, v1;
	v1 =	vsel vm14, $0x1880, v2  }
0x11: {  	s24 =	sshrl.u32 s4, $0x3;
	s3 =	ssub.s32 s3, s23;
	s25 =	sshrl.u32 s4, $0x1;
	vm14 =	vcmask $0x373C;
	v1 =	vsel vm15, $0x1900, v1;
	vm15 =	vmmov $0x7fff  }
.Ltmp0:
0x12: {  	s23 =	simm.s32 $0x7200;
	s4 =	simm.s32 $0xCA00;
	v2 =	vor.u32 $0x800, v0;
	v3 =	vor.u32 $0x1000, v0;
	v4 =	vor.u32 $0x1800, v0;
	(pc) =	sbr.rel .LBB2_1-.Ltmp0, $4  }
0x13: {  	s1 =	sadd.s32 s1, s24;
	s26 =	smax.u32 s3, $0x1;
	s24 =	simm.s32 $0x7A00;
	v5 =	vor.u32 $0x2000, v0;
	v6 =	vor.u32 $0x2800, v0;
	v7 =	vor.u32 $0x3000, v0  }
0x14: {  	s3 =	simm.s32 $0xC200;
	[dreg:$0x4] =	wrdreg s1;
	s1 =	sadd.s32 s2, s25;
	v8 =	vor.u32 $0x3800, v0;
	v9 =	vor.u32 $0x4000, v0;
	v10 =	vor.u32 $0x4800, v0  }
0x15: {  	[dreg:$0x6] =	wrdreg s26;
	s25 =	simm.s32 $0x8200;
	s26 =	simm.s32 $0x8A00;
	v11 =	vor.u32 $0x5000, v0;
	v12 =	vor.u32 $0x5800, v0;
	v13 =	vor.u32 $0x6000, v0  }
0x16: {  	s2 =	simm.s32 $0xBA00;
	[dreg:$0x5] =	wrdreg s1;
	s1 =	simm.s32 $0xB200;
	v14 =	vor.u32 $0x6800, v0;
	v15 =	vor.u32 $0x7000, v0;
	v16 =	vor.u32 $0x7800, v0  }
.LBB2_5:
0x17: {  	s16 =	rddreg [dreg:$0x5];
	s17 =	simm.s32 $0x800;
	s18 =	simm.s32 $0x10000  }
0x18: {  	[hbm4b:s16+s17] =	stream.strided.scatter [tilespmem:s14], [sflag:$0x3], $0x2000, s18, s17, $0x38;
	[tilespmem:$0x12200] =	vst v63  }
0x19: {  	s18 =	simm.s32 $0x3  }
0x1a: {  	_ =	swait.ge [sflag:s18], $0x2000  }
0x1b: {  	s16 =	rddreg [dreg:$0x7]  }
0x1c: {  	s19 =	rddreg [dreg:$0x6];
	s17 =	sadd.s32 $0x1, s16  }
0x1d: {  	p0 =	sne.s32 s17, s19  }
.Ltmp1:
0x1e: {  	_ = 	snop;
	(pc) =	sbr.rel @!p0 .LBB2_6-.Ltmp1, $3  }
0x1f: {  	_ =	sdelay $0x1  }
0x20: {  	[sflag:s18] =	ssyncset.done $0x0  }
0x21: {  	[sflag:s18] =	ssyncadd.s32 $0xFFFFE000  }
.LBB2_1:
0x22: {  	[dreg:$0x7] =	wrdreg s17  }
0x23: {  	s16 =	simm.s32 $0x0;
	s19 =	rddreg [dreg:$0x4]  }
0x24: {  	[tilespmem:s16], [sflag:$0x3] =	stream.linear.gather [hbm4b:s19+s16], $0x200, $0x38;
	[tilespmem:$0x12200] =	vst v63  }
0x25: {  	_ =	swait.ge [sflag:s18], $0x200  }
0x26: {  	[sflag:s18] =	ssyncset.done $0x0  }
0x27: {  	[sflag:s18] =	ssyncadd.s32 $0xFFFFFE00  }
0x28: {  	v17 =	vld [tilespmem:$0x0];
	_ =	sdelay $0x4  }
0x29: {  	v17 =	vand.u32 $0xFFFFFF80, v17  }
0x2a: {  	v18 =	vnsel vm0, $0x0, v17  }
0x2b: {  	v18 =	vxor.u32 $0x80000000, v18  }
0x2c: {  	(xrf0) =	vmax.scan.msk.u32 $0xffff, v18  }
0x2d: {  	v18 =	vsel vm1, $0x0, v17  }
0x2e: {  	v18 =	vxor.u32 $0x80000000, v18  }
0x2f: {  	(xrf0) =	vmax.scan.msk.u32 $0xffff, v18;
	_ =	sdelay $0x2  }
0x30: {  	v18, _, _ =	vpop (xrf0)  }
0x31: {  	(v2sf) =	vpush v18, $0xF;
	v18 =	vsel vm2, $0x0, v17  }
0x32: {  	v18 =	vxor.u32 $0x80000000, v18  }
0x33: {  	v19, _, _ =	vpop (xrf0);
	(xrf0) =	vmax.scan.msk.u32 $0xffff, v18  }
0x34: {  	(v2sf) =	vpush v19, $0xF  }
0x35: {  	v18 =	vsel vm3, $0x0, v17  }
0x36: {  	v18 =	vxor.u32 $0x80000000, v18;
	_ =	sdelay $0x2  }
0x37: {  	(xrf0) =	vmax.scan.msk.u32 $0xffff, v18;
	v18, _, _ =	vpop (xrf0)  }
0x38: {  	(v2sf) =	vpush v18, $0xF;
	v18 =	vsel vm4, $0x0, v17  }
0x39: {  	v18 =	vxor.u32 $0x80000000, v18  }
0x3a: {  	(xrf0) =	vmax.scan.msk.u32 $0xffff, v18;
	_ =	sdelay $0x1  }
0x3b: {  	v18 =	vsel vm5, $0x0, v17  }
0x3c: {  	v19, _, _ =	vpop (xrf0);
	v18 =	vxor.u32 $0x80000000, v18  }
0x3d: {  	s17 =	spop (v2sf);
	(v2sf) =	vpush v19, $0xF;
	_ =	sdelay $0x1  }
0x3e: {  	(xrf0) =	vmax.scan.msk.u32 $0xffff, v18;
	v18, _, _ =	vpop (xrf0)  }
0x3f: {  	s16 =	sshrl.u32 s17, $0x1;
	s18 =	spop (v2sf);
	(v2sf) =	vpush v18, $0xF;
	v18 =	vsel vm6, $0x0, v17  }
0x40: {  	s16 =	sand.u32 $0x1FFFFFC0, s16;
	v18 =	vxor.u32 $0x80000000, v18  }
0x41: {  	s16 =	sadd.s32 s0, s16;
	(xrf0) =	vmax.scan.msk.u32 $0xffff, v18  }
0x42: {  	[tilespmem:s9], [sflag:$0x1] =	stream.strided.gather [hbm4b:s16+s9], $0x800, s7, s9, $0x38;
	[tilespmem:$0x12200] =	vst v63  }
0x43: {  	s16 =	sshrl.u32 s18, $0x1  }
0x44: {  	s16 =	sand.u32 $0x1FFFFFC0, s16;
	v18, _, _ =	vpop (xrf0)  }
0x45: {  	s19 =	simm.s32 $0xA00;
	s16 =	sadd.s32 s0, s16;
	(v2sf) =	vpush v18, $0xF;
	v18 =	vsel vm7, $0x0, v17  }
0x46: {  	[tilespmem:s19], [sflag:$0x1] =	stream.strided.gather [hbm4b:s16+s9], $0x800, s7, s9, $0x38;
	v18 =	vxor.u32 $0x80000000, v18;
	[tilespmem:$0x12200] =	vst v63  }
0x47: {  	v19, _, _ =	vpop (xrf0);
	(xrf0) =	vmax.scan.msk.u32 $0xffff, v18  }
0x48: {  	s18 =	spop (v2sf)  }
0x49: {  	s16 =	sshrl.u32 s18, $0x1;
	v18 =	vsel vm8, $0x0, v17  }
0x4a: {  	s16 =	sand.u32 $0x1FFFFFC0, s16;
	v18 =	vxor.u32 $0x80000000, v18  }
0x4b: {  	s19 =	simm.s32 $0x1200;
	s16 =	sadd.s32 s0, s16;
	s18 =	spop (v2sf);
	(v2sf) =	vpush v19, $0xF  }
0x4c: {  	[tilespmem:s19], [sflag:$0x1] =	stream.strided.gather [hbm4b:s16+s9], $0x800, s7, s9, $0x38;
	[tilespmem:$0x12200] =	vst v63  }
0x4d: {  	(xrf0) =	vmax.scan.msk.u32 $0xffff, v18;
	v18, _, _ =	vpop (xrf0)  }
0x4e: {  	s16 =	sshrl.u32 s18, $0x1;
	s18 =	spop (v2sf);
	(v2sf) =	vpush v18, $0xF  }
0x4f: {  	s16 =	sand.u32 $0x1FFFFFC0, s16  }
0x50: {  	s19 =	simm.s32 $0x1A00;
	s16 =	sadd.s32 s0, s16  }
0x51: {  	v18 =	vsel vm9, $0x0, v17;
	[tilespmem:s19], [sflag:$0x1] =	stream.strided.gather [hbm4b:s16+s9], $0x800, s7, s9, $0x38;
	[tilespmem:$0x12200] =	vst v63  }
0x52: {  	s16 =	sshrl.u32 s18, $0x1;
	v18 =	vxor.u32 $0x80000000, v18  }
0x53: {  	v19, _, _ =	vpop (xrf0);
	s16 =	sand.u32 $0x1FFFFFC0, s16;
	(xrf0) =	vmax.scan.msk.u32 $0xffff, v18  }
0x54: {  	s19 =	simm.s32 $0x2200;
	s16 =	sadd.s32 s0, s16;
	s18 =	spop (v2sf);
	(v2sf) =	vpush v19, $0xF  }
0x55: {  	v18 =	vsel vm10, $0x0, v17;
	[tilespmem:s19], [sflag:$0x1] =	stream.strided.gather [hbm4b:s16+s9], $0x800, s7, s9, $0x38;
	[tilespmem:$0x12200] =	vst v63  }
0x56: {  	v18 =	vxor.u32 $0x80000000, v18;
	s16 =	sshrl.u32 s18, $0x1  }
0x57: {  	s16 =	sand.u32 $0x1FFFFFC0, s16  }
0x58: {  	s19 =	simm.s32 $0x2A00;
	(xrf0) =	vmax.scan.msk.u32 $0xffff, v18;
	s16 =	sadd.s32 s0, s16  }
0x59: {  	v18, _, _ =	vpop (xrf0);
	[tilespmem:s19], [sflag:$0x1] =	stream.strided.gather [hbm4b:s16+s9], $0x800, s7, s9, $0x38;
	[tilespmem:$0x12200] =	vst v63  }
0x5a: {  	s18 =	spop (v2sf);
	(v2sf) =	vpush v18, $0xF;
	v18 =	vsel vm11, $0x0, v17  }
0x5b: {  	s16 =	sshrl.u32 s18, $0x1;
	v18 =	vxor.u32 $0x80000000, v18  }
0x5c: {  	s16 =	sand.u32 $0x1FFFFFC0, s16  }
0x5d: {  	s19 =	simm.s32 $0x3200;
	(xrf0) =	vmax.scan.msk.u32 $0xffff, v18;
	s16 =	sadd.s32 s0, s16;
	s18 =	spop (v2sf)  }
0x5e: {  	v19 =	vsel vm12, $0x0, v17;
	[tilespmem:s19], [sflag:$0x1] =	stream.strided.gather [hbm4b:s16+s9], $0x800, s7, s9, $0x38;
	v18, _, _ =	vpop (xrf0);
	[tilespmem:$0x12200] =	vst v63  }
0x5f: {  	s16 =	sshrl.u32 s18, $0x1;
	(v2sf) =	vpush v18, $0xF;
	v18 =	vxor.u32 $0x80000000, v19  }
0x60: {  	s16 =	sand.u32 $0x1FFFFFC0, s16;
	(xrf0) =	vmax.scan.msk.u32 $0xffff, v18  }
0x61: {  	s19 =	simm.s32 $0x3A00;
	s16 =	sadd.s32 s0, s16  }
0x62: {  	v18 =	vsel vm13, $0x0, v17;
	[tilespmem:s19], [sflag:$0x1] =	stream.strided.gather [hbm4b:s16+s9], $0x800, s7, s9, $0x38;
	[tilespmem:$0x12200] =	vst v63  }
0x63: {  	v18 =	vxor.u32 $0x80000000, v18;
	s18 =	spop (v2sf);
	v19, _, _ =	vpop (xrf0)  }
0x64: {  	(xrf0) =	vmax.scan.msk.u32 $0xffff, v18;
	s16 =	sshrl.u32 s18, $0x1;
	(v2sf) =	vpush v19, $0xF  }
0x65: {  	s16 =	sand.u32 $0x1FFFFFC0, s16  }
0x66: {  	s19 =	simm.s32 $0x4200;
	v19 =	vsel vm14, $0x0, v17;
	s16 =	sadd.s32 s0, s16;
	v18, _, _ =	vpop (xrf0)  }
0x67: {  	[tilespmem:s19], [sflag:$0x1] =	stream.strided.gather [hbm4b:s16+s9], $0x800, s7, s9, $0x38;
	(v2sf) =	vpush v18, $0xF;
	v18 =	vxor.u32 $0x80000000, v19;
	[tilespmem:$0x12200] =	vst v63  }
0x68: {  	(xrf0) =	vmax.scan.msk.u32 $0xffff, v18  }
0x69: {  	s18 =	spop (v2sf)  }
0x6a: {  	v17 =	vsel vm15, $0x0, v17;
	v18, _, _ =	vpop (xrf0);
	s16 =	sshrl.u32 s18, $0x1  }
0x6b: {  	v17 =	vxor.u32 $0x80000000, v17;
	s16 =	sand.u32 $0x1FFFFFC0, s16;
	(v2sf) =	vpush v18, $0xF  }
0x6c: {  	s19 =	simm.s32 $0x4A00;
	(xrf0) =	vmax.scan.msk.u32 $0xffff, v17;
	s16 =	sadd.s32 s0, s16  }
0x6d: {  	[tilespmem:s19], [sflag:$0x1] =	stream.strided.gather [hbm4b:s16+s9], $0x800, s7, s9, $0x38;
	[tilespmem:$0x12200] =	vst v63  }
0x6e: {  	s18 =	spop (v2sf);
	v18, _, _ =	vpop (xrf0)  }
0x6f: {  	s16 =	sshrl.u32 s18, $0x1;
	(v2sf) =	vpush v18, $0xF  }
0x70: {  	s16 =	sand.u32 $0x1FFFFFC0, s16  }
0x71: {  	s19 =	simm.s32 $0x5200;
	s16 =	sadd.s32 s0, s16  }
0x72: {  	v17, _, _ =	vpop (xrf0);
	[tilespmem:s19], [sflag:$0x1] =	stream.strided.gather [hbm4b:s16+s9], $0x800, s7, s9, $0x38;
	[tilespmem:$0x12200] =	vst v63  }
0x73: {  	s18 =	spop (v2sf);
	(v2sf) =	vpush v17, $0xF  }
0x74: {  	s16 =	sshrl.u32 s18, $0x1  }
0x75: {  	s16 =	sand.u32 $0x1FFFFFC0, s16  }
0x76: {  	s16 =	sadd.s32 s0, s16;
	s19 =	spop (v2sf)  }
0x77: {  	[tilespmem:s20], [sflag:$0x1] =	stream.strided.gather [hbm4b:s16+s9], $0x800, s7, s9, $0x38;
	[tilespmem:$0x12200] =	vst v63  }
0x78: {  	s18 =	sshrl.u32 s19, $0x1  }
0x79: {  	s16 =	sand.u32 $0x1FFFFFC0, s18  }
0x7a: {  	s16 =	sadd.s32 s0, s16;
	s19 =	spop (v2sf)  }
0x7b: {  	[tilespmem:s21], [sflag:$0x1] =	stream.strided.gather [hbm4b:s16+s9], $0x800, s7, s9, $0x38;
	[tilespmem:$0x12200] =	vst v63  }
0x7c: {  	s18 =	sshrl.u32 s19, $0x1  }
0x7d: {  	s16 =	sand.u32 $0x1FFFFFC0, s18  }
0x7e: {  	s16 =	sadd.s32 s0, s16;
	s19 =	spop (v2sf)  }
0x7f: {  	[tilespmem:s22], [sflag:$0x1] =	stream.strided.gather [hbm4b:s16+s9], $0x800, s7, s9, $0x38;
	[tilespmem:$0x12200] =	vst v63  }
0x80: {  	s18 =	sshrl.u32 s19, $0x1  }
0x81: {  	s16 =	sand.u32 $0x1FFFFFC0, s18  }
0x82: {  	s16 =	sadd.s32 s0, s16;
	s19 =	spop (v2sf)  }
0x83: {  	[tilespmem:s23], [sflag:$0x1] =	stream.strided.gather [hbm4b:s16+s9], $0x800, s7, s9, $0x38;
	[tilespmem:$0x12200] =	vst v63  }
.Ltmp2:
0x84: {  	s16 =	sshrl.u32 s19, $0x1;
	(pc) =	sbr.rel .LBB2_2-.Ltmp2, $4  }
0x85: {  	s16 =	sand.u32 $0x1FFFFFC0, s16  }
0x86: {  	s16 =	sadd.s32 s0, s16  }
0x87: {  	[tilespmem:s24], [sflag:$0x1] =	stream.strided.gather [hbm4b:s16+s9], $0x800, s7, s9, $0x38;
	[tilespmem:$0x12200] =	vst v63  }
0x88: {  	s17 =	simm.s32 $0x0;
	s16 =	simm.s32 $0x10  }
.LBB2_4:
0x89: {  	_ =	swait.ge [sflag:s15], $0x800  }
0x8a: {  	[sflag:s15] =	ssyncset.done $0x0  }
0x8b: {  	[sflag:s15] =	ssyncadd.s32 $0xFFFFF800  }
0x8c: {  	_ =	swait.ge [sflag:s15], $0x800  }
0x8d: {  	[sflag:s15] =	ssyncset.done $0x0  }
0x8e: {  	[sflag:s15] =	ssyncadd.s32 $0xFFFFF800  }
0x8f: {  	_ =	swait.ge [sflag:s15], $0x800  }
0x90: {  	[sflag:s15] =	ssyncset.done $0x0  }
0x91: {  	[sflag:s15] =	ssyncadd.s32 $0xFFFFF800  }
0x92: {  	_ =	swait.ge [sflag:s15], $0x800  }
0x93: {  	[sflag:s15] =	ssyncset.done $0x0  }
0x94: {  	[sflag:s15] =	ssyncadd.s32 $0xFFFFF800  }
0x95: {  	_ =	swait.ge [sflag:s15], $0x800  }
0x96: {  	[sflag:s15] =	ssyncset.done $0x0  }
0x97: {  	[sflag:s15] =	ssyncadd.s32 $0xFFFFF800  }
0x98: {  	_ =	swait.ge [sflag:s15], $0x800  }
0x99: {  	[sflag:s15] =	ssyncset.done $0x0  }
0x9a: {  	[sflag:s15] =	ssyncadd.s32 $0xFFFFF800  }
0x9b: {  	_ =	swait.ge [sflag:s15], $0x800  }
0x9c: {  	[sflag:s15] =	ssyncset.done $0x0  }
0x9d: {  	[sflag:s15] =	ssyncadd.s32 $0xFFFFF800  }
0x9e: {  	_ =	swait.ge [sflag:s15], $0x800  }
0x9f: {  	[sflag:s15] =	ssyncset.done $0x0  }
0xa0: {  	[sflag:s15] =	ssyncadd.s32 $0xFFFFF800  }
0xa1: {  	_ =	swait.ge [sflag:s15], $0x800  }
0xa2: {  	[sflag:s15] =	ssyncset.done $0x0  }
0xa3: {  	[sflag:s15] =	ssyncadd.s32 $0xFFFFF800  }
0xa4: {  	_ =	swait.ge [sflag:s15], $0x800  }
0xa5: {  	[sflag:s15] =	ssyncset.done $0x0  }
0xa6: {  	[sflag:s15] =	ssyncadd.s32 $0xFFFFF800  }
0xa7: {  	_ =	swait.ge [sflag:s15], $0x800  }
0xa8: {  	[sflag:s15] =	ssyncset.done $0x0  }
0xa9: {  	[sflag:s15] =	ssyncadd.s32 $0xFFFFF800  }
0xaa: {  	_ =	swait.ge [sflag:s15], $0x800  }
0xab: {  	[sflag:s15] =	ssyncset.done $0x0  }
0xac: {  	[sflag:s15] =	ssyncadd.s32 $0xFFFFF800  }
0xad: {  	_ =	swait.ge [sflag:s15], $0x800  }
0xae: {  	[sflag:s15] =	ssyncset.done $0x0  }
0xaf: {  	[sflag:s15] =	ssyncadd.s32 $0xFFFFF800  }
0xb0: {  	_ =	swait.ge [sflag:s15], $0x800  }
0xb1: {  	[sflag:s15] =	ssyncset.done $0x0  }
0xb2: {  	[sflag:s15] =	ssyncadd.s32 $0xFFFFF800  }
0xb3: {  	_ =	swait.ge [sflag:s15], $0x800  }
0xb4: {  	[sflag:s15] =	ssyncset.done $0x0  }
0xb5: {  	[sflag:s15] =	ssyncadd.s32 $0xFFFFF800  }
0xb6: {  	_ =	swait.ge [sflag:s15], $0x800  }
0xb7: {  	[sflag:s15] =	ssyncset.done $0x0  }
0xb8: {  	[sflag:s15] =	ssyncadd.s32 $0xFFFFF800  }
0xb9: {  	v17 =	vld [tilespmem:s16+$0x0];
	_ =	sdelay $0x4  }
0xba: {  	v18 =	vshra.s32 v17, $0x1F  }
0xbb: {  	v18 =	vshrl.u32 v18, $0x19  }
0xbc: {  	v18 =	vadd.s32 v18, v17  }
0xbd: {  	v18 =	vand.u32 $0xFFFFFF80, v18  }
0xbe: {  	v17 =	vsub.s32 v17, v18  }
0xbf: {  	v18 =	vnsel vm0, $0x0, v17  }
0xc0: {  	v18 =	vxor.u32 $0x80000000, v18  }
0xc1: {  	(xrf0) =	vmax.scan.msk.u32 $0xffff, v18;
	_ =	sdelay $0x3  }
0xc2: {  	v18 =	vsel vm1, $0x0, v17  }
0xc3: {  	v18 =	vxor.u32 $0x80000000, v18  }
0xc4: {  	v19, _, _ =	vpop (xrf0);
	(xrf0) =	vmax.scan.msk.u32 $0xffff, v18  }
0xc5: {  	(v2sf) =	vpush v19, $0xF;
	_ =	sdelay $0x2  }
0xc6: {  	v18 =	vsel vm2, $0x0, v17  }
0xc7: {  	v18 =	vxor.u32 $0x80000000, v18  }
0xc8: {  	v19, _, _ =	vpop (xrf0);
	(xrf0) =	vmax.scan.msk.u32 $0xffff, v18  }
0xc9: {  	(v2sf) =	vpush v19, $0xF;
	_ =	sdelay $0x2  }
0xca: {  	v18 =	vsel vm3, $0x0, v17  }
0xcb: {  	v18 =	vxor.u32 $0x80000000, v18  }
0xcc: {  	v19, _, _ =	vpop (xrf0);
	(xrf0) =	vmax.scan.msk.u32 $0xffff, v18  }
0xcd: {  	(v2sf) =	vpush v19, $0xF;
	_ =	sdelay $0x2  }
0xce: {  	v18 =	vsel vm4, $0x0, v17;
	s18 =	spop (v2sf)  }
0xcf: {  	v19 =	vor.u32 $0x8000, v0;
	v18 =	vxor.u32 $0x80000000, v18;
	s18 =	sxor.u32 $0x80000000, s18  }
0xd0: {  	s19 =	sadd.s32 $0x10, s17;
	v19 =	vadd.s32 s18, v19;
	v20, _, _ =	vpop (xrf0);
	(xrf0) =	vmax.scan.msk.u32 $0xffff, v18  }
0xd1: {  	v18 =	vmov s19;
	(v2sf) =	vpush v20, $0xF  }
0xd2: {  	v60 =	vshll.u32 v18, $0x2  }
0xd3: {  	v18 =	vand.u32 $0x70, v18;
	v20 =	vand.u32 $0x600, v60  }
0xd4: {  	v61 =	vsel vm5, $0x0, v17;
	v18 =	vor.u32 v20, v18;
	s19 =	spop (v2sf)  }
0xd5: {  	v21 =	vor.u32 $0x8800, v0;
	v20 =	vxor.u32 $0x80000000, v61;
	v18 =	vor.u32 v1, v18;
	v19 =	vld.idx.msk [tilespmem:v19+s9+$0x0], $0xffff;
	s18 =	sxor.u32 $0x80000000, s19  }
0xd6: {  	s19 =	sadd.s32 $0x11, s17;
	v21 =	vadd.s32 s18, v21;
	v22, _, _ =	vpop (xrf0);
	(xrf0) =	vmax.scan.msk.u32 $0xffff, v20  }
0xd7: {  	v62 =	vmov s19;
	(v2sf) =	vpush v22, $0xF  }
0xd8: {  	v63 =	vshll.u32 v62, $0x2  }
0xd9: {  	v20 =	vand.u32 $0x71, v62;
	v22 =	vand.u32 $0x600, v63  }
0xda: {  	[tilespmem:v18+s14+$0x0] =	vst.idx.msk $0xffff, v19;
	v18 =	vor.u32 v22, v20;
	s19 =	spop (v2sf);
	v19 =	vsel vm6, $0x0, v17  }
0xdb: {  	v25 =	vor.u32 $0x9000, v0;
	v24 =	vld.idx.msk [tilespmem:v21+s9+$0x0], $0xffff;
	v18 =	vor.u32 v1, v18;
	s18 =	sxor.u32 $0x80000000, s19;
	v19 =	vxor.u32 $0x80000000, v19  }
0xdc: {  	s19 =	sadd.s32 $0x12, s17;
	v21 =	vadd.s32 s18, v25;
	v26, _, _ =	vpop (xrf0);
	(xrf0) =	vmax.scan.msk.u32 $0xffff, v19  }
0xdd: {  	v19 =	vmov s19;
	(v2sf) =	vpush v26, $0xF  }
0xde: {  	v27 =	vshll.u32 v19, $0x2  }
0xdf: {  	v19 =	vand.u32 $0x72, v19;
	v22 =	vand.u32 $0x600, v27  }
0xe0: {  	[tilespmem:v18+s14+$0x0] =	vst.idx.msk $0xffff, v24;
	v18 =	vor.u32 v22, v19;
	s19 =	spop (v2sf);
	v19 =	vsel vm7, $0x0, v17  }
0xe1: {  	v28 =	vor.u32 $0x9800, v0;
	v20 =	vld.idx.msk [tilespmem:v21+s9+$0x0], $0xffff;
	v18 =	vor.u32 v1, v18;
	s18 =	sxor.u32 $0x80000000, s19;
	v19 =	vxor.u32 $0x80000000, v19  }
0xe2: {  	s19 =	sadd.s32 $0x13, s17;
	v21 =	vadd.s32 s18, v28;
	v29, _, _ =	vpop (xrf0);
	(xrf0) =	vmax.scan.msk.u32 $0xffff, v19  }
0xe3: {  	v19 =	vmov s19;
	(v2sf) =	vpush v29, $0xF  }
0xe4: {  	v30 =	vshll.u32 v19, $0x2  }
0xe5: {  	v19 =	vand.u32 $0x73, v19;
	v22 =	vand.u32 $0x600, v30  }
0xe6: {  	[tilespmem:v18+s14+$0x0] =	vst.idx.msk $0xffff, v20;
	v18 =	vor.u32 v22, v19;
	s19 =	spop (v2sf);
	v19 =	vsel vm8, $0x0, v17  }
0xe7: {  	v31 =	vor.u32 $0xA000, v0;
	v20 =	vld.idx.msk [tilespmem:v21+s9+$0x0], $0xffff;
	v18 =	vor.u32 v1, v18;
	s18 =	sxor.u32 $0x80000000, s19;
	v19 =	vxor.u32 $0x80000000, v19  }
0xe8: {  	s19 =	sadd.s32 $0x14, s17;
	v21 =	vadd.s32 s18, v31;
	v32, _, _ =	vpop (xrf0);
	(xrf0) =	vmax.scan.msk.u32 $0xffff, v19  }
0xe9: {  	v19 =	vmov s19;
	(v2sf) =	vpush v32, $0xF  }
0xea: {  	v33 =	vshll.u32 v19, $0x2  }
0xeb: {  	v19 =	vand.u32 $0x74, v19;
	v22 =	vand.u32 $0x600, v33  }
0xec: {  	[tilespmem:v18+s14+$0x0] =	vst.idx.msk $0xffff, v20;
	v18 =	vor.u32 v22, v19;
	s19 =	spop (v2sf);
	v19 =	vsel vm9, $0x0, v17  }
0xed: {  	v34 =	vor.u32 $0xA800, v0;
	v20 =	vld.idx.msk [tilespmem:v21+s9+$0x0], $0xffff;
	v18 =	vor.u32 v1, v18;
	s18 =	sxor.u32 $0x80000000, s19;
	v19 =	vxor.u32 $0x80000000, v19  }
0xee: {  	s19 =	sadd.s32 $0x15, s17;
	v21 =	vadd.s32 s18, v34;
	v35, _, _ =	vpop (xrf0);
	(xrf0) =	vmax.scan.msk.u32 $0xffff, v19  }
0xef: {  	v19 =	vmov s19;
	(v2sf) =	vpush v35, $0xF  }
0xf0: {  	v36 =	vshll.u32 v19, $0x2  }
0xf1: {  	v19 =	vand.u32 $0x75, v19;
	v22 =	vand.u32 $0x600, v36  }
0xf2: {  	[tilespmem:v18+s14+$0x0] =	vst.idx.msk $0xffff, v20;
	v18 =	vor.u32 v22, v19;
	s19 =	spop (v2sf);
	v19 =	vsel vm10, $0x0, v17  }
0xf3: {  	v37 =	vor.u32 $0xB000, v0;
	v20 =	vld.idx.msk [tilespmem:v21+s9+$0x0], $0xffff;
	v18 =	vor.u32 v1, v18;
	s18 =	sxor.u32 $0x80000000, s19;
	v19 =	vxor.u32 $0x80000000, v19  }
0xf4: {  	s19 =	sadd.s32 $0x16, s17;
	v21 =	vadd.s32 s18, v37;
	v38, _, _ =	vpop (xrf0);
	(xrf0) =	vmax.scan.msk.u32 $0xffff, v19  }
0xf5: {  	v19 =	vmov s19;
	(v2sf) =	vpush v38, $0xF  }
0xf6: {  	v39 =	vshll.u32 v19, $0x2  }
0xf7: {  	v19 =	vand.u32 $0x76, v19;
	v22 =	vand.u32 $0x600, v39  }
0xf8: {  	[tilespmem:v18+s14+$0x0] =	vst.idx.msk $0xffff, v20;
	v18 =	vor.u32 v22, v19;
	s19 =	spop (v2sf);
	v19 =	vsel vm11, $0x0, v17  }
0xf9: {  	v40 =	vor.u32 $0xB800, v0;
	v20 =	vld.idx.msk [tilespmem:v21+s9+$0x0], $0xffff;
	v18 =	vor.u32 v1, v18;
	s18 =	sxor.u32 $0x80000000, s19;
	v19 =	vxor.u32 $0x80000000, v19  }
0xfa: {  	s19 =	sadd.s32 $0x17, s17;
	v21 =	vadd.s32 s18, v40;
	v41, _, _ =	vpop (xrf0);
	(xrf0) =	vmax.scan.msk.u32 $0xffff, v19  }
0xfb: {  	v19 =	vmov s19;
	(v2sf) =	vpush v41, $0xF  }
0xfc: {  	v42 =	vshll.u32 v19, $0x2  }
0xfd: {  	v19 =	vand.u32 $0x77, v19;
	v22 =	vand.u32 $0x600, v42  }
0xfe: {  	[tilespmem:v18+s14+$0x0] =	vst.idx.msk $0xffff, v20;
	v18 =	vor.u32 v22, v19;
	s19 =	spop (v2sf);
	v19 =	vsel vm12, $0x0, v17  }
0xff: {  	v43 =	vor.u32 $0xC000, v0;
	v20 =	vld.idx.msk [tilespmem:v21+s9+$0x0], $0xffff;
	v18 =	vor.u32 v1, v18;
	s18 =	sxor.u32 $0x80000000, s19;
	v19 =	vxor.u32 $0x80000000, v19  }
0x100: {  	s19 =	sadd.s32 $0x18, s17;
	v21 =	vadd.s32 s18, v43;
	v44, _, _ =	vpop (xrf0);
	(xrf0) =	vmax.scan.msk.u32 $0xffff, v19  }
0x101: {  	v19 =	vmov s19;
	(v2sf) =	vpush v44, $0xF  }
0x102: {  	v45 =	vshll.u32 v19, $0x2  }
0x103: {  	v19 =	vand.u32 $0x78, v19;
	v22 =	vand.u32 $0x600, v45  }
0x104: {  	[tilespmem:v18+s14+$0x0] =	vst.idx.msk $0xffff, v20;
	v18 =	vor.u32 v22, v19;
	s19 =	spop (v2sf);
	v19 =	vsel vm13, $0x0, v17  }
0x105: {  	v46 =	vor.u32 $0xC800, v0;
	v20 =	vld.idx.msk [tilespmem:v21+s9+$0x0], $0xffff;
	v18 =	vor.u32 v1, v18;
	s18 =	sxor.u32 $0x80000000, s19;
	v19 =	vxor.u32 $0x80000000, v19  }
0x106: {  	s19 =	sadd.s32 $0x19, s17;
	v21 =	vadd.s32 s18, v46;
	v47, _, _ =	vpop (xrf0);
	(xrf0) =	vmax.scan.msk.u32 $0xffff, v19  }
0x107: {  	v19 =	vmov s19;
	(v2sf) =	vpush v47, $0xF  }
0x108: {  	v48 =	vshll.u32 v19, $0x2  }
0x109: {  	v19 =	vand.u32 $0x79, v19;
	v22 =	vand.u32 $0x600, v48  }
0x10a: {  	[tilespmem:v18+s14+$0x0] =	vst.idx.msk $0xffff, v20;
	v18 =	vor.u32 v22, v19;
	s19 =	spop (v2sf);
	v19 =	vsel vm14, $0x0, v17  }
0x10b: {  	v49 =	vor.u32 $0xD000, v0;
	v20 =	vld.idx.msk [tilespmem:v21+s9+$0x0], $0xffff;
	v18 =	vor.u32 v1, v18;
	s18 =	sxor.u32 $0x80000000, s19;
	v19 =	vxor.u32 $0x80000000, v19  }
0x10c: {  	s19 =	sadd.s32 $0x1A, s17;
	v21 =	vadd.s32 s18, v49;
	v50, _, _ =	vpop (xrf0);
	(xrf0) =	vmax.scan.msk.u32 $0xffff, v19  }
0x10d: {  	v19 =	vmov s19;
	(v2sf) =	vpush v50, $0xF  }
0x10e: {  	v51 =	vshll.u32 v19, $0x2  }
0x10f: {  	v19 =	vand.u32 $0x7A, v19;
	v22 =	vand.u32 $0x600, v51  }
0x110: {  	v17 =	vsel vm15, $0x0, v17;
	[tilespmem:v18+s14+$0x0] =	vst.idx.msk $0xffff, v20;
	v18 =	vor.u32 v22, v19;
	s19 =	spop (v2sf)  }
0x111: {  	v52 =	vor.u32 $0xD800, v0;
	v17 =	vxor.u32 $0x80000000, v17;
	v19 =	vld.idx.msk [tilespmem:v21+s9+$0x0], $0xffff;
	v18 =	vor.u32 v1, v18;
	s18 =	sxor.u32 $0x80000000, s19  }
0x112: {  	s19 =	sadd.s32 $0x1B, s17;
	v20 =	vadd.s32 s18, v52;
	v53, _, _ =	vpop (xrf0);
	(xrf0) =	vmax.scan.msk.u32 $0xffff, v17  }
0x113: {  	v17 =	vmov s19;
	(v2sf) =	vpush v53, $0xF  }
0x114: {  	v54 =	vshll.u32 v17, $0x2  }
0x115: {  	v17 =	vand.u32 $0x7B, v17;
	v21 =	vand.u32 $0x600, v54  }
0x116: {  	v17 =	vor.u32 v21, v17;
	[tilespmem:v18+s14+$0x0] =	vst.idx.msk $0xffff, v19;
	s19 =	spop (v2sf)  }
0x117: {  	v17 =	vor.u32 v1, v17;
	v19 =	vor.u32 $0xE000, v0;
	v18 =	vld.idx.msk [tilespmem:v20+s9+$0x0], $0xffff;
	s18 =	sxor.u32 $0x80000000, s19  }
0x118: {  	s19 =	sadd.s32 $0x1C, s17;
	v19 =	vadd.s32 s18, v19;
	v55, _, _ =	vpop (xrf0)  }
0x119: {  	v56 =	vmov s19;
	(v2sf) =	vpush v55, $0xF  }
0x11a: {  	v57 =	vshll.u32 v56, $0x2  }
0x11b: {  	v21 =	vand.u32 $0x7C, v56;
	v20 =	vand.u32 $0x600, v57  }
0x11c: {  	s19 =	spop (v2sf);
	[tilespmem:v17+s14+$0x0] =	vst.idx.msk $0xffff, v18;
	v17 =	vor.u32 v20, v21  }
0x11d: {  	v18 =	vld.idx.msk [tilespmem:v19+s9+$0x0], $0xffff;
	v17 =	vor.u32 v1, v17;
	s18 =	sxor.u32 $0x80000000, s19;
	v19 =	vor.u32 $0xE800, v0  }
0x11e: {  	s19 =	sadd.s32 $0x1D, s17;
	v19 =	vadd.s32 s18, v19  }
0x11f: {  	v58 =	vmov s19  }
0x120: {  	v59 =	vshll.u32 v58, $0x2  }
0x121: {  	v20 =	vand.u32 $0x7D, v58;
	v21 =	vand.u32 $0x600, v59  }
0x122: {  	s19 =	spop (v2sf);
	[tilespmem:v17+s14+$0x0] =	vst.idx.msk $0xffff, v18;
	v17 =	vor.u32 v21, v20  }
0x123: {  	v18 =	vld.idx.msk [tilespmem:v19+s9+$0x0], $0xffff;
	v17 =	vor.u32 v1, v17;
	s18 =	sxor.u32 $0x80000000, s19;
	v19 =	vor.u32 $0xF000, v0  }
0x124: {  	s19 =	sadd.s32 $0x1E, s17;
	v19 =	vadd.s32 s18, v19  }
0x125: {  	v60 =	vmov s19  }
0x126: {  	v61 =	vshll.u32 v60, $0x2  }
0x127: {  	v20 =	vand.u32 $0x7E, v60;
	v21 =	vand.u32 $0x600, v61  }
0x128: {  	[tilespmem:v17+s14+$0x0] =	vst.idx.msk $0xffff, v18;
	v17 =	vor.u32 v21, v20;
	s19 =	spop (v2sf)  }
0x129: {  	v18 =	vld.idx.msk [tilespmem:v19+s9+$0x0], $0xffff;
	v17 =	vor.u32 v1, v17;
	s18 =	sxor.u32 $0x80000000, s19;
	v19 =	vor.u32 $0xF800, v0  }
0x12a: {  	s19 =	sadd.s32 $0x1F, s17;
	v19 =	vadd.s32 s18, v19  }
0x12b: {  	v62 =	vmov s19  }
0x12c: {  	v63 =	vshll.u32 v62, $0x2  }
0x12d: {  	v20 =	vand.u32 $0x7F, v62;
	v21 =	vand.u32 $0x600, v63  }
0x12e: {  	s17 =	sadd.s32 $0x20, s17;
	[tilespmem:v17+s14+$0x0] =	vst.idx.msk $0xffff, v18;
	v17 =	vor.u32 v21, v20  }
0x12f: {  	p0 =	sne.s32 s17, $0x200;
	v18 =	vld.idx.msk [tilespmem:v19+s9+$0x0], $0xffff;
	v17 =	vor.u32 v1, v17  }
.Ltmp3:
0x130: {  	_ = 	snop;
	(pc) =	sbr.rel @!p0 .LBB2_5-.Ltmp3, $2  }
0x131: {  	_ =	sdelay $0x2  }
0x132: {  	s16 =	sadd.s32 $0x20, s16;
	[tilespmem:v17+s14+$0x0] =	vst.idx.msk $0xffff, v18  }
.LBB2_2:
0x133: {  	v17 =	vld [tilespmem:s16+$0x0];
	_ =	sdelay $0x4  }
0x134: {  	v17 =	vand.u32 $0xFFFFFF80, v17  }
0x135: {  	v18 =	vnsel vm0, $0x0, v17  }
0x136: {  	v18 =	vxor.u32 $0x80000000, v18  }
0x137: {  	(xrf0) =	vmax.scan.msk.u32 $0xffff, v18;
	_ =	sdelay $0x1  }
0x138: {  	v18 =	vsel vm1, $0x0, v17  }
0x139: {  	v18 =	vxor.u32 $0x80000000, v18;
	_ =	sdelay $0x1  }
0x13a: {  	(xrf0) =	vmax.scan.msk.u32 $0xffff, v18  }
0x13b: {  	v18, _, _ =	vpop (xrf0)  }
0x13c: {  	(v2sf) =	vpush v18, $0xF;
	v18 =	vsel vm2, $0x0, v17  }
0x13d: {  	v18 =	vxor.u32 $0x80000000, v18;
	_ =	sdelay $0x1  }
0x13e: {  	(xrf0) =	vmax.scan.msk.u32 $0xffff, v18  }
0x13f: {  	v18, _, _ =	vpop (xrf0)  }
0x140: {  	(v2sf) =	vpush v18, $0xF;
	v18 =	vsel vm3, $0x0, v17  }
0x141: {  	v18 =	vxor.u32 $0x80000000, v18;
	_ =	sdelay $0x1  }
0x142: {  	(xrf0) =	vmax.scan.msk.u32 $0xffff, v18  }
0x143: {  	v18, _, _ =	vpop (xrf0)  }
0x144: {  	(v2sf) =	vpush v18, $0xF;
	v18 =	vsel vm4, $0x0, v17  }
0x145: {  	v18 =	vxor.u32 $0x80000000, v18;
	_ =	sdelay $0x1  }
0x146: {  	(xrf0) =	vmax.scan.msk.u32 $0xffff, v18  }
0x147: {  	v18, _, _ =	vpop (xrf0)  }
0x148: {  	s18 =	spop (v2sf);
	(v2sf) =	vpush v18, $0xF;
	v18 =	vsel vm5, $0x0, v17  }
0x149: {  	s18 =	sshrl.u32 s18, $0x1;
	v18 =	vxor.u32 $0x80000000, v18  }
0x14a: {  	s18 =	sand.u32 $0x1FFFFFC0, s18  }
0x14b: {  	(xrf0) =	vmax.scan.msk.u32 $0xffff, v18;
	s18 =	sadd.s32 s0, s18  }
0x14c: {  	[tilespmem:s25], [sflag:$0x2] =	stream.strided.gather [hbm4b:s18+s9], $0x800, s7, s9, $0x38;
	v18, _, _ =	vpop (xrf0);
	[tilespmem:$0x12200] =	vst v63  }
0x14d: {  	s19 =	spop (v2sf);
	(v2sf) =	vpush v18, $0xF;
	v18 =	vsel vm6, $0x0, v17  }
0x14e: {  	s18 =	sshrl.u32 s19, $0x1;
	v18 =	vxor.u32 $0x80000000, v18  }
0x14f: {  	s18 =	sand.u32 $0x1FFFFFC0, s18  }
0x150: {  	(xrf0) =	vmax.scan.msk.u32 $0xffff, v18;
	s18 =	sadd.s32 s0, s18  }
0x151: {  	[tilespmem:s26], [sflag:$0x2] =	stream.strided.gather [hbm4b:s18+s9], $0x800, s7, s9, $0x38;
	v18, _, _ =	vpop (xrf0);
	[tilespmem:$0x12200] =	vst v63  }
0x152: {  	s19 =	spop (v2sf);
	(v2sf) =	vpush v18, $0xF;
	v18 =	vsel vm7, $0x0, v17  }
0x153: {  	s18 =	sshrl.u32 s19, $0x1;
	v18 =	vxor.u32 $0x80000000, v18  }
0x154: {  	s18 =	sand.u32 $0x1FFFFFC0, s18  }
0x155: {  	(xrf0) =	vmax.scan.msk.u32 $0xffff, v18;
	s18 =	sadd.s32 s0, s18  }
0x156: {  	[tilespmem:s28], [sflag:$0x2] =	stream.strided.gather [hbm4b:s18+s9], $0x800, s7, s9, $0x38;
	v18, _, _ =	vpop (xrf0);
	[tilespmem:$0x12200] =	vst v63  }
0x157: {  	s19 =	spop (v2sf);
	(v2sf) =	vpush v18, $0xF;
	v18 =	vsel vm8, $0x0, v17  }
0x158: {  	s18 =	sshrl.u32 s19, $0x1;
	v18 =	vxor.u32 $0x80000000, v18  }
0x159: {  	s18 =	sand.u32 $0x1FFFFFC0, s18  }
0x15a: {  	(xrf0) =	vmax.scan.msk.u32 $0xffff, v18;
	s18 =	sadd.s32 s0, s18  }
0x15b: {  	[tilespmem:s29], [sflag:$0x2] =	stream.strided.gather [hbm4b:s18+s9], $0x800, s7, s9, $0x38;
	v18, _, _ =	vpop (xrf0);
	[tilespmem:$0x12200] =	vst v63  }
0x15c: {  	s19 =	spop (v2sf);
	(v2sf) =	vpush v18, $0xF;
	v18 =	vsel vm9, $0x0, v17  }
0x15d: {  	s18 =	sshrl.u32 s19, $0x1;
	v18 =	vxor.u32 $0x80000000, v18  }
0x15e: {  	s18 =	sand.u32 $0x1FFFFFC0, s18  }
0x15f: {  	(xrf0) =	vmax.scan.msk.u32 $0xffff, v18;
	s18 =	sadd.s32 s0, s18  }
0x160: {  	[tilespmem:s30], [sflag:$0x2] =	stream.strided.gather [hbm4b:s18+s9], $0x800, s7, s9, $0x38;
	v18, _, _ =	vpop (xrf0);
	[tilespmem:$0x12200] =	vst v63  }
0x161: {  	s19 =	spop (v2sf);
	(v2sf) =	vpush v18, $0xF;
	v18 =	vsel vm10, $0x0, v17  }
0x162: {  	s18 =	sshrl.u32 s19, $0x1;
	v18 =	vxor.u32 $0x80000000, v18  }
0x163: {  	s18 =	sand.u32 $0x1FFFFFC0, s18  }
0x164: {  	(xrf0) =	vmax.scan.msk.u32 $0xffff, v18;
	s18 =	sadd.s32 s0, s18  }
0x165: {  	[tilespmem:s31], [sflag:$0x2] =	stream.strided.gather [hbm4b:s18+s9], $0x800, s7, s9, $0x38;
	v18, _, _ =	vpop (xrf0);
	[tilespmem:$0x12200] =	vst v63  }
0x166: {  	s19 =	spop (v2sf);
	(v2sf) =	vpush v18, $0xF;
	v18 =	vsel vm11, $0x0, v17  }
0x167: {  	s18 =	sshrl.u32 s19, $0x1;
	v18 =	vxor.u32 $0x80000000, v18  }
0x168: {  	s18 =	sand.u32 $0x1FFFFFC0, s18  }
0x169: {  	(xrf0) =	vmax.scan.msk.u32 $0xffff, v18;
	s18 =	sadd.s32 s0, s18  }
0x16a: {  	[tilespmem:s1], [sflag:$0x2] =	stream.strided.gather [hbm4b:s18+s9], $0x800, s7, s9, $0x38;
	v18, _, _ =	vpop (xrf0);
	[tilespmem:$0x12200] =	vst v63  }
0x16b: {  	s19 =	spop (v2sf);
	(v2sf) =	vpush v18, $0xF;
	v18 =	vsel vm12, $0x0, v17  }
0x16c: {  	s18 =	sshrl.u32 s19, $0x1;
	v18 =	vxor.u32 $0x80000000, v18  }
0x16d: {  	s18 =	sand.u32 $0x1FFFFFC0, s18  }
0x16e: {  	(xrf0) =	vmax.scan.msk.u32 $0xffff, v18;
	s18 =	sadd.s32 s0, s18  }
0x16f: {  	[tilespmem:s2], [sflag:$0x2] =	stream.strided.gather [hbm4b:s18+s9], $0x800, s7, s9, $0x38;
	v18, _, _ =	vpop (xrf0);
	[tilespmem:$0x12200] =	vst v63  }
0x170: {  	s19 =	spop (v2sf);
	(v2sf) =	vpush v18, $0xF;
	v18 =	vsel vm13, $0x0, v17  }
0x171: {  	s18 =	sshrl.u32 s19, $0x1;
	v18 =	vxor.u32 $0x80000000, v18  }
0x172: {  	s18 =	sand.u32 $0x1FFFFFC0, s18  }
0x173: {  	(xrf0) =	vmax.scan.msk.u32 $0xffff, v18;
	s18 =	sadd.s32 s0, s18  }
0x174: {  	[tilespmem:s3], [sflag:$0x2] =	stream.strided.gather [hbm4b:s18+s9], $0x800, s7, s9, $0x38;
	v18, _, _ =	vpop (xrf0);
	[tilespmem:$0x12200] =	vst v63  }
0x175: {  	s19 =	spop (v2sf);
	(v2sf) =	vpush v18, $0xF;
	v18 =	vsel vm14, $0x0, v17  }
0x176: {  	s18 =	sshrl.u32 s19, $0x1;
	v18 =	vxor.u32 $0x80000000, v18  }
0x177: {  	s18 =	sand.u32 $0x1FFFFFC0, s18  }
0x178: {  	(xrf0) =	vmax.scan.msk.u32 $0xffff, v18;
	s18 =	sadd.s32 s0, s18  }
0x179: {  	[tilespmem:s4], [sflag:$0x2] =	stream.strided.gather [hbm4b:s18+s9], $0x800, s7, s9, $0x38;
	v18, _, _ =	vpop (xrf0);
	[tilespmem:$0x12200] =	vst v63  }
0x17a: {  	v17 =	vsel vm15, $0x0, v17;
	s19 =	spop (v2sf);
	(v2sf) =	vpush v18, $0xF  }
0x17b: {  	v17 =	vxor.u32 $0x80000000, v17;
	s18 =	sshrl.u32 s19, $0x1  }
0x17c: {  	s18 =	sand.u32 $0x1FFFFFC0, s18  }
0x17d: {  	(xrf0) =	vmax.scan.msk.u32 $0xffff, v17;
	s18 =	sadd.s32 s0, s18  }
0x17e: {  	v17, _, _ =	vpop (xrf0);
	[tilespmem:s5], [sflag:$0x2] =	stream.strided.gather [hbm4b:s18+s9], $0x800, s7, s9, $0x38;
	[tilespmem:$0x12200] =	vst v63  }
0x17f: {  	s19 =	spop (v2sf);
	(v2sf) =	vpush v17, $0xF  }
0x180: {  	s18 =	sshrl.u32 s19, $0x1  }
0x181: {  	s18 =	sand.u32 $0x1FFFFFC0, s18  }
0x182: {  	s18 =	sadd.s32 s0, s18  }
0x183: {  	v17, _, _ =	vpop (xrf0);
	[tilespmem:s6], [sflag:$0x2] =	stream.strided.gather [hbm4b:s18+s9], $0x800, s7, s9, $0x38;
	[tilespmem:$0x12200] =	vst v63  }
0x184: {  	s19 =	spop (v2sf);
	(v2sf) =	vpush v17, $0xF  }
0x185: {  	s18 =	sshrl.u32 s19, $0x1  }
0x186: {  	s18 =	sand.u32 $0x1FFFFFC0, s18  }
0x187: {  	s18 =	sadd.s32 s0, s18  }
0x188: {  	[tilespmem:s8], [sflag:$0x2] =	stream.strided.gather [hbm4b:s18+s9], $0x800, s7, s9, $0x38;
	[tilespmem:$0x12200] =	vst v63  }
0x189: {  	s19 =	spop (v2sf)  }
0x18a: {  	s18 =	sshrl.u32 s19, $0x1  }
0x18b: {  	s18 =	sand.u32 $0x1FFFFFC0, s18  }
0x18c: {  	s18 =	sadd.s32 s0, s18  }
0x18d: {  	[tilespmem:s10], [sflag:$0x2] =	stream.strided.gather [hbm4b:s18+s9], $0x800, s7, s9, $0x38;
	[tilespmem:$0x12200] =	vst v63  }
0x18e: {  	s19 =	spop (v2sf)  }
0x18f: {  	s18 =	sshrl.u32 s19, $0x1  }
0x190: {  	s18 =	sand.u32 $0x1FFFFFC0, s18  }
0x191: {  	s18 =	sadd.s32 s0, s18  }
0x192: {  	[tilespmem:s11], [sflag:$0x2] =	stream.strided.gather [hbm4b:s18+s9], $0x800, s7, s9, $0x38;
	[tilespmem:$0x12200] =	vst v63  }
0x193: {  	s19 =	spop (v2sf)  }
0x194: {  	s18 =	sshrl.u32 s19, $0x1  }
0x195: {  	s18 =	sand.u32 $0x1FFFFFC0, s18  }
0x196: {  	s18 =	sadd.s32 s0, s18  }
0x197: {  	[tilespmem:s12], [sflag:$0x2] =	stream.strided.gather [hbm4b:s18+s9], $0x800, s7, s9, $0x38;
	[tilespmem:$0x12200] =	vst v63  }
0x198: {  	_ =	swait.ge [sflag:s13], $0x800  }
0x199: {  	[sflag:s13] =	ssyncset.done $0x0  }
0x19a: {  	[sflag:s13] =	ssyncadd.s32 $0xFFFFF800  }
0x19b: {  	_ =	swait.ge [sflag:s13], $0x800  }
0x19c: {  	[sflag:s13] =	ssyncset.done $0x0  }
0x19d: {  	[sflag:s13] =	ssyncadd.s32 $0xFFFFF800  }
0x19e: {  	_ =	swait.ge [sflag:s13], $0x800  }
0x19f: {  	[sflag:s13] =	ssyncset.done $0x0  }
0x1a0: {  	[sflag:s13] =	ssyncadd.s32 $0xFFFFF800  }
0x1a1: {  	_ =	swait.ge [sflag:s13], $0x800  }
0x1a2: {  	[sflag:s13] =	ssyncset.done $0x0  }
0x1a3: {  	[sflag:s13] =	ssyncadd.s32 $0xFFFFF800  }
0x1a4: {  	_ =	swait.ge [sflag:s13], $0x800  }
0x1a5: {  	[sflag:s13] =	ssyncset.done $0x0  }
0x1a6: {  	[sflag:s13] =	ssyncadd.s32 $0xFFFFF800  }
0x1a7: {  	_ =	swait.ge [sflag:s13], $0x800  }
0x1a8: {  	[sflag:s13] =	ssyncset.done $0x0  }
0x1a9: {  	[sflag:s13] =	ssyncadd.s32 $0xFFFFF800  }
0x1aa: {  	_ =	swait.ge [sflag:s13], $0x800  }
0x1ab: {  	[sflag:s13] =	ssyncset.done $0x0  }
0x1ac: {  	[sflag:s13] =	ssyncadd.s32 $0xFFFFF800  }
0x1ad: {  	_ =	swait.ge [sflag:s13], $0x800  }
0x1ae: {  	[sflag:s13] =	ssyncset.done $0x0  }
0x1af: {  	[sflag:s13] =	ssyncadd.s32 $0xFFFFF800  }
0x1b0: {  	_ =	swait.ge [sflag:s13], $0x800  }
0x1b1: {  	[sflag:s13] =	ssyncset.done $0x0  }
0x1b2: {  	[sflag:s13] =	ssyncadd.s32 $0xFFFFF800  }
0x1b3: {  	_ =	swait.ge [sflag:s13], $0x800  }
0x1b4: {  	[sflag:s13] =	ssyncset.done $0x0  }
0x1b5: {  	[sflag:s13] =	ssyncadd.s32 $0xFFFFF800  }
0x1b6: {  	_ =	swait.ge [sflag:s13], $0x800  }
0x1b7: {  	[sflag:s13] =	ssyncset.done $0x0  }
0x1b8: {  	[sflag:s13] =	ssyncadd.s32 $0xFFFFF800  }
0x1b9: {  	_ =	swait.ge [sflag:s13], $0x800  }
0x1ba: {  	[sflag:s13] =	ssyncset.done $0x0  }
0x1bb: {  	[sflag:s13] =	ssyncadd.s32 $0xFFFFF800  }
0x1bc: {  	_ =	swait.ge [sflag:s13], $0x800  }
0x1bd: {  	[sflag:s13] =	ssyncset.done $0x0  }
0x1be: {  	[sflag:s13] =	ssyncadd.s32 $0xFFFFF800  }
0x1bf: {  	_ =	swait.ge [sflag:s13], $0x800  }
0x1c0: {  	[sflag:s13] =	ssyncset.done $0x0  }
0x1c1: {  	[sflag:s13] =	ssyncadd.s32 $0xFFFFF800  }
0x1c2: {  	_ =	swait.ge [sflag:s13], $0x800  }
0x1c3: {  	[sflag:s13] =	ssyncset.done $0x0  }
0x1c4: {  	[sflag:s13] =	ssyncadd.s32 $0xFFFFF800  }
0x1c5: {  	_ =	swait.ge [sflag:s13], $0x800  }
0x1c6: {  	[sflag:s13] =	ssyncset.done $0x0  }
0x1c7: {  	[sflag:s13] =	ssyncadd.s32 $0xFFFFF800  }
0x1c8: {  	v17 =	vld [tilespmem:s16+$0xFFFFFFF0];
	_ =	sdelay $0x4  }
0x1c9: {  	v18 =	vshra.s32 v17, $0x1F  }
0x1ca: {  	v18 =	vshrl.u32 v18, $0x19  }
0x1cb: {  	v18 =	vadd.s32 v18, v17  }
0x1cc: {  	v18 =	vand.u32 $0xFFFFFF80, v18  }
0x1cd: {  	v17 =	vsub.s32 v17, v18  }
0x1ce: {  	v18 =	vnsel vm0, $0x0, v17  }
0x1cf: {  	v18 =	vxor.u32 $0x80000000, v18  }
0x1d0: {  	(xrf0) =	vmax.scan.msk.u32 $0xffff, v18;
	_ =	sdelay $0x3  }
0x1d1: {  	v18 =	vsel vm1, $0x0, v17  }
0x1d2: {  	v18 =	vxor.u32 $0x80000000, v18  }
0x1d3: {  	v19, _, _ =	vpop (xrf0);
	(xrf0) =	vmax.scan.msk.u32 $0xffff, v18  }
0x1d4: {  	(v2sf) =	vpush v19, $0xF;
	_ =	sdelay $0x2  }
0x1d5: {  	v18 =	vsel vm2, $0x0, v17  }
0x1d6: {  	v18 =	vxor.u32 $0x80000000, v18  }
0x1d7: {  	v19, _, _ =	vpop (xrf0);
	(xrf0) =	vmax.scan.msk.u32 $0xffff, v18  }
0x1d8: {  	(v2sf) =	vpush v19, $0xF;
	_ =	sdelay $0x2  }
0x1d9: {  	v18 =	vsel vm3, $0x0, v17  }
0x1da: {  	v18 =	vxor.u32 $0x80000000, v18  }
0x1db: {  	v19, _, _ =	vpop (xrf0);
	(xrf0) =	vmax.scan.msk.u32 $0xffff, v18  }
0x1dc: {  	(v2sf) =	vpush v19, $0xF;
	_ =	sdelay $0x2  }
0x1dd: {  	v18 =	vsel vm4, $0x0, v17;
	s19 =	spop (v2sf)  }
0x1de: {  	v18 =	vxor.u32 $0x80000000, v18;
	s18 =	sxor.u32 $0x80000000, s19  }
0x1df: {  	v19 =	vadd.s32 s18, v0;
	v20, _, _ =	vpop (xrf0);
	(xrf0) =	vmax.scan.msk.u32 $0xffff, v18  }
0x1e0: {  	v18 =	vmov s17;
	(v2sf) =	vpush v20, $0xF  }
0x1e1: {  	v60 =	vshll.u32 v18, $0x2  }
0x1e2: {  	v18 =	vand.u32 $0x60, v18;
	v20 =	vand.u32 $0x600, v60  }
0x1e3: {  	v61 =	vsel vm5, $0x0, v17;
	v18 =	vor.u32 v20, v18;
	s19 =	spop (v2sf)  }
0x1e4: {  	v20 =	vxor.u32 $0x80000000, v61;
	v18 =	vor.u32 v1, v18;
	v19 =	vld.idx.msk [tilespmem:v19+s9+$0x0], $0xffff;
	s18 =	sxor.u32 $0x80000000, s19  }
0x1e5: {  	s19 =	sadd.s32 $0x1, s17;
	v21 =	vadd.s32 s18, v2;
	v22, _, _ =	vpop (xrf0);
	(xrf0) =	vmax.scan.msk.u32 $0xffff, v20  }
0x1e6: {  	v62 =	vmov s19;
	(v2sf) =	vpush v22, $0xF  }
0x1e7: {  	v63 =	vshll.u32 v62, $0x2  }
0x1e8: {  	v20 =	vand.u32 $0x61, v62;
	v22 =	vand.u32 $0x600, v63  }
0x1e9: {  	[tilespmem:v18+s14+$0x0] =	vst.idx.msk $0xffff, v19;
	v18 =	vor.u32 v22, v20;
	s19 =	spop (v2sf);
	v19 =	vsel vm6, $0x0, v17  }
0x1ea: {  	v24 =	vld.idx.msk [tilespmem:v21+s9+$0x0], $0xffff;
	v18 =	vor.u32 v1, v18;
	s18 =	sxor.u32 $0x80000000, s19;
	v19 =	vxor.u32 $0x80000000, v19  }
0x1eb: {  	s19 =	sadd.s32 $0x2, s17;
	v25 =	vadd.s32 s18, v3;
	v26, _, _ =	vpop (xrf0);
	(xrf0) =	vmax.scan.msk.u32 $0xffff, v19  }
0x1ec: {  	v19 =	vmov s19;
	(v2sf) =	vpush v26, $0xF  }
0x1ed: {  	v27 =	vshll.u32 v19, $0x2  }
0x1ee: {  	v19 =	vand.u32 $0x62, v19;
	v22 =	vand.u32 $0x600, v27  }
0x1ef: {  	[tilespmem:v18+s14+$0x0] =	vst.idx.msk $0xffff, v24;
	v18 =	vor.u32 v22, v19;
	s19 =	spop (v2sf);
	v19 =	vsel vm7, $0x0, v17  }
0x1f0: {  	v20 =	vld.idx.msk [tilespmem:v25+s9+$0x0], $0xffff;
	v18 =	vor.u32 v1, v18;
	s18 =	sxor.u32 $0x80000000, s19;
	v19 =	vxor.u32 $0x80000000, v19  }
0x1f1: {  	s19 =	sadd.s32 $0x3, s17;
	v28 =	vadd.s32 s18, v4;
	v29, _, _ =	vpop (xrf0);
	(xrf0) =	vmax.scan.msk.u32 $0xffff, v19  }
0x1f2: {  	v19 =	vmov s19;
	(v2sf) =	vpush v29, $0xF  }
0x1f3: {  	v30 =	vshll.u32 v19, $0x2  }
0x1f4: {  	v19 =	vand.u32 $0x63, v19;
	v22 =	vand.u32 $0x600, v30  }
0x1f5: {  	[tilespmem:v18+s14+$0x0] =	vst.idx.msk $0xffff, v20;
	v18 =	vor.u32 v22, v19;
	s19 =	spop (v2sf);
	v19 =	vsel vm8, $0x0, v17  }
0x1f6: {  	v20 =	vld.idx.msk [tilespmem:v28+s9+$0x0], $0xffff;
	v18 =	vor.u32 v1, v18;
	s18 =	sxor.u32 $0x80000000, s19;
	v19 =	vxor.u32 $0x80000000, v19  }
0x1f7: {  	s19 =	sadd.s32 $0x4, s17;
	v31 =	vadd.s32 s18, v5;
	v32, _, _ =	vpop (xrf0);
	(xrf0) =	vmax.scan.msk.u32 $0xffff, v19  }
0x1f8: {  	v19 =	vmov s19;
	(v2sf) =	vpush v32, $0xF  }
0x1f9: {  	v33 =	vshll.u32 v19, $0x2  }
0x1fa: {  	v19 =	vand.u32 $0x64, v19;
	v22 =	vand.u32 $0x600, v33  }
0x1fb: {  	[tilespmem:v18+s14+$0x0] =	vst.idx.msk $0xffff, v20;
	v18 =	vor.u32 v22, v19;
	s19 =	spop (v2sf);
	v19 =	vsel vm9, $0x0, v17  }
0x1fc: {  	v20 =	vld.idx.msk [tilespmem:v31+s9+$0x0], $0xffff;
	v18 =	vor.u32 v1, v18;
	s18 =	sxor.u32 $0x80000000, s19;
	v19 =	vxor.u32 $0x80000000, v19  }
0x1fd: {  	s19 =	sadd.s32 $0x5, s17;
	v34 =	vadd.s32 s18, v6;
	v35, _, _ =	vpop (xrf0);
	(xrf0) =	vmax.scan.msk.u32 $0xffff, v19  }
0x1fe: {  	v19 =	vmov s19;
	(v2sf) =	vpush v35, $0xF  }
0x1ff: {  	v36 =	vshll.u32 v19, $0x2  }
0x200: {  	v19 =	vand.u32 $0x65, v19;
	v22 =	vand.u32 $0x600, v36  }
0x201: {  	[tilespmem:v18+s14+$0x0] =	vst.idx.msk $0xffff, v20;
	v18 =	vor.u32 v22, v19;
	s19 =	spop (v2sf);
	v19 =	vsel vm10, $0x0, v17  }
0x202: {  	v20 =	vld.idx.msk [tilespmem:v34+s9+$0x0], $0xffff;
	v18 =	vor.u32 v1, v18;
	s18 =	sxor.u32 $0x80000000, s19;
	v19 =	vxor.u32 $0x80000000, v19  }
0x203: {  	s19 =	sadd.s32 $0x6, s17;
	v37 =	vadd.s32 s18, v7;
	v38, _, _ =	vpop (xrf0);
	(xrf0) =	vmax.scan.msk.u32 $0xffff, v19  }
0x204: {  	v19 =	vmov s19;
	(v2sf) =	vpush v38, $0xF  }
0x205: {  	v39 =	vshll.u32 v19, $0x2  }
0x206: {  	v19 =	vand.u32 $0x66, v19;
	v22 =	vand.u32 $0x600, v39  }
0x207: {  	[tilespmem:v18+s14+$0x0] =	vst.idx.msk $0xffff, v20;
	v18 =	vor.u32 v22, v19;
	s19 =	spop (v2sf);
	v19 =	vsel vm11, $0x0, v17  }
0x208: {  	v20 =	vld.idx.msk [tilespmem:v37+s9+$0x0], $0xffff;
	v18 =	vor.u32 v1, v18;
	s18 =	sxor.u32 $0x80000000, s19;
	v19 =	vxor.u32 $0x80000000, v19  }
0x209: {  	s19 =	sadd.s32 $0x7, s17;
	v40 =	vadd.s32 s18, v8;
	v41, _, _ =	vpop (xrf0);
	(xrf0) =	vmax.scan.msk.u32 $0xffff, v19  }
0x20a: {  	v19 =	vmov s19;
	(v2sf) =	vpush v41, $0xF  }
0x20b: {  	v42 =	vshll.u32 v19, $0x2  }
0x20c: {  	v19 =	vand.u32 $0x67, v19;
	v22 =	vand.u32 $0x600, v42  }
0x20d: {  	[tilespmem:v18+s14+$0x0] =	vst.idx.msk $0xffff, v20;
	v18 =	vor.u32 v22, v19;
	s19 =	spop (v2sf);
	v19 =	vsel vm12, $0x0, v17  }
0x20e: {  	v20 =	vld.idx.msk [tilespmem:v40+s9+$0x0], $0xffff;
	v18 =	vor.u32 v1, v18;
	s18 =	sxor.u32 $0x80000000, s19;
	v19 =	vxor.u32 $0x80000000, v19  }
0x20f: {  	s19 =	sadd.s32 $0x8, s17;
	v43 =	vadd.s32 s18, v9;
	v44, _, _ =	vpop (xrf0);
	(xrf0) =	vmax.scan.msk.u32 $0xffff, v19  }
0x210: {  	v19 =	vmov s19;
	(v2sf) =	vpush v44, $0xF  }
0x211: {  	v45 =	vshll.u32 v19, $0x2  }
0x212: {  	v19 =	vand.u32 $0x68, v19;
	v22 =	vand.u32 $0x600, v45  }
0x213: {  	[tilespmem:v18+s14+$0x0] =	vst.idx.msk $0xffff, v20;
	v18 =	vor.u32 v22, v19;
	s19 =	spop (v2sf);
	v19 =	vsel vm13, $0x0, v17  }
0x214: {  	v20 =	vld.idx.msk [tilespmem:v43+s9+$0x0], $0xffff;
	v18 =	vor.u32 v1, v18;
	s18 =	sxor.u32 $0x80000000, s19;
	v19 =	vxor.u32 $0x80000000, v19  }
0x215: {  	s19 =	sadd.s32 $0x9, s17;
	v46 =	vadd.s32 s18, v10;
	v47, _, _ =	vpop (xrf0);
	(xrf0) =	vmax.scan.msk.u32 $0xffff, v19  }
0x216: {  	v19 =	vmov s19;
	(v2sf) =	vpush v47, $0xF  }
0x217: {  	v48 =	vshll.u32 v19, $0x2  }
0x218: {  	v19 =	vand.u32 $0x69, v19;
	v22 =	vand.u32 $0x600, v48  }
0x219: {  	[tilespmem:v18+s14+$0x0] =	vst.idx.msk $0xffff, v20;
	v18 =	vor.u32 v22, v19;
	s19 =	spop (v2sf);
	v19 =	vsel vm14, $0x0, v17  }
0x21a: {  	v20 =	vld.idx.msk [tilespmem:v46+s9+$0x0], $0xffff;
	v18 =	vor.u32 v1, v18;
	s18 =	sxor.u32 $0x80000000, s19;
	v19 =	vxor.u32 $0x80000000, v19  }
0x21b: {  	s19 =	sadd.s32 $0xA, s17;
	v49 =	vadd.s32 s18, v11;
	v50, _, _ =	vpop (xrf0);
	(xrf0) =	vmax.scan.msk.u32 $0xffff, v19  }
0x21c: {  	v19 =	vmov s19;
	(v2sf) =	vpush v50, $0xF  }
0x21d: {  	v51 =	vshll.u32 v19, $0x2  }
0x21e: {  	v19 =	vand.u32 $0x6A, v19;
	v22 =	vand.u32 $0x600, v51  }
0x21f: {  	v17 =	vsel vm15, $0x0, v17;
	[tilespmem:v18+s14+$0x0] =	vst.idx.msk $0xffff, v20;
	v18 =	vor.u32 v22, v19;
	s19 =	spop (v2sf)  }
0x220: {  	v17 =	vxor.u32 $0x80000000, v17;
	v19 =	vld.idx.msk [tilespmem:v49+s9+$0x0], $0xffff;
	v18 =	vor.u32 v1, v18;
	s18 =	sxor.u32 $0x80000000, s19  }
0x221: {  	s19 =	sadd.s32 $0xB, s17;
	v52 =	vadd.s32 s18, v12;
	v53, _, _ =	vpop (xrf0);
	(xrf0) =	vmax.scan.msk.u32 $0xffff, v17  }
0x222: {  	v17 =	vmov s19;
	(v2sf) =	vpush v53, $0xF  }
0x223: {  	v54 =	vshll.u32 v17, $0x2  }
0x224: {  	v17 =	vand.u32 $0x6B, v17;
	v21 =	vand.u32 $0x600, v54  }
0x225: {  	v17 =	vor.u32 v21, v17;
	[tilespmem:v18+s14+$0x0] =	vst.idx.msk $0xffff, v19;
	s19 =	spop (v2sf)  }
0x226: {  	v17 =	vor.u32 v1, v17;
	v18 =	vld.idx.msk [tilespmem:v52+s9+$0x0], $0xffff;
	s18 =	sxor.u32 $0x80000000, s19  }
0x227: {  	s19 =	sadd.s32 $0xC, s17;
	v19 =	vadd.s32 s18, v13;
	v55, _, _ =	vpop (xrf0)  }
0x228: {  	v56 =	vmov s19;
	(v2sf) =	vpush v55, $0xF  }
0x229: {  	v57 =	vshll.u32 v56, $0x2  }
0x22a: {  	v21 =	vand.u32 $0x6C, v56;
	v20 =	vand.u32 $0x600, v57  }
0x22b: {  	s19 =	spop (v2sf);
	[tilespmem:v17+s14+$0x0] =	vst.idx.msk $0xffff, v18;
	v17 =	vor.u32 v20, v21  }
0x22c: {  	v18 =	vld.idx.msk [tilespmem:v19+s9+$0x0], $0xffff;
	v17 =	vor.u32 v1, v17;
	s18 =	sxor.u32 $0x80000000, s19  }
0x22d: {  	s19 =	sadd.s32 $0xD, s17;
	v19 =	vadd.s32 s18, v14  }
0x22e: {  	v58 =	vmov s19  }
0x22f: {  	v59 =	vshll.u32 v58, $0x2  }
0x230: {  	v20 =	vand.u32 $0x6D, v58;
	v21 =	vand.u32 $0x600, v59  }
0x231: {  	s19 =	spop (v2sf);
	[tilespmem:v17+s14+$0x0] =	vst.idx.msk $0xffff, v18;
	v17 =	vor.u32 v21, v20  }
0x232: {  	v18 =	vld.idx.msk [tilespmem:v19+s9+$0x0], $0xffff;
	v17 =	vor.u32 v1, v17;
	s18 =	sxor.u32 $0x80000000, s19  }
0x233: {  	s19 =	sadd.s32 $0xE, s17;
	v19 =	vadd.s32 s18, v15  }
0x234: {  	v60 =	vmov s19  }
0x235: {  	v61 =	vshll.u32 v60, $0x2  }
0x236: {  	v20 =	vand.u32 $0x6E, v60;
	v21 =	vand.u32 $0x600, v61  }
0x237: {  	[tilespmem:v17+s14+$0x0] =	vst.idx.msk $0xffff, v18;
	v17 =	vor.u32 v21, v20;
	s19 =	spop (v2sf)  }
0x238: {  	v18 =	vld.idx.msk [tilespmem:v19+s9+$0x0], $0xffff;
	v17 =	vor.u32 v1, v17;
	s18 =	sxor.u32 $0x80000000, s19  }
0x239: {  	s19 =	sadd.s32 $0xF, s17;
	v19 =	vadd.s32 s18, v16  }
0x23a: {  	v62 =	vmov s19  }
0x23b: {  	v63 =	vshll.u32 v62, $0x2  }
0x23c: {  	v20 =	vand.u32 $0x6F, v62;
	v21 =	vand.u32 $0x600, v63  }
0x23d: {  	[tilespmem:v17+s14+$0x0] =	vst.idx.msk $0xffff, v18;
	v17 =	vor.u32 v21, v20  }
0x23e: {  	p0 =	seq.s32 s17, $0x1E0;
	v18 =	vld.idx.msk [tilespmem:v19+s9+$0x0], $0xffff;
	v17 =	vor.u32 v1, v17  }
.Ltmp4:
0x23f: {  	_ = 	snop;
	(pc) =	sbr.rel @p0 .LBB2_4-.Ltmp4, $2  }
0x240: {  	_ =	sdelay $0x2  }
0x241: {  	[tilespmem:v17+s14+$0x0] =	vst.idx.msk $0xffff, v18  }
0x242: {  	v17 =	vld [tilespmem:s16+$0x10];
	_ =	sdelay $0x4  }
0x243: {  	v17 =	vand.u32 $0xFFFFFF80, v17  }
0x244: {  	v18 =	vnsel vm0, $0x0, v17  }
0x245: {  	v18 =	vxor.u32 $0x80000000, v18  }
0x246: {  	(xrf0) =	vmax.scan.msk.u32 $0xffff, v18;
	_ =	sdelay $0x1  }
0x247: {  	v18 =	vsel vm1, $0x0, v17  }
0x248: {  	v18 =	vxor.u32 $0x80000000, v18;
	_ =	sdelay $0x1  }
0x249: {  	(xrf0) =	vmax.scan.msk.u32 $0xffff, v18  }
0x24a: {  	v18, _, _ =	vpop (xrf0)  }
0x24b: {  	(v2sf) =	vpush v18, $0xF;
	v18 =	vsel vm2, $0x0, v17  }
0x24c: {  	v18 =	vxor.u32 $0x80000000, v18;
	_ =	sdelay $0x1  }
0x24d: {  	(xrf0) =	vmax.scan.msk.u32 $0xffff, v18  }
0x24e: {  	v18, _, _ =	vpop (xrf0)  }
0x24f: {  	(v2sf) =	vpush v18, $0xF;
	v18 =	vsel vm3, $0x0, v17  }
0x250: {  	v18 =	vxor.u32 $0x80000000, v18;
	_ =	sdelay $0x1  }
0x251: {  	(xrf0) =	vmax.scan.msk.u32 $0xffff, v18  }
0x252: {  	v18, _, _ =	vpop (xrf0)  }
0x253: {  	(v2sf) =	vpush v18, $0xF;
	v18 =	vsel vm4, $0x0, v17  }
0x254: {  	v18 =	vxor.u32 $0x80000000, v18;
	_ =	sdelay $0x1  }
0x255: {  	(xrf0) =	vmax.scan.msk.u32 $0xffff, v18  }
0x256: {  	v18, _, _ =	vpop (xrf0)  }
0x257: {  	s18 =	spop (v2sf);
	(v2sf) =	vpush v18, $0xF;
	v18 =	vsel vm5, $0x0, v17  }
0x258: {  	s18 =	sshrl.u32 s18, $0x1;
	v18 =	vxor.u32 $0x80000000, v18  }
0x259: {  	s18 =	sand.u32 $0x1FFFFFC0, s18  }
0x25a: {  	(xrf0) =	vmax.scan.msk.u32 $0xffff, v18;
	s18 =	sadd.s32 s0, s18  }
0x25b: {  	[tilespmem:s9], [sflag:$0x1] =	stream.strided.gather [hbm4b:s18+s9], $0x800, s7, s9, $0x38;
	v18, _, _ =	vpop (xrf0);
	[tilespmem:$0x12200] =	vst v63  }
0x25c: {  	s19 =	spop (v2sf);
	(v2sf) =	vpush v18, $0xF;
	v18 =	vsel vm6, $0x0, v17  }
0x25d: {  	s18 =	sshrl.u32 s19, $0x1;
	v18 =	vxor.u32 $0x80000000, v18  }
0x25e: {  	s18 =	sand.u32 $0x1FFFFFC0, s18  }
0x25f: {  	s19 =	simm.s32 $0xA00;
	(xrf0) =	vmax.scan.msk.u32 $0xffff, v18;
	s18 =	sadd.s32 s0, s18  }
0x260: {  	[tilespmem:s19], [sflag:$0x1] =	stream.strided.gather [hbm4b:s18+s9], $0x800, s7, s9, $0x38;
	v18, _, _ =	vpop (xrf0);
	[tilespmem:$0x12200] =	vst v63  }
0x261: {  	s19 =	spop (v2sf);
	(v2sf) =	vpush v18, $0xF;
	v18 =	vsel vm7, $0x0, v17  }
0x262: {  	s18 =	sshrl.u32 s19, $0x1;
	v18 =	vxor.u32 $0x80000000, v18  }
0x263: {  	s18 =	sand.u32 $0x1FFFFFC0, s18  }
0x264: {  	s19 =	simm.s32 $0x1200;
	(xrf0) =	vmax.scan.msk.u32 $0xffff, v18;
	s18 =	sadd.s32 s0, s18  }
0x265: {  	[tilespmem:s19], [sflag:$0x1] =	stream.strided.gather [hbm4b:s18+s9], $0x800, s7, s9, $0x38;
	v18, _, _ =	vpop (xrf0);
	[tilespmem:$0x12200] =	vst v63  }
0x266: {  	s19 =	spop (v2sf);
	(v2sf) =	vpush v18, $0xF;
	v18 =	vsel vm8, $0x0, v17  }
0x267: {  	s18 =	sshrl.u32 s19, $0x1;
	v18 =	vxor.u32 $0x80000000, v18  }
0x268: {  	s18 =	sand.u32 $0x1FFFFFC0, s18  }
0x269: {  	s19 =	simm.s32 $0x1A00;
	(xrf0) =	vmax.scan.msk.u32 $0xffff, v18;
	s18 =	sadd.s32 s0, s18  }
0x26a: {  	[tilespmem:s19], [sflag:$0x1] =	stream.strided.gather [hbm4b:s18+s9], $0x800, s7, s9, $0x38;
	v18, _, _ =	vpop (xrf0);
	[tilespmem:$0x12200] =	vst v63  }
0x26b: {  	s19 =	spop (v2sf);
	(v2sf) =	vpush v18, $0xF;
	v18 =	vsel vm9, $0x0, v17  }
0x26c: {  	s18 =	sshrl.u32 s19, $0x1;
	v18 =	vxor.u32 $0x80000000, v18  }
0x26d: {  	s18 =	sand.u32 $0x1FFFFFC0, s18  }
0x26e: {  	s19 =	simm.s32 $0x2200;
	(xrf0) =	vmax.scan.msk.u32 $0xffff, v18;
	s18 =	sadd.s32 s0, s18  }
0x26f: {  	[tilespmem:s19], [sflag:$0x1] =	stream.strided.gather [hbm4b:s18+s9], $0x800, s7, s9, $0x38;
	v18, _, _ =	vpop (xrf0);
	[tilespmem:$0x12200] =	vst v63  }
0x270: {  	s19 =	spop (v2sf);
	(v2sf) =	vpush v18, $0xF;
	v18 =	vsel vm10, $0x0, v17  }
0x271: {  	s18 =	sshrl.u32 s19, $0x1;
	v18 =	vxor.u32 $0x80000000, v18  }
0x272: {  	s18 =	sand.u32 $0x1FFFFFC0, s18  }
0x273: {  	s19 =	simm.s32 $0x2A00;
	(xrf0) =	vmax.scan.msk.u32 $0xffff, v18;
	s18 =	sadd.s32 s0, s18  }
0x274: {  	[tilespmem:s19], [sflag:$0x1] =	stream.strided.gather [hbm4b:s18+s9], $0x800, s7, s9, $0x38;
	v18, _, _ =	vpop (xrf0);
	[tilespmem:$0x12200] =	vst v63  }
0x275: {  	s19 =	spop (v2sf);
	(v2sf) =	vpush v18, $0xF;
	v18 =	vsel vm11, $0x0, v17  }
0x276: {  	s18 =	sshrl.u32 s19, $0x1;
	v18 =	vxor.u32 $0x80000000, v18  }
0x277: {  	s18 =	sand.u32 $0x1FFFFFC0, s18  }
0x278: {  	s19 =	simm.s32 $0x3200;
	(xrf0) =	vmax.scan.msk.u32 $0xffff, v18;
	s18 =	sadd.s32 s0, s18  }
0x279: {  	[tilespmem:s19], [sflag:$0x1] =	stream.strided.gather [hbm4b:s18+s9], $0x800, s7, s9, $0x38;
	v18, _, _ =	vpop (xrf0);
	[tilespmem:$0x12200] =	vst v63  }
0x27a: {  	s19 =	spop (v2sf);
	(v2sf) =	vpush v18, $0xF;
	v18 =	vsel vm12, $0x0, v17  }
0x27b: {  	s18 =	sshrl.u32 s19, $0x1;
	v18 =	vxor.u32 $0x80000000, v18  }
0x27c: {  	s18 =	sand.u32 $0x1FFFFFC0, s18  }
0x27d: {  	s19 =	simm.s32 $0x3A00;
	(xrf0) =	vmax.scan.msk.u32 $0xffff, v18;
	s18 =	sadd.s32 s0, s18  }
0x27e: {  	[tilespmem:s19], [sflag:$0x1] =	stream.strided.gather [hbm4b:s18+s9], $0x800, s7, s9, $0x38;
	v18, _, _ =	vpop (xrf0);
	[tilespmem:$0x12200] =	vst v63  }
0x27f: {  	s19 =	spop (v2sf);
	(v2sf) =	vpush v18, $0xF;
	v18 =	vsel vm13, $0x0, v17  }
0x280: {  	s18 =	sshrl.u32 s19, $0x1;
	v18 =	vxor.u32 $0x80000000, v18  }
0x281: {  	s18 =	sand.u32 $0x1FFFFFC0, s18  }
0x282: {  	s19 =	simm.s32 $0x4200;
	(xrf0) =	vmax.scan.msk.u32 $0xffff, v18;
	s18 =	sadd.s32 s0, s18  }
0x283: {  	[tilespmem:s19], [sflag:$0x1] =	stream.strided.gather [hbm4b:s18+s9], $0x800, s7, s9, $0x38;
	v18, _, _ =	vpop (xrf0);
	[tilespmem:$0x12200] =	vst v63  }
0x284: {  	s19 =	spop (v2sf);
	(v2sf) =	vpush v18, $0xF;
	v18 =	vsel vm14, $0x0, v17  }
0x285: {  	s18 =	sshrl.u32 s19, $0x1;
	v18 =	vxor.u32 $0x80000000, v18  }
0x286: {  	s18 =	sand.u32 $0x1FFFFFC0, s18  }
0x287: {  	s19 =	simm.s32 $0x4A00;
	(xrf0) =	vmax.scan.msk.u32 $0xffff, v18;
	s18 =	sadd.s32 s0, s18  }
0x288: {  	[tilespmem:s19], [sflag:$0x1] =	stream.strided.gather [hbm4b:s18+s9], $0x800, s7, s9, $0x38;
	v18, _, _ =	vpop (xrf0);
	[tilespmem:$0x12200] =	vst v63  }
0x289: {  	v17 =	vsel vm15, $0x0, v17;
	s19 =	spop (v2sf);
	(v2sf) =	vpush v18, $0xF  }
0x28a: {  	v17 =	vxor.u32 $0x80000000, v17;
	s18 =	sshrl.u32 s19, $0x1  }
0x28b: {  	s18 =	sand.u32 $0x1FFFFFC0, s18  }
0x28c: {  	(xrf0) =	vmax.scan.msk.u32 $0xffff, v17;
	s19 =	simm.s32 $0x5200;
	s18 =	sadd.s32 s0, s18  }
0x28d: {  	v17, _, _ =	vpop (xrf0);
	[tilespmem:s19], [sflag:$0x1] =	stream.strided.gather [hbm4b:s18+s9], $0x800, s7, s9, $0x38;
	[tilespmem:$0x12200] =	vst v63  }
0x28e: {  	s19 =	spop (v2sf);
	(v2sf) =	vpush v17, $0xF  }
0x28f: {  	s18 =	sshrl.u32 s19, $0x1  }
0x290: {  	s18 =	sand.u32 $0x1FFFFFC0, s18  }
0x291: {  	s18 =	sadd.s32 s0, s18  }
0x292: {  	v17, _, _ =	vpop (xrf0);
	[tilespmem:s20], [sflag:$0x1] =	stream.strided.gather [hbm4b:s18+s9], $0x800, s7, s9, $0x38;
	[tilespmem:$0x12200] =	vst v63  }
0x293: {  	s19 =	spop (v2sf);
	(v2sf) =	vpush v17, $0xF  }
0x294: {  	s18 =	sshrl.u32 s19, $0x1  }
0x295: {  	s18 =	sand.u32 $0x1FFFFFC0, s18  }
0x296: {  	s18 =	sadd.s32 s0, s18  }
0x297: {  	[tilespmem:s21], [sflag:$0x1] =	stream.strided.gather [hbm4b:s18+s9], $0x800, s7, s9, $0x38;
	[tilespmem:$0x12200] =	vst v63  }
0x298: {  	s19 =	spop (v2sf)  }
0x299: {  	s18 =	sshrl.u32 s19, $0x1  }
0x29a: {  	s18 =	sand.u32 $0x1FFFFFC0, s18  }
0x29b: {  	s18 =	sadd.s32 s0, s18  }
0x29c: {  	[tilespmem:s22], [sflag:$0x1] =	stream.strided.gather [hbm4b:s18+s9], $0x800, s7, s9, $0x38;
	[tilespmem:$0x12200] =	vst v63  }
0x29d: {  	s19 =	spop (v2sf)  }
0x29e: {  	s18 =	sshrl.u32 s19, $0x1  }
0x29f: {  	s18 =	sand.u32 $0x1FFFFFC0, s18  }
0x2a0: {  	s18 =	sadd.s32 s0, s18  }
0x2a1: {  	[tilespmem:s23], [sflag:$0x1] =	stream.strided.gather [hbm4b:s18+s9], $0x800, s7, s9, $0x38;
	[tilespmem:$0x12200] =	vst v63  }
.Ltmp5:
0x2a2: {  	s19 =	spop (v2sf);
	(pc) =	sbr.rel .LBB2_4-.Ltmp5, $4  }
0x2a3: {  	s18 =	sshrl.u32 s19, $0x1  }
0x2a4: {  	s18 =	sand.u32 $0x1FFFFFC0, s18  }
0x2a5: {  	s18 =	sadd.s32 s0, s18  }
0x2a6: {  	[tilespmem:s24], [sflag:$0x1] =	stream.strided.gather [hbm4b:s18+s9], $0x800, s7, s9, $0x38;
	[tilespmem:$0x12200] =	vst v63  }
.LBB2_6:
0x2a7: {  	_ =	sfence.sel $0x180000  }
0x2a8: {  	[bflag:$0x0] =	sbarrier.arrive $0xFFFF  }
0x2a9: {  	_ =	strace $0x90000047  }
0x2aa: {  	s0 =	stileid.u32;
	[bflag:$0x2] =	sbarrier.arrive $0xFFFF  }
0x2ab: {  	p0 =	sne.s32 s0, $0x0;
	s0 =	rddreg [dreg:$0x3]  }
0x2ac: {  	s0 =	sadd.s32 @!p0 $0x100000, s0  }
0x2ad: {  	[sflag:s0] =	ssyncadd.tile.s32 @!p0 $0x1;
	_ =	shalt  }
.Lfunc_end2:
_tile_overlayer_lowered:
.L_overlay_start_2:
0x2ae: {  	(tag) =	ssettag $0x2  }
0x2af: {  	s0 =	rddreg [dreg:$0x0];
	s2 =	stileid.u32  }
0x2b0: {  	s1 =	rddreg [dreg:$0x1];
	p0 =	sne.s32 s2, $0x0  }
0x2b1: {  	s3 =	rddreg [dreg:$0x2];
	[bflag:$0x3] =	sbarrier.arrive $0xFFFF;
	s2 =	simm.s32 @!p0 $0x1C03  }
0x2b2: {  	[timem:s3], [sflag:s2] =	dma.local @!p0 [hbm:s0], s1  }
0x2b3: {  	s0 =	simm.s32 @!p0 $0x3  }
0x2b4: {  	_ =	swait.ge @!p0 [sflag:s0], s1  }
0x2b5: {  	s1 =	ssub.s32 @!p0 $0x0, s1;
	[sflag:s0] =	ssyncset.done @!p0 $0x0  }
0x2b6: {  	[sflag:s0] =	ssyncadd.s32 @!p0 s1  }
0x2b7: {  	[bflag:$0x3] =	sbarrier.arrive $0xFFFF  }
0x2b8: {  	_ =	shalt  }

</sc_bundles>
